<compile_context>
chip_gen: v7x
topology: tpu7x:2x2x1
jax: 0.10.2.dev20260603
libtpu: 0.0.44.dev20260713+nightly
codegen_flags: <defaults>
</compile_context>

<pallas_src>
import functools
import math

import jax
import jax.numpy as jnp
from jax import lax
from jax.experimental import pallas as pl
from jax.experimental.pallas import tpu as pltpu
from jax.experimental.pallas import tpu_sc as plsc

BATCH = 4096
HIST = 200
EMB_DIM = 32
VOC = 1000000
TOTAL = BATCH * HIST
SCALE = math.sqrt(EMB_DIM)

_info = plsc.get_sparse_core_info()
NC = _info.num_cores
NS = _info.num_subcores
LANES = _info.num_lanes
NW = NC * NS

_mesh = plsc.VectorSubcoreMesh(core_axis_name="c", subcore_axis_name="s")


RBLK = 512
N_FULL = (VOC // RBLK)
UNITS_EACH = N_FULL // NW
UNITS_REM = N_FULL % NW
TAIL_R0 = N_FULL * RBLK
TAIL_N = VOC - TAIL_R0


@functools.partial(
    pl.kernel,
    mesh=_mesh,
    compiler_params=pltpu.CompilerParams(
        use_tc_tiling_on_sc=True, needs_layout_passes=False
    ),
    out_type=jax.ShapeDtypeStruct((VOC * EMB_DIM,), jnp.float32),
    scratch_types=[
        [pltpu.VMEM((EMB_DIM, RBLK + 1), jnp.float32) for _ in range(2)],
        [pltpu.VMEM((RBLK * EMB_DIM,), jnp.float32) for _ in range(2)],
        pltpu.VMEM((TAIL_N * EMB_DIM,), jnp.float32),
        [pltpu.SemaphoreType.DMA for _ in range(2)],
        [pltpu.SemaphoreType.DMA for _ in range(2)],
        pltpu.SemaphoreType.DMA,
    ],
)
def _untile(wt_hbm, wtail_hbm, wrow_hbm, tv, ov, tov, gsems, wsems, tsem):
    wid = lax.axis_index("s") * NC + lax.axis_index("c")
    iota = lax.iota(jnp.int32, LANES)
    iota_hi = iota + LANES

    def col_of(k):
        return k * NW + wid

    def start_read(k, p):
        tc = col_of(k)
        for tr in range(EMB_DIM // 8):
            pltpu.async_copy(
                wt_hbm.at[pl.ds(tr * 8, 8), pl.ds(tc * RBLK, RBLK)],
                tv[p].at[pl.ds(tr * 8, 8), pl.ds(0, RBLK)],
                gsems[p],
            )

    def wait_read(p):
        pltpu.make_async_copy(
            wt_hbm.at[:, pl.ds(0, RBLK)],
            tv[p].at[:, pl.ds(0, RBLK)],
            gsems[p],
        ).wait()

    def untile_block(p):
        @plsc.parallel_loop(0, RBLK, unroll=8)
        def _(rs):
            cs = jnp.full((LANES,), rs, jnp.int32)
            lo = plsc.load_gather(tv[p], [iota, cs])
            hi = plsc.load_gather(tv[p], [iota_hi, cs])
            ov[p][pl.ds(rs * EMB_DIM, LANES)] = lo
            ov[p][pl.ds(rs * EMB_DIM + LANES, LANES)] = hi

    def start_write(k, p):
        tc = col_of(k)
        pltpu.async_copy(
            ov[p], wrow_hbm.at[pl.ds(tc * (RBLK * EMB_DIM), RBLK * EMB_DIM)],
            wsems[p],
        )

    def wait_write(p):
        pltpu.make_async_copy(
            ov[p], wrow_hbm.at[pl.ds(0, RBLK * EMB_DIM)], wsems[p]
        ).wait()

    n_units = UNITS_EACH + 1
    start_read(0, 0)

    def body(k, carry):
        for p in range(2):
            kk = k * 2 + p

            @pl.when(kk < UNITS_EACH)
            def _():
                @pl.when(kk + 1 < n_units)
                def _():
                    do_next = jnp.logical_or(
                        kk + 1 < UNITS_EACH, wid < UNITS_REM
                    )

                    @pl.when(do_next)
                    def _():
                        start_read(kk + 1, 1 - p)

                wait_read(p)

                @pl.when(kk >= 2)
                def _():
                    wait_write(p)

                untile_block(p)
                start_write(kk, p)
        return carry

    lax.fori_loop(0, (UNITS_EACH + 1) // 2, body, 0)

    p_x = UNITS_EACH % 2

    @pl.when(wid < UNITS_REM)
    def _():
        wait_read(p_x)
        wait_write(p_x)
        untile_block(p_x)
        start_write(UNITS_EACH, p_x)

    @pl.when(wid == NW - 1)
    def _():
        pltpu.sync_copy(wtail_hbm, tov)
        pltpu.async_copy(
            tov, wrow_hbm.at[pl.ds(TAIL_R0 * EMB_DIM, TAIL_N * EMB_DIM)],
            tsem,
        )
        pltpu.make_async_copy(
            tov, wrow_hbm.at[pl.ds(0, TAIL_N * EMB_DIM)], tsem
        ).wait()

    for p in range(2):
        wait_write(p)



PER_W = TOTAL // NW
HBLK = 128
N_TR = EMB_DIM // 8
N_TC = BATCH // HBLK
CHB = 512
TCPU = CHB // HBLK
UNITS_B = PER_W // CHB
UPH = BATCH // CHB


@functools.partial(
    pl.kernel,
    mesh=_mesh,
    compiler_params=pltpu.CompilerParams(
        use_tc_tiling_on_sc=False, needs_layout_passes=False
    ),
    out_type=jax.ShapeDtypeStruct(
        (HIST, N_TR, N_TC, 8, HBLK), jnp.float32
    ),
    scratch_types=[
        pltpu.VMEM((PER_W,), jnp.int32),
        [pltpu.VMEM((CHB, EMB_DIM), jnp.float32) for _ in range(2)],
        [pltpu.VMEM((N_TR * TCPU * 8, HBLK + 1), jnp.float32) for _ in range(2)],
        [pltpu.SemaphoreType.DMA for _ in range(2)],
        [pltpu.SemaphoreType.DMA for _ in range(2)],
    ],
)
def _embed(w_hbm, x_hbm, out_hbm, idx_v, rbuf, tbuf, gsems, ssems):
    wid = lax.axis_index("s") * NC + lax.axis_index("c")
    base = wid * PER_W
    iota = lax.iota(jnp.int32, LANES)
    row_lo = lax.shift_right_logical(iota, 3) * (TCPU * 8) + (iota & 7)
    row_hi = row_lo + 2 * (TCPU * 8)

    pltpu.sync_copy(x_hbm.at[pl.ds(base, PER_W)], idx_v)

    def start_gather(k, p):
        pltpu.async_copy(
            w_hbm.at[idx_v.at[pl.ds(k * CHB, CHB)]], rbuf[p], gsems[p]
        )

    def wait_gather(p):
        pltpu.make_async_copy(
            w_hbm.at[idx_v.at[pl.ds(0, CHB)]], rbuf[p], gsems[p]
        ).wait()

    def transpose_scale(p):
        @plsc.parallel_loop(0, CHB, unroll=8)
        def _(j):
            tcl8 = lax.shift_right_logical(j, 7) * 8
            cs = jnp.full((LANES,), j & (HBLK - 1), jnp.int32)
            lo = rbuf[p][j, pl.ds(0, LANES)] * SCALE
            hi = rbuf[p][j, pl.ds(LANES, LANES)] * SCALE
            plsc.store_scatter(tbuf[p], [row_lo + tcl8, cs], lo)
            plsc.store_scatter(tbuf[p], [row_hi + tcl8, cs], hi)

    def start_store(k, p):
        u = wid * UNITS_B + k
        h = u // UPH
        tc0 = (u % UPH) * TCPU
        for tr in range(N_TR):
            for tcl in range(TCPU):
                pltpu.async_copy(
                    tbuf[p].at[
                        pl.ds(tr * (TCPU * 8) + tcl * 8, 8), pl.ds(0, HBLK)
                    ],
                    out_hbm.at[h, tr, tc0 + tcl, :, :],
                    ssems[p],
                )

    def wait_store(p):
        for _ in range(N_TR * TCPU):
            pltpu.make_async_copy(
                tbuf[p].at[pl.ds(0, 8), pl.ds(0, HBLK)],
                out_hbm.at[0, 0, 0, :, :],
                ssems[p],
            ).wait()

    start_gather(0, 0)

    def loop_body(t, carry):
        for p in range(2):
            k = t * 2 + p

            @pl.when(k + 1 < UNITS_B)
            def _():
                start_gather(k + 1, 1 - p)

            wait_gather(p)

            @pl.when(k >= 2)
            def _():
                wait_store(p)

            transpose_scale(p)
            start_store(k, p)
        return carry

    lax.fori_loop(0, UNITS_B // 2, loop_body, 0)

    for p in range(2):
        wait_store(p)


def kernel(x, W):
    wrow = _untile(jnp.transpose(W), W[TAIL_R0:].reshape(TAIL_N * EMB_DIM))
    out5 = _embed(wrow.reshape(VOC, EMB_DIM), jnp.transpose(x).reshape(TOTAL))
    return jnp.transpose(out5, (2, 4, 0, 1, 3)).reshape(BATCH, HIST, EMB_DIM)

# --- scband reference (transcript-rebuilt; emitter-appended) ---
"""Pipeline reference for scband-vocabulary-embedder-25048249270741 (READ-ONLY COPY).

The authoritative reference and input builder live on the scoring server;
editing this copy changes nothing except your own understanding.
"""

import jax, jax.numpy as jnp
import numpy as np

VOC_SIZE = 1000000
EMB_DIM = 32
BATCH = 4096
HIST = 200

def setup_inputs(seed: int = 0) -> dict:
    key = jax.random.key(seed)
    k_idx, k_w = jax.random.split(key)
    x = jax.random.randint(k_idx, (BATCH, HIST), 0, VOC_SIZE, dtype=jnp.int32)
    # nn.Embedding default init: N(0, 1)
    W = jax.random.normal(k_w, (VOC_SIZE, EMB_DIM), dtype=jnp.float32)
    return {"x": x, "W": W}

def reference(x, W):
    # VocabularyEmbedder.forward: embedding lookup then scale by sqrt(emb_dim)
    emb = jnp.take(W, x, axis=0)
    return emb * np.sqrt(EMB_DIM)

if __name__ == "__main__":
    import jax
    _d = setup_inputs()
    print(jax.jit(kernel)(*tuple(_d.values())))

</pallas_src>

<mosaic_0001>
#map = affine_map<(d0, d1) -> (0, 0)>
#map1 = affine_map<(d0, d1) -> (0)>
module attributes {stable_mosaic.version = 14 : i64} {
  func.func @_untile(%arg0: i32, %arg1: i32, %arg2: memref<32x1000000xf32, #tpu.memory_space<hbm>>, %arg3: memref<2048xf32, #tpu.memory_space<hbm>>, %arg4: memref<32000000xf32, #tpu.memory_space<hbm>>, %arg5: memref<32x513xf32, #tpu.memory_space<vmem>>, %arg6: memref<32x513xf32, #tpu.memory_space<vmem>>, %arg7: memref<16384xf32, #tpu.memory_space<vmem>>, %arg8: memref<16384xf32, #tpu.memory_space<vmem>>, %arg9: memref<2048xf32, #tpu.memory_space<vmem>>, %arg10: memref<!tpu.dma_semaphore, #tpu.memory_space<semaphore_mem>>, %arg11: memref<!tpu.dma_semaphore, #tpu.memory_space<semaphore_mem>>, %arg12: memref<!tpu.dma_semaphore, #tpu.memory_space<semaphore_mem>>, %arg13: memref<!tpu.dma_semaphore, #tpu.memory_space<semaphore_mem>>, %arg14: memref<!tpu.dma_semaphore, #tpu.memory_space<semaphore_mem>>) attributes {dimension_semantics = [#tpu.dimension_semantics<core_parallel>, #tpu.dimension_semantics<subcore_parallel>], iteration_bounds = array<i64: 2, 16>, scalar_prefetch = 0 : i64, scratch_operands = 10 : i64, tpu.core_type = #tpu.core_type<sc_vector_subcore>, window_params = [{transform_indices = #map}, {transform_indices = #map1}, {transform_indices = #map1}]} {
    %mul3A = arith.constant 2 : i32
    %mul3A_0 = arith.muli %arg1, %mul3A : i32
    %add3A = arith.addi %mul3A_0, %arg0 : i32
    %iota3A = tpu.iota {dimensions = array<i32: 0>} : vector<16xi32>
    %add3A_1 = arith.constant 16 : i32
    %add3A_2 = vector.broadcast %add3A_1 : i32 to vector<16xi32>
    %add3A_3 = arith.addi %iota3A, %add3A_2 : vector<16xi32>
    %add3A_4 = arith.constant 0 : i32
    %add3A_5 = arith.addi %add3A_4, %add3A : i32
    %mul3A_6 = arith.constant 512 : i32
    %mul3A_7 = arith.muli %add3A_5, %mul3A_6 : i32
    %dma_start3A = arith.constant 0 : i32
    %dma_start3A_8 = arith.constant 0 : i32
    %dma_start3A_9 = tpu.memref_slice %arg5[%dma_start3A, %dma_start3A_8] : memref<32x513xf32, #tpu.memory_space<vmem>> -> memref<8x512xf32, #tpu.memory_space<vmem>>
    %dma_start3A_10 = arith.constant 0 : i32
    %dma_start3A_11 = tpu.memref_slice %arg2[%dma_start3A_10, %mul3A_7] : memref<32x1000000xf32, #tpu.memory_space<hbm>> -> memref<8x512xf32, #tpu.memory_space<hbm>>
    %dma_start3A_12 = arith.constant 0 : i32
    %dma_start3A_13 = arith.constant 0 : i32
    %dma_start3A_14 = tpu.memref_slice %arg5[%dma_start3A_12, %dma_start3A_13] : memref<32x513xf32, #tpu.memory_space<vmem>> -> memref<8x512xf32, #tpu.memory_space<vmem>>
    %dma_start3A_15 = arith.constant 0 : i32
    %dma_start3A_16 = tpu.memref_slice %arg2[%dma_start3A_15, %mul3A_7] : memref<32x1000000xf32, #tpu.memory_space<hbm>> -> memref<8x512xf32, #tpu.memory_space<hbm>>
    tpu.enqueue_dma source(%dma_start3A_16 : memref<8x512xf32, #tpu.memory_space<hbm>>) target(%dma_start3A_14 : memref<8x512xf32, #tpu.memory_space<vmem>>) target_semaphore(%arg10 : memref<!tpu.dma_semaphore, #tpu.memory_space<semaphore_mem>>)
    %mul3A_17 = arith.constant 512 : i32
    %mul3A_18 = arith.muli %add3A_5, %mul3A_17 : i32
    %dma_start3A_19 = arith.constant 8 : i32
    %dma_start3A_20 = arith.constant 0 : i32
    %dma_start3A_21 = tpu.memref_slice %arg5[%dma_start3A_19, %dma_start3A_20] : memref<32x513xf32, #tpu.memory_space<vmem>> -> memref<8x512xf32, #tpu.memory_space<vmem>>
    %dma_start3A_22 = arith.constant 8 : i32
    %dma_start3A_23 = tpu.memref_slice %arg2[%dma_start3A_22, %mul3A_18] : memref<32x1000000xf32, #tpu.memory_space<hbm>> -> memref<8x512xf32, #tpu.memory_space<hbm>>
    %dma_start3A_24 = arith.constant 8 : i32
    %dma_start3A_25 = arith.constant 0 : i32
    %dma_start3A_26 = tpu.memref_slice %arg5[%dma_start3A_24, %dma_start3A_25] : memref<32x513xf32, #tpu.memory_space<vmem>> -> memref<8x512xf32, #tpu.memory_space<vmem>>
    %dma_start3A_27 = arith.constant 8 : i32
    %dma_start3A_28 = tpu.memref_slice %arg2[%dma_start3A_27, %mul3A_18] : memref<32x1000000xf32, #tpu.memory_space<hbm>> -> memref<8x512xf32, #tpu.memory_space<hbm>>
    tpu.enqueue_dma source(%dma_start3A_28 : memref<8x512xf32, #tpu.memory_space<hbm>>) target(%dma_start3A_26 : memref<8x512xf32, #tpu.memory_space<vmem>>) target_semaphore(%arg10 : memref<!tpu.dma_semaphore, #tpu.memory_space<semaphore_mem>>)
    %mul3A_29 = arith.constant 512 : i32
    %mul3A_30 = arith.muli %add3A_5, %mul3A_29 : i32
    %dma_start3A_31 = arith.constant 16 : i32
    %dma_start3A_32 = arith.constant 0 : i32
    %dma_start3A_33 = tpu.memref_slice %arg5[%dma_start3A_31, %dma_start3A_32] : memref<32x513xf32, #tpu.memory_space<vmem>> -> memref<8x512xf32, #tpu.memory_space<vmem>>
    %dma_start3A_34 = arith.constant 16 : i32
    %dma_start3A_35 = tpu.memref_slice %arg2[%dma_start3A_34, %mul3A_30] : memref<32x1000000xf32, #tpu.memory_space<hbm>> -> memref<8x512xf32, #tpu.memory_space<hbm>>
    %dma_start3A_36 = arith.constant 16 : i32
    %dma_start3A_37 = arith.constant 0 : i32
    %dma_start3A_38 = tpu.memref_slice %arg5[%dma_start3A_36, %dma_start3A_37] : memref<32x513xf32, #tpu.memory_space<vmem>> -> memref<8x512xf32, #tpu.memory_space<vmem>>
    %dma_start3A_39 = arith.constant 16 : i32
    %dma_start3A_40 = tpu.memref_slice %arg2[%dma_start3A_39, %mul3A_30] : memref<32x1000000xf32, #tpu.memory_space<hbm>> -> memref<8x512xf32, #tpu.memory_space<hbm>>
    tpu.enqueue_dma source(%dma_start3A_40 : memref<8x512xf32, #tpu.memory_space<hbm>>) target(%dma_start3A_38 : memref<8x512xf32, #tpu.memory_space<vmem>>) target_semaphore(%arg10 : memref<!tpu.dma_semaphore, #tpu.memory_space<semaphore_mem>>)
    %mul3A_41 = arith.constant 512 : i32
    %mul3A_42 = arith.muli %add3A_5, %mul3A_41 : i32
    %dma_start3A_43 = arith.constant 24 : i32
    %dma_start3A_44 = arith.constant 0 : i32
    %dma_start3A_45 = tpu.memref_slice %arg5[%dma_start3A_43, %dma_start3A_44] : memref<32x513xf32, #tpu.memory_space<vmem>> -> memref<8x512xf32, #tpu.memory_space<vmem>>
    %dma_start3A_46 = arith.constant 24 : i32
    %dma_start3A_47 = tpu.memref_slice %arg2[%dma_start3A_46, %mul3A_42] : memref<32x1000000xf32, #tpu.memory_space<hbm>> -> memref<8x512xf32, #tpu.memory_space<hbm>>
    %dma_start3A_48 = arith.constant 24 : i32
    %dma_start3A_49 = arith.constant 0 : i32
    %dma_start3A_50 = tpu.memref_slice %arg5[%dma_start3A_48, %dma_start3A_49] : memref<32x513xf32, #tpu.memory_space<vmem>> -> memref<8x512xf32, #tpu.memory_space<vmem>>
    %dma_start3A_51 = arith.constant 24 : i32
    %dma_start3A_52 = tpu.memref_slice %arg2[%dma_start3A_51, %mul3A_42] : memref<32x1000000xf32, #tpu.memory_space<hbm>> -> memref<8x512xf32, #tpu.memory_space<hbm>>
    tpu.enqueue_dma source(%dma_start3A_52 : memref<8x512xf32, #tpu.memory_space<hbm>>) target(%dma_start3A_50 : memref<8x512xf32, #tpu.memory_space<vmem>>) target_semaphore(%arg10 : memref<!tpu.dma_semaphore, #tpu.memory_space<semaphore_mem>>)
    %scan3A = arith.constant 0 : i32
    %scan3A_53 = arith.constant 0 : i32
    %scan3A_54 = arith.constant 31 : i32
    %scan3A_55 = arith.addi %scan3A_53, %scan3A_54 : i32
    %scan3A_56 = arith.constant 1 : i32
    scf.for %scan3A_71 = %scan3A_53 to %scan3A_55 step %scan3A_56  : i32 {
      %mul3A_72 = arith.constant 2 : i32
      %mul3A_73 = arith.muli %scan3A_71, %mul3A_72 : i32
      %add3A_74 = arith.constant 0 : i32
      %add3A_75 = arith.addi %mul3A_73, %add3A_74 : i32
      %lt3A_76 = arith.constant 61 : i32
      %lt3A_77 = arith.cmpi slt, %add3A_75, %lt3A_76 : i32
      %convert_element_type3A_78 = arith.extui %lt3A_77 : i1 to i32
      %cond3A_79 = arith.constant 0 : i32
      %cond3A_80 = arith.cmpi ne, %convert_element_type3A_78, %cond3A_79 : i32
      scf.if %cond3A_80 {
        %add3A_90 = arith.constant 1 : i32
        %add3A_91 = arith.addi %add3A_75, %add3A_90 : i32
        %lt3A_92 = arith.constant 62 : i32
        %lt3A_93 = arith.cmpi slt, %add3A_91, %lt3A_92 : i32
        %convert_element_type3A_94 = arith.extui %lt3A_93 : i1 to i32
        %cond3A_95 = arith.constant 0 : i32
        %cond3A_96 = arith.cmpi ne, %convert_element_type3A_94, %cond3A_95 : i32
        scf.if %cond3A_96 {
          %add3A_122 = arith.constant 1 : i32
          %add3A_123 = arith.addi %add3A_75, %add3A_122 : i32
          %lt3A_124 = arith.constant 61 : i32
          %lt3A_125 = arith.cmpi slt, %add3A_123, %lt3A_124 : i32
          %lt3A_126 = arith.constant 1 : i32
          %lt3A_127 = arith.cmpi slt, %add3A, %lt3A_126 : i32
          %or3A = arith.ori %lt3A_125, %lt3A_127 : i1
          %convert_element_type3A_128 = arith.extui %or3A : i1 to i32
          %cond3A_129 = arith.constant 0 : i32
          %cond3A_130 = arith.cmpi ne, %convert_element_type3A_128, %cond3A_129 : i32
          scf.if %cond3A_130 {
            %add3A_131 = arith.constant 1 : i32
            %add3A_132 = arith.addi %add3A_75, %add3A_131 : i32
            %mul3A_133 = arith.constant 32 : i32
            %mul3A_134 = arith.muli %add3A_132, %mul3A_133 : i32
            %add3A_135 = arith.addi %mul3A_134, %add3A : i32
            %mul3A_136 = arith.constant 512 : i32
            %mul3A_137 = arith.muli %add3A_135, %mul3A_136 : i32
            %dma_start3A_138 = arith.constant 0 : i32
            %dma_start3A_139 = arith.constant 0 : i32
            %dma_start3A_140 = tpu.memref_slice %arg6[%dma_start3A_138, %dma_start3A_139] : memref<32x513xf32, #tpu.memory_space<vmem>> -> memref<8x512xf32, #tpu.memory_space<vmem>>
            %dma_start3A_141 = arith.constant 0 : i32
            %dma_start3A_142 = tpu.memref_slice %arg2[%dma_start3A_141, %mul3A_137] : memref<32x1000000xf32, #tpu.memory_space<hbm>> -> memref<8x512xf32, #tpu.memory_space<hbm>>
            %dma_start3A_143 = arith.constant 0 : i32
            %dma_start3A_144 = arith.constant 0 : i32
            %dma_start3A_145 = tpu.memref_slice %arg6[%dma_start3A_143, %dma_start3A_144] : memref<32x513xf32, #tpu.memory_space<vmem>> -> memref<8x512xf32, #tpu.memory_space<vmem>>
            %dma_start3A_146 = arith.constant 0 : i32
            %dma_start3A_147 = tpu.memref_slice %arg2[%dma_start3A_146, %mul3A_137] : memref<32x1000000xf32, #tpu.memory_space<hbm>> -> memref<8x512xf32, #tpu.memory_space<hbm>>
            tpu.enqueue_dma source(%dma_start3A_147 : memref<8x512xf32, #tpu.memory_space<hbm>>) target(%dma_start3A_145 : memref<8x512xf32, #tpu.memory_space<vmem>>) target_semaphore(%arg11 : memref<!tpu.dma_semaphore, #tpu.memory_space<semaphore_mem>>)
            %mul3A_148 = arith.constant 512 : i32
            %mul3A_149 = arith.muli %add3A_135, %mul3A_148 : i32
            %dma_start3A_150 = arith.constant 8 : i32
            %dma_start3A_151 = arith.constant 0 : i32
            %dma_start3A_152 = tpu.memref_slice %arg6[%dma_start3A_150, %dma_start3A_151] : memref<32x513xf32, #tpu.memory_space<vmem>> -> memref<8x512xf32, #tpu.memory_space<vmem>>
            %dma_start3A_153 = arith.constant 8 : i32
            %dma_start3A_154 = tpu.memref_slice %arg2[%dma_start3A_153, %mul3A_149] : memref<32x1000000xf32, #tpu.memory_space<hbm>> -> memref<8x512xf32, #tpu.memory_space<hbm>>
            %dma_start3A_155 = arith.constant 8 : i32
            %dma_start3A_156 = arith.constant 0 : i32
            %dma_start3A_157 = tpu.memref_slice %arg6[%dma_start3A_155, %dma_start3A_156] : memref<32x513xf32, #tpu.memory_space<vmem>> -> memref<8x512xf32, #tpu.memory_space<vmem>>
            %dma_start3A_158 = arith.constant 8 : i32
            %dma_start3A_159 = tpu.memref_slice %arg2[%dma_start3A_158, %mul3A_149] : memref<32x1000000xf32, #tpu.memory_space<hbm>> -> memref<8x512xf32, #tpu.memory_space<hbm>>
            tpu.enqueue_dma source(%dma_start3A_159 : memref<8x512xf32, #tpu.memory_space<hbm>>) target(%dma_start3A_157 : memref<8x512xf32, #tpu.memory_space<vmem>>) target_semaphore(%arg11 : memref<!tpu.dma_semaphore, #tpu.memory_space<semaphore_mem>>)
            %mul3A_160 = arith.constant 512 : i32
            %mul3A_161 = arith.muli %add3A_135, %mul3A_160 : i32
            %dma_start3A_162 = arith.constant 16 : i32
            %dma_start3A_163 = arith.constant 0 : i32
            %dma_start3A_164 = tpu.memref_slice %arg6[%dma_start3A_162, %dma_start3A_163] : memref<32x513xf32, #tpu.memory_space<vmem>> -> memref<8x512xf32, #tpu.memory_space<vmem>>
            %dma_start3A_165 = arith.constant 16 : i32
            %dma_start3A_166 = tpu.memref_slice %arg2[%dma_start3A_165, %mul3A_161] : memref<32x1000000xf32, #tpu.memory_space<hbm>> -> memref<8x512xf32, #tpu.memory_space<hbm>>
            %dma_start3A_167 = arith.constant 16 : i32
            %dma_start3A_168 = arith.constant 0 : i32
            %dma_start3A_169 = tpu.memref_slice %arg6[%dma_start3A_167, %dma_start3A_168] : memref<32x513xf32, #tpu.memory_space<vmem>> -> memref<8x512xf32, #tpu.memory_space<vmem>>
            %dma_start3A_170 = arith.constant 16 : i32
            %dma_start3A_171 = tpu.memref_slice %arg2[%dma_start3A_170, %mul3A_161] : memref<32x1000000xf32, #tpu.memory_space<hbm>> -> memref<8x512xf32, #tpu.memory_space<hbm>>
            tpu.enqueue_dma source(%dma_start3A_171 : memref<8x512xf32, #tpu.memory_space<hbm>>) target(%dma_start3A_169 : memref<8x512xf32, #tpu.memory_space<vmem>>) target_semaphore(%arg11 : memref<!tpu.dma_semaphore, #tpu.memory_space<semaphore_mem>>)
            %mul3A_172 = arith.constant 512 : i32
            %mul3A_173 = arith.muli %add3A_135, %mul3A_172 : i32
            %dma_start3A_174 = arith.constant 24 : i32
            %dma_start3A_175 = arith.constant 0 : i32
            %dma_start3A_176 = tpu.memref_slice %arg6[%dma_start3A_174, %dma_start3A_175] : memref<32x513xf32, #tpu.memory_space<vmem>> -> memref<8x512xf32, #tpu.memory_space<vmem>>
            %dma_start3A_177 = arith.constant 24 : i32
            %dma_start3A_178 = tpu.memref_slice %arg2[%dma_start3A_177, %mul3A_173] : memref<32x1000000xf32, #tpu.memory_space<hbm>> -> memref<8x512xf32, #tpu.memory_space<hbm>>
            %dma_start3A_179 = arith.constant 24 : i32
            %dma_start3A_180 = arith.constant 0 : i32
            %dma_start3A_181 = tpu.memref_slice %arg6[%dma_start3A_179, %dma_start3A_180] : memref<32x513xf32, #tpu.memory_space<vmem>> -> memref<8x512xf32, #tpu.memory_space<vmem>>
            %dma_start3A_182 = arith.constant 24 : i32
            %dma_start3A_183 = tpu.memref_slice %arg2[%dma_start3A_182, %mul3A_173] : memref<32x1000000xf32, #tpu.memory_space<hbm>> -> memref<8x512xf32, #tpu.memory_space<hbm>>
            tpu.enqueue_dma source(%dma_start3A_183 : memref<8x512xf32, #tpu.memory_space<hbm>>) target(%dma_start3A_181 : memref<8x512xf32, #tpu.memory_space<vmem>>) target_semaphore(%arg11 : memref<!tpu.dma_semaphore, #tpu.memory_space<semaphore_mem>>)
          } else {
          }
        } else {
        }
        %dma_wait3A_97 = arith.constant 0 : i32
        %dma_wait3A_98 = arith.constant 0 : i32
        %dma_wait3A_99 = tpu.memref_slice %arg5[%dma_wait3A_97, %dma_wait3A_98] : memref<32x513xf32, #tpu.memory_space<vmem>> -> memref<32x512xf32, #tpu.memory_space<vmem>>
        %dma_wait3A_100 = arith.constant 0 : i32
        %dma_wait3A_101 = arith.constant 0 : i32
        %dma_wait3A_102 = tpu.memref_slice %arg2[%dma_wait3A_100, %dma_wait3A_101] : memref<32x1000000xf32, #tpu.memory_space<hbm>> -> memref<32x512xf32, #tpu.memory_space<hbm>>
        %dma_wait3A_103 = arith.constant 0 : i32
        %dma_wait3A_104 = arith.constant 0 : i32
        %dma_wait3A_105 = tpu.memref_slice %arg5[%dma_wait3A_103, %dma_wait3A_104] : memref<32x513xf32, #tpu.memory_space<vmem>> -> memref<32x512xf32, #tpu.memory_space<vmem>>
        %dma_wait3A_106 = arith.constant 0 : i32
        %dma_wait3A_107 = arith.constant 0 : i32
        %dma_wait3A_108 = tpu.memref_slice %arg2[%dma_wait3A_106, %dma_wait3A_107] : memref<32x1000000xf32, #tpu.memory_space<hbm>> -> memref<32x512xf32, #tpu.memory_space<hbm>>
        tpu.wait_dma2 semaphore(%arg10 : memref<!tpu.dma_semaphore, #tpu.memory_space<semaphore_mem>>) src(%dma_wait3A_108 : memref<32x512xf32, #tpu.memory_space<hbm>>) dst(%dma_wait3A_105 : memref<32x512xf32, #tpu.memory_space<vmem>>)
        %ge3A = arith.constant 2 : i32
        %ge3A_109 = arith.cmpi sge, %add3A_75, %ge3A : i32
        %convert_element_type3A_110 = arith.extui %ge3A_109 : i1 to i32
        %cond3A_111 = arith.constant 0 : i32
        %cond3A_112 = arith.cmpi ne, %convert_element_type3A_110, %cond3A_111 : i32
        scf.if %cond3A_112 {
          %dma_wait3A_122 = arith.constant 0 : i32
          %dma_wait3A_123 = tpu.memref_slice %arg4[%dma_wait3A_122] : memref<32000000xf32, #tpu.memory_space<hbm>> -> memref<16384xf32, #tpu.memory_space<hbm>>
          %dma_wait3A_124 = arith.constant 0 : i32
          %dma_wait3A_125 = tpu.memref_slice %arg4[%dma_wait3A_124] : memref<32000000xf32, #tpu.memory_space<hbm>> -> memref<16384xf32, #tpu.memory_space<hbm>>
          tpu.wait_dma2 semaphore(%arg12 : memref<!tpu.dma_semaphore, #tpu.memory_space<semaphore_mem>>) src(%arg7 : memref<16384xf32, #tpu.memory_space<vmem>>) dst(%dma_wait3A_125 : memref<16384xf32, #tpu.memory_space<hbm>>)
        } else {
        }
        %parallel_loop3A = arith.constant 0 : i32
        %parallel_loop3A_113 = arith.constant 512 : i32
        %parallel_loop3A_114 = arith.constant 1 : i32
        scf.for %parallel_loop3A_122 = %parallel_loop3A to %parallel_loop3A_113 step %parallel_loop3A_114  : i32 {
          %parallel_loop3A_123 = vector.broadcast %parallel_loop3A_122 : i32 to vector<16xi32>
          %parallel_loop3A_124 = tpu.vector_load_idx %arg5[%iota3A, %parallel_loop3A_123] : memref<32x513xf32, #tpu.memory_space<vmem>>[vector<16xi32>, vector<16xi32>], vector<16xf32>,
          %parallel_loop3A_125 = tpu.vector_load_idx %arg5[%add3A_3, %parallel_loop3A_123] : memref<32x513xf32, #tpu.memory_space<vmem>>[vector<16xi32>, vector<16xi32>], vector<16xf32>,
          %parallel_loop3A_126 = arith.constant 32 : i32
          %parallel_loop3A_127 = arith.muli %parallel_loop3A_122, %parallel_loop3A_126 : i32
          %parallel_loop3A_128 = arith.index_cast %parallel_loop3A_127 : i32 to index
          %parallel_loop3A_129 = tpu.vector_load %arg7[%parallel_loop3A_128] {strides = array<i32>} : memref<16384xf32, #tpu.memory_space<vmem>>, vector<16xf32>,
          tpu.vector_store %arg7[%parallel_loop3A_128], %parallel_loop3A_124 {strides = array<i32>} : memref<16384xf32, #tpu.memory_space<vmem>>, vector<16xf32>,
          %parallel_loop3A_130 = arith.constant 32 : i32
          %parallel_loop3A_131 = arith.muli %parallel_loop3A_122, %parallel_loop3A_130 : i32
          %parallel_loop3A_132 = arith.constant 16 : i32
          %parallel_loop3A_133 = arith.addi %parallel_loop3A_131, %parallel_loop3A_132 : i32
          %parallel_loop3A_134 = arith.index_cast %parallel_loop3A_133 : i32 to index
          %parallel_loop3A_135 = tpu.vector_load %arg7[%parallel_loop3A_134] {strides = array<i32>} : memref<16384xf32, #tpu.memory_space<vmem>>, vector<16xf32>,
          tpu.vector_store %arg7[%parallel_loop3A_134], %parallel_loop3A_125 {strides = array<i32>} : memref<16384xf32, #tpu.memory_space<vmem>>, vector<16xf32>,
        } {sc.loop_unroll_factor = 8 : i64, sc.parallel_access}
        %mul3A_115 = arith.constant 32 : i32
        %mul3A_116 = arith.muli %add3A_75, %mul3A_115 : i32
        %add3A_117 = arith.addi %mul3A_116, %add3A : i32
        %mul3A_118 = arith.constant 16384 : i32
        %mul3A_119 = arith.muli %add3A_117, %mul3A_118 : i32
        %dma_start3A_120 = tpu.memref_slice %arg4[%mul3A_119] : memref<32000000xf32, #tpu.memory_space<hbm>> -> memref<16384xf32, #tpu.memory_space<hbm>>
        %dma_start3A_121 = tpu.memref_slice %arg4[%mul3A_119] : memref<32000000xf32, #tpu.memory_space<hbm>> -> memref<16384xf32, #tpu.memory_space<hbm>>
        tpu.enqueue_dma source(%arg7 : memref<16384xf32, #tpu.memory_space<vmem>>) target(%dma_start3A_121 : memref<16384xf32, #tpu.memory_space<hbm>>) target_semaphore(%arg12 : memref<!tpu.dma_semaphore, #tpu.memory_space<semaphore_mem>>)
      } else {
      }
      %mul3A_81 = arith.constant 2 : i32
      %mul3A_82 = arith.muli %scan3A_71, %mul3A_81 : i32
      %add3A_83 = arith.constant 1 : i32
      %add3A_84 = arith.addi %mul3A_82, %add3A_83 : i32
      %lt3A_85 = arith.constant 61 : i32
      %lt3A_86 = arith.cmpi slt, %add3A_84, %lt3A_85 : i32
      %convert_element_type3A_87 = arith.extui %lt3A_86 : i1 to i32
      %cond3A_88 = arith.constant 0 : i32
      %cond3A_89 = arith.cmpi ne, %convert_element_type3A_87, %cond3A_88 : i32
      scf.if %cond3A_89 {
        %add3A_90 = arith.constant 1 : i32
        %add3A_91 = arith.addi %add3A_84, %add3A_90 : i32
        %lt3A_92 = arith.constant 62 : i32
        %lt3A_93 = arith.cmpi slt, %add3A_91, %lt3A_92 : i32
        %convert_element_type3A_94 = arith.extui %lt3A_93 : i1 to i32
        %cond3A_95 = arith.constant 0 : i32
        %cond3A_96 = arith.cmpi ne, %convert_element_type3A_94, %cond3A_95 : i32
        scf.if %cond3A_96 {
          %add3A_122 = arith.constant 1 : i32
          %add3A_123 = arith.addi %add3A_84, %add3A_122 : i32
          %lt3A_124 = arith.constant 61 : i32
          %lt3A_125 = arith.cmpi slt, %add3A_123, %lt3A_124 : i32
          %lt3A_126 = arith.constant 1 : i32
          %lt3A_127 = arith.cmpi slt, %add3A, %lt3A_126 : i32
          %or3A = arith.ori %lt3A_125, %lt3A_127 : i1
          %convert_element_type3A_128 = arith.extui %or3A : i1 to i32
          %cond3A_129 = arith.constant 0 : i32
          %cond3A_130 = arith.cmpi ne, %convert_element_type3A_128, %cond3A_129 : i32
          scf.if %cond3A_130 {
            %add3A_131 = arith.constant 1 : i32
            %add3A_132 = arith.addi %add3A_84, %add3A_131 : i32
            %mul3A_133 = arith.constant 32 : i32
            %mul3A_134 = arith.muli %add3A_132, %mul3A_133 : i32
            %add3A_135 = arith.addi %mul3A_134, %add3A : i32
            %mul3A_136 = arith.constant 512 : i32
            %mul3A_137 = arith.muli %add3A_135, %mul3A_136 : i32
            %dma_start3A_138 = arith.constant 0 : i32
            %dma_start3A_139 = arith.constant 0 : i32
            %dma_start3A_140 = tpu.memref_slice %arg5[%dma_start3A_138, %dma_start3A_139] : memref<32x513xf32, #tpu.memory_space<vmem>> -> memref<8x512xf32, #tpu.memory_space<vmem>>
            %dma_start3A_141 = arith.constant 0 : i32
            %dma_start3A_142 = tpu.memref_slice %arg2[%dma_start3A_141, %mul3A_137] : memref<32x1000000xf32, #tpu.memory_space<hbm>> -> memref<8x512xf32, #tpu.memory_space<hbm>>
            %dma_start3A_143 = arith.constant 0 : i32
            %dma_start3A_144 = arith.constant 0 : i32
            %dma_start3A_145 = tpu.memref_slice %arg5[%dma_start3A_143, %dma_start3A_144] : memref<32x513xf32, #tpu.memory_space<vmem>> -> memref<8x512xf32, #tpu.memory_space<vmem>>
            %dma_start3A_146 = arith.constant 0 : i32
            %dma_start3A_147 = tpu.memref_slice %arg2[%dma_start3A_146, %mul3A_137] : memref<32x1000000xf32, #tpu.memory_space<hbm>> -> memref<8x512xf32, #tpu.memory_space<hbm>>
            tpu.enqueue_dma source(%dma_start3A_147 : memref<8x512xf32, #tpu.memory_space<hbm>>) target(%dma_start3A_145 : memref<8x512xf32, #tpu.memory_space<vmem>>) target_semaphore(%arg10 : memref<!tpu.dma_semaphore, #tpu.memory_space<semaphore_mem>>)
            %mul3A_148 = arith.constant 512 : i32
            %mul3A_149 = arith.muli %add3A_135, %mul3A_148 : i32
            %dma_start3A_150 = arith.constant 8 : i32
            %dma_start3A_151 = arith.constant 0 : i32
            %dma_start3A_152 = tpu.memref_slice %arg5[%dma_start3A_150, %dma_start3A_151] : memref<32x513xf32, #tpu.memory_space<vmem>> -> memref<8x512xf32, #tpu.memory_space<vmem>>
            %dma_start3A_153 = arith.constant 8 : i32
            %dma_start3A_154 = tpu.memref_slice %arg2[%dma_start3A_153, %mul3A_149] : memref<32x1000000xf32, #tpu.memory_space<hbm>> -> memref<8x512xf32, #tpu.memory_space<hbm>>
            %dma_start3A_155 = arith.constant 8 : i32
            %dma_start3A_156 = arith.constant 0 : i32
            %dma_start3A_157 = tpu.memref_slice %arg5[%dma_start3A_155, %dma_start3A_156] : memref<32x513xf32, #tpu.memory_space<vmem>> -> memref<8x512xf32, #tpu.memory_space<vmem>>
            %dma_start3A_158 = arith.constant 8 : i32
            %dma_start3A_159 = tpu.memref_slice %arg2[%dma_start3A_158, %mul3A_149] : memref<32x1000000xf32, #tpu.memory_space<hbm>> -> memref<8x512xf32, #tpu.memory_space<hbm>>
            tpu.enqueue_dma source(%dma_start3A_159 : memref<8x512xf32, #tpu.memory_space<hbm>>) target(%dma_start3A_157 : memref<8x512xf32, #tpu.memory_space<vmem>>) target_semaphore(%arg10 : memref<!tpu.dma_semaphore, #tpu.memory_space<semaphore_mem>>)
            %mul3A_160 = arith.constant 512 : i32
            %mul3A_161 = arith.muli %add3A_135, %mul3A_160 : i32
            %dma_start3A_162 = arith.constant 16 : i32
            %dma_start3A_163 = arith.constant 0 : i32
            %dma_start3A_164 = tpu.memref_slice %arg5[%dma_start3A_162, %dma_start3A_163] : memref<32x513xf32, #tpu.memory_space<vmem>> -> memref<8x512xf32, #tpu.memory_space<vmem>>
            %dma_start3A_165 = arith.constant 16 : i32
            %dma_start3A_166 = tpu.memref_slice %arg2[%dma_start3A_165, %mul3A_161] : memref<32x1000000xf32, #tpu.memory_space<hbm>> -> memref<8x512xf32, #tpu.memory_space<hbm>>
            %dma_start3A_167 = arith.constant 16 : i32
            %dma_start3A_168 = arith.constant 0 : i32
            %dma_start3A_169 = tpu.memref_slice %arg5[%dma_start3A_167, %dma_start3A_168] : memref<32x513xf32, #tpu.memory_space<vmem>> -> memref<8x512xf32, #tpu.memory_space<vmem>>
            %dma_start3A_170 = arith.constant 16 : i32
            %dma_start3A_171 = tpu.memref_slice %arg2[%dma_start3A_170, %mul3A_161] : memref<32x1000000xf32, #tpu.memory_space<hbm>> -> memref<8x512xf32, #tpu.memory_space<hbm>>
            tpu.enqueue_dma source(%dma_start3A_171 : memref<8x512xf32, #tpu.memory_space<hbm>>) target(%dma_start3A_169 : memref<8x512xf32, #tpu.memory_space<vmem>>) target_semaphore(%arg10 : memref<!tpu.dma_semaphore, #tpu.memory_space<semaphore_mem>>)
            %mul3A_172 = arith.constant 512 : i32
            %mul3A_173 = arith.muli %add3A_135, %mul3A_172 : i32
            %dma_start3A_174 = arith.constant 24 : i32
            %dma_start3A_175 = arith.constant 0 : i32
            %dma_start3A_176 = tpu.memref_slice %arg5[%dma_start3A_174, %dma_start3A_175] : memref<32x513xf32, #tpu.memory_space<vmem>> -> memref<8x512xf32, #tpu.memory_space<vmem>>
            %dma_start3A_177 = arith.constant 24 : i32
            %dma_start3A_178 = tpu.memref_slice %arg2[%dma_start3A_177, %mul3A_173] : memref<32x1000000xf32, #tpu.memory_space<hbm>> -> memref<8x512xf32, #tpu.memory_space<hbm>>
            %dma_start3A_179 = arith.constant 24 : i32
            %dma_start3A_180 = arith.constant 0 : i32
            %dma_start3A_181 = tpu.memref_slice %arg5[%dma_start3A_179, %dma_start3A_180] : memref<32x513xf32, #tpu.memory_space<vmem>> -> memref<8x512xf32, #tpu.memory_space<vmem>>
            %dma_start3A_182 = arith.constant 24 : i32
            %dma_start3A_183 = tpu.memref_slice %arg2[%dma_start3A_182, %mul3A_173] : memref<32x1000000xf32, #tpu.memory_space<hbm>> -> memref<8x512xf32, #tpu.memory_space<hbm>>
            tpu.enqueue_dma source(%dma_start3A_183 : memref<8x512xf32, #tpu.memory_space<hbm>>) target(%dma_start3A_181 : memref<8x512xf32, #tpu.memory_space<vmem>>) target_semaphore(%arg10 : memref<!tpu.dma_semaphore, #tpu.memory_space<semaphore_mem>>)
          } else {
          }
        } else {
        }
        %dma_wait3A_97 = arith.constant 0 : i32
        %dma_wait3A_98 = arith.constant 0 : i32
        %dma_wait3A_99 = tpu.memref_slice %arg6[%dma_wait3A_97, %dma_wait3A_98] : memref<32x513xf32, #tpu.memory_space<vmem>> -> memref<32x512xf32, #tpu.memory_space<vmem>>
        %dma_wait3A_100 = arith.constant 0 : i32
        %dma_wait3A_101 = arith.constant 0 : i32
        %dma_wait3A_102 = tpu.memref_slice %arg2[%dma_wait3A_100, %dma_wait3A_101] : memref<32x1000000xf32, #tpu.memory_space<hbm>> -> memref<32x512xf32, #tpu.memory_space<hbm>>
        %dma_wait3A_103 = arith.constant 0 : i32
        %dma_wait3A_104 = arith.constant 0 : i32
        %dma_wait3A_105 = tpu.memref_slice %arg6[%dma_wait3A_103, %dma_wait3A_104] : memref<32x513xf32, #tpu.memory_space<vmem>> -> memref<32x512xf32, #tpu.memory_space<vmem>>
        %dma_wait3A_106 = arith.constant 0 : i32
        %dma_wait3A_107 = arith.constant 0 : i32
        %dma_wait3A_108 = tpu.memref_slice %arg2[%dma_wait3A_106, %dma_wait3A_107] : memref<32x1000000xf32, #tpu.memory_space<hbm>> -> memref<32x512xf32, #tpu.memory_space<hbm>>
        tpu.wait_dma2 semaphore(%arg11 : memref<!tpu.dma_semaphore, #tpu.memory_space<semaphore_mem>>) src(%dma_wait3A_108 : memref<32x512xf32, #tpu.memory_space<hbm>>) dst(%dma_wait3A_105 : memref<32x512xf32, #tpu.memory_space<vmem>>)
        %ge3A = arith.constant 2 : i32
        %ge3A_109 = arith.cmpi sge, %add3A_84, %ge3A : i32
        %convert_element_type3A_110 = arith.extui %ge3A_109 : i1 to i32
        %cond3A_111 = arith.constant 0 : i32
        %cond3A_112 = arith.cmpi ne, %convert_element_type3A_110, %cond3A_111 : i32
        scf.if %cond3A_112 {
          %dma_wait3A_122 = arith.constant 0 : i32
          %dma_wait3A_123 = tpu.memref_slice %arg4[%dma_wait3A_122] : memref<32000000xf32, #tpu.memory_space<hbm>> -> memref<16384xf32, #tpu.memory_space<hbm>>
          %dma_wait3A_124 = arith.constant 0 : i32
          %dma_wait3A_125 = tpu.memref_slice %arg4[%dma_wait3A_124] : memref<32000000xf32, #tpu.memory_space<hbm>> -> memref<16384xf32, #tpu.memory_space<hbm>>
          tpu.wait_dma2 semaphore(%arg13 : memref<!tpu.dma_semaphore, #tpu.memory_space<semaphore_mem>>) src(%arg8 : memref<16384xf32, #tpu.memory_space<vmem>>) dst(%dma_wait3A_125 : memref<16384xf32, #tpu.memory_space<hbm>>)
        } else {
        }
        %parallel_loop3A = arith.constant 0 : i32
        %parallel_loop3A_113 = arith.constant 512 : i32
        %parallel_loop3A_114 = arith.constant 1 : i32
        scf.for %parallel_loop3A_122 = %parallel_loop3A to %parallel_loop3A_113 step %parallel_loop3A_114  : i32 {
          %parallel_loop3A_123 = vector.broadcast %parallel_loop3A_122 : i32 to vector<16xi32>
          %parallel_loop3A_124 = tpu.vector_load_idx %arg6[%iota3A, %parallel_loop3A_123] : memref<32x513xf32, #tpu.memory_space<vmem>>[vector<16xi32>, vector<16xi32>], vector<16xf32>,
          %parallel_loop3A_125 = tpu.vector_load_idx %arg6[%add3A_3, %parallel_loop3A_123] : memref<32x513xf32, #tpu.memory_space<vmem>>[vector<16xi32>, vector<16xi32>], vector<16xf32>,
          %parallel_loop3A_126 = arith.constant 32 : i32
          %parallel_loop3A_127 = arith.muli %parallel_loop3A_122, %parallel_loop3A_126 : i32
          %parallel_loop3A_128 = arith.index_cast %parallel_loop3A_127 : i32 to index
          %parallel_loop3A_129 = tpu.vector_load %arg8[%parallel_loop3A_128] {strides = array<i32>} : memref<16384xf32, #tpu.memory_space<vmem>>, vector<16xf32>,
          tpu.vector_store %arg8[%parallel_loop3A_128], %parallel_loop3A_124 {strides = array<i32>} : memref<16384xf32, #tpu.memory_space<vmem>>, vector<16xf32>,
          %parallel_loop3A_130 = arith.constant 32 : i32
          %parallel_loop3A_131 = arith.muli %parallel_loop3A_122, %parallel_loop3A_130 : i32
          %parallel_loop3A_132 = arith.constant 16 : i32
          %parallel_loop3A_133 = arith.addi %parallel_loop3A_131, %parallel_loop3A_132 : i32
          %parallel_loop3A_134 = arith.index_cast %parallel_loop3A_133 : i32 to index
          %parallel_loop3A_135 = tpu.vector_load %arg8[%parallel_loop3A_134] {strides = array<i32>} : memref<16384xf32, #tpu.memory_space<vmem>>, vector<16xf32>,
          tpu.vector_store %arg8[%parallel_loop3A_134], %parallel_loop3A_125 {strides = array<i32>} : memref<16384xf32, #tpu.memory_space<vmem>>, vector<16xf32>,
        } {sc.loop_unroll_factor = 8 : i64, sc.parallel_access}
        %mul3A_115 = arith.constant 32 : i32
        %mul3A_116 = arith.muli %add3A_84, %mul3A_115 : i32
        %add3A_117 = arith.addi %mul3A_116, %add3A : i32
        %mul3A_118 = arith.constant 16384 : i32
        %mul3A_119 = arith.muli %add3A_117, %mul3A_118 : i32
        %dma_start3A_120 = tpu.memref_slice %arg4[%mul3A_119] : memref<32000000xf32, #tpu.memory_space<hbm>> -> memref<16384xf32, #tpu.memory_space<hbm>>
        %dma_start3A_121 = tpu.memref_slice %arg4[%mul3A_119] : memref<32000000xf32, #tpu.memory_space<hbm>> -> memref<16384xf32, #tpu.memory_space<hbm>>
        tpu.enqueue_dma source(%arg8 : memref<16384xf32, #tpu.memory_space<vmem>>) target(%dma_start3A_121 : memref<16384xf32, #tpu.memory_space<hbm>>) target_semaphore(%arg13 : memref<!tpu.dma_semaphore, #tpu.memory_space<semaphore_mem>>)
      } else {
      }
    }
    %scan3A_57 = arith.constant 31 : i32
    %lt3A = arith.constant 1 : i32
    %lt3A_58 = arith.cmpi slt, %add3A, %lt3A : i32
    %convert_element_type3A = arith.extui %lt3A_58 : i1 to i32
    %cond3A = arith.constant 0 : i32
    %cond3A_59 = arith.cmpi ne, %convert_element_type3A, %cond3A : i32
    scf.if %cond3A_59 {
      %dma_wait3A_71 = arith.constant 0 : i32
      %dma_wait3A_72 = arith.constant 0 : i32
      %dma_wait3A_73 = tpu.memref_slice %arg6[%dma_wait3A_71, %dma_wait3A_72] : memref<32x513xf32, #tpu.memory_space<vmem>> -> memref<32x512xf32, #tpu.memory_space<vmem>>
      %dma_wait3A_74 = arith.constant 0 : i32
      %dma_wait3A_75 = arith.constant 0 : i32
      %dma_wait3A_76 = tpu.memref_slice %arg2[%dma_wait3A_74, %dma_wait3A_75] : memref<32x1000000xf32, #tpu.memory_space<hbm>> -> memref<32x512xf32, #tpu.memory_space<hbm>>
      %dma_wait3A_77 = arith.constant 0 : i32
      %dma_wait3A_78 = arith.constant 0 : i32
      %dma_wait3A_79 = tpu.memref_slice %arg6[%dma_wait3A_77, %dma_wait3A_78] : memref<32x513xf32, #tpu.memory_space<vmem>> -> memref<32x512xf32, #tpu.memory_space<vmem>>
      %dma_wait3A_80 = arith.constant 0 : i32
      %dma_wait3A_81 = arith.constant 0 : i32
      %dma_wait3A_82 = tpu.memref_slice %arg2[%dma_wait3A_80, %dma_wait3A_81] : memref<32x1000000xf32, #tpu.memory_space<hbm>> -> memref<32x512xf32, #tpu.memory_space<hbm>>
      tpu.wait_dma2 semaphore(%arg11 : memref<!tpu.dma_semaphore, #tpu.memory_space<semaphore_mem>>) src(%dma_wait3A_82 : memref<32x512xf32, #tpu.memory_space<hbm>>) dst(%dma_wait3A_79 : memref<32x512xf32, #tpu.memory_space<vmem>>)
      %dma_wait3A_83 = arith.constant 0 : i32
      %dma_wait3A_84 = tpu.memref_slice %arg4[%dma_wait3A_83] : memref<32000000xf32, #tpu.memory_space<hbm>> -> memref<16384xf32, #tpu.memory_space<hbm>>
      %dma_wait3A_85 = arith.constant 0 : i32
      %dma_wait3A_86 = tpu.memref_slice %arg4[%dma_wait3A_85] : memref<32000000xf32, #tpu.memory_space<hbm>> -> memref<16384xf32, #tpu.memory_space<hbm>>
      tpu.wait_dma2 semaphore(%arg13 : memref<!tpu.dma_semaphore, #tpu.memory_space<semaphore_mem>>) src(%arg8 : memref<16384xf32, #tpu.memory_space<vmem>>) dst(%dma_wait3A_86 : memref<16384xf32, #tpu.memory_space<hbm>>)
      %parallel_loop3A = arith.constant 0 : i32
      %parallel_loop3A_87 = arith.constant 512 : i32
      %parallel_loop3A_88 = arith.constant 1 : i32
      scf.for %parallel_loop3A_95 = %parallel_loop3A to %parallel_loop3A_87 step %parallel_loop3A_88  : i32 {
        %parallel_loop3A_96 = vector.broadcast %parallel_loop3A_95 : i32 to vector<16xi32>
        %parallel_loop3A_97 = tpu.vector_load_idx %arg6[%iota3A, %parallel_loop3A_96] : memref<32x513xf32, #tpu.memory_space<vmem>>[vector<16xi32>, vector<16xi32>], vector<16xf32>,
        %parallel_loop3A_98 = tpu.vector_load_idx %arg6[%add3A_3, %parallel_loop3A_96] : memref<32x513xf32, #tpu.memory_space<vmem>>[vector<16xi32>, vector<16xi32>], vector<16xf32>,
        %parallel_loop3A_99 = arith.constant 32 : i32
        %parallel_loop3A_100 = arith.muli %parallel_loop3A_95, %parallel_loop3A_99 : i32
        %parallel_loop3A_101 = arith.index_cast %parallel_loop3A_100 : i32 to index
        %parallel_loop3A_102 = tpu.vector_load %arg8[%parallel_loop3A_101] {strides = array<i32>} : memref<16384xf32, #tpu.memory_space<vmem>>, vector<16xf32>,
        tpu.vector_store %arg8[%parallel_loop3A_101], %parallel_loop3A_97 {strides = array<i32>} : memref<16384xf32, #tpu.memory_space<vmem>>, vector<16xf32>,
        %parallel_loop3A_103 = arith.constant 32 : i32
        %parallel_loop3A_104 = arith.muli %parallel_loop3A_95, %parallel_loop3A_103 : i32
        %parallel_loop3A_105 = arith.constant 16 : i32
        %parallel_loop3A_106 = arith.addi %parallel_loop3A_104, %parallel_loop3A_105 : i32
        %parallel_loop3A_107 = arith.index_cast %parallel_loop3A_106 : i32 to index
        %parallel_loop3A_108 = tpu.vector_load %arg8[%parallel_loop3A_107] {strides = array<i32>} : memref<16384xf32, #tpu.memory_space<vmem>>, vector<16xf32>,
        tpu.vector_store %arg8[%parallel_loop3A_107], %parallel_loop3A_98 {strides = array<i32>} : memref<16384xf32, #tpu.memory_space<vmem>>, vector<16xf32>,
      } {sc.loop_unroll_factor = 8 : i64, sc.parallel_access}
      %add3A_89 = arith.constant 1952 : i32
      %add3A_90 = arith.addi %add3A_89, %add3A : i32
      %mul3A_91 = arith.constant 16384 : i32
      %mul3A_92 = arith.muli %add3A_90, %mul3A_91 : i32
      %dma_start3A_93 = tpu.memref_slice %arg4[%mul3A_92] : memref<32000000xf32, #tpu.memory_space<hbm>> -> memref<16384xf32, #tpu.memory_space<hbm>>
      %dma_start3A_94 = tpu.memref_slice %arg4[%mul3A_92] : memref<32000000xf32, #tpu.memory_space<hbm>> -> memref<16384xf32, #tpu.memory_space<hbm>>
      tpu.enqueue_dma source(%arg8 : memref<16384xf32, #tpu.memory_space<vmem>>) target(%dma_start3A_94 : memref<16384xf32, #tpu.memory_space<hbm>>) target_semaphore(%arg13 : memref<!tpu.dma_semaphore, #tpu.memory_space<semaphore_mem>>)
    } else {
    }
    %eq3A = arith.constant 31 : i32
    %eq3A_60 = arith.cmpi eq, %add3A, %eq3A : i32
    %convert_element_type3A_61 = arith.extui %eq3A_60 : i1 to i32
    %cond3A_62 = arith.constant 0 : i32
    %cond3A_63 = arith.cmpi ne, %convert_element_type3A_61, %cond3A_62 : i32
    scf.if %cond3A_63 {
      "tpu.region"() ({
        %run_scoped3A = tpu.sem_alloc : memref<!tpu.dma_semaphore, #tpu.memory_space<semaphore_mem>>
        tpu.enqueue_dma source(%arg3 : memref<2048xf32, #tpu.memory_space<hbm>>) target(%arg9 : memref<2048xf32, #tpu.memory_space<vmem>>) target_semaphore(%run_scoped3A : memref<!tpu.dma_semaphore, #tpu.memory_space<semaphore_mem>>)
        tpu.wait_dma2 semaphore(%run_scoped3A : memref<!tpu.dma_semaphore, #tpu.memory_space<semaphore_mem>>) src(%arg3 : memref<2048xf32, #tpu.memory_space<hbm>>) dst(%arg9 : memref<2048xf32, #tpu.memory_space<vmem>>)
        tpu.yield
      }) : () -> ()
      %dma_start3A_71 = arith.constant 31997952 : i32
      %dma_start3A_72 = tpu.memref_slice %arg4[%dma_start3A_71] : memref<32000000xf32, #tpu.memory_space<hbm>> -> memref<2048xf32, #tpu.memory_space<hbm>>
      %dma_start3A_73 = arith.constant 31997952 : i32
      %dma_start3A_74 = tpu.memref_slice %arg4[%dma_start3A_73] : memref<32000000xf32, #tpu.memory_space<hbm>> -> memref<2048xf32, #tpu.memory_space<hbm>>
      tpu.enqueue_dma source(%arg9 : memref<2048xf32, #tpu.memory_space<vmem>>) target(%dma_start3A_74 : memref<2048xf32, #tpu.memory_space<hbm>>) target_semaphore(%arg14 : memref<!tpu.dma_semaphore, #tpu.memory_space<semaphore_mem>>)
      %dma_wait3A_75 = arith.constant 0 : i32
      %dma_wait3A_76 = tpu.memref_slice %arg4[%dma_wait3A_75] : memref<32000000xf32, #tpu.memory_space<hbm>> -> memref<2048xf32, #tpu.memory_space<hbm>>
      %dma_wait3A_77 = arith.constant 0 : i32
      %dma_wait3A_78 = tpu.memref_slice %arg4[%dma_wait3A_77] : memref<32000000xf32, #tpu.memory_space<hbm>> -> memref<2048xf32, #tpu.memory_space<hbm>>
      tpu.wait_dma2 semaphore(%arg14 : memref<!tpu.dma_semaphore, #tpu.memory_space<semaphore_mem>>) src(%arg9 : memref<2048xf32, #tpu.memory_space<vmem>>) dst(%dma_wait3A_78 : memref<2048xf32, #tpu.memory_space<hbm>>)
    } else {
    }
    %dma_wait3A = arith.constant 0 : i32
    %dma_wait3A_64 = tpu.memref_slice %arg4[%dma_wait3A] : memref<32000000xf32, #tpu.memory_space<hbm>> -> memref<16384xf32, #tpu.memory_space<hbm>>
    %dma_wait3A_65 = arith.constant 0 : i32
    %dma_wait3A_66 = tpu.memref_slice %arg4[%dma_wait3A_65] : memref<32000000xf32, #tpu.memory_space<hbm>> -> memref<16384xf32, #tpu.memory_space<hbm>>
    tpu.wait_dma2 semaphore(%arg12 : memref<!tpu.dma_semaphore, #tpu.memory_space<semaphore_mem>>) src(%arg7 : memref<16384xf32, #tpu.memory_space<vmem>>) dst(%dma_wait3A_66 : memref<16384xf32, #tpu.memory_space<hbm>>)
    %dma_wait3A_67 = arith.constant 0 : i32
    %dma_wait3A_68 = tpu.memref_slice %arg4[%dma_wait3A_67] : memref<32000000xf32, #tpu.memory_space<hbm>> -> memref<16384xf32, #tpu.memory_space<hbm>>
    %dma_wait3A_69 = arith.constant 0 : i32
    %dma_wait3A_70 = tpu.memref_slice %arg4[%dma_wait3A_69] : memref<32000000xf32, #tpu.memory_space<hbm>> -> memref<16384xf32, #tpu.memory_space<hbm>>
    tpu.wait_dma2 semaphore(%arg13 : memref<!tpu.dma_semaphore, #tpu.memory_space<semaphore_mem>>) src(%arg8 : memref<16384xf32, #tpu.memory_space<vmem>>) dst(%dma_wait3A_70 : memref<16384xf32, #tpu.memory_space<hbm>>)
    return
  }
}

#map = affine_map<(d0, d1) -> (0, 0)>
#map1 = affine_map<(d0, d1) -> (0)>
#map2 = affine_map<(d0, d1) -> (0, 0, 0, 0, 0)>
module attributes {stable_mosaic.version = 14 : i64} {
  func.func @_embed(%arg0: i32, %arg1: i32, %arg2: memref<1000000x32xf32, #tpu.memory_space<hbm>>, %arg3: memref<819200xi32, #tpu.memory_space<hbm>>, %arg4: memref<200x4x32x8x128xf32, #tpu.memory_space<hbm>>, %arg5: memref<25600xi32, #tpu.memory_space<vmem>>, %arg6: memref<512x32xf32, #tpu.memory_space<vmem>>, %arg7: memref<512x32xf32, #tpu.memory_space<vmem>>, %arg8: memref<128x129xf32, #tpu.memory_space<vmem>>, %arg9: memref<128x129xf32, #tpu.memory_space<vmem>>, %arg10: memref<!tpu.dma_semaphore, #tpu.memory_space<semaphore_mem>>, %arg11: memref<!tpu.dma_semaphore, #tpu.memory_space<semaphore_mem>>, %arg12: memref<!tpu.dma_semaphore, #tpu.memory_space<semaphore_mem>>, %arg13: memref<!tpu.dma_semaphore, #tpu.memory_space<semaphore_mem>>) attributes {dimension_semantics = [#tpu.dimension_semantics<core_parallel>, #tpu.dimension_semantics<subcore_parallel>], iteration_bounds = array<i64: 2, 16>, scalar_prefetch = 0 : i64, scratch_operands = 9 : i64, tpu.core_type = #tpu.core_type<sc_vector_subcore>, window_params = [{transform_indices = #map}, {transform_indices = #map1}, {transform_indices = #map2}]} {
    %mul3A = arith.constant 2 : i32
    %mul3A_0 = arith.muli %arg1, %mul3A : i32
    %add3A = arith.addi %mul3A_0, %arg0 : i32
    %mul3A_1 = arith.constant 25600 : i32
    %mul3A_2 = arith.muli %add3A, %mul3A_1 : i32
    %iota3A = tpu.iota {dimensions = array<i32: 0>} : vector<16xi32>
    %shift_right_logical3A = arith.constant 3 : i32
    %shift_right_logical3A_3 = vector.broadcast %shift_right_logical3A : i32 to vector<16xi32>
    %shift_right_logical3A_4 = arith.shrui %iota3A, %shift_right_logical3A_3 : vector<16xi32>
    %mul3A_5 = arith.constant 32 : i32
    %mul3A_6 = vector.broadcast %mul3A_5 : i32 to vector<16xi32>
    %mul3A_7 = arith.muli %shift_right_logical3A_4, %mul3A_6 : vector<16xi32>
    %and3A = arith.constant 7 : i32
    %and3A_8 = vector.broadcast %and3A : i32 to vector<16xi32>
    %and3A_9 = arith.andi %iota3A, %and3A_8 : vector<16xi32>
    %add3A_10 = arith.addi %mul3A_7, %and3A_9 : vector<16xi32>
    %add3A_11 = arith.constant 64 : i32
    %add3A_12 = vector.broadcast %add3A_11 : i32 to vector<16xi32>
    %add3A_13 = arith.addi %add3A_10, %add3A_12 : vector<16xi32>
    "tpu.region"() ({
      %run_scoped3A = tpu.sem_alloc : memref<!tpu.dma_semaphore, #tpu.memory_space<semaphore_mem>>
      %dma_start3A_566 = tpu.memref_slice %arg3[%mul3A_2] : memref<819200xi32, #tpu.memory_space<hbm>> -> memref<25600xi32, #tpu.memory_space<hbm>>
      %dma_start3A_567 = tpu.memref_slice %arg3[%mul3A_2] : memref<819200xi32, #tpu.memory_space<hbm>> -> memref<25600xi32, #tpu.memory_space<hbm>>
      tpu.enqueue_dma source(%dma_start3A_567 : memref<25600xi32, #tpu.memory_space<hbm>>) target(%arg5 : memref<25600xi32, #tpu.memory_space<vmem>>) target_semaphore(%run_scoped3A : memref<!tpu.dma_semaphore, #tpu.memory_space<semaphore_mem>>)
      %dma_wait3A_568 = tpu.memref_slice %arg3[%mul3A_2] : memref<819200xi32, #tpu.memory_space<hbm>> -> memref<25600xi32, #tpu.memory_space<hbm>>
      %dma_wait3A_569 = tpu.memref_slice %arg3[%mul3A_2] : memref<819200xi32, #tpu.memory_space<hbm>> -> memref<25600xi32, #tpu.memory_space<hbm>>
      tpu.wait_dma2 semaphore(%run_scoped3A : memref<!tpu.dma_semaphore, #tpu.memory_space<semaphore_mem>>) src(%dma_wait3A_569 : memref<25600xi32, #tpu.memory_space<hbm>>) dst(%arg5 : memref<25600xi32, #tpu.memory_space<vmem>>)
      tpu.yield
    }) : () -> ()
    %dma_start3A = arith.constant 0 : i32
    %dma_start3A_14 = tpu.memref_slice %arg5[%dma_start3A] : memref<25600xi32, #tpu.memory_space<vmem>> -> memref<512xi32, #tpu.memory_space<vmem>>
    %dma_start3A_15 = arith.constant 0 : i32
    %dma_start3A_16 = arith.constant 0 : i32
    %dma_start3A_17 = tpu.memref_slice %arg2[%dma_start3A_15, %dma_start3A_16] : memref<1000000x32xf32, #tpu.memory_space<hbm>> -> memref<1000000x32xf32, #tpu.memory_space<hbm>>
    tpu.enqueue_indirect_dma source(%dma_start3A_17 : memref<1000000x32xf32, #tpu.memory_space<hbm>>) target(%arg6 : memref<512x32xf32, #tpu.memory_space<vmem>>) offsets(%dma_start3A_14 : memref<512xi32, #tpu.memory_space<vmem>>) semaphore(%arg10 : memref<!tpu.dma_semaphore, #tpu.memory_space<semaphore_mem>>)
    %scan3A = arith.constant 0 : i32
    %scan3A_18 = arith.constant 0 : i32
    %scan3A_19 = arith.constant 25 : i32
    %scan3A_20 = arith.addi %scan3A_18, %scan3A_19 : i32
    %scan3A_21 = arith.constant 1 : i32
    scf.for %scan3A_566 = %scan3A_18 to %scan3A_20 step %scan3A_21  : i32 {
      %mul3A_567 = arith.constant 2 : i32
      %mul3A_568 = arith.muli %scan3A_566, %mul3A_567 : i32
      %add3A_569 = arith.constant 0 : i32
      %add3A_570 = arith.addi %mul3A_568, %add3A_569 : i32
      %add3A_571 = arith.constant 1 : i32
      %add3A_572 = arith.addi %add3A_570, %add3A_571 : i32
      %lt3A = arith.constant 50 : i32
      %lt3A_573 = arith.cmpi slt, %add3A_572, %lt3A : i32
      %convert_element_type3A = arith.extui %lt3A_573 : i1 to i32
      %cond3A = arith.constant 0 : i32
      %cond3A_574 = arith.cmpi ne, %convert_element_type3A, %cond3A : i32
      scf.if %cond3A_574 {
        %add3A_1236 = arith.constant 1 : i32
        %add3A_1237 = arith.addi %add3A_570, %add3A_1236 : i32
        %mul3A_1238 = arith.constant 512 : i32
        %mul3A_1239 = arith.muli %add3A_1237, %mul3A_1238 : i32
        %dma_start3A_1240 = tpu.memref_slice %arg5[%mul3A_1239] : memref<25600xi32, #tpu.memory_space<vmem>> -> memref<512xi32, #tpu.memory_space<vmem>>
        %dma_start3A_1241 = arith.constant 0 : i32
        %dma_start3A_1242 = arith.constant 0 : i32
        %dma_start3A_1243 = tpu.memref_slice %arg2[%dma_start3A_1241, %dma_start3A_1242] : memref<1000000x32xf32, #tpu.memory_space<hbm>> -> memref<1000000x32xf32, #tpu.memory_space<hbm>>
        tpu.enqueue_indirect_dma source(%dma_start3A_1243 : memref<1000000x32xf32, #tpu.memory_space<hbm>>) target(%arg7 : memref<512x32xf32, #tpu.memory_space<vmem>>) offsets(%dma_start3A_1240 : memref<512xi32, #tpu.memory_space<vmem>>) semaphore(%arg11 : memref<!tpu.dma_semaphore, #tpu.memory_space<semaphore_mem>>)
      } else {
      }
      %dma_wait3A_575 = arith.constant 0 : i32
      %dma_wait3A_576 = tpu.memref_slice %arg5[%dma_wait3A_575] : memref<25600xi32, #tpu.memory_space<vmem>> -> memref<512xi32, #tpu.memory_space<vmem>>
      %dma_wait3A_577 = arith.constant 0 : i32
      %dma_wait3A_578 = arith.constant 0 : i32
      %dma_wait3A_579 = tpu.memref_slice %arg2[%dma_wait3A_577, %dma_wait3A_578] : memref<1000000x32xf32, #tpu.memory_space<hbm>> -> memref<1000000x32xf32, #tpu.memory_space<hbm>>
      tpu.wait_indirect_dma semaphore(%arg10 : memref<!tpu.dma_semaphore, #tpu.memory_space<semaphore_mem>>) src(%dma_wait3A_579 : memref<1000000x32xf32, #tpu.memory_space<hbm>>) dst(%arg6 : memref<512x32xf32, #tpu.memory_space<vmem>>)
      %ge3A = arith.constant 2 : i32
      %ge3A_580 = arith.cmpi sge, %add3A_570, %ge3A : i32
      %convert_element_type3A_581 = arith.extui %ge3A_580 : i1 to i32
      %cond3A_582 = arith.constant 0 : i32
      %cond3A_583 = arith.cmpi ne, %convert_element_type3A_581, %cond3A_582 : i32
      scf.if %cond3A_583 {
        %dma_wait3A_1236 = arith.constant 0 : i32
        %dma_wait3A_1237 = arith.constant 0 : i32
        %dma_wait3A_1238 = arith.constant 0 : i32
        %dma_wait3A_1239 = arith.constant 0 : i32
        %dma_wait3A_1240 = arith.constant 0 : i32
        %dma_wait3A_1241 = tpu.memref_slice %arg8[%dma_wait3A_1239, %dma_wait3A_1240] : memref<128x129xf32, #tpu.memory_space<vmem>> -> memref<8x128xf32, #tpu.memory_space<vmem>>
        %dma_wait3A_1242 = arith.constant 0 : i32
        %dma_wait3A_1243 = arith.constant 0 : i32
        %dma_wait3A_1244 = tpu.memref_slice %arg4[%dma_wait3A_1236, %dma_wait3A_1237, %dma_wait3A_1238, %dma_wait3A_1242, %dma_wait3A_1243] : memref<200x4x32x8x128xf32, #tpu.memory_space<hbm>> -> memref<1x1x1x8x128xf32, #tpu.memory_space<hbm>>
        %dma_wait3A_1245 = tpu.memref_squeeze %dma_wait3A_1244 : memref<1x1x1x8x128xf32, #tpu.memory_space<hbm>> -> memref<8x128xf32, #tpu.memory_space<hbm>>
        %dma_wait3A_1246 = arith.constant 0 : i32
        %dma_wait3A_1247 = arith.constant 0 : i32
        %dma_wait3A_1248 = tpu.memref_slice %arg4[%dma_wait3A_1236, %dma_wait3A_1237, %dma_wait3A_1238, %dma_wait3A_1246, %dma_wait3A_1247] : memref<200x4x32x8x128xf32, #tpu.memory_space<hbm>> -> memref<1x1x1x8x128xf32, #tpu.memory_space<hbm>>
        %dma_wait3A_1249 = tpu.memref_squeeze %dma_wait3A_1248 : memref<1x1x1x8x128xf32, #tpu.memory_space<hbm>> -> memref<8x128xf32, #tpu.memory_space<hbm>>
        %dma_wait3A_1250 = arith.constant 0 : i32
        %dma_wait3A_1251 = arith.constant 0 : i32
        %dma_wait3A_1252 = tpu.memref_slice %arg8[%dma_wait3A_1250, %dma_wait3A_1251] : memref<128x129xf32, #tpu.memory_space<vmem>> -> memref<8x128xf32, #tpu.memory_space<vmem>>
        tpu.wait_dma2 semaphore(%arg12 : memref<!tpu.dma_semaphore, #tpu.memory_space<semaphore_mem>>) src(%dma_wait3A_1252 : memref<8x128xf32, #tpu.memory_space<vmem>>) dst(%dma_wait3A_1249 : memref<8x128xf32, #tpu.memory_space<hbm>>)
        %dma_wait3A_1253 = arith.constant 0 : i32
        %dma_wait3A_1254 = arith.constant 0 : i32
        %dma_wait3A_1255 = arith.constant 0 : i32
        %dma_wait3A_1256 = arith.constant 0 : i32
        %dma_wait3A_1257 = arith.constant 0 : i32
        %dma_wait3A_1258 = tpu.memref_slice %arg8[%dma_wait3A_1256, %dma_wait3A_1257] : memref<128x129xf32, #tpu.memory_space<vmem>> -> memref<8x128xf32, #tpu.memory_space<vmem>>
        %dma_wait3A_1259 = arith.constant 0 : i32
        %dma_wait3A_1260 = arith.constant 0 : i32
        %dma_wait3A_1261 = tpu.memref_slice %arg4[%dma_wait3A_1253, %dma_wait3A_1254, %dma_wait3A_1255, %dma_wait3A_1259, %dma_wait3A_1260] : memref<200x4x32x8x128xf32, #tpu.memory_space<hbm>> -> memref<1x1x1x8x128xf32, #tpu.memory_space<hbm>>
        %dma_wait3A_1262 = tpu.memref_squeeze %dma_wait3A_1261 : memref<1x1x1x8x128xf32, #tpu.memory_space<hbm>> -> memref<8x128xf32, #tpu.memory_space<hbm>>
        %dma_wait3A_1263 = arith.constant 0 : i32
        %dma_wait3A_1264 = arith.constant 0 : i32
        %dma_wait3A_1265 = tpu.memref_slice %arg4[%dma_wait3A_1253, %dma_wait3A_1254, %dma_wait3A_1255, %dma_wait3A_1263, %dma_wait3A_1264] : memref<200x4x32x8x128xf32, #tpu.memory_space<hbm>> -> memref<1x1x1x8x128xf32, #tpu.memory_space<hbm>>
        %dma_wait3A_1266 = tpu.memref_squeeze %dma_wait3A_1265 : memref<1x1x1x8x128xf32, #tpu.memory_space<hbm>> -> memref<8x128xf32, #tpu.memory_space<hbm>>
        %dma_wait3A_1267 = arith.constant 0 : i32
        %dma_wait3A_1268 = arith.constant 0 : i32
        %dma_wait3A_1269 = tpu.memref_slice %arg8[%dma_wait3A_1267, %dma_wait3A_1268] : memref<128x129xf32, #tpu.memory_space<vmem>> -> memref<8x128xf32, #tpu.memory_space<vmem>>
        tpu.wait_dma2 semaphore(%arg12 : memref<!tpu.dma_semaphore, #tpu.memory_space<semaphore_mem>>) src(%dma_wait3A_1269 : memref<8x128xf32, #tpu.memory_space<vmem>>) dst(%dma_wait3A_1266 : memref<8x128xf32, #tpu.memory_space<hbm>>)
        %dma_wait3A_1270 = arith.constant 0 : i32
        %dma_wait3A_1271 = arith.constant 0 : i32
        %dma_wait3A_1272 = arith.constant 0 : i32
        %dma_wait3A_1273 = arith.constant 0 : i32
        %dma_wait3A_1274 = arith.constant 0 : i32
        %dma_wait3A_1275 = tpu.memref_slice %arg8[%dma_wait3A_1273, %dma_wait3A_1274] : memref<128x129xf32, #tpu.memory_space<vmem>> -> memref<8x128xf32, #tpu.memory_space<vmem>>
        %dma_wait3A_1276 = arith.constant 0 : i32
        %dma_wait3A_1277 = arith.constant 0 : i32
        %dma_wait3A_1278 = tpu.memref_slice %arg4[%dma_wait3A_1270, %dma_wait3A_1271, %dma_wait3A_1272, %dma_wait3A_1276, %dma_wait3A_1277] : memref<200x4x32x8x128xf32, #tpu.memory_space<hbm>> -> memref<1x1x1x8x128xf32, #tpu.memory_space<hbm>>
        %dma_wait3A_1279 = tpu.memref_squeeze %dma_wait3A_1278 : memref<1x1x1x8x128xf32, #tpu.memory_space<hbm>> -> memref<8x128xf32, #tpu.memory_space<hbm>>
        %dma_wait3A_1280 = arith.constant 0 : i32
        %dma_wait3A_1281 = arith.constant 0 : i32
        %dma_wait3A_1282 = tpu.memref_slice %arg4[%dma_wait3A_1270, %dma_wait3A_1271, %dma_wait3A_1272, %dma_wait3A_1280, %dma_wait3A_1281] : memref<200x4x32x8x128xf32, #tpu.memory_space<hbm>> -> memref<1x1x1x8x128xf32, #tpu.memory_space<hbm>>
        %dma_wait3A_1283 = tpu.memref_squeeze %dma_wait3A_1282 : memref<1x1x1x8x128xf32, #tpu.memory_space<hbm>> -> memref<8x128xf32, #tpu.memory_space<hbm>>
        %dma_wait3A_1284 = arith.constant 0 : i32
        %dma_wait3A_1285 = arith.constant 0 : i32
        %dma_wait3A_1286 = tpu.memref_slice %arg8[%dma_wait3A_1284, %dma_wait3A_1285] : memref<128x129xf32, #tpu.memory_space<vmem>> -> memref<8x128xf32, #tpu.memory_space<vmem>>
        tpu.wait_dma2 semaphore(%arg12 : memref<!tpu.dma_semaphore, #tpu.memory_space<semaphore_mem>>) src(%dma_wait3A_1286 : memref<8x128xf32, #tpu.memory_space<vmem>>) dst(%dma_wait3A_1283 : memref<8x128xf32, #tpu.memory_space<hbm>>)
        %dma_wait3A_1287 = arith.constant 0 : i32
        %dma_wait3A_1288 = arith.constant 0 : i32
        %dma_wait3A_1289 = arith.constant 0 : i32
        %dma_wait3A_1290 = arith.constant 0 : i32
        %dma_wait3A_1291 = arith.constant 0 : i32
        %dma_wait3A_1292 = tpu.memref_slice %arg8[%dma_wait3A_1290, %dma_wait3A_1291] : memref<128x129xf32, #tpu.memory_space<vmem>> -> memref<8x128xf32, #tpu.memory_space<vmem>>
        %dma_wait3A_1293 = arith.constant 0 : i32
        %dma_wait3A_1294 = arith.constant 0 : i32
        %dma_wait3A_1295 = tpu.memref_slice %arg4[%dma_wait3A_1287, %dma_wait3A_1288, %dma_wait3A_1289, %dma_wait3A_1293, %dma_wait3A_1294] : memref<200x4x32x8x128xf32, #tpu.memory_space<hbm>> -> memref<1x1x1x8x128xf32, #tpu.memory_space<hbm>>
        %dma_wait3A_1296 = tpu.memref_squeeze %dma_wait3A_1295 : memref<1x1x1x8x128xf32, #tpu.memory_space<hbm>> -> memref<8x128xf32, #tpu.memory_space<hbm>>
        %dma_wait3A_1297 = arith.constant 0 : i32
        %dma_wait3A_1298 = arith.constant 0 : i32
        %dma_wait3A_1299 = tpu.memref_slice %arg4[%dma_wait3A_1287, %dma_wait3A_1288, %dma_wait3A_1289, %dma_wait3A_1297, %dma_wait3A_1298] : memref<200x4x32x8x128xf32, #tpu.memory_space<hbm>> -> memref<1x1x1x8x128xf32, #tpu.memory_space<hbm>>
        %dma_wait3A_1300 = tpu.memref_squeeze %dma_wait3A_1299 : memref<1x1x1x8x128xf32, #tpu.memory_space<hbm>> -> memref<8x128xf32, #tpu.memory_space<hbm>>
        %dma_wait3A_1301 = arith.constant 0 : i32
        %dma_wait3A_1302 = arith.constant 0 : i32
        %dma_wait3A_1303 = tpu.memref_slice %arg8[%dma_wait3A_1301, %dma_wait3A_1302] : memref<128x129xf32, #tpu.memory_space<vmem>> -> memref<8x128xf32, #tpu.memory_space<vmem>>
        tpu.wait_dma2 semaphore(%arg12 : memref<!tpu.dma_semaphore, #tpu.memory_space<semaphore_mem>>) src(%dma_wait3A_1303 : memref<8x128xf32, #tpu.memory_space<vmem>>) dst(%dma_wait3A_1300 : memref<8x128xf32, #tpu.memory_space<hbm>>)
        %dma_wait3A_1304 = arith.constant 0 : i32
        %dma_wait3A_1305 = arith.constant 0 : i32
        %dma_wait3A_1306 = arith.constant 0 : i32
        %dma_wait3A_1307 = arith.constant 0 : i32
        %dma_wait3A_1308 = arith.constant 0 : i32
        %dma_wait3A_1309 = tpu.memref_slice %arg8[%dma_wait3A_1307, %dma_wait3A_1308] : memref<128x129xf32, #tpu.memory_space<vmem>> -> memref<8x128xf32, #tpu.memory_space<vmem>>
        %dma_wait3A_1310 = arith.constant 0 : i32
        %dma_wait3A_1311 = arith.constant 0 : i32
        %dma_wait3A_1312 = tpu.memref_slice %arg4[%dma_wait3A_1304, %dma_wait3A_1305, %dma_wait3A_1306, %dma_wait3A_1310, %dma_wait3A_1311] : memref<200x4x32x8x128xf32, #tpu.memory_space<hbm>> -> memref<1x1x1x8x128xf32, #tpu.memory_space<hbm>>
        %dma_wait3A_1313 = tpu.memref_squeeze %dma_wait3A_1312 : memref<1x1x1x8x128xf32, #tpu.memory_space<hbm>> -> memref<8x128xf32, #tpu.memory_space<hbm>>
        %dma_wait3A_1314 = arith.constant 0 : i32
        %dma_wait3A_1315 = arith.constant 0 : i32
        %dma_wait3A_1316 = tpu.memref_slice %arg4[%dma_wait3A_1304, %dma_wait3A_1305, %dma_wait3A_1306, %dma_wait3A_1314, %dma_wait3A_1315] : memref<200x4x32x8x128xf32, #tpu.memory_space<hbm>> -> memref<1x1x1x8x128xf32, #tpu.memory_space<hbm>>
        %dma_wait3A_1317 = tpu.memref_squeeze %dma_wait3A_1316 : memref<1x1x1x8x128xf32, #tpu.memory_space<hbm>> -> memref<8x128xf32, #tpu.memory_space<hbm>>
        %dma_wait3A_1318 = arith.constant 0 : i32
        %dma_wait3A_1319 = arith.constant 0 : i32
        %dma_wait3A_1320 = tpu.memref_slice %arg8[%dma_wait3A_1318, %dma_wait3A_1319] : memref<128x129xf32, #tpu.memory_space<vmem>> -> memref<8x128xf32, #tpu.memory_space<vmem>>
        tpu.wait_dma2 semaphore(%arg12 : memref<!tpu.dma_semaphore, #tpu.memory_space<semaphore_mem>>) src(%dma_wait3A_1320 : memref<8x128xf32, #tpu.memory_space<vmem>>) dst(%dma_wait3A_1317 : memref<8x128xf32, #tpu.memory_space<hbm>>)
        %dma_wait3A_1321 = arith.constant 0 : i32
        %dma_wait3A_1322 = arith.constant 0 : i32
        %dma_wait3A_1323 = arith.constant 0 : i32
        %dma_wait3A_1324 = arith.constant 0 : i32
        %dma_wait3A_1325 = arith.constant 0 : i32
        %dma_wait3A_1326 = tpu.memref_slice %arg8[%dma_wait3A_1324, %dma_wait3A_1325] : memref<128x129xf32, #tpu.memory_space<vmem>> -> memref<8x128xf32, #tpu.memory_space<vmem>>
        %dma_wait3A_1327 = arith.constant 0 : i32
        %dma_wait3A_1328 = arith.constant 0 : i32
        %dma_wait3A_1329 = tpu.memref_slice %arg4[%dma_wait3A_1321, %dma_wait3A_1322, %dma_wait3A_1323, %dma_wait3A_1327, %dma_wait3A_1328] : memref<200x4x32x8x128xf32, #tpu.memory_space<hbm>> -> memref<1x1x1x8x128xf32, #tpu.memory_space<hbm>>
        %dma_wait3A_1330 = tpu.memref_squeeze %dma_wait3A_1329 : memref<1x1x1x8x128xf32, #tpu.memory_space<hbm>> -> memref<8x128xf32, #tpu.memory_space<hbm>>
        %dma_wait3A_1331 = arith.constant 0 : i32
        %dma_wait3A_1332 = arith.constant 0 : i32
        %dma_wait3A_1333 = tpu.memref_slice %arg4[%dma_wait3A_1321, %dma_wait3A_1322, %dma_wait3A_1323, %dma_wait3A_1331, %dma_wait3A_1332] : memref<200x4x32x8x128xf32, #tpu.memory_space<hbm>> -> memref<1x1x1x8x128xf32, #tpu.memory_space<hbm>>
        %dma_wait3A_1334 = tpu.memref_squeeze %dma_wait3A_1333 : memref<1x1x1x8x128xf32, #tpu.memory_space<hbm>> -> memref<8x128xf32, #tpu.memory_space<hbm>>
        %dma_wait3A_1335 = arith.constant 0 : i32
        %dma_wait3A_1336 = arith.constant 0 : i32
        %dma_wait3A_1337 = tpu.memref_slice %arg8[%dma_wait3A_1335, %dma_wait3A_1336] : memref<128x129xf32, #tpu.memory_space<vmem>> -> memref<8x128xf32, #tpu.memory_space<vmem>>
        tpu.wait_dma2 semaphore(%arg12 : memref<!tpu.dma_semaphore, #tpu.memory_space<semaphore_mem>>) src(%dma_wait3A_1337 : memref<8x128xf32, #tpu.memory_space<vmem>>) dst(%dma_wait3A_1334 : memref<8x128xf32, #tpu.memory_space<hbm>>)
        %dma_wait3A_1338 = arith.constant 0 : i32
        %dma_wait3A_1339 = arith.constant 0 : i32
        %dma_wait3A_1340 = arith.constant 0 : i32
        %dma_wait3A_1341 = arith.constant 0 : i32
        %dma_wait3A_1342 = arith.constant 0 : i32
        %dma_wait3A_1343 = tpu.memref_slice %arg8[%dma_wait3A_1341, %dma_wait3A_1342] : memref<128x129xf32, #tpu.memory_space<vmem>> -> memref<8x128xf32, #tpu.memory_space<vmem>>
        %dma_wait3A_1344 = arith.constant 0 : i32
        %dma_wait3A_1345 = arith.constant 0 : i32
        %dma_wait3A_1346 = tpu.memref_slice %arg4[%dma_wait3A_1338, %dma_wait3A_1339, %dma_wait3A_1340, %dma_wait3A_1344, %dma_wait3A_1345] : memref<200x4x32x8x128xf32, #tpu.memory_space<hbm>> -> memref<1x1x1x8x128xf32, #tpu.memory_space<hbm>>
        %dma_wait3A_1347 = tpu.memref_squeeze %dma_wait3A_1346 : memref<1x1x1x8x128xf32, #tpu.memory_space<hbm>> -> memref<8x128xf32, #tpu.memory_space<hbm>>
        %dma_wait3A_1348 = arith.constant 0 : i32
        %dma_wait3A_1349 = arith.constant 0 : i32
        %dma_wait3A_1350 = tpu.memref_slice %arg4[%dma_wait3A_1338, %dma_wait3A_1339, %dma_wait3A_1340, %dma_wait3A_1348, %dma_wait3A_1349] : memref<200x4x32x8x128xf32, #tpu.memory_space<hbm>> -> memref<1x1x1x8x128xf32, #tpu.memory_space<hbm>>
        %dma_wait3A_1351 = tpu.memref_squeeze %dma_wait3A_1350 : memref<1x1x1x8x128xf32, #tpu.memory_space<hbm>> -> memref<8x128xf32, #tpu.memory_space<hbm>>
        %dma_wait3A_1352 = arith.constant 0 : i32
        %dma_wait3A_1353 = arith.constant 0 : i32
        %dma_wait3A_1354 = tpu.memref_slice %arg8[%dma_wait3A_1352, %dma_wait3A_1353] : memref<128x129xf32, #tpu.memory_space<vmem>> -> memref<8x128xf32, #tpu.memory_space<vmem>>
        tpu.wait_dma2 semaphore(%arg12 : memref<!tpu.dma_semaphore, #tpu.memory_space<semaphore_mem>>) src(%dma_wait3A_1354 : memref<8x128xf32, #tpu.memory_space<vmem>>) dst(%dma_wait3A_1351 : memref<8x128xf32, #tpu.memory_space<hbm>>)
        %dma_wait3A_1355 = arith.constant 0 : i32
        %dma_wait3A_1356 = arith.constant 0 : i32
        %dma_wait3A_1357 = arith.constant 0 : i32
        %dma_wait3A_1358 = arith.constant 0 : i32
        %dma_wait3A_1359 = arith.constant 0 : i32
        %dma_wait3A_1360 = tpu.memref_slice %arg8[%dma_wait3A_1358, %dma_wait3A_1359] : memref<128x129xf32, #tpu.memory_space<vmem>> -> memref<8x128xf32, #tpu.memory_space<vmem>>
        %dma_wait3A_1361 = arith.constant 0 : i32
        %dma_wait3A_1362 = arith.constant 0 : i32
        %dma_wait3A_1363 = tpu.memref_slice %arg4[%dma_wait3A_1355, %dma_wait3A_1356, %dma_wait3A_1357, %dma_wait3A_1361, %dma_wait3A_1362] : memref<200x4x32x8x128xf32, #tpu.memory_space<hbm>> -> memref<1x1x1x8x128xf32, #tpu.memory_space<hbm>>
        %dma_wait3A_1364 = tpu.memref_squeeze %dma_wait3A_1363 : memref<1x1x1x8x128xf32, #tpu.memory_space<hbm>> -> memref<8x128xf32, #tpu.memory_space<hbm>>
        %dma_wait3A_1365 = arith.constant 0 : i32
        %dma_wait3A_1366 = arith.constant 0 : i32
        %dma_wait3A_1367 = tpu.memref_slice %arg4[%dma_wait3A_1355, %dma_wait3A_1356, %dma_wait3A_1357, %dma_wait3A_1365, %dma_wait3A_1366] : memref<200x4x32x8x128xf32, #tpu.memory_space<hbm>> -> memref<1x1x1x8x128xf32, #tpu.memory_space<hbm>>
        %dma_wait3A_1368 = tpu.memref_squeeze %dma_wait3A_1367 : memref<1x1x1x8x128xf32, #tpu.memory_space<hbm>> -> memref<8x128xf32, #tpu.memory_space<hbm>>
        %dma_wait3A_1369 = arith.constant 0 : i32
        %dma_wait3A_1370 = arith.constant 0 : i32
        %dma_wait3A_1371 = tpu.memref_slice %arg8[%dma_wait3A_1369, %dma_wait3A_1370] : memref<128x129xf32, #tpu.memory_space<vmem>> -> memref<8x128xf32, #tpu.memory_space<vmem>>
        tpu.wait_dma2 semaphore(%arg12 : memref<!tpu.dma_semaphore, #tpu.memory_space<semaphore_mem>>) src(%dma_wait3A_1371 : memref<8x128xf32, #tpu.memory_space<vmem>>) dst(%dma_wait3A_1368 : memref<8x128xf32, #tpu.memory_space<hbm>>)
        %dma_wait3A_1372 = arith.constant 0 : i32
        %dma_wait3A_1373 = arith.constant 0 : i32
        %dma_wait3A_1374 = arith.constant 0 : i32
        %dma_wait3A_1375 = arith.constant 0 : i32
        %dma_wait3A_1376 = arith.constant 0 : i32
        %dma_wait3A_1377 = tpu.memref_slice %arg8[%dma_wait3A_1375, %dma_wait3A_1376] : memref<128x129xf32, #tpu.memory_space<vmem>> -> memref<8x128xf32, #tpu.memory_space<vmem>>
        %dma_wait3A_1378 = arith.constant 0 : i32
        %dma_wait3A_1379 = arith.constant 0 : i32
        %dma_wait3A_1380 = tpu.memref_slice %arg4[%dma_wait3A_1372, %dma_wait3A_1373, %dma_wait3A_1374, %dma_wait3A_1378, %dma_wait3A_1379] : memref<200x4x32x8x128xf32, #tpu.memory_space<hbm>> -> memref<1x1x1x8x128xf32, #tpu.memory_space<hbm>>
        %dma_wait3A_1381 = tpu.memref_squeeze %dma_wait3A_1380 : memref<1x1x1x8x128xf32, #tpu.memory_space<hbm>> -> memref<8x128xf32, #tpu.memory_space<hbm>>
        %dma_wait3A_1382 = arith.constant 0 : i32
        %dma_wait3A_1383 = arith.constant 0 : i32
        %dma_wait3A_1384 = tpu.memref_slice %arg4[%dma_wait3A_1372, %dma_wait3A_1373, %dma_wait3A_1374, %dma_wait3A_1382, %dma_wait3A_1383] : memref<200x4x32x8x128xf32, #tpu.memory_space<hbm>> -> memref<1x1x1x8x128xf32, #tpu.memory_space<hbm>>
        %dma_wait3A_1385 = tpu.memref_squeeze %dma_wait3A_1384 : memref<1x1x1x8x128xf32, #tpu.memory_space<hbm>> -> memref<8x128xf32, #tpu.memory_space<hbm>>
        %dma_wait3A_1386 = arith.constant 0 : i32
        %dma_wait3A_1387 = arith.constant 0 : i32
        %dma_wait3A_1388 = tpu.memref_slice %arg8[%dma_wait3A_1386, %dma_wait3A_1387] : memref<128x129xf32, #tpu.memory_space<vmem>> -> memref<8x128xf32, #tpu.memory_space<vmem>>
        tpu.wait_dma2 semaphore(%arg12 : memref<!tpu.dma_semaphore, #tpu.memory_space<semaphore_mem>>) src(%dma_wait3A_1388 : memref<8x128xf32, #tpu.memory_space<vmem>>) dst(%dma_wait3A_1385 : memref<8x128xf32, #tpu.memory_space<hbm>>)
        %dma_wait3A_1389 = arith.constant 0 : i32
        %dma_wait3A_1390 = arith.constant 0 : i32
        %dma_wait3A_1391 = arith.constant 0 : i32
        %dma_wait3A_1392 = arith.constant 0 : i32
        %dma_wait3A_1393 = arith.constant 0 : i32
        %dma_wait3A_1394 = tpu.memref_slice %arg8[%dma_wait3A_1392, %dma_wait3A_1393] : memref<128x129xf32, #tpu.memory_space<vmem>> -> memref<8x128xf32, #tpu.memory_space<vmem>>
        %dma_wait3A_1395 = arith.constant 0 : i32
        %dma_wait3A_1396 = arith.constant 0 : i32
        %dma_wait3A_1397 = tpu.memref_slice %arg4[%dma_wait3A_1389, %dma_wait3A_1390, %dma_wait3A_1391, %dma_wait3A_1395, %dma_wait3A_1396] : memref<200x4x32x8x128xf32, #tpu.memory_space<hbm>> -> memref<1x1x1x8x128xf32, #tpu.memory_space<hbm>>
        %dma_wait3A_1398 = tpu.memref_squeeze %dma_wait3A_1397 : memref<1x1x1x8x128xf32, #tpu.memory_space<hbm>> -> memref<8x128xf32, #tpu.memory_space<hbm>>
        %dma_wait3A_1399 = arith.constant 0 : i32
        %dma_wait3A_1400 = arith.constant 0 : i32
        %dma_wait3A_1401 = tpu.memref_slice %arg4[%dma_wait3A_1389, %dma_wait3A_1390, %dma_wait3A_1391, %dma_wait3A_1399, %dma_wait3A_1400] : memref<200x4x32x8x128xf32, #tpu.memory_space<hbm>> -> memref<1x1x1x8x128xf32, #tpu.memory_space<hbm>>
        %dma_wait3A_1402 = tpu.memref_squeeze %dma_wait3A_1401 : memref<1x1x1x8x128xf32, #tpu.memory_space<hbm>> -> memref<8x128xf32, #tpu.memory_space<hbm>>
        %dma_wait3A_1403 = arith.constant 0 : i32
        %dma_wait3A_1404 = arith.constant 0 : i32
        %dma_wait3A_1405 = tpu.memref_slice %arg8[%dma_wait3A_1403, %dma_wait3A_1404] : memref<128x129xf32, #tpu.memory_space<vmem>> -> memref<8x128xf32, #tpu.memory_space<vmem>>
        tpu.wait_dma2 semaphore(%arg12 : memref<!tpu.dma_semaphore, #tpu.memory_space<semaphore_mem>>) src(%dma_wait3A_1405 : memref<8x128xf32, #tpu.memory_space<vmem>>) dst(%dma_wait3A_1402 : memref<8x128xf32, #tpu.memory_space<hbm>>)
        %dma_wait3A_1406 = arith.constant 0 : i32
        %dma_wait3A_1407 = arith.constant 0 : i32
        %dma_wait3A_1408 = arith.constant 0 : i32
        %dma_wait3A_1409 = arith.constant 0 : i32
        %dma_wait3A_1410 = arith.constant 0 : i32
        %dma_wait3A_1411 = tpu.memref_slice %arg8[%dma_wait3A_1409, %dma_wait3A_1410] : memref<128x129xf32, #tpu.memory_space<vmem>> -> memref<8x128xf32, #tpu.memory_space<vmem>>
        %dma_wait3A_1412 = arith.constant 0 : i32
        %dma_wait3A_1413 = arith.constant 0 : i32
        %dma_wait3A_1414 = tpu.memref_slice %arg4[%dma_wait3A_1406, %dma_wait3A_1407, %dma_wait3A_1408, %dma_wait3A_1412, %dma_wait3A_1413] : memref<200x4x32x8x128xf32, #tpu.memory_space<hbm>> -> memref<1x1x1x8x128xf32, #tpu.memory_space<hbm>>
        %dma_wait3A_1415 = tpu.memref_squeeze %dma_wait3A_1414 : memref<1x1x1x8x128xf32, #tpu.memory_space<hbm>> -> memref<8x128xf32, #tpu.memory_space<hbm>>
        %dma_wait3A_1416 = arith.constant 0 : i32
        %dma_wait3A_1417 = arith.constant 0 : i32
        %dma_wait3A_1418 = tpu.memref_slice %arg4[%dma_wait3A_1406, %dma_wait3A_1407, %dma_wait3A_1408, %dma_wait3A_1416, %dma_wait3A_1417] : memref<200x4x32x8x128xf32, #tpu.memory_space<hbm>> -> memref<1x1x1x8x128xf32, #tpu.memory_space<hbm>>
        %dma_wait3A_1419 = tpu.memref_squeeze %dma_wait3A_1418 : memref<1x1x1x8x128xf32, #tpu.memory_space<hbm>> -> memref<8x128xf32, #tpu.memory_space<hbm>>
        %dma_wait3A_1420 = arith.constant 0 : i32
        %dma_wait3A_1421 = arith.constant 0 : i32
        %dma_wait3A_1422 = tpu.memref_slice %arg8[%dma_wait3A_1420, %dma_wait3A_1421] : memref<128x129xf32, #tpu.memory_space<vmem>> -> memref<8x128xf32, #tpu.memory_space<vmem>>
        tpu.wait_dma2 semaphore(%arg12 : memref<!tpu.dma_semaphore, #tpu.memory_space<semaphore_mem>>) src(%dma_wait3A_1422 : memref<8x128xf32, #tpu.memory_space<vmem>>) dst(%dma_wait3A_1419 : memref<8x128xf32, #tpu.memory_space<hbm>>)
        %dma_wait3A_1423 = arith.constant 0 : i32
        %dma_wait3A_1424 = arith.constant 0 : i32
        %dma_wait3A_1425 = arith.constant 0 : i32
        %dma_wait3A_1426 = arith.constant 0 : i32
        %dma_wait3A_1427 = arith.constant 0 : i32
        %dma_wait3A_1428 = tpu.memref_slice %arg8[%dma_wait3A_1426, %dma_wait3A_1427] : memref<128x129xf32, #tpu.memory_space<vmem>> -> memref<8x128xf32, #tpu.memory_space<vmem>>
        %dma_wait3A_1429 = arith.constant 0 : i32
        %dma_wait3A_1430 = arith.constant 0 : i32
        %dma_wait3A_1431 = tpu.memref_slice %arg4[%dma_wait3A_1423, %dma_wait3A_1424, %dma_wait3A_1425, %dma_wait3A_1429, %dma_wait3A_1430] : memref<200x4x32x8x128xf32, #tpu.memory_space<hbm>> -> memref<1x1x1x8x128xf32, #tpu.memory_space<hbm>>
        %dma_wait3A_1432 = tpu.memref_squeeze %dma_wait3A_1431 : memref<1x1x1x8x128xf32, #tpu.memory_space<hbm>> -> memref<8x128xf32, #tpu.memory_space<hbm>>
        %dma_wait3A_1433 = arith.constant 0 : i32
        %dma_wait3A_1434 = arith.constant 0 : i32
        %dma_wait3A_1435 = tpu.memref_slice %arg4[%dma_wait3A_1423, %dma_wait3A_1424, %dma_wait3A_1425, %dma_wait3A_1433, %dma_wait3A_1434] : memref<200x4x32x8x128xf32, #tpu.memory_space<hbm>> -> memref<1x1x1x8x128xf32, #tpu.memory_space<hbm>>
        %dma_wait3A_1436 = tpu.memref_squeeze %dma_wait3A_1435 : memref<1x1x1x8x128xf32, #tpu.memory_space<hbm>> -> memref<8x128xf32, #tpu.memory_space<hbm>>
        %dma_wait3A_1437 = arith.constant 0 : i32
        %dma_wait3A_1438 = arith.constant 0 : i32
        %dma_wait3A_1439 = tpu.memref_slice %arg8[%dma_wait3A_1437, %dma_wait3A_1438] : memref<128x129xf32, #tpu.memory_space<vmem>> -> memref<8x128xf32, #tpu.memory_space<vmem>>
        tpu.wait_dma2 semaphore(%arg12 : memref<!tpu.dma_semaphore, #tpu.memory_space<semaphore_mem>>) src(%dma_wait3A_1439 : memref<8x128xf32, #tpu.memory_space<vmem>>) dst(%dma_wait3A_1436 : memref<8x128xf32, #tpu.memory_space<hbm>>)
        %dma_wait3A_1440 = arith.constant 0 : i32
        %dma_wait3A_1441 = arith.constant 0 : i32
        %dma_wait3A_1442 = arith.constant 0 : i32
        %dma_wait3A_1443 = arith.constant 0 : i32
        %dma_wait3A_1444 = arith.constant 0 : i32
        %dma_wait3A_1445 = tpu.memref_slice %arg8[%dma_wait3A_1443, %dma_wait3A_1444] : memref<128x129xf32, #tpu.memory_space<vmem>> -> memref<8x128xf32, #tpu.memory_space<vmem>>
        %dma_wait3A_1446 = arith.constant 0 : i32
        %dma_wait3A_1447 = arith.constant 0 : i32
        %dma_wait3A_1448 = tpu.memref_slice %arg4[%dma_wait3A_1440, %dma_wait3A_1441, %dma_wait3A_1442, %dma_wait3A_1446, %dma_wait3A_1447] : memref<200x4x32x8x128xf32, #tpu.memory_space<hbm>> -> memref<1x1x1x8x128xf32, #tpu.memory_space<hbm>>
        %dma_wait3A_1449 = tpu.memref_squeeze %dma_wait3A_1448 : memref<1x1x1x8x128xf32, #tpu.memory_space<hbm>> -> memref<8x128xf32, #tpu.memory_space<hbm>>
        %dma_wait3A_1450 = arith.constant 0 : i32
        %dma_wait3A_1451 = arith.constant 0 : i32
        %dma_wait3A_1452 = tpu.memref_slice %arg4[%dma_wait3A_1440, %dma_wait3A_1441, %dma_wait3A_1442, %dma_wait3A_1450, %dma_wait3A_1451] : memref<200x4x32x8x128xf32, #tpu.memory_space<hbm>> -> memref<1x1x1x8x128xf32, #tpu.memory_space<hbm>>
        %dma_wait3A_1453 = tpu.memref_squeeze %dma_wait3A_1452 : memref<1x1x1x8x128xf32, #tpu.memory_space<hbm>> -> memref<8x128xf32, #tpu.memory_space<hbm>>
        %dma_wait3A_1454 = arith.constant 0 : i32
        %dma_wait3A_1455 = arith.constant 0 : i32
        %dma_wait3A_1456 = tpu.memref_slice %arg8[%dma_wait3A_1454, %dma_wait3A_1455] : memref<128x129xf32, #tpu.memory_space<vmem>> -> memref<8x128xf32, #tpu.memory_space<vmem>>
        tpu.wait_dma2 semaphore(%arg12 : memref<!tpu.dma_semaphore, #tpu.memory_space<semaphore_mem>>) src(%dma_wait3A_1456 : memref<8x128xf32, #tpu.memory_space<vmem>>) dst(%dma_wait3A_1453 : memref<8x128xf32, #tpu.memory_space<hbm>>)
        %dma_wait3A_1457 = arith.constant 0 : i32
        %dma_wait3A_1458 = arith.constant 0 : i32
        %dma_wait3A_1459 = arith.constant 0 : i32
        %dma_wait3A_1460 = arith.constant 0 : i32
        %dma_wait3A_1461 = arith.constant 0 : i32
        %dma_wait3A_1462 = tpu.memref_slice %arg8[%dma_wait3A_1460, %dma_wait3A_1461] : memref<128x129xf32, #tpu.memory_space<vmem>> -> memref<8x128xf32, #tpu.memory_space<vmem>>
        %dma_wait3A_1463 = arith.constant 0 : i32
        %dma_wait3A_1464 = arith.constant 0 : i32
        %dma_wait3A_1465 = tpu.memref_slice %arg4[%dma_wait3A_1457, %dma_wait3A_1458, %dma_wait3A_1459, %dma_wait3A_1463, %dma_wait3A_1464] : memref<200x4x32x8x128xf32, #tpu.memory_space<hbm>> -> memref<1x1x1x8x128xf32, #tpu.memory_space<hbm>>
        %dma_wait3A_1466 = tpu.memref_squeeze %dma_wait3A_1465 : memref<1x1x1x8x128xf32, #tpu.memory_space<hbm>> -> memref<8x128xf32, #tpu.memory_space<hbm>>
        %dma_wait3A_1467 = arith.constant 0 : i32
        %dma_wait3A_1468 = arith.constant 0 : i32
        %dma_wait3A_1469 = tpu.memref_slice %arg4[%dma_wait3A_1457, %dma_wait3A_1458, %dma_wait3A_1459, %dma_wait3A_1467, %dma_wait3A_1468] : memref<200x4x32x8x128xf32, #tpu.memory_space<hbm>> -> memref<1x1x1x8x128xf32, #tpu.memory_space<hbm>>
        %dma_wait3A_1470 = tpu.memref_squeeze %dma_wait3A_1469 : memref<1x1x1x8x128xf32, #tpu.memory_space<hbm>> -> memref<8x128xf32, #tpu.memory_space<hbm>>
        %dma_wait3A_1471 = arith.constant 0 : i32
        %dma_wait3A_1472 = arith.constant 0 : i32
        %dma_wait3A_1473 = tpu.memref_slice %arg8[%dma_wait3A_1471, %dma_wait3A_1472] : memref<128x129xf32, #tpu.memory_space<vmem>> -> memref<8x128xf32, #tpu.memory_space<vmem>>
        tpu.wait_dma2 semaphore(%arg12 : memref<!tpu.dma_semaphore, #tpu.memory_space<semaphore_mem>>) src(%dma_wait3A_1473 : memref<8x128xf32, #tpu.memory_space<vmem>>) dst(%dma_wait3A_1470 : memref<8x128xf32, #tpu.memory_space<hbm>>)
        %dma_wait3A_1474 = arith.constant 0 : i32
        %dma_wait3A_1475 = arith.constant 0 : i32
        %dma_wait3A_1476 = arith.constant 0 : i32
        %dma_wait3A_1477 = arith.constant 0 : i32
        %dma_wait3A_1478 = arith.constant 0 : i32
        %dma_wait3A_1479 = tpu.memref_slice %arg8[%dma_wait3A_1477, %dma_wait3A_1478] : memref<128x129xf32, #tpu.memory_space<vmem>> -> memref<8x128xf32, #tpu.memory_space<vmem>>
        %dma_wait3A_1480 = arith.constant 0 : i32
        %dma_wait3A_1481 = arith.constant 0 : i32
        %dma_wait3A_1482 = tpu.memref_slice %arg4[%dma_wait3A_1474, %dma_wait3A_1475, %dma_wait3A_1476, %dma_wait3A_1480, %dma_wait3A_1481] : memref<200x4x32x8x128xf32, #tpu.memory_space<hbm>> -> memref<1x1x1x8x128xf32, #tpu.memory_space<hbm>>
        %dma_wait3A_1483 = tpu.memref_squeeze %dma_wait3A_1482 : memref<1x1x1x8x128xf32, #tpu.memory_space<hbm>> -> memref<8x128xf32, #tpu.memory_space<hbm>>
        %dma_wait3A_1484 = arith.constant 0 : i32
        %dma_wait3A_1485 = arith.constant 0 : i32
        %dma_wait3A_1486 = tpu.memref_slice %arg4[%dma_wait3A_1474, %dma_wait3A_1475, %dma_wait3A_1476, %dma_wait3A_1484, %dma_wait3A_1485] : memref<200x4x32x8x128xf32, #tpu.memory_space<hbm>> -> memref<1x1x1x8x128xf32, #tpu.memory_space<hbm>>
        %dma_wait3A_1487 = tpu.memref_squeeze %dma_wait3A_1486 : memref<1x1x1x8x128xf32, #tpu.memory_space<hbm>> -> memref<8x128xf32, #tpu.memory_space<hbm>>
        %dma_wait3A_1488 = arith.constant 0 : i32
        %dma_wait3A_1489 = arith.constant 0 : i32
        %dma_wait3A_1490 = tpu.memref_slice %arg8[%dma_wait3A_1488, %dma_wait3A_1489] : memref<128x129xf32, #tpu.memory_space<vmem>> -> memref<8x128xf32, #tpu.memory_space<vmem>>
        tpu.wait_dma2 semaphore(%arg12 : memref<!tpu.dma_semaphore, #tpu.memory_space<semaphore_mem>>) src(%dma_wait3A_1490 : memref<8x128xf32, #tpu.memory_space<vmem>>) dst(%dma_wait3A_1487 : memref<8x128xf32, #tpu.memory_space<hbm>>)
        %dma_wait3A_1491 = arith.constant 0 : i32
        %dma_wait3A_1492 = arith.constant 0 : i32
        %dma_wait3A_1493 = arith.constant 0 : i32
        %dma_wait3A_1494 = arith.constant 0 : i32
        %dma_wait3A_1495 = arith.constant 0 : i32
        %dma_wait3A_1496 = tpu.memref_slice %arg8[%dma_wait3A_1494, %dma_wait3A_1495] : memref<128x129xf32, #tpu.memory_space<vmem>> -> memref<8x128xf32, #tpu.memory_space<vmem>>
        %dma_wait3A_1497 = arith.constant 0 : i32
        %dma_wait3A_1498 = arith.constant 0 : i32
        %dma_wait3A_1499 = tpu.memref_slice %arg4[%dma_wait3A_1491, %dma_wait3A_1492, %dma_wait3A_1493, %dma_wait3A_1497, %dma_wait3A_1498] : memref<200x4x32x8x128xf32, #tpu.memory_space<hbm>> -> memref<1x1x1x8x128xf32, #tpu.memory_space<hbm>>
        %dma_wait3A_1500 = tpu.memref_squeeze %dma_wait3A_1499 : memref<1x1x1x8x128xf32, #tpu.memory_space<hbm>> -> memref<8x128xf32, #tpu.memory_space<hbm>>
        %dma_wait3A_1501 = arith.constant 0 : i32
        %dma_wait3A_1502 = arith.constant 0 : i32
        %dma_wait3A_1503 = tpu.memref_slice %arg4[%dma_wait3A_1491, %dma_wait3A_1492, %dma_wait3A_1493, %dma_wait3A_1501, %dma_wait3A_1502] : memref<200x4x32x8x128xf32, #tpu.memory_space<hbm>> -> memref<1x1x1x8x128xf32, #tpu.memory_space<hbm>>
        %dma_wait3A_1504 = tpu.memref_squeeze %dma_wait3A_1503 : memref<1x1x1x8x128xf32, #tpu.memory_space<hbm>> -> memref<8x128xf32, #tpu.memory_space<hbm>>
        %dma_wait3A_1505 = arith.constant 0 : i32
        %dma_wait3A_1506 = arith.constant 0 : i32
        %dma_wait3A_1507 = tpu.memref_slice %arg8[%dma_wait3A_1505, %dma_wait3A_1506] : memref<128x129xf32, #tpu.memory_space<vmem>> -> memref<8x128xf32, #tpu.memory_space<vmem>>
        tpu.wait_dma2 semaphore(%arg12 : memref<!tpu.dma_semaphore, #tpu.memory_space<semaphore_mem>>) src(%dma_wait3A_1507 : memref<8x128xf32, #tpu.memory_space<vmem>>) dst(%dma_wait3A_1504 : memref<8x128xf32, #tpu.memory_space<hbm>>)
      } else {
      }
      %parallel_loop3A = arith.constant 0 : i32
      %parallel_loop3A_584 = arith.constant 512 : i32
      %parallel_loop3A_585 = arith.constant 1 : i32
      scf.for %parallel_loop3A_1236 = %parallel_loop3A to %parallel_loop3A_584 step %parallel_loop3A_585  : i32 {
        %parallel_loop3A_1237 = arith.constant 7 : i32
        %parallel_loop3A_1238 = arith.shrui %parallel_loop3A_1236, %parallel_loop3A_1237 : i32
        %parallel_loop3A_1239 = arith.constant 8 : i32
        %parallel_loop3A_1240 = arith.muli %parallel_loop3A_1238, %parallel_loop3A_1239 : i32
        %parallel_loop3A_1241 = arith.constant 127 : i32
        %parallel_loop3A_1242 = arith.andi %parallel_loop3A_1236, %parallel_loop3A_1241 : i32
        %parallel_loop3A_1243 = vector.broadcast %parallel_loop3A_1242 : i32 to vector<16xi32>
        %parallel_loop3A_1244 = arith.index_cast %parallel_loop3A_1236 : i32 to index
        %parallel_loop3A_1245 = arith.constant 0 : index
        %parallel_loop3A_1246 = tpu.vector_load %arg6[%parallel_loop3A_1244, %parallel_loop3A_1245] {strides = array<i32>} : memref<512x32xf32, #tpu.memory_space<vmem>>, vector<16xf32>,
        %parallel_loop3A_1247 = arith.constant 5.65685415 : f32
        %parallel_loop3A_1248 = vector.broadcast %parallel_loop3A_1247 : f32 to vector<16xf32>
        %parallel_loop3A_1249 = arith.mulf %parallel_loop3A_1246, %parallel_loop3A_1248 : vector<16xf32>
        %parallel_loop3A_1250 = arith.index_cast %parallel_loop3A_1236 : i32 to index
        %parallel_loop3A_1251 = arith.constant 16 : index
        %parallel_loop3A_1252 = tpu.vector_load %arg6[%parallel_loop3A_1250, %parallel_loop3A_1251] {strides = array<i32>} : memref<512x32xf32, #tpu.memory_space<vmem>>, vector<16xf32>,
        %parallel_loop3A_1253 = arith.constant 5.65685415 : f32
        %parallel_loop3A_1254 = vector.broadcast %parallel_loop3A_1253 : f32 to vector<16xf32>
        %parallel_loop3A_1255 = arith.mulf %parallel_loop3A_1252, %parallel_loop3A_1254 : vector<16xf32>
        %parallel_loop3A_1256 = vector.broadcast %parallel_loop3A_1240 : i32 to vector<16xi32>
        %parallel_loop3A_1257 = arith.addi %add3A_10, %parallel_loop3A_1256 : vector<16xi32>
        tpu.vector_store_idx %arg8[%parallel_loop3A_1257, %parallel_loop3A_1243], %parallel_loop3A_1249 : memref<128x129xf32, #tpu.memory_space<vmem>>[vector<16xi32>, vector<16xi32>], vector<16xf32>,
        %parallel_loop3A_1258 = vector.broadcast %parallel_loop3A_1240 : i32 to vector<16xi32>
        %parallel_loop3A_1259 = arith.addi %add3A_13, %parallel_loop3A_1258 : vector<16xi32>
        tpu.vector_store_idx %arg8[%parallel_loop3A_1259, %parallel_loop3A_1243], %parallel_loop3A_1255 : memref<128x129xf32, #tpu.memory_space<vmem>>[vector<16xi32>, vector<16xi32>], vector<16xf32>,
      } {sc.loop_unroll_factor = 8 : i64, sc.parallel_access}
      %mul3A_586 = arith.constant 50 : i32
      %mul3A_587 = arith.muli %add3A, %mul3A_586 : i32
      %add3A_588 = arith.addi %mul3A_587, %add3A_570 : i32
      %jit3A = arith.constant 8 : i32
      %div3A = arith.divsi %add3A_588, %jit3A : i32
      %sign3A = arith.constant 0 : i32
      %sign3A_589 = arith.cmpi sgt, %add3A_588, %sign3A : i32
      %sign3A_590 = arith.extui %sign3A_589 : i1 to i32
      %sign3A_591 = arith.constant 0 : i32
      %sign3A_592 = arith.cmpi slt, %add3A_588, %sign3A_591 : i32
      %sign3A_593 = arith.extui %sign3A_592 : i1 to i32
      %sign3A_594 = arith.subi %sign3A_590, %sign3A_593 : i32
      %sign3A_595 = arith.constant 0 : i32
      %sign3A_596 = arith.cmpi sgt, %jit3A, %sign3A_595 : i32
      %sign3A_597 = arith.extui %sign3A_596 : i1 to i32
      %sign3A_598 = arith.constant 0 : i32
      %sign3A_599 = arith.cmpi slt, %jit3A, %sign3A_598 : i32
      %sign3A_600 = arith.extui %sign3A_599 : i1 to i32
      %sign3A_601 = arith.subi %sign3A_597, %sign3A_600 : i32
      %ne3A = arith.cmpi ne, %sign3A_594, %sign3A_601 : i32
      %rem3A = arith.remsi %add3A_588, %jit3A : i32
      %ne3A_602 = arith.constant 0 : i32
      %ne3A_603 = arith.cmpi ne, %rem3A, %ne3A_602 : i32
      %and3A_604 = arith.andi %ne3A, %ne3A_603 : i1
      %sub3A = arith.constant 1 : i32
      %sub3A_605 = arith.subi %div3A, %sub3A : i32
      %select_n3A = arith.select %and3A_604, %sub3A_605, %div3A : i32
      %jit3A_606 = arith.constant 8 : i32
      %eq3A = arith.constant 0 : i32
      %eq3A_607 = arith.cmpi eq, %jit3A_606, %eq3A : i32
      %jit3A_608 = arith.constant 1 : i32
      %select_n3A_609 = arith.select %eq3A_607, %jit3A_608, %jit3A_606 : i32
      %rem3A_610 = arith.remsi %add3A_588, %select_n3A_609 : i32
      %ne3A_611 = arith.constant 0 : i32
      %ne3A_612 = arith.cmpi ne, %rem3A_610, %ne3A_611 : i32
      %lt3A_613 = arith.constant 0 : i32
      %lt3A_614 = arith.cmpi slt, %rem3A_610, %lt3A_613 : i32
      %lt3A_615 = arith.constant 0 : i32
      %lt3A_616 = arith.cmpi slt, %select_n3A_609, %lt3A_615 : i32
      %ne3A_617 = arith.xori %lt3A_614, %lt3A_616 : i1
      %and3A_618 = arith.andi %ne3A_617, %ne3A_612 : i1
      %add3A_619 = arith.addi %rem3A_610, %select_n3A_609 : i32
      %select_n3A_620 = arith.select %and3A_618, %add3A_619, %rem3A_610 : i32
      %mul3A_621 = arith.constant 4 : i32
      %mul3A_622 = arith.muli %select_n3A_620, %mul3A_621 : i32
      %add3A_623 = arith.constant 0 : i32
      %add3A_624 = arith.addi %mul3A_622, %add3A_623 : i32
      %dma_start3A_625 = arith.constant 0 : i32
      %dma_start3A_626 = arith.constant 0 : i32
      %dma_start3A_627 = arith.constant 0 : i32
      %dma_start3A_628 = tpu.memref_slice %arg8[%dma_start3A_626, %dma_start3A_627] : memref<128x129xf32, #tpu.memory_space<vmem>> -> memref<8x128xf32, #tpu.memory_space<vmem>>
      %dma_start3A_629 = arith.constant 0 : i32
      %dma_start3A_630 = arith.constant 0 : i32
      %dma_start3A_631 = tpu.memref_slice %arg4[%select_n3A, %dma_start3A_625, %add3A_624, %dma_start3A_629, %dma_start3A_630] : memref<200x4x32x8x128xf32, #tpu.memory_space<hbm>> -> memref<1x1x1x8x128xf32, #tpu.memory_space<hbm>>
      %dma_start3A_632 = tpu.memref_squeeze %dma_start3A_631 : memref<1x1x1x8x128xf32, #tpu.memory_space<hbm>> -> memref<8x128xf32, #tpu.memory_space<hbm>>
      %dma_start3A_633 = arith.constant 0 : i32
      %dma_start3A_634 = arith.constant 0 : i32
      %dma_start3A_635 = tpu.memref_slice %arg4[%select_n3A, %dma_start3A_625, %add3A_624, %dma_start3A_633, %dma_start3A_634] : memref<200x4x32x8x128xf32, #tpu.memory_space<hbm>> -> memref<1x1x1x8x128xf32, #tpu.memory_space<hbm>>
      %dma_start3A_636 = tpu.memref_squeeze %dma_start3A_635 : memref<1x1x1x8x128xf32, #tpu.memory_space<hbm>> -> memref<8x128xf32, #tpu.memory_space<hbm>>
      %dma_start3A_637 = arith.constant 0 : i32
      %dma_start3A_638 = arith.constant 0 : i32
      %dma_start3A_639 = tpu.memref_slice %arg8[%dma_start3A_637, %dma_start3A_638] : memref<128x129xf32, #tpu.memory_space<vmem>> -> memref<8x128xf32, #tpu.memory_space<vmem>>
      tpu.enqueue_dma source(%dma_start3A_639 : memref<8x128xf32, #tpu.memory_space<vmem>>) target(%dma_start3A_636 : memref<8x128xf32, #tpu.memory_space<hbm>>) target_semaphore(%arg12 : memref<!tpu.dma_semaphore, #tpu.memory_space<semaphore_mem>>)
      %add3A_640 = arith.constant 1 : i32
      %add3A_641 = arith.addi %mul3A_622, %add3A_640 : i32
      %dma_start3A_642 = arith.constant 0 : i32
      %dma_start3A_643 = arith.constant 8 : i32
      %dma_start3A_644 = arith.constant 0 : i32
      %dma_start3A_645 = tpu.memref_slice %arg8[%dma_start3A_643, %dma_start3A_644] : memref<128x129xf32, #tpu.memory_space<vmem>> -> memref<8x128xf32, #tpu.memory_space<vmem>>
      %dma_start3A_646 = arith.constant 0 : i32
      %dma_start3A_647 = arith.constant 0 : i32
      %dma_start3A_648 = tpu.memref_slice %arg4[%select_n3A, %dma_start3A_642, %add3A_641, %dma_start3A_646, %dma_start3A_647] : memref<200x4x32x8x128xf32, #tpu.memory_space<hbm>> -> memref<1x1x1x8x128xf32, #tpu.memory_space<hbm>>
      %dma_start3A_649 = tpu.memref_squeeze %dma_start3A_648 : memref<1x1x1x8x128xf32, #tpu.memory_space<hbm>> -> memref<8x128xf32, #tpu.memory_space<hbm>>
      %dma_start3A_650 = arith.constant 0 : i32
      %dma_start3A_651 = arith.constant 0 : i32
      %dma_start3A_652 = tpu.memref_slice %arg4[%select_n3A, %dma_start3A_642, %add3A_641, %dma_start3A_650, %dma_start3A_651] : memref<200x4x32x8x128xf32, #tpu.memory_space<hbm>> -> memref<1x1x1x8x128xf32, #tpu.memory_space<hbm>>
      %dma_start3A_653 = tpu.memref_squeeze %dma_start3A_652 : memref<1x1x1x8x128xf32, #tpu.memory_space<hbm>> -> memref<8x128xf32, #tpu.memory_space<hbm>>
      %dma_start3A_654 = arith.constant 8 : i32
      %dma_start3A_655 = arith.constant 0 : i32
      %dma_start3A_656 = tpu.memref_slice %arg8[%dma_start3A_654, %dma_start3A_655] : memref<128x129xf32, #tpu.memory_space<vmem>> -> memref<8x128xf32, #tpu.memory_space<vmem>>
      tpu.enqueue_dma source(%dma_start3A_656 : memref<8x128xf32, #tpu.memory_space<vmem>>) target(%dma_start3A_653 : memref<8x128xf32, #tpu.memory_space<hbm>>) target_semaphore(%arg12 : memref<!tpu.dma_semaphore, #tpu.memory_space<semaphore_mem>>)
      %add3A_657 = arith.constant 2 : i32
      %add3A_658 = arith.addi %mul3A_622, %add3A_657 : i32
      %dma_start3A_659 = arith.constant 0 : i32
      %dma_start3A_660 = arith.constant 16 : i32
      %dma_start3A_661 = arith.constant 0 : i32
      %dma_start3A_662 = tpu.memref_slice %arg8[%dma_start3A_660, %dma_start3A_661] : memref<128x129xf32, #tpu.memory_space<vmem>> -> memref<8x128xf32, #tpu.memory_space<vmem>>
      %dma_start3A_663 = arith.constant 0 : i32
      %dma_start3A_664 = arith.constant 0 : i32
      %dma_start3A_665 = tpu.memref_slice %arg4[%select_n3A, %dma_start3A_659, %add3A_658, %dma_start3A_663, %dma_start3A_664] : memref<200x4x32x8x128xf32, #tpu.memory_space<hbm>> -> memref<1x1x1x8x128xf32, #tpu.memory_space<hbm>>
      %dma_start3A_666 = tpu.memref_squeeze %dma_start3A_665 : memref<1x1x1x8x128xf32, #tpu.memory_space<hbm>> -> memref<8x128xf32, #tpu.memory_space<hbm>>
      %dma_start3A_667 = arith.constant 0 : i32
      %dma_start3A_668 = arith.constant 0 : i32
      %dma_start3A_669 = tpu.memref_slice %arg4[%select_n3A, %dma_start3A_659, %add3A_658, %dma_start3A_667, %dma_start3A_668] : memref<200x4x32x8x128xf32, #tpu.memory_space<hbm>> -> memref<1x1x1x8x128xf32, #tpu.memory_space<hbm>>
      %dma_start3A_670 = tpu.memref_squeeze %dma_start3A_669 : memref<1x1x1x8x128xf32, #tpu.memory_space<hbm>> -> memref<8x128xf32, #tpu.memory_space<hbm>>
      %dma_start3A_671 = arith.constant 16 : i32
      %dma_start3A_672 = arith.constant 0 : i32
      %dma_start3A_673 = tpu.memref_slice %arg8[%dma_start3A_671, %dma_start3A_672] : memref<128x129xf32, #tpu.memory_space<vmem>> -> memref<8x128xf32, #tpu.memory_space<vmem>>
      tpu.enqueue_dma source(%dma_start3A_673 : memref<8x128xf32, #tpu.memory_space<vmem>>) target(%dma_start3A_670 : memref<8x128xf32, #tpu.memory_space<hbm>>) target_semaphore(%arg12 : memref<!tpu.dma_semaphore, #tpu.memory_space<semaphore_mem>>)
      %add3A_674 = arith.constant 3 : i32
      %add3A_675 = arith.addi %mul3A_622, %add3A_674 : i32
      %dma_start3A_676 = arith.constant 0 : i32
      %dma_start3A_677 = arith.constant 24 : i32
      %dma_start3A_678 = arith.constant 0 : i32
      %dma_start3A_679 = tpu.memref_slice %arg8[%dma_start3A_677, %dma_start3A_678] : memref<128x129xf32, #tpu.memory_space<vmem>> -> memref<8x128xf32, #tpu.memory_space<vmem>>
      %dma_start3A_680 = arith.constant 0 : i32
      %dma_start3A_681 = arith.constant 0 : i32
      %dma_start3A_682 = tpu.memref_slice %arg4[%select_n3A, %dma_start3A_676, %add3A_675, %dma_start3A_680, %dma_start3A_681] : memref<200x4x32x8x128xf32, #tpu.memory_space<hbm>> -> memref<1x1x1x8x128xf32, #tpu.memory_space<hbm>>
      %dma_start3A_683 = tpu.memref_squeeze %dma_start3A_682 : memref<1x1x1x8x128xf32, #tpu.memory_space<hbm>> -> memref<8x128xf32, #tpu.memory_space<hbm>>
      %dma_start3A_684 = arith.constant 0 : i32
      %dma_start3A_685 = arith.constant 0 : i32
      %dma_start3A_686 = tpu.memref_slice %arg4[%select_n3A, %dma_start3A_676, %add3A_675, %dma_start3A_684, %dma_start3A_685] : memref<200x4x32x8x128xf32, #tpu.memory_space<hbm>> -> memref<1x1x1x8x128xf32, #tpu.memory_space<hbm>>
      %dma_start3A_687 = tpu.memref_squeeze %dma_start3A_686 : memref<1x1x1x8x128xf32, #tpu.memory_space<hbm>> -> memref<8x128xf32, #tpu.memory_space<hbm>>
      %dma_start3A_688 = arith.constant 24 : i32
      %dma_start3A_689 = arith.constant 0 : i32
      %dma_start3A_690 = tpu.memref_slice %arg8[%dma_start3A_688, %dma_start3A_689] : memref<128x129xf32, #tpu.memory_space<vmem>> -> memref<8x128xf32, #tpu.memory_space<vmem>>
      tpu.enqueue_dma source(%dma_start3A_690 : memref<8x128xf32, #tpu.memory_space<vmem>>) target(%dma_start3A_687 : memref<8x128xf32, #tpu.memory_space<hbm>>) target_semaphore(%arg12 : memref<!tpu.dma_semaphore, #tpu.memory_space<semaphore_mem>>)
      %add3A_691 = arith.constant 0 : i32
      %add3A_692 = arith.addi %mul3A_622, %add3A_691 : i32
      %dma_start3A_693 = arith.constant 1 : i32
      %dma_start3A_694 = arith.constant 32 : i32
      %dma_start3A_695 = arith.constant 0 : i32
      %dma_start3A_696 = tpu.memref_slice %arg8[%dma_start3A_694, %dma_start3A_695] : memref<128x129xf32, #tpu.memory_space<vmem>> -> memref<8x128xf32, #tpu.memory_space<vmem>>
      %dma_start3A_697 = arith.constant 0 : i32
      %dma_start3A_698 = arith.constant 0 : i32
      %dma_start3A_699 = tpu.memref_slice %arg4[%select_n3A, %dma_start3A_693, %add3A_692, %dma_start3A_697, %dma_start3A_698] : memref<200x4x32x8x128xf32, #tpu.memory_space<hbm>> -> memref<1x1x1x8x128xf32, #tpu.memory_space<hbm>>
      %dma_start3A_700 = tpu.memref_squeeze %dma_start3A_699 : memref<1x1x1x8x128xf32, #tpu.memory_space<hbm>> -> memref<8x128xf32, #tpu.memory_space<hbm>>
      %dma_start3A_701 = arith.constant 0 : i32
      %dma_start3A_702 = arith.constant 0 : i32
      %dma_start3A_703 = tpu.memref_slice %arg4[%select_n3A, %dma_start3A_693, %add3A_692, %dma_start3A_701, %dma_start3A_702] : memref<200x4x32x8x128xf32, #tpu.memory_space<hbm>> -> memref<1x1x1x8x128xf32, #tpu.memory_space<hbm>>
      %dma_start3A_704 = tpu.memref_squeeze %dma_start3A_703 : memref<1x1x1x8x128xf32, #tpu.memory_space<hbm>> -> memref<8x128xf32, #tpu.memory_space<hbm>>
      %dma_start3A_705 = arith.constant 32 : i32
      %dma_start3A_706 = arith.constant 0 : i32
      %dma_start3A_707 = tpu.memref_slice %arg8[%dma_start3A_705, %dma_start3A_706] : memref<128x129xf32, #tpu.memory_space<vmem>> -> memref<8x128xf32, #tpu.memory_space<vmem>>
      tpu.enqueue_dma source(%dma_start3A_707 : memref<8x128xf32, #tpu.memory_space<vmem>>) target(%dma_start3A_704 : memref<8x128xf32, #tpu.memory_space<hbm>>) target_semaphore(%arg12 : memref<!tpu.dma_semaphore, #tpu.memory_space<semaphore_mem>>)
      %add3A_708 = arith.constant 1 : i32
      %add3A_709 = arith.addi %mul3A_622, %add3A_708 : i32
      %dma_start3A_710 = arith.constant 1 : i32
      %dma_start3A_711 = arith.constant 40 : i32
      %dma_start3A_712 = arith.constant 0 : i32
      %dma_start3A_713 = tpu.memref_slice %arg8[%dma_start3A_711, %dma_start3A_712] : memref<128x129xf32, #tpu.memory_space<vmem>> -> memref<8x128xf32, #tpu.memory_space<vmem>>
      %dma_start3A_714 = arith.constant 0 : i32
      %dma_start3A_715 = arith.constant 0 : i32
      %dma_start3A_716 = tpu.memref_slice %arg4[%select_n3A, %dma_start3A_710, %add3A_709, %dma_start3A_714, %dma_start3A_715] : memref<200x4x32x8x128xf32, #tpu.memory_space<hbm>> -> memref<1x1x1x8x128xf32, #tpu.memory_space<hbm>>
      %dma_start3A_717 = tpu.memref_squeeze %dma_start3A_716 : memref<1x1x1x8x128xf32, #tpu.memory_space<hbm>> -> memref<8x128xf32, #tpu.memory_space<hbm>>
      %dma_start3A_718 = arith.constant 0 : i32
      %dma_start3A_719 = arith.constant 0 : i32
      %dma_start3A_720 = tpu.memref_slice %arg4[%select_n3A, %dma_start3A_710, %add3A_709, %dma_start3A_718, %dma_start3A_719] : memref<200x4x32x8x128xf32, #tpu.memory_space<hbm>> -> memref<1x1x1x8x128xf32, #tpu.memory_space<hbm>>
      %dma_start3A_721 = tpu.memref_squeeze %dma_start3A_720 : memref<1x1x1x8x128xf32, #tpu.memory_space<hbm>> -> memref<8x128xf32, #tpu.memory_space<hbm>>
      %dma_start3A_722 = arith.constant 40 : i32
      %dma_start3A_723 = arith.constant 0 : i32
      %dma_start3A_724 = tpu.memref_slice %arg8[%dma_start3A_722, %dma_start3A_723] : memref<128x129xf32, #tpu.memory_space<vmem>> -> memref<8x128xf32, #tpu.memory_space<vmem>>
      tpu.enqueue_dma source(%dma_start3A_724 : memref<8x128xf32, #tpu.memory_space<vmem>>) target(%dma_start3A_721 : memref<8x128xf32, #tpu.memory_space<hbm>>) target_semaphore(%arg12 : memref<!tpu.dma_semaphore, #tpu.memory_space<semaphore_mem>>)
      %add3A_725 = arith.constant 2 : i32
      %add3A_726 = arith.addi %mul3A_622, %add3A_725 : i32
      %dma_start3A_727 = arith.constant 1 : i32
      %dma_start3A_728 = arith.constant 48 : i32
      %dma_start3A_729 = arith.constant 0 : i32
      %dma_start3A_730 = tpu.memref_slice %arg8[%dma_start3A_728, %dma_start3A_729] : memref<128x129xf32, #tpu.memory_space<vmem>> -> memref<8x128xf32, #tpu.memory_space<vmem>>
      %dma_start3A_731 = arith.constant 0 : i32
      %dma_start3A_732 = arith.constant 0 : i32
      %dma_start3A_733 = tpu.memref_slice %arg4[%select_n3A, %dma_start3A_727, %add3A_726, %dma_start3A_731, %dma_start3A_732] : memref<200x4x32x8x128xf32, #tpu.memory_space<hbm>> -> memref<1x1x1x8x128xf32, #tpu.memory_space<hbm>>
      %dma_start3A_734 = tpu.memref_squeeze %dma_start3A_733 : memref<1x1x1x8x128xf32, #tpu.memory_space<hbm>> -> memref<8x128xf32, #tpu.memory_space<hbm>>
      %dma_start3A_735 = arith.constant 0 : i32
      %dma_start3A_736 = arith.constant 0 : i32
      %dma_start3A_737 = tpu.memref_slice %arg4[%select_n3A, %dma_start3A_727, %add3A_726, %dma_start3A_735, %dma_start3A_736] : memref<200x4x32x8x128xf32, #tpu.memory_space<hbm>> -> memref<1x1x1x8x128xf32, #tpu.memory_space<hbm>>
      %dma_start3A_738 = tpu.memref_squeeze %dma_start3A_737 : memref<1x1x1x8x128xf32, #tpu.memory_space<hbm>> -> memref<8x128xf32, #tpu.memory_space<hbm>>
      %dma_start3A_739 = arith.constant 48 : i32
      %dma_start3A_740 = arith.constant 0 : i32
      %dma_start3A_741 = tpu.memref_slice %arg8[%dma_start3A_739, %dma_start3A_740] : memref<128x129xf32, #tpu.memory_space<vmem>> -> memref<8x128xf32, #tpu.memory_space<vmem>>
      tpu.enqueue_dma source(%dma_start3A_741 : memref<8x128xf32, #tpu.memory_space<vmem>>) target(%dma_start3A_738 : memref<8x128xf32, #tpu.memory_space<hbm>>) target_semaphore(%arg12 : memref<!tpu.dma_semaphore, #tpu.memory_space<semaphore_mem>>)
      %add3A_742 = arith.constant 3 : i32
      %add3A_743 = arith.addi %mul3A_622, %add3A_742 : i32
      %dma_start3A_744 = arith.constant 1 : i32
      %dma_start3A_745 = arith.constant 56 : i32
      %dma_start3A_746 = arith.constant 0 : i32
      %dma_start3A_747 = tpu.memref_slice %arg8[%dma_start3A_745, %dma_start3A_746] : memref<128x129xf32, #tpu.memory_space<vmem>> -> memref<8x128xf32, #tpu.memory_space<vmem>>
      %dma_start3A_748 = arith.constant 0 : i32
      %dma_start3A_749 = arith.constant 0 : i32
      %dma_start3A_750 = tpu.memref_slice %arg4[%select_n3A, %dma_start3A_744, %add3A_743, %dma_start3A_748, %dma_start3A_749] : memref<200x4x32x8x128xf32, #tpu.memory_space<hbm>> -> memref<1x1x1x8x128xf32, #tpu.memory_space<hbm>>
      %dma_start3A_751 = tpu.memref_squeeze %dma_start3A_750 : memref<1x1x1x8x128xf32, #tpu.memory_space<hbm>> -> memref<8x128xf32, #tpu.memory_space<hbm>>
      %dma_start3A_752 = arith.constant 0 : i32
      %dma_start3A_753 = arith.constant 0 : i32
      %dma_start3A_754 = tpu.memref_slice %arg4[%select_n3A, %dma_start3A_744, %add3A_743, %dma_start3A_752, %dma_start3A_753] : memref<200x4x32x8x128xf32, #tpu.memory_space<hbm>> -> memref<1x1x1x8x128xf32, #tpu.memory_space<hbm>>
      %dma_start3A_755 = tpu.memref_squeeze %dma_start3A_754 : memref<1x1x1x8x128xf32, #tpu.memory_space<hbm>> -> memref<8x128xf32, #tpu.memory_space<hbm>>
      %dma_start3A_756 = arith.constant 56 : i32
      %dma_start3A_757 = arith.constant 0 : i32
      %dma_start3A_758 = tpu.memref_slice %arg8[%dma_start3A_756, %dma_start3A_757] : memref<128x129xf32, #tpu.memory_space<vmem>> -> memref<8x128xf32, #tpu.memory_space<vmem>>
      tpu.enqueue_dma source(%dma_start3A_758 : memref<8x128xf32, #tpu.memory_space<vmem>>) target(%dma_start3A_755 : memref<8x128xf32, #tpu.memory_space<hbm>>) target_semaphore(%arg12 : memref<!tpu.dma_semaphore, #tpu.memory_space<semaphore_mem>>)
      %add3A_759 = arith.constant 0 : i32
      %add3A_760 = arith.addi %mul3A_622, %add3A_759 : i32
      %dma_start3A_761 = arith.constant 2 : i32
      %dma_start3A_762 = arith.constant 64 : i32
      %dma_start3A_763 = arith.constant 0 : i32
      %dma_start3A_764 = tpu.memref_slice %arg8[%dma_start3A_762, %dma_start3A_763] : memref<128x129xf32, #tpu.memory_space<vmem>> -> memref<8x128xf32, #tpu.memory_space<vmem>>
      %dma_start3A_765 = arith.constant 0 : i32
      %dma_start3A_766 = arith.constant 0 : i32
      %dma_start3A_767 = tpu.memref_slice %arg4[%select_n3A, %dma_start3A_761, %add3A_760, %dma_start3A_765, %dma_start3A_766] : memref<200x4x32x8x128xf32, #tpu.memory_space<hbm>> -> memref<1x1x1x8x128xf32, #tpu.memory_space<hbm>>
      %dma_start3A_768 = tpu.memref_squeeze %dma_start3A_767 : memref<1x1x1x8x128xf32, #tpu.memory_space<hbm>> -> memref<8x128xf32, #tpu.memory_space<hbm>>
      %dma_start3A_769 = arith.constant 0 : i32
      %dma_start3A_770 = arith.constant 0 : i32
      %dma_start3A_771 = tpu.memref_slice %arg4[%select_n3A, %dma_start3A_761, %add3A_760, %dma_start3A_769, %dma_start3A_770] : memref<200x4x32x8x128xf32, #tpu.memory_space<hbm>> -> memref<1x1x1x8x128xf32, #tpu.memory_space<hbm>>
      %dma_start3A_772 = tpu.memref_squeeze %dma_start3A_771 : memref<1x1x1x8x128xf32, #tpu.memory_space<hbm>> -> memref<8x128xf32, #tpu.memory_space<hbm>>
      %dma_start3A_773 = arith.constant 64 : i32
      %dma_start3A_774 = arith.constant 0 : i32
      %dma_start3A_775 = tpu.memref_slice %arg8[%dma_start3A_773, %dma_start3A_774] : memref<128x129xf32, #tpu.memory_space<vmem>> -> memref<8x128xf32, #tpu.memory_space<vmem>>
      tpu.enqueue_dma source(%dma_start3A_775 : memref<8x128xf32, #tpu.memory_space<vmem>>) target(%dma_start3A_772 : memref<8x128xf32, #tpu.memory_space<hbm>>) target_semaphore(%arg12 : memref<!tpu.dma_semaphore, #tpu.memory_space<semaphore_mem>>)
      %add3A_776 = arith.constant 1 : i32
      %add3A_777 = arith.addi %mul3A_622, %add3A_776 : i32
      %dma_start3A_778 = arith.constant 2 : i32
      %dma_start3A_779 = arith.constant 72 : i32
      %dma_start3A_780 = arith.constant 0 : i32
      %dma_start3A_781 = tpu.memref_slice %arg8[%dma_start3A_779, %dma_start3A_780] : memref<128x129xf32, #tpu.memory_space<vmem>> -> memref<8x128xf32, #tpu.memory_space<vmem>>
      %dma_start3A_782 = arith.constant 0 : i32
      %dma_start3A_783 = arith.constant 0 : i32
      %dma_start3A_784 = tpu.memref_slice %arg4[%select_n3A, %dma_start3A_778, %add3A_777, %dma_start3A_782, %dma_start3A_783] : memref<200x4x32x8x128xf32, #tpu.memory_space<hbm>> -> memref<1x1x1x8x128xf32, #tpu.memory_space<hbm>>
      %dma_start3A_785 = tpu.memref_squeeze %dma_start3A_784 : memref<1x1x1x8x128xf32, #tpu.memory_space<hbm>> -> memref<8x128xf32, #tpu.memory_space<hbm>>
      %dma_start3A_786 = arith.constant 0 : i32
      %dma_start3A_787 = arith.constant 0 : i32
      %dma_start3A_788 = tpu.memref_slice %arg4[%select_n3A, %dma_start3A_778, %add3A_777, %dma_start3A_786, %dma_start3A_787] : memref<200x4x32x8x128xf32, #tpu.memory_space<hbm>> -> memref<1x1x1x8x128xf32, #tpu.memory_space<hbm>>
      %dma_start3A_789 = tpu.memref_squeeze %dma_start3A_788 : memref<1x1x1x8x128xf32, #tpu.memory_space<hbm>> -> memref<8x128xf32, #tpu.memory_space<hbm>>
      %dma_start3A_790 = arith.constant 72 : i32
      %dma_start3A_791 = arith.constant 0 : i32
      %dma_start3A_792 = tpu.memref_slice %arg8[%dma_start3A_790, %dma_start3A_791] : memref<128x129xf32, #tpu.memory_space<vmem>> -> memref<8x128xf32, #tpu.memory_space<vmem>>
      tpu.enqueue_dma source(%dma_start3A_792 : memref<8x128xf32, #tpu.memory_space<vmem>>) target(%dma_start3A_789 : memref<8x128xf32, #tpu.memory_space<hbm>>) target_semaphore(%arg12 : memref<!tpu.dma_semaphore, #tpu.memory_space<semaphore_mem>>)
      %add3A_793 = arith.constant 2 : i32
      %add3A_794 = arith.addi %mul3A_622, %add3A_793 : i32
      %dma_start3A_795 = arith.constant 2 : i32
      %dma_start3A_796 = arith.constant 80 : i32
      %dma_start3A_797 = arith.constant 0 : i32
      %dma_start3A_798 = tpu.memref_slice %arg8[%dma_start3A_796, %dma_start3A_797] : memref<128x129xf32, #tpu.memory_space<vmem>> -> memref<8x128xf32, #tpu.memory_space<vmem>>
      %dma_start3A_799 = arith.constant 0 : i32
      %dma_start3A_800 = arith.constant 0 : i32
      %dma_start3A_801 = tpu.memref_slice %arg4[%select_n3A, %dma_start3A_795, %add3A_794, %dma_start3A_799, %dma_start3A_800] : memref<200x4x32x8x128xf32, #tpu.memory_space<hbm>> -> memref<1x1x1x8x128xf32, #tpu.memory_space<hbm>>
      %dma_start3A_802 = tpu.memref_squeeze %dma_start3A_801 : memref<1x1x1x8x128xf32, #tpu.memory_space<hbm>> -> memref<8x128xf32, #tpu.memory_space<hbm>>
      %dma_start3A_803 = arith.constant 0 : i32
      %dma_start3A_804 = arith.constant 0 : i32
      %dma_start3A_805 = tpu.memref_slice %arg4[%select_n3A, %dma_start3A_795, %add3A_794, %dma_start3A_803, %dma_start3A_804] : memref<200x4x32x8x128xf32, #tpu.memory_space<hbm>> -> memref<1x1x1x8x128xf32, #tpu.memory_space<hbm>>
      %dma_start3A_806 = tpu.memref_squeeze %dma_start3A_805 : memref<1x1x1x8x128xf32, #tpu.memory_space<hbm>> -> memref<8x128xf32, #tpu.memory_space<hbm>>
      %dma_start3A_807 = arith.constant 80 : i32
      %dma_start3A_808 = arith.constant 0 : i32
      %dma_start3A_809 = tpu.memref_slice %arg8[%dma_start3A_807, %dma_start3A_808] : memref<128x129xf32, #tpu.memory_space<vmem>> -> memref<8x128xf32, #tpu.memory_space<vmem>>
      tpu.enqueue_dma source(%dma_start3A_809 : memref<8x128xf32, #tpu.memory_space<vmem>>) target(%dma_start3A_806 : memref<8x128xf32, #tpu.memory_space<hbm>>) target_semaphore(%arg12 : memref<!tpu.dma_semaphore, #tpu.memory_space<semaphore_mem>>)
      %add3A_810 = arith.constant 3 : i32
      %add3A_811 = arith.addi %mul3A_622, %add3A_810 : i32
      %dma_start3A_812 = arith.constant 2 : i32
      %dma_start3A_813 = arith.constant 88 : i32
      %dma_start3A_814 = arith.constant 0 : i32
      %dma_start3A_815 = tpu.memref_slice %arg8[%dma_start3A_813, %dma_start3A_814] : memref<128x129xf32, #tpu.memory_space<vmem>> -> memref<8x128xf32, #tpu.memory_space<vmem>>
      %dma_start3A_816 = arith.constant 0 : i32
      %dma_start3A_817 = arith.constant 0 : i32
      %dma_start3A_818 = tpu.memref_slice %arg4[%select_n3A, %dma_start3A_812, %add3A_811, %dma_start3A_816, %dma_start3A_817] : memref<200x4x32x8x128xf32, #tpu.memory_space<hbm>> -> memref<1x1x1x8x128xf32, #tpu.memory_space<hbm>>
      %dma_start3A_819 = tpu.memref_squeeze %dma_start3A_818 : memref<1x1x1x8x128xf32, #tpu.memory_space<hbm>> -> memref<8x128xf32, #tpu.memory_space<hbm>>
      %dma_start3A_820 = arith.constant 0 : i32
      %dma_start3A_821 = arith.constant 0 : i32
      %dma_start3A_822 = tpu.memref_slice %arg4[%select_n3A, %dma_start3A_812, %add3A_811, %dma_start3A_820, %dma_start3A_821] : memref<200x4x32x8x128xf32, #tpu.memory_space<hbm>> -> memref<1x1x1x8x128xf32, #tpu.memory_space<hbm>>
      %dma_start3A_823 = tpu.memref_squeeze %dma_start3A_822 : memref<1x1x1x8x128xf32, #tpu.memory_space<hbm>> -> memref<8x128xf32, #tpu.memory_space<hbm>>
      %dma_start3A_824 = arith.constant 88 : i32
      %dma_start3A_825 = arith.constant 0 : i32
      %dma_start3A_826 = tpu.memref_slice %arg8[%dma_start3A_824, %dma_start3A_825] : memref<128x129xf32, #tpu.memory_space<vmem>> -> memref<8x128xf32, #tpu.memory_space<vmem>>
      tpu.enqueue_dma source(%dma_start3A_826 : memref<8x128xf32, #tpu.memory_space<vmem>>) target(%dma_start3A_823 : memref<8x128xf32, #tpu.memory_space<hbm>>) target_semaphore(%arg12 : memref<!tpu.dma_semaphore, #tpu.memory_space<semaphore_mem>>)
      %add3A_827 = arith.constant 0 : i32
      %add3A_828 = arith.addi %mul3A_622, %add3A_827 : i32
      %dma_start3A_829 = arith.constant 3 : i32
      %dma_start3A_830 = arith.constant 96 : i32
      %dma_start3A_831 = arith.constant 0 : i32
      %dma_start3A_832 = tpu.memref_slice %arg8[%dma_start3A_830, %dma_start3A_831] : memref<128x129xf32, #tpu.memory_space<vmem>> -> memref<8x128xf32, #tpu.memory_space<vmem>>
      %dma_start3A_833 = arith.constant 0 : i32
      %dma_start3A_834 = arith.constant 0 : i32
      %dma_start3A_835 = tpu.memref_slice %arg4[%select_n3A, %dma_start3A_829, %add3A_828, %dma_start3A_833, %dma_start3A_834] : memref<200x4x32x8x128xf32, #tpu.memory_space<hbm>> -> memref<1x1x1x8x128xf32, #tpu.memory_space<hbm>>
      %dma_start3A_836 = tpu.memref_squeeze %dma_start3A_835 : memref<1x1x1x8x128xf32, #tpu.memory_space<hbm>> -> memref<8x128xf32, #tpu.memory_space<hbm>>
      %dma_start3A_837 = arith.constant 0 : i32
      %dma_start3A_838 = arith.constant 0 : i32
      %dma_start3A_839 = tpu.memref_slice %arg4[%select_n3A, %dma_start3A_829, %add3A_828, %dma_start3A_837, %dma_start3A_838] : memref<200x4x32x8x128xf32, #tpu.memory_space<hbm>> -> memref<1x1x1x8x128xf32, #tpu.memory_space<hbm>>
      %dma_start3A_840 = tpu.memref_squeeze %dma_start3A_839 : memref<1x1x1x8x128xf32, #tpu.memory_space<hbm>> -> memref<8x128xf32, #tpu.memory_space<hbm>>
      %dma_start3A_841 = arith.constant 96 : i32
      %dma_start3A_842 = arith.constant 0 : i32
      %dma_start3A_843 = tpu.memref_slice %arg8[%dma_start3A_841, %dma_start3A_842] : memref<128x129xf32, #tpu.memory_space<vmem>> -> memref<8x128xf32, #tpu.memory_space<vmem>>
      tpu.enqueue_dma source(%dma_start3A_843 : memref<8x128xf32, #tpu.memory_space<vmem>>) target(%dma_start3A_840 : memref<8x128xf32, #tpu.memory_space<hbm>>) target_semaphore(%arg12 : memref<!tpu.dma_semaphore, #tpu.memory_space<semaphore_mem>>)
      %add3A_844 = arith.constant 1 : i32
      %add3A_845 = arith.addi %mul3A_622, %add3A_844 : i32
      %dma_start3A_846 = arith.constant 3 : i32
      %dma_start3A_847 = arith.constant 104 : i32
      %dma_start3A_848 = arith.constant 0 : i32
      %dma_start3A_849 = tpu.memref_slice %arg8[%dma_start3A_847, %dma_start3A_848] : memref<128x129xf32, #tpu.memory_space<vmem>> -> memref<8x128xf32, #tpu.memory_space<vmem>>
      %dma_start3A_850 = arith.constant 0 : i32
      %dma_start3A_851 = arith.constant 0 : i32
      %dma_start3A_852 = tpu.memref_slice %arg4[%select_n3A, %dma_start3A_846, %add3A_845, %dma_start3A_850, %dma_start3A_851] : memref<200x4x32x8x128xf32, #tpu.memory_space<hbm>> -> memref<1x1x1x8x128xf32, #tpu.memory_space<hbm>>
      %dma_start3A_853 = tpu.memref_squeeze %dma_start3A_852 : memref<1x1x1x8x128xf32, #tpu.memory_space<hbm>> -> memref<8x128xf32, #tpu.memory_space<hbm>>
      %dma_start3A_854 = arith.constant 0 : i32
      %dma_start3A_855 = arith.constant 0 : i32
      %dma_start3A_856 = tpu.memref_slice %arg4[%select_n3A, %dma_start3A_846, %add3A_845, %dma_start3A_854, %dma_start3A_855] : memref<200x4x32x8x128xf32, #tpu.memory_space<hbm>> -> memref<1x1x1x8x128xf32, #tpu.memory_space<hbm>>
      %dma_start3A_857 = tpu.memref_squeeze %dma_start3A_856 : memref<1x1x1x8x128xf32, #tpu.memory_space<hbm>> -> memref<8x128xf32, #tpu.memory_space<hbm>>
      %dma_start3A_858 = arith.constant 104 : i32
      %dma_start3A_859 = arith.constant 0 : i32
      %dma_start3A_860 = tpu.memref_slice %arg8[%dma_start3A_858, %dma_start3A_859] : memref<128x129xf32, #tpu.memory_space<vmem>> -> memref<8x128xf32, #tpu.memory_space<vmem>>
      tpu.enqueue_dma source(%dma_start3A_860 : memref<8x128xf32, #tpu.memory_space<vmem>>) target(%dma_start3A_857 : memref<8x128xf32, #tpu.memory_space<hbm>>) target_semaphore(%arg12 : memref<!tpu.dma_semaphore, #tpu.memory_space<semaphore_mem>>)
      %add3A_861 = arith.constant 2 : i32
      %add3A_862 = arith.addi %mul3A_622, %add3A_861 : i32
      %dma_start3A_863 = arith.constant 3 : i32
      %dma_start3A_864 = arith.constant 112 : i32
      %dma_start3A_865 = arith.constant 0 : i32
      %dma_start3A_866 = tpu.memref_slice %arg8[%dma_start3A_864, %dma_start3A_865] : memref<128x129xf32, #tpu.memory_space<vmem>> -> memref<8x128xf32, #tpu.memory_space<vmem>>
      %dma_start3A_867 = arith.constant 0 : i32
      %dma_start3A_868 = arith.constant 0 : i32
      %dma_start3A_869 = tpu.memref_slice %arg4[%select_n3A, %dma_start3A_863, %add3A_862, %dma_start3A_867, %dma_start3A_868] : memref<200x4x32x8x128xf32, #tpu.memory_space<hbm>> -> memref<1x1x1x8x128xf32, #tpu.memory_space<hbm>>
      %dma_start3A_870 = tpu.memref_squeeze %dma_start3A_869 : memref<1x1x1x8x128xf32, #tpu.memory_space<hbm>> -> memref<8x128xf32, #tpu.memory_space<hbm>>
      %dma_start3A_871 = arith.constant 0 : i32
      %dma_start3A_872 = arith.constant 0 : i32
      %dma_start3A_873 = tpu.memref_slice %arg4[%select_n3A, %dma_start3A_863, %add3A_862, %dma_start3A_871, %dma_start3A_872] : memref<200x4x32x8x128xf32, #tpu.memory_space<hbm>> -> memref<1x1x1x8x128xf32, #tpu.memory_space<hbm>>
      %dma_start3A_874 = tpu.memref_squeeze %dma_start3A_873 : memref<1x1x1x8x128xf32, #tpu.memory_space<hbm>> -> memref<8x128xf32, #tpu.memory_space<hbm>>
      %dma_start3A_875 = arith.constant 112 : i32
      %dma_start3A_876 = arith.constant 0 : i32
      %dma_start3A_877 = tpu.memref_slice %arg8[%dma_start3A_875, %dma_start3A_876] : memref<128x129xf32, #tpu.memory_space<vmem>> -> memref<8x128xf32, #tpu.memory_space<vmem>>
      tpu.enqueue_dma source(%dma_start3A_877 : memref<8x128xf32, #tpu.memory_space<vmem>>) target(%dma_start3A_874 : memref<8x128xf32, #tpu.memory_space<hbm>>) target_semaphore(%arg12 : memref<!tpu.dma_semaphore, #tpu.memory_space<semaphore_mem>>)
      %add3A_878 = arith.constant 3 : i32
      %add3A_879 = arith.addi %mul3A_622, %add3A_878 : i32
      %dma_start3A_880 = arith.constant 3 : i32
      %dma_start3A_881 = arith.constant 120 : i32
      %dma_start3A_882 = arith.constant 0 : i32
      %dma_start3A_883 = tpu.memref_slice %arg8[%dma_start3A_881, %dma_start3A_882] : memref<128x129xf32, #tpu.memory_space<vmem>> -> memref<8x128xf32, #tpu.memory_space<vmem>>
      %dma_start3A_884 = arith.constant 0 : i32
      %dma_start3A_885 = arith.constant 0 : i32
      %dma_start3A_886 = tpu.memref_slice %arg4[%select_n3A, %dma_start3A_880, %add3A_879, %dma_start3A_884, %dma_start3A_885] : memref<200x4x32x8x128xf32, #tpu.memory_space<hbm>> -> memref<1x1x1x8x128xf32, #tpu.memory_space<hbm>>
      %dma_start3A_887 = tpu.memref_squeeze %dma_start3A_886 : memref<1x1x1x8x128xf32, #tpu.memory_space<hbm>> -> memref<8x128xf32, #tpu.memory_space<hbm>>
      %dma_start3A_888 = arith.constant 0 : i32
      %dma_start3A_889 = arith.constant 0 : i32
      %dma_start3A_890 = tpu.memref_slice %arg4[%select_n3A, %dma_start3A_880, %add3A_879, %dma_start3A_888, %dma_start3A_889] : memref<200x4x32x8x128xf32, #tpu.memory_space<hbm>> -> memref<1x1x1x8x128xf32, #tpu.memory_space<hbm>>
      %dma_start3A_891 = tpu.memref_squeeze %dma_start3A_890 : memref<1x1x1x8x128xf32, #tpu.memory_space<hbm>> -> memref<8x128xf32, #tpu.memory_space<hbm>>
      %dma_start3A_892 = arith.constant 120 : i32
      %dma_start3A_893 = arith.constant 0 : i32
      %dma_start3A_894 = tpu.memref_slice %arg8[%dma_start3A_892, %dma_start3A_893] : memref<128x129xf32, #tpu.memory_space<vmem>> -> memref<8x128xf32, #tpu.memory_space<vmem>>
      tpu.enqueue_dma source(%dma_start3A_894 : memref<8x128xf32, #tpu.memory_space<vmem>>) target(%dma_start3A_891 : memref<8x128xf32, #tpu.memory_space<hbm>>) target_semaphore(%arg12 : memref<!tpu.dma_semaphore, #tpu.memory_space<semaphore_mem>>)
      %mul3A_895 = arith.constant 2 : i32
      %mul3A_896 = arith.muli %scan3A_566, %mul3A_895 : i32
      %add3A_897 = arith.constant 1 : i32
      %add3A_898 = arith.addi %mul3A_896, %add3A_897 : i32
      %add3A_899 = arith.constant 1 : i32
      %add3A_900 = arith.addi %add3A_898, %add3A_899 : i32
      %lt3A_901 = arith.constant 50 : i32
      %lt3A_902 = arith.cmpi slt, %add3A_900, %lt3A_901 : i32
      %convert_element_type3A_903 = arith.extui %lt3A_902 : i1 to i32
      %cond3A_904 = arith.constant 0 : i32
      %cond3A_905 = arith.cmpi ne, %convert_element_type3A_903, %cond3A_904 : i32
      scf.if %cond3A_905 {
        %add3A_1236 = arith.constant 1 : i32
        %add3A_1237 = arith.addi %add3A_898, %add3A_1236 : i32
        %mul3A_1238 = arith.constant 512 : i32
        %mul3A_1239 = arith.muli %add3A_1237, %mul3A_1238 : i32
        %dma_start3A_1240 = tpu.memref_slice %arg5[%mul3A_1239] : memref<25600xi32, #tpu.memory_space<vmem>> -> memref<512xi32, #tpu.memory_space<vmem>>
        %dma_start3A_1241 = arith.constant 0 : i32
        %dma_start3A_1242 = arith.constant 0 : i32
        %dma_start3A_1243 = tpu.memref_slice %arg2[%dma_start3A_1241, %dma_start3A_1242] : memref<1000000x32xf32, #tpu.memory_space<hbm>> -> memref<1000000x32xf32, #tpu.memory_space<hbm>>
        tpu.enqueue_indirect_dma source(%dma_start3A_1243 : memref<1000000x32xf32, #tpu.memory_space<hbm>>) target(%arg6 : memref<512x32xf32, #tpu.memory_space<vmem>>) offsets(%dma_start3A_1240 : memref<512xi32, #tpu.memory_space<vmem>>) semaphore(%arg10 : memref<!tpu.dma_semaphore, #tpu.memory_space<semaphore_mem>>)
      } else {
      }
      %dma_wait3A_906 = arith.constant 0 : i32
      %dma_wait3A_907 = tpu.memref_slice %arg5[%dma_wait3A_906] : memref<25600xi32, #tpu.memory_space<vmem>> -> memref<512xi32, #tpu.memory_space<vmem>>
      %dma_wait3A_908 = arith.constant 0 : i32
      %dma_wait3A_909 = arith.constant 0 : i32
      %dma_wait3A_910 = tpu.memref_slice %arg2[%dma_wait3A_908, %dma_wait3A_909] : memref<1000000x32xf32, #tpu.memory_space<hbm>> -> memref<1000000x32xf32, #tpu.memory_space<hbm>>
      tpu.wait_indirect_dma semaphore(%arg11 : memref<!tpu.dma_semaphore, #tpu.memory_space<semaphore_mem>>) src(%dma_wait3A_910 : memref<1000000x32xf32, #tpu.memory_space<hbm>>) dst(%arg7 : memref<512x32xf32, #tpu.memory_space<vmem>>)
      %ge3A_911 = arith.constant 2 : i32
      %ge3A_912 = arith.cmpi sge, %add3A_898, %ge3A_911 : i32
      %convert_element_type3A_913 = arith.extui %ge3A_912 : i1 to i32
      %cond3A_914 = arith.constant 0 : i32
      %cond3A_915 = arith.cmpi ne, %convert_element_type3A_913, %cond3A_914 : i32
      scf.if %cond3A_915 {
        %dma_wait3A_1236 = arith.constant 0 : i32
        %dma_wait3A_1237 = arith.constant 0 : i32
        %dma_wait3A_1238 = arith.constant 0 : i32
        %dma_wait3A_1239 = arith.constant 0 : i32
        %dma_wait3A_1240 = arith.constant 0 : i32
        %dma_wait3A_1241 = tpu.memref_slice %arg9[%dma_wait3A_1239, %dma_wait3A_1240] : memref<128x129xf32, #tpu.memory_space<vmem>> -> memref<8x128xf32, #tpu.memory_space<vmem>>
        %dma_wait3A_1242 = arith.constant 0 : i32
        %dma_wait3A_1243 = arith.constant 0 : i32
        %dma_wait3A_1244 = tpu.memref_slice %arg4[%dma_wait3A_1236, %dma_wait3A_1237, %dma_wait3A_1238, %dma_wait3A_1242, %dma_wait3A_1243] : memref<200x4x32x8x128xf32, #tpu.memory_space<hbm>> -> memref<1x1x1x8x128xf32, #tpu.memory_space<hbm>>
        %dma_wait3A_1245 = tpu.memref_squeeze %dma_wait3A_1244 : memref<1x1x1x8x128xf32, #tpu.memory_space<hbm>> -> memref<8x128xf32, #tpu.memory_space<hbm>>
        %dma_wait3A_1246 = arith.constant 0 : i32
        %dma_wait3A_1247 = arith.constant 0 : i32
        %dma_wait3A_1248 = tpu.memref_slice %arg4[%dma_wait3A_1236, %dma_wait3A_1237, %dma_wait3A_1238, %dma_wait3A_1246, %dma_wait3A_1247] : memref<200x4x32x8x128xf32, #tpu.memory_space<hbm>> -> memref<1x1x1x8x128xf32, #tpu.memory_space<hbm>>
        %dma_wait3A_1249 = tpu.memref_squeeze %dma_wait3A_1248 : memref<1x1x1x8x128xf32, #tpu.memory_space<hbm>> -> memref<8x128xf32, #tpu.memory_space<hbm>>
        %dma_wait3A_1250 = arith.constant 0 : i32
        %dma_wait3A_1251 = arith.constant 0 : i32
        %dma_wait3A_1252 = tpu.memref_slice %arg9[%dma_wait3A_1250, %dma_wait3A_1251] : memref<128x129xf32, #tpu.memory_space<vmem>> -> memref<8x128xf32, #tpu.memory_space<vmem>>
        tpu.wait_dma2 semaphore(%arg13 : memref<!tpu.dma_semaphore, #tpu.memory_space<semaphore_mem>>) src(%dma_wait3A_1252 : memref<8x128xf32, #tpu.memory_space<vmem>>) dst(%dma_wait3A_1249 : memref<8x128xf32, #tpu.memory_space<hbm>>)
        %dma_wait3A_1253 = arith.constant 0 : i32
        %dma_wait3A_1254 = arith.constant 0 : i32
        %dma_wait3A_1255 = arith.constant 0 : i32
        %dma_wait3A_1256 = arith.constant 0 : i32
        %dma_wait3A_1257 = arith.constant 0 : i32
        %dma_wait3A_1258 = tpu.memref_slice %arg9[%dma_wait3A_1256, %dma_wait3A_1257] : memref<128x129xf32, #tpu.memory_space<vmem>> -> memref<8x128xf32, #tpu.memory_space<vmem>>
        %dma_wait3A_1259 = arith.constant 0 : i32
        %dma_wait3A_1260 = arith.constant 0 : i32
        %dma_wait3A_1261 = tpu.memref_slice %arg4[%dma_wait3A_1253, %dma_wait3A_1254, %dma_wait3A_1255, %dma_wait3A_1259, %dma_wait3A_1260] : memref<200x4x32x8x128xf32, #tpu.memory_space<hbm>> -> memref<1x1x1x8x128xf32, #tpu.memory_space<hbm>>
        %dma_wait3A_1262 = tpu.memref_squeeze %dma_wait3A_1261 : memref<1x1x1x8x128xf32, #tpu.memory_space<hbm>> -> memref<8x128xf32, #tpu.memory_space<hbm>>
        %dma_wait3A_1263 = arith.constant 0 : i32
        %dma_wait3A_1264 = arith.constant 0 : i32
        %dma_wait3A_1265 = tpu.memref_slice %arg4[%dma_wait3A_1253, %dma_wait3A_1254, %dma_wait3A_1255, %dma_wait3A_1263, %dma_wait3A_1264] : memref<200x4x32x8x128xf32, #tpu.memory_space<hbm>> -> memref<1x1x1x8x128xf32, #tpu.memory_space<hbm>>
        %dma_wait3A_1266 = tpu.memref_squeeze %dma_wait3A_1265 : memref<1x1x1x8x128xf32, #tpu.memory_space<hbm>> -> memref<8x128xf32, #tpu.memory_space<hbm>>
        %dma_wait3A_1267 = arith.constant 0 : i32
        %dma_wait3A_1268 = arith.constant 0 : i32
        %dma_wait3A_1269 = tpu.memref_slice %arg9[%dma_wait3A_1267, %dma_wait3A_1268] : memref<128x129xf32, #tpu.memory_space<vmem>> -> memref<8x128xf32, #tpu.memory_space<vmem>>
        tpu.wait_dma2 semaphore(%arg13 : memref<!tpu.dma_semaphore, #tpu.memory_space<semaphore_mem>>) src(%dma_wait3A_1269 : memref<8x128xf32, #tpu.memory_space<vmem>>) dst(%dma_wait3A_1266 : memref<8x128xf32, #tpu.memory_space<hbm>>)
        %dma_wait3A_1270 = arith.constant 0 : i32
        %dma_wait3A_1271 = arith.constant 0 : i32
        %dma_wait3A_1272 = arith.constant 0 : i32
        %dma_wait3A_1273 = arith.constant 0 : i32
        %dma_wait3A_1274 = arith.constant 0 : i32
        %dma_wait3A_1275 = tpu.memref_slice %arg9[%dma_wait3A_1273, %dma_wait3A_1274] : memref<128x129xf32, #tpu.memory_space<vmem>> -> memref<8x128xf32, #tpu.memory_space<vmem>>
        %dma_wait3A_1276 = arith.constant 0 : i32
        %dma_wait3A_1277 = arith.constant 0 : i32
        %dma_wait3A_1278 = tpu.memref_slice %arg4[%dma_wait3A_1270, %dma_wait3A_1271, %dma_wait3A_1272, %dma_wait3A_1276, %dma_wait3A_1277] : memref<200x4x32x8x128xf32, #tpu.memory_space<hbm>> -> memref<1x1x1x8x128xf32, #tpu.memory_space<hbm>>
        %dma_wait3A_1279 = tpu.memref_squeeze %dma_wait3A_1278 : memref<1x1x1x8x128xf32, #tpu.memory_space<hbm>> -> memref<8x128xf32, #tpu.memory_space<hbm>>
        %dma_wait3A_1280 = arith.constant 0 : i32
        %dma_wait3A_1281 = arith.constant 0 : i32
        %dma_wait3A_1282 = tpu.memref_slice %arg4[%dma_wait3A_1270, %dma_wait3A_1271, %dma_wait3A_1272, %dma_wait3A_1280, %dma_wait3A_1281] : memref<200x4x32x8x128xf32, #tpu.memory_space<hbm>> -> memref<1x1x1x8x128xf32, #tpu.memory_space<hbm>>
        %dma_wait3A_1283 = tpu.memref_squeeze %dma_wait3A_1282 : memref<1x1x1x8x128xf32, #tpu.memory_space<hbm>> -> memref<8x128xf32, #tpu.memory_space<hbm>>
        %dma_wait3A_1284 = arith.constant 0 : i32
        %dma_wait3A_1285 = arith.constant 0 : i32
        %dma_wait3A_1286 = tpu.memref_slice %arg9[%dma_wait3A_1284, %dma_wait3A_1285] : memref<128x129xf32, #tpu.memory_space<vmem>> -> memref<8x128xf32, #tpu.memory_space<vmem>>
        tpu.wait_dma2 semaphore(%arg13 : memref<!tpu.dma_semaphore, #tpu.memory_space<semaphore_mem>>) src(%dma_wait3A_1286 : memref<8x128xf32, #tpu.memory_space<vmem>>) dst(%dma_wait3A_1283 : memref<8x128xf32, #tpu.memory_space<hbm>>)
        %dma_wait3A_1287 = arith.constant 0 : i32
        %dma_wait3A_1288 = arith.constant 0 : i32
        %dma_wait3A_1289 = arith.constant 0 : i32
        %dma_wait3A_1290 = arith.constant 0 : i32
        %dma_wait3A_1291 = arith.constant 0 : i32
        %dma_wait3A_1292 = tpu.memref_slice %arg9[%dma_wait3A_1290, %dma_wait3A_1291] : memref<128x129xf32, #tpu.memory_space<vmem>> -> memref<8x128xf32, #tpu.memory_space<vmem>>
        %dma_wait3A_1293 = arith.constant 0 : i32
        %dma_wait3A_1294 = arith.constant 0 : i32
        %dma_wait3A_1295 = tpu.memref_slice %arg4[%dma_wait3A_1287, %dma_wait3A_1288, %dma_wait3A_1289, %dma_wait3A_1293, %dma_wait3A_1294] : memref<200x4x32x8x128xf32, #tpu.memory_space<hbm>> -> memref<1x1x1x8x128xf32, #tpu.memory_space<hbm>>
        %dma_wait3A_1296 = tpu.memref_squeeze %dma_wait3A_1295 : memref<1x1x1x8x128xf32, #tpu.memory_space<hbm>> -> memref<8x128xf32, #tpu.memory_space<hbm>>
        %dma_wait3A_1297 = arith.constant 0 : i32
        %dma_wait3A_1298 = arith.constant 0 : i32
        %dma_wait3A_1299 = tpu.memref_slice %arg4[%dma_wait3A_1287, %dma_wait3A_1288, %dma_wait3A_1289, %dma_wait3A_1297, %dma_wait3A_1298] : memref<200x4x32x8x128xf32, #tpu.memory_space<hbm>> -> memref<1x1x1x8x128xf32, #tpu.memory_space<hbm>>
        %dma_wait3A_1300 = tpu.memref_squeeze %dma_wait3A_1299 : memref<1x1x1x8x128xf32, #tpu.memory_space<hbm>> -> memref<8x128xf32, #tpu.memory_space<hbm>>
        %dma_wait3A_1301 = arith.constant 0 : i32
        %dma_wait3A_1302 = arith.constant 0 : i32
        %dma_wait3A_1303 = tpu.memref_slice %arg9[%dma_wait3A_1301, %dma_wait3A_1302] : memref<128x129xf32, #tpu.memory_space<vmem>> -> memref<8x128xf32, #tpu.memory_space<vmem>>
        tpu.wait_dma2 semaphore(%arg13 : memref<!tpu.dma_semaphore, #tpu.memory_space<semaphore_mem>>) src(%dma_wait3A_1303 : memref<8x128xf32, #tpu.memory_space<vmem>>) dst(%dma_wait3A_1300 : memref<8x128xf32, #tpu.memory_space<hbm>>)
        %dma_wait3A_1304 = arith.constant 0 : i32
        %dma_wait3A_1305 = arith.constant 0 : i32
        %dma_wait3A_1306 = arith.constant 0 : i32
        %dma_wait3A_1307 = arith.constant 0 : i32
        %dma_wait3A_1308 = arith.constant 0 : i32
        %dma_wait3A_1309 = tpu.memref_slice %arg9[%dma_wait3A_1307, %dma_wait3A_1308] : memref<128x129xf32, #tpu.memory_space<vmem>> -> memref<8x128xf32, #tpu.memory_space<vmem>>
        %dma_wait3A_1310 = arith.constant 0 : i32
        %dma_wait3A_1311 = arith.constant 0 : i32
        %dma_wait3A_1312 = tpu.memref_slice %arg4[%dma_wait3A_1304, %dma_wait3A_1305, %dma_wait3A_1306, %dma_wait3A_1310, %dma_wait3A_1311] : memref<200x4x32x8x128xf32, #tpu.memory_space<hbm>> -> memref<1x1x1x8x128xf32, #tpu.memory_space<hbm>>
        %dma_wait3A_1313 = tpu.memref_squeeze %dma_wait3A_1312 : memref<1x1x1x8x128xf32, #tpu.memory_space<hbm>> -> memref<8x128xf32, #tpu.memory_space<hbm>>
        %dma_wait3A_1314 = arith.constant 0 : i32
        %dma_wait3A_1315 = arith.constant 0 : i32
        %dma_wait3A_1316 = tpu.memref_slice %arg4[%dma_wait3A_1304, %dma_wait3A_1305, %dma_wait3A_1306, %dma_wait3A_1314, %dma_wait3A_1315] : memref<200x4x32x8x128xf32, #tpu.memory_space<hbm>> -> memref<1x1x1x8x128xf32, #tpu.memory_space<hbm>>
        %dma_wait3A_1317 = tpu.memref_squeeze %dma_wait3A_1316 : memref<1x1x1x8x128xf32, #tpu.memory_space<hbm>> -> memref<8x128xf32, #tpu.memory_space<hbm>>
        %dma_wait3A_1318 = arith.constant 0 : i32
        %dma_wait3A_1319 = arith.constant 0 : i32
        %dma_wait3A_1320 = tpu.memref_slice %arg9[%dma_wait3A_1318, %dma_wait3A_1319] : memref<128x129xf32, #tpu.memory_space<vmem>> -> memref<8x128xf32, #tpu.memory_space<vmem>>
        tpu.wait_dma2 semaphore(%arg13 : memref<!tpu.dma_semaphore, #tpu.memory_space<semaphore_mem>>) src(%dma_wait3A_1320 : memref<8x128xf32, #tpu.memory_space<vmem>>) dst(%dma_wait3A_1317 : memref<8x128xf32, #tpu.memory_space<hbm>>)
        %dma_wait3A_1321 = arith.constant 0 : i32
        %dma_wait3A_1322 = arith.constant 0 : i32
        %dma_wait3A_1323 = arith.constant 0 : i32
        %dma_wait3A_1324 = arith.constant 0 : i32
        %dma_wait3A_1325 = arith.constant 0 : i32
        %dma_wait3A_1326 = tpu.memref_slice %arg9[%dma_wait3A_1324, %dma_wait3A_1325] : memref<128x129xf32, #tpu.memory_space<vmem>> -> memref<8x128xf32, #tpu.memory_space<vmem>>
        %dma_wait3A_1327 = arith.constant 0 : i32
        %dma_wait3A_1328 = arith.constant 0 : i32
        %dma_wait3A_1329 = tpu.memref_slice %arg4[%dma_wait3A_1321, %dma_wait3A_1322, %dma_wait3A_1323, %dma_wait3A_1327, %dma_wait3A_1328] : memref<200x4x32x8x128xf32, #tpu.memory_space<hbm>> -> memref<1x1x1x8x128xf32, #tpu.memory_space<hbm>>
        %dma_wait3A_1330 = tpu.memref_squeeze %dma_wait3A_1329 : memref<1x1x1x8x128xf32, #tpu.memory_space<hbm>> -> memref<8x128xf32, #tpu.memory_space<hbm>>
        %dma_wait3A_1331 = arith.constant 0 : i32
        %dma_wait3A_1332 = arith.constant 0 : i32
        %dma_wait3A_1333 = tpu.memref_slice %arg4[%dma_wait3A_1321, %dma_wait3A_1322, %dma_wait3A_1323, %dma_wait3A_1331, %dma_wait3A_1332] : memref<200x4x32x8x128xf32, #tpu.memory_space<hbm>> -> memref<1x1x1x8x128xf32, #tpu.memory_space<hbm>>
        %dma_wait3A_1334 = tpu.memref_squeeze %dma_wait3A_1333 : memref<1x1x1x8x128xf32, #tpu.memory_space<hbm>> -> memref<8x128xf32, #tpu.memory_space<hbm>>
        %dma_wait3A_1335 = arith.constant 0 : i32
        %dma_wait3A_1336 = arith.constant 0 : i32
        %dma_wait3A_1337 = tpu.memref_slice %arg9[%dma_wait3A_1335, %dma_wait3A_1336] : memref<128x129xf32, #tpu.memory_space<vmem>> -> memref<8x128xf32, #tpu.memory_space<vmem>>
        tpu.wait_dma2 semaphore(%arg13 : memref<!tpu.dma_semaphore, #tpu.memory_space<semaphore_mem>>) src(%dma_wait3A_1337 : memref<8x128xf32, #tpu.memory_space<vmem>>) dst(%dma_wait3A_1334 : memref<8x128xf32, #tpu.memory_space<hbm>>)
        %dma_wait3A_1338 = arith.constant 0 : i32
        %dma_wait3A_1339 = arith.constant 0 : i32
        %dma_wait3A_1340 = arith.constant 0 : i32
        %dma_wait3A_1341 = arith.constant 0 : i32
        %dma_wait3A_1342 = arith.constant 0 : i32
        %dma_wait3A_1343 = tpu.memref_slice %arg9[%dma_wait3A_1341, %dma_wait3A_1342] : memref<128x129xf32, #tpu.memory_space<vmem>> -> memref<8x128xf32, #tpu.memory_space<vmem>>
        %dma_wait3A_1344 = arith.constant 0 : i32
        %dma_wait3A_1345 = arith.constant 0 : i32
        %dma_wait3A_1346 = tpu.memref_slice %arg4[%dma_wait3A_1338, %dma_wait3A_1339, %dma_wait3A_1340, %dma_wait3A_1344, %dma_wait3A_1345] : memref<200x4x32x8x128xf32, #tpu.memory_space<hbm>> -> memref<1x1x1x8x128xf32, #tpu.memory_space<hbm>>
        %dma_wait3A_1347 = tpu.memref_squeeze %dma_wait3A_1346 : memref<1x1x1x8x128xf32, #tpu.memory_space<hbm>> -> memref<8x128xf32, #tpu.memory_space<hbm>>
        %dma_wait3A_1348 = arith.constant 0 : i32
        %dma_wait3A_1349 = arith.constant 0 : i32
        %dma_wait3A_1350 = tpu.memref_slice %arg4[%dma_wait3A_1338, %dma_wait3A_1339, %dma_wait3A_1340, %dma_wait3A_1348, %dma_wait3A_1349] : memref<200x4x32x8x128xf32, #tpu.memory_space<hbm>> -> memref<1x1x1x8x128xf32, #tpu.memory_space<hbm>>
        %dma_wait3A_1351 = tpu.memref_squeeze %dma_wait3A_1350 : memref<1x1x1x8x128xf32, #tpu.memory_space<hbm>> -> memref<8x128xf32, #tpu.memory_space<hbm>>
        %dma_wait3A_1352 = arith.constant 0 : i32
        %dma_wait3A_1353 = arith.constant 0 : i32
        %dma_wait3A_1354 = tpu.memref_slice %arg9[%dma_wait3A_1352, %dma_wait3A_1353] : memref<128x129xf32, #tpu.memory_space<vmem>> -> memref<8x128xf32, #tpu.memory_space<vmem>>
        tpu.wait_dma2 semaphore(%arg13 : memref<!tpu.dma_semaphore, #tpu.memory_space<semaphore_mem>>) src(%dma_wait3A_1354 : memref<8x128xf32, #tpu.memory_space<vmem>>) dst(%dma_wait3A_1351 : memref<8x128xf32, #tpu.memory_space<hbm>>)
        %dma_wait3A_1355 = arith.constant 0 : i32
        %dma_wait3A_1356 = arith.constant 0 : i32
        %dma_wait3A_1357 = arith.constant 0 : i32
        %dma_wait3A_1358 = arith.constant 0 : i32
        %dma_wait3A_1359 = arith.constant 0 : i32
        %dma_wait3A_1360 = tpu.memref_slice %arg9[%dma_wait3A_1358, %dma_wait3A_1359] : memref<128x129xf32, #tpu.memory_space<vmem>> -> memref<8x128xf32, #tpu.memory_space<vmem>>
        %dma_wait3A_1361 = arith.constant 0 : i32
        %dma_wait3A_1362 = arith.constant 0 : i32
        %dma_wait3A_1363 = tpu.memref_slice %arg4[%dma_wait3A_1355, %dma_wait3A_1356, %dma_wait3A_1357, %dma_wait3A_1361, %dma_wait3A_1362] : memref<200x4x32x8x128xf32, #tpu.memory_space<hbm>> -> memref<1x1x1x8x128xf32, #tpu.memory_space<hbm>>
        %dma_wait3A_1364 = tpu.memref_squeeze %dma_wait3A_1363 : memref<1x1x1x8x128xf32, #tpu.memory_space<hbm>> -> memref<8x128xf32, #tpu.memory_space<hbm>>
        %dma_wait3A_1365 = arith.constant 0 : i32
        %dma_wait3A_1366 = arith.constant 0 : i32
        %dma_wait3A_1367 = tpu.memref_slice %arg4[%dma_wait3A_1355, %dma_wait3A_1356, %dma_wait3A_1357, %dma_wait3A_1365, %dma_wait3A_1366] : memref<200x4x32x8x128xf32, #tpu.memory_space<hbm>> -> memref<1x1x1x8x128xf32, #tpu.memory_space<hbm>>
        %dma_wait3A_1368 = tpu.memref_squeeze %dma_wait3A_1367 : memref<1x1x1x8x128xf32, #tpu.memory_space<hbm>> -> memref<8x128xf32, #tpu.memory_space<hbm>>
        %dma_wait3A_1369 = arith.constant 0 : i32
        %dma_wait3A_1370 = arith.constant 0 : i32
        %dma_wait3A_1371 = tpu.memref_slice %arg9[%dma_wait3A_1369, %dma_wait3A_1370] : memref<128x129xf32, #tpu.memory_space<vmem>> -> memref<8x128xf32, #tpu.memory_space<vmem>>
        tpu.wait_dma2 semaphore(%arg13 : memref<!tpu.dma_semaphore, #tpu.memory_space<semaphore_mem>>) src(%dma_wait3A_1371 : memref<8x128xf32, #tpu.memory_space<vmem>>) dst(%dma_wait3A_1368 : memref<8x128xf32, #tpu.memory_space<hbm>>)
        %dma_wait3A_1372 = arith.constant 0 : i32
        %dma_wait3A_1373 = arith.constant 0 : i32
        %dma_wait3A_1374 = arith.constant 0 : i32
        %dma_wait3A_1375 = arith.constant 0 : i32
        %dma_wait3A_1376 = arith.constant 0 : i32
        %dma_wait3A_1377 = tpu.memref_slice %arg9[%dma_wait3A_1375, %dma_wait3A_1376] : memref<128x129xf32, #tpu.memory_space<vmem>> -> memref<8x128xf32, #tpu.memory_space<vmem>>
        %dma_wait3A_1378 = arith.constant 0 : i32
        %dma_wait3A_1379 = arith.constant 0 : i32
        %dma_wait3A_1380 = tpu.memref_slice %arg4[%dma_wait3A_1372, %dma_wait3A_1373, %dma_wait3A_1374, %dma_wait3A_1378, %dma_wait3A_1379] : memref<200x4x32x8x128xf32, #tpu.memory_space<hbm>> -> memref<1x1x1x8x128xf32, #tpu.memory_space<hbm>>
        %dma_wait3A_1381 = tpu.memref_squeeze %dma_wait3A_1380 : memref<1x1x1x8x128xf32, #tpu.memory_space<hbm>> -> memref<8x128xf32, #tpu.memory_space<hbm>>
        %dma_wait3A_1382 = arith.constant 0 : i32
        %dma_wait3A_1383 = arith.constant 0 : i32
        %dma_wait3A_1384 = tpu.memref_slice %arg4[%dma_wait3A_1372, %dma_wait3A_1373, %dma_wait3A_1374, %dma_wait3A_1382, %dma_wait3A_1383] : memref<200x4x32x8x128xf32, #tpu.memory_space<hbm>> -> memref<1x1x1x8x128xf32, #tpu.memory_space<hbm>>
        %dma_wait3A_1385 = tpu.memref_squeeze %dma_wait3A_1384 : memref<1x1x1x8x128xf32, #tpu.memory_space<hbm>> -> memref<8x128xf32, #tpu.memory_space<hbm>>
        %dma_wait3A_1386 = arith.constant 0 : i32
        %dma_wait3A_1387 = arith.constant 0 : i32
        %dma_wait3A_1388 = tpu.memref_slice %arg9[%dma_wait3A_1386, %dma_wait3A_1387] : memref<128x129xf32, #tpu.memory_space<vmem>> -> memref<8x128xf32, #tpu.memory_space<vmem>>
        tpu.wait_dma2 semaphore(%arg13 : memref<!tpu.dma_semaphore, #tpu.memory_space<semaphore_mem>>) src(%dma_wait3A_1388 : memref<8x128xf32, #tpu.memory_space<vmem>>) dst(%dma_wait3A_1385 : memref<8x128xf32, #tpu.memory_space<hbm>>)
        %dma_wait3A_1389 = arith.constant 0 : i32
        %dma_wait3A_1390 = arith.constant 0 : i32
        %dma_wait3A_1391 = arith.constant 0 : i32
        %dma_wait3A_1392 = arith.constant 0 : i32
        %dma_wait3A_1393 = arith.constant 0 : i32
        %dma_wait3A_1394 = tpu.memref_slice %arg9[%dma_wait3A_1392, %dma_wait3A_1393] : memref<128x129xf32, #tpu.memory_space<vmem>> -> memref<8x128xf32, #tpu.memory_space<vmem>>
        %dma_wait3A_1395 = arith.constant 0 : i32
        %dma_wait3A_1396 = arith.constant 0 : i32
        %dma_wait3A_1397 = tpu.memref_slice %arg4[%dma_wait3A_1389, %dma_wait3A_1390, %dma_wait3A_1391, %dma_wait3A_1395, %dma_wait3A_1396] : memref<200x4x32x8x128xf32, #tpu.memory_space<hbm>> -> memref<1x1x1x8x128xf32, #tpu.memory_space<hbm>>
        %dma_wait3A_1398 = tpu.memref_squeeze %dma_wait3A_1397 : memref<1x1x1x8x128xf32, #tpu.memory_space<hbm>> -> memref<8x128xf32, #tpu.memory_space<hbm>>
        %dma_wait3A_1399 = arith.constant 0 : i32
        %dma_wait3A_1400 = arith.constant 0 : i32
        %dma_wait3A_1401 = tpu.memref_slice %arg4[%dma_wait3A_1389, %dma_wait3A_1390, %dma_wait3A_1391, %dma_wait3A_1399, %dma_wait3A_1400] : memref<200x4x32x8x128xf32, #tpu.memory_space<hbm>> -> memref<1x1x1x8x128xf32, #tpu.memory_space<hbm>>
        %dma_wait3A_1402 = tpu.memref_squeeze %dma_wait3A_1401 : memref<1x1x1x8x128xf32, #tpu.memory_space<hbm>> -> memref<8x128xf32, #tpu.memory_space<hbm>>
        %dma_wait3A_1403 = arith.constant 0 : i32
        %dma_wait3A_1404 = arith.constant 0 : i32
        %dma_wait3A_1405 = tpu.memref_slice %arg9[%dma_wait3A_1403, %dma_wait3A_1404] : memref<128x129xf32, #tpu.memory_space<vmem>> -> memref<8x128xf32, #tpu.memory_space<vmem>>
        tpu.wait_dma2 semaphore(%arg13 : memref<!tpu.dma_semaphore, #tpu.memory_space<semaphore_mem>>) src(%dma_wait3A_1405 : memref<8x128xf32, #tpu.memory_space<vmem>>) dst(%dma_wait3A_1402 : memref<8x128xf32, #tpu.memory_space<hbm>>)
        %dma_wait3A_1406 = arith.constant 0 : i32
        %dma_wait3A_1407 = arith.constant 0 : i32
        %dma_wait3A_1408 = arith.constant 0 : i32
        %dma_wait3A_1409 = arith.constant 0 : i32
        %dma_wait3A_1410 = arith.constant 0 : i32
        %dma_wait3A_1411 = tpu.memref_slice %arg9[%dma_wait3A_1409, %dma_wait3A_1410] : memref<128x129xf32, #tpu.memory_space<vmem>> -> memref<8x128xf32, #tpu.memory_space<vmem>>
        %dma_wait3A_1412 = arith.constant 0 : i32
        %dma_wait3A_1413 = arith.constant 0 : i32
        %dma_wait3A_1414 = tpu.memref_slice %arg4[%dma_wait3A_1406, %dma_wait3A_1407, %dma_wait3A_1408, %dma_wait3A_1412, %dma_wait3A_1413] : memref<200x4x32x8x128xf32, #tpu.memory_space<hbm>> -> memref<1x1x1x8x128xf32, #tpu.memory_space<hbm>>
        %dma_wait3A_1415 = tpu.memref_squeeze %dma_wait3A_1414 : memref<1x1x1x8x128xf32, #tpu.memory_space<hbm>> -> memref<8x128xf32, #tpu.memory_space<hbm>>
        %dma_wait3A_1416 = arith.constant 0 : i32
        %dma_wait3A_1417 = arith.constant 0 : i32
        %dma_wait3A_1418 = tpu.memref_slice %arg4[%dma_wait3A_1406, %dma_wait3A_1407, %dma_wait3A_1408, %dma_wait3A_1416, %dma_wait3A_1417] : memref<200x4x32x8x128xf32, #tpu.memory_space<hbm>> -> memref<1x1x1x8x128xf32, #tpu.memory_space<hbm>>
        %dma_wait3A_1419 = tpu.memref_squeeze %dma_wait3A_1418 : memref<1x1x1x8x128xf32, #tpu.memory_space<hbm>> -> memref<8x128xf32, #tpu.memory_space<hbm>>
        %dma_wait3A_1420 = arith.constant 0 : i32
        %dma_wait3A_1421 = arith.constant 0 : i32
        %dma_wait3A_1422 = tpu.memref_slice %arg9[%dma_wait3A_1420, %dma_wait3A_1421] : memref<128x129xf32, #tpu.memory_space<vmem>> -> memref<8x128xf32, #tpu.memory_space<vmem>>
        tpu.wait_dma2 semaphore(%arg13 : memref<!tpu.dma_semaphore, #tpu.memory_space<semaphore_mem>>) src(%dma_wait3A_1422 : memref<8x128xf32, #tpu.memory_space<vmem>>) dst(%dma_wait3A_1419 : memref<8x128xf32, #tpu.memory_space<hbm>>)
        %dma_wait3A_1423 = arith.constant 0 : i32
        %dma_wait3A_1424 = arith.constant 0 : i32
        %dma_wait3A_1425 = arith.constant 0 : i32
        %dma_wait3A_1426 = arith.constant 0 : i32
        %dma_wait3A_1427 = arith.constant 0 : i32
        %dma_wait3A_1428 = tpu.memref_slice %arg9[%dma_wait3A_1426, %dma_wait3A_1427] : memref<128x129xf32, #tpu.memory_space<vmem>> -> memref<8x128xf32, #tpu.memory_space<vmem>>
        %dma_wait3A_1429 = arith.constant 0 : i32
        %dma_wait3A_1430 = arith.constant 0 : i32
        %dma_wait3A_1431 = tpu.memref_slice %arg4[%dma_wait3A_1423, %dma_wait3A_1424, %dma_wait3A_1425, %dma_wait3A_1429, %dma_wait3A_1430] : memref<200x4x32x8x128xf32, #tpu.memory_space<hbm>> -> memref<1x1x1x8x128xf32, #tpu.memory_space<hbm>>
        %dma_wait3A_1432 = tpu.memref_squeeze %dma_wait3A_1431 : memref<1x1x1x8x128xf32, #tpu.memory_space<hbm>> -> memref<8x128xf32, #tpu.memory_space<hbm>>
        %dma_wait3A_1433 = arith.constant 0 : i32
        %dma_wait3A_1434 = arith.constant 0 : i32
        %dma_wait3A_1435 = tpu.memref_slice %arg4[%dma_wait3A_1423, %dma_wait3A_1424, %dma_wait3A_1425, %dma_wait3A_1433, %dma_wait3A_1434] : memref<200x4x32x8x128xf32, #tpu.memory_space<hbm>> -> memref<1x1x1x8x128xf32, #tpu.memory_space<hbm>>
        %dma_wait3A_1436 = tpu.memref_squeeze %dma_wait3A_1435 : memref<1x1x1x8x128xf32, #tpu.memory_space<hbm>> -> memref<8x128xf32, #tpu.memory_space<hbm>>
        %dma_wait3A_1437 = arith.constant 0 : i32
        %dma_wait3A_1438 = arith.constant 0 : i32
        %dma_wait3A_1439 = tpu.memref_slice %arg9[%dma_wait3A_1437, %dma_wait3A_1438] : memref<128x129xf32, #tpu.memory_space<vmem>> -> memref<8x128xf32, #tpu.memory_space<vmem>>
        tpu.wait_dma2 semaphore(%arg13 : memref<!tpu.dma_semaphore, #tpu.memory_space<semaphore_mem>>) src(%dma_wait3A_1439 : memref<8x128xf32, #tpu.memory_space<vmem>>) dst(%dma_wait3A_1436 : memref<8x128xf32, #tpu.memory_space<hbm>>)
        %dma_wait3A_1440 = arith.constant 0 : i32
        %dma_wait3A_1441 = arith.constant 0 : i32
        %dma_wait3A_1442 = arith.constant 0 : i32
        %dma_wait3A_1443 = arith.constant 0 : i32
        %dma_wait3A_1444 = arith.constant 0 : i32
        %dma_wait3A_1445 = tpu.memref_slice %arg9[%dma_wait3A_1443, %dma_wait3A_1444] : memref<128x129xf32, #tpu.memory_space<vmem>> -> memref<8x128xf32, #tpu.memory_space<vmem>>
        %dma_wait3A_1446 = arith.constant 0 : i32
        %dma_wait3A_1447 = arith.constant 0 : i32
        %dma_wait3A_1448 = tpu.memref_slice %arg4[%dma_wait3A_1440, %dma_wait3A_1441, %dma_wait3A_1442, %dma_wait3A_1446, %dma_wait3A_1447] : memref<200x4x32x8x128xf32, #tpu.memory_space<hbm>> -> memref<1x1x1x8x128xf32, #tpu.memory_space<hbm>>
        %dma_wait3A_1449 = tpu.memref_squeeze %dma_wait3A_1448 : memref<1x1x1x8x128xf32, #tpu.memory_space<hbm>> -> memref<8x128xf32, #tpu.memory_space<hbm>>
        %dma_wait3A_1450 = arith.constant 0 : i32
        %dma_wait3A_1451 = arith.constant 0 : i32
        %dma_wait3A_1452 = tpu.memref_slice %arg4[%dma_wait3A_1440, %dma_wait3A_1441, %dma_wait3A_1442, %dma_wait3A_1450, %dma_wait3A_1451] : memref<200x4x32x8x128xf32, #tpu.memory_space<hbm>> -> memref<1x1x1x8x128xf32, #tpu.memory_space<hbm>>
        %dma_wait3A_1453 = tpu.memref_squeeze %dma_wait3A_1452 : memref<1x1x1x8x128xf32, #tpu.memory_space<hbm>> -> memref<8x128xf32, #tpu.memory_space<hbm>>
        %dma_wait3A_1454 = arith.constant 0 : i32
        %dma_wait3A_1455 = arith.constant 0 : i32
        %dma_wait3A_1456 = tpu.memref_slice %arg9[%dma_wait3A_1454, %dma_wait3A_1455] : memref<128x129xf32, #tpu.memory_space<vmem>> -> memref<8x128xf32, #tpu.memory_space<vmem>>
        tpu.wait_dma2 semaphore(%arg13 : memref<!tpu.dma_semaphore, #tpu.memory_space<semaphore_mem>>) src(%dma_wait3A_1456 : memref<8x128xf32, #tpu.memory_space<vmem>>) dst(%dma_wait3A_1453 : memref<8x128xf32, #tpu.memory_space<hbm>>)
        %dma_wait3A_1457 = arith.constant 0 : i32
        %dma_wait3A_1458 = arith.constant 0 : i32
        %dma_wait3A_1459 = arith.constant 0 : i32
        %dma_wait3A_1460 = arith.constant 0 : i32
        %dma_wait3A_1461 = arith.constant 0 : i32
        %dma_wait3A_1462 = tpu.memref_slice %arg9[%dma_wait3A_1460, %dma_wait3A_1461] : memref<128x129xf32, #tpu.memory_space<vmem>> -> memref<8x128xf32, #tpu.memory_space<vmem>>
        %dma_wait3A_1463 = arith.constant 0 : i32
        %dma_wait3A_1464 = arith.constant 0 : i32
        %dma_wait3A_1465 = tpu.memref_slice %arg4[%dma_wait3A_1457, %dma_wait3A_1458, %dma_wait3A_1459, %dma_wait3A_1463, %dma_wait3A_1464] : memref<200x4x32x8x128xf32, #tpu.memory_space<hbm>> -> memref<1x1x1x8x128xf32, #tpu.memory_space<hbm>>
        %dma_wait3A_1466 = tpu.memref_squeeze %dma_wait3A_1465 : memref<1x1x1x8x128xf32, #tpu.memory_space<hbm>> -> memref<8x128xf32, #tpu.memory_space<hbm>>
        %dma_wait3A_1467 = arith.constant 0 : i32
        %dma_wait3A_1468 = arith.constant 0 : i32
        %dma_wait3A_1469 = tpu.memref_slice %arg4[%dma_wait3A_1457, %dma_wait3A_1458, %dma_wait3A_1459, %dma_wait3A_1467, %dma_wait3A_1468] : memref<200x4x32x8x128xf32, #tpu.memory_space<hbm>> -> memref<1x1x1x8x128xf32, #tpu.memory_space<hbm>>
        %dma_wait3A_1470 = tpu.memref_squeeze %dma_wait3A_1469 : memref<1x1x1x8x128xf32, #tpu.memory_space<hbm>> -> memref<8x128xf32, #tpu.memory_space<hbm>>
        %dma_wait3A_1471 = arith.constant 0 : i32
        %dma_wait3A_1472 = arith.constant 0 : i32
        %dma_wait3A_1473 = tpu.memref_slice %arg9[%dma_wait3A_1471, %dma_wait3A_1472] : memref<128x129xf32, #tpu.memory_space<vmem>> -> memref<8x128xf32, #tpu.memory_space<vmem>>
        tpu.wait_dma2 semaphore(%arg13 : memref<!tpu.dma_semaphore, #tpu.memory_space<semaphore_mem>>) src(%dma_wait3A_1473 : memref<8x128xf32, #tpu.memory_space<vmem>>) dst(%dma_wait3A_1470 : memref<8x128xf32, #tpu.memory_space<hbm>>)
        %dma_wait3A_1474 = arith.constant 0 : i32
        %dma_wait3A_1475 = arith.constant 0 : i32
        %dma_wait3A_1476 = arith.constant 0 : i32
        %dma_wait3A_1477 = arith.constant 0 : i32
        %dma_wait3A_1478 = arith.constant 0 : i32
        %dma_wait3A_1479 = tpu.memref_slice %arg9[%dma_wait3A_1477, %dma_wait3A_1478] : memref<128x129xf32, #tpu.memory_space<vmem>> -> memref<8x128xf32, #tpu.memory_space<vmem>>
        %dma_wait3A_1480 = arith.constant 0 : i32
        %dma_wait3A_1481 = arith.constant 0 : i32
        %dma_wait3A_1482 = tpu.memref_slice %arg4[%dma_wait3A_1474, %dma_wait3A_1475, %dma_wait3A_1476, %dma_wait3A_1480, %dma_wait3A_1481] : memref<200x4x32x8x128xf32, #tpu.memory_space<hbm>> -> memref<1x1x1x8x128xf32, #tpu.memory_space<hbm>>
        %dma_wait3A_1483 = tpu.memref_squeeze %dma_wait3A_1482 : memref<1x1x1x8x128xf32, #tpu.memory_space<hbm>> -> memref<8x128xf32, #tpu.memory_space<hbm>>
        %dma_wait3A_1484 = arith.constant 0 : i32
        %dma_wait3A_1485 = arith.constant 0 : i32
        %dma_wait3A_1486 = tpu.memref_slice %arg4[%dma_wait3A_1474, %dma_wait3A_1475, %dma_wait3A_1476, %dma_wait3A_1484, %dma_wait3A_1485] : memref<200x4x32x8x128xf32, #tpu.memory_space<hbm>> -> memref<1x1x1x8x128xf32, #tpu.memory_space<hbm>>
        %dma_wait3A_1487 = tpu.memref_squeeze %dma_wait3A_1486 : memref<1x1x1x8x128xf32, #tpu.memory_space<hbm>> -> memref<8x128xf32, #tpu.memory_space<hbm>>
        %dma_wait3A_1488 = arith.constant 0 : i32
        %dma_wait3A_1489 = arith.constant 0 : i32
        %dma_wait3A_1490 = tpu.memref_slice %arg9[%dma_wait3A_1488, %dma_wait3A_1489] : memref<128x129xf32, #tpu.memory_space<vmem>> -> memref<8x128xf32, #tpu.memory_space<vmem>>
        tpu.wait_dma2 semaphore(%arg13 : memref<!tpu.dma_semaphore, #tpu.memory_space<semaphore_mem>>) src(%dma_wait3A_1490 : memref<8x128xf32, #tpu.memory_space<vmem>>) dst(%dma_wait3A_1487 : memref<8x128xf32, #tpu.memory_space<hbm>>)
        %dma_wait3A_1491 = arith.constant 0 : i32
        %dma_wait3A_1492 = arith.constant 0 : i32
        %dma_wait3A_1493 = arith.constant 0 : i32
        %dma_wait3A_1494 = arith.constant 0 : i32
        %dma_wait3A_1495 = arith.constant 0 : i32
        %dma_wait3A_1496 = tpu.memref_slice %arg9[%dma_wait3A_1494, %dma_wait3A_1495] : memref<128x129xf32, #tpu.memory_space<vmem>> -> memref<8x128xf32, #tpu.memory_space<vmem>>
        %dma_wait3A_1497 = arith.constant 0 : i32
        %dma_wait3A_1498 = arith.constant 0 : i32
        %dma_wait3A_1499 = tpu.memref_slice %arg4[%dma_wait3A_1491, %dma_wait3A_1492, %dma_wait3A_1493, %dma_wait3A_1497, %dma_wait3A_1498] : memref<200x4x32x8x128xf32, #tpu.memory_space<hbm>> -> memref<1x1x1x8x128xf32, #tpu.memory_space<hbm>>
        %dma_wait3A_1500 = tpu.memref_squeeze %dma_wait3A_1499 : memref<1x1x1x8x128xf32, #tpu.memory_space<hbm>> -> memref<8x128xf32, #tpu.memory_space<hbm>>
        %dma_wait3A_1501 = arith.constant 0 : i32
        %dma_wait3A_1502 = arith.constant 0 : i32
        %dma_wait3A_1503 = tpu.memref_slice %arg4[%dma_wait3A_1491, %dma_wait3A_1492, %dma_wait3A_1493, %dma_wait3A_1501, %dma_wait3A_1502] : memref<200x4x32x8x128xf32, #tpu.memory_space<hbm>> -> memref<1x1x1x8x128xf32, #tpu.memory_space<hbm>>
        %dma_wait3A_1504 = tpu.memref_squeeze %dma_wait3A_1503 : memref<1x1x1x8x128xf32, #tpu.memory_space<hbm>> -> memref<8x128xf32, #tpu.memory_space<hbm>>
        %dma_wait3A_1505 = arith.constant 0 : i32
        %dma_wait3A_1506 = arith.constant 0 : i32
        %dma_wait3A_1507 = tpu.memref_slice %arg9[%dma_wait3A_1505, %dma_wait3A_1506] : memref<128x129xf32, #tpu.memory_space<vmem>> -> memref<8x128xf32, #tpu.memory_space<vmem>>
        tpu.wait_dma2 semaphore(%arg13 : memref<!tpu.dma_semaphore, #tpu.memory_space<semaphore_mem>>) src(%dma_wait3A_1507 : memref<8x128xf32, #tpu.memory_space<vmem>>) dst(%dma_wait3A_1504 : memref<8x128xf32, #tpu.memory_space<hbm>>)
      } else {
      }
      %parallel_loop3A_916 = arith.constant 0 : i32
      %parallel_loop3A_917 = arith.constant 512 : i32
      %parallel_loop3A_918 = arith.constant 1 : i32
      scf.for %parallel_loop3A_1236 = %parallel_loop3A_916 to %parallel_loop3A_917 step %parallel_loop3A_918  : i32 {
        %parallel_loop3A_1237 = arith.constant 7 : i32
        %parallel_loop3A_1238 = arith.shrui %parallel_loop3A_1236, %parallel_loop3A_1237 : i32
        %parallel_loop3A_1239 = arith.constant 8 : i32
        %parallel_loop3A_1240 = arith.muli %parallel_loop3A_1238, %parallel_loop3A_1239 : i32
        %parallel_loop3A_1241 = arith.constant 127 : i32
        %parallel_loop3A_1242 = arith.andi %parallel_loop3A_1236, %parallel_loop3A_1241 : i32
        %parallel_loop3A_1243 = vector.broadcast %parallel_loop3A_1242 : i32 to vector<16xi32>
        %parallel_loop3A_1244 = arith.index_cast %parallel_loop3A_1236 : i32 to index
        %parallel_loop3A_1245 = arith.constant 0 : index
        %parallel_loop3A_1246 = tpu.vector_load %arg7[%parallel_loop3A_1244, %parallel_loop3A_1245] {strides = array<i32>} : memref<512x32xf32, #tpu.memory_space<vmem>>, vector<16xf32>,
        %parallel_loop3A_1247 = arith.constant 5.65685415 : f32
        %parallel_loop3A_1248 = vector.broadcast %parallel_loop3A_1247 : f32 to vector<16xf32>
        %parallel_loop3A_1249 = arith.mulf %parallel_loop3A_1246, %parallel_loop3A_1248 : vector<16xf32>
        %parallel_loop3A_1250 = arith.index_cast %parallel_loop3A_1236 : i32 to index
        %parallel_loop3A_1251 = arith.constant 16 : index
        %parallel_loop3A_1252 = tpu.vector_load %arg7[%parallel_loop3A_1250, %parallel_loop3A_1251] {strides = array<i32>} : memref<512x32xf32, #tpu.memory_space<vmem>>, vector<16xf32>,
        %parallel_loop3A_1253 = arith.constant 5.65685415 : f32
        %parallel_loop3A_1254 = vector.broadcast %parallel_loop3A_1253 : f32 to vector<16xf32>
        %parallel_loop3A_1255 = arith.mulf %parallel_loop3A_1252, %parallel_loop3A_1254 : vector<16xf32>
        %parallel_loop3A_1256 = vector.broadcast %parallel_loop3A_1240 : i32 to vector<16xi32>
        %parallel_loop3A_1257 = arith.addi %add3A_10, %parallel_loop3A_1256 : vector<16xi32>
        tpu.vector_store_idx %arg9[%parallel_loop3A_1257, %parallel_loop3A_1243], %parallel_loop3A_1249 : memref<128x129xf32, #tpu.memory_space<vmem>>[vector<16xi32>, vector<16xi32>], vector<16xf32>,
        %parallel_loop3A_1258 = vector.broadcast %parallel_loop3A_1240 : i32 to vector<16xi32>
        %parallel_loop3A_1259 = arith.addi %add3A_13, %parallel_loop3A_1258 : vector<16xi32>
        tpu.vector_store_idx %arg9[%parallel_loop3A_1259, %parallel_loop3A_1243], %parallel_loop3A_1255 : memref<128x129xf32, #tpu.memory_space<vmem>>[vector<16xi32>, vector<16xi32>], vector<16xf32>,
      } {sc.loop_unroll_factor = 8 : i64, sc.parallel_access}
      %mul3A_919 = arith.constant 50 : i32
      %mul3A_920 = arith.muli %add3A, %mul3A_919 : i32
      %add3A_921 = arith.addi %mul3A_920, %add3A_898 : i32
      %jit3A_922 = arith.constant 8 : i32
      %div3A_923 = arith.divsi %add3A_921, %jit3A_922 : i32
      %sign3A_924 = arith.constant 0 : i32
      %sign3A_925 = arith.cmpi sgt, %add3A_921, %sign3A_924 : i32
      %sign3A_926 = arith.extui %sign3A_925 : i1 to i32
      %sign3A_927 = arith.constant 0 : i32
      %sign3A_928 = arith.cmpi slt, %add3A_921, %sign3A_927 : i32
      %sign3A_929 = arith.extui %sign3A_928 : i1 to i32
      %sign3A_930 = arith.subi %sign3A_926, %sign3A_929 : i32
      %sign3A_931 = arith.constant 0 : i32
      %sign3A_932 = arith.cmpi sgt, %jit3A_922, %sign3A_931 : i32
      %sign3A_933 = arith.extui %sign3A_932 : i1 to i32
      %sign3A_934 = arith.constant 0 : i32
      %sign3A_935 = arith.cmpi slt, %jit3A_922, %sign3A_934 : i32
      %sign3A_936 = arith.extui %sign3A_935 : i1 to i32
      %sign3A_937 = arith.subi %sign3A_933, %sign3A_936 : i32
      %ne3A_938 = arith.cmpi ne, %sign3A_930, %sign3A_937 : i32
      %rem3A_939 = arith.remsi %add3A_921, %jit3A_922 : i32
      %ne3A_940 = arith.constant 0 : i32
      %ne3A_941 = arith.cmpi ne, %rem3A_939, %ne3A_940 : i32
      %and3A_942 = arith.andi %ne3A_938, %ne3A_941 : i1
      %sub3A_943 = arith.constant 1 : i32
      %sub3A_944 = arith.subi %div3A_923, %sub3A_943 : i32
      %select_n3A_945 = arith.select %and3A_942, %sub3A_944, %div3A_923 : i32
      %jit3A_946 = arith.constant 8 : i32
      %eq3A_947 = arith.constant 0 : i32
      %eq3A_948 = arith.cmpi eq, %jit3A_946, %eq3A_947 : i32
      %jit3A_949 = arith.constant 1 : i32
      %select_n3A_950 = arith.select %eq3A_948, %jit3A_949, %jit3A_946 : i32
      %rem3A_951 = arith.remsi %add3A_921, %select_n3A_950 : i32
      %ne3A_952 = arith.constant 0 : i32
      %ne3A_953 = arith.cmpi ne, %rem3A_951, %ne3A_952 : i32
      %lt3A_954 = arith.constant 0 : i32
      %lt3A_955 = arith.cmpi slt, %rem3A_951, %lt3A_954 : i32
      %lt3A_956 = arith.constant 0 : i32
      %lt3A_957 = arith.cmpi slt, %select_n3A_950, %lt3A_956 : i32
      %ne3A_958 = arith.xori %lt3A_955, %lt3A_957 : i1
      %and3A_959 = arith.andi %ne3A_958, %ne3A_953 : i1
      %add3A_960 = arith.addi %rem3A_951, %select_n3A_950 : i32
      %select_n3A_961 = arith.select %and3A_959, %add3A_960, %rem3A_951 : i32
      %mul3A_962 = arith.constant 4 : i32
      %mul3A_963 = arith.muli %select_n3A_961, %mul3A_962 : i32
      %add3A_964 = arith.constant 0 : i32
      %add3A_965 = arith.addi %mul3A_963, %add3A_964 : i32
      %dma_start3A_966 = arith.constant 0 : i32
      %dma_start3A_967 = arith.constant 0 : i32
      %dma_start3A_968 = arith.constant 0 : i32
      %dma_start3A_969 = tpu.memref_slice %arg9[%dma_start3A_967, %dma_start3A_968] : memref<128x129xf32, #tpu.memory_space<vmem>> -> memref<8x128xf32, #tpu.memory_space<vmem>>
      %dma_start3A_970 = arith.constant 0 : i32
      %dma_start3A_971 = arith.constant 0 : i32
      %dma_start3A_972 = tpu.memref_slice %arg4[%select_n3A_945, %dma_start3A_966, %add3A_965, %dma_start3A_970, %dma_start3A_971] : memref<200x4x32x8x128xf32, #tpu.memory_space<hbm>> -> memref<1x1x1x8x128xf32, #tpu.memory_space<hbm>>
      %dma_start3A_973 = tpu.memref_squeeze %dma_start3A_972 : memref<1x1x1x8x128xf32, #tpu.memory_space<hbm>> -> memref<8x128xf32, #tpu.memory_space<hbm>>
      %dma_start3A_974 = arith.constant 0 : i32
      %dma_start3A_975 = arith.constant 0 : i32
      %dma_start3A_976 = tpu.memref_slice %arg4[%select_n3A_945, %dma_start3A_966, %add3A_965, %dma_start3A_974, %dma_start3A_975] : memref<200x4x32x8x128xf32, #tpu.memory_space<hbm>> -> memref<1x1x1x8x128xf32, #tpu.memory_space<hbm>>
      %dma_start3A_977 = tpu.memref_squeeze %dma_start3A_976 : memref<1x1x1x8x128xf32, #tpu.memory_space<hbm>> -> memref<8x128xf32, #tpu.memory_space<hbm>>
      %dma_start3A_978 = arith.constant 0 : i32
      %dma_start3A_979 = arith.constant 0 : i32
      %dma_start3A_980 = tpu.memref_slice %arg9[%dma_start3A_978, %dma_start3A_979] : memref<128x129xf32, #tpu.memory_space<vmem>> -> memref<8x128xf32, #tpu.memory_space<vmem>>
      tpu.enqueue_dma source(%dma_start3A_980 : memref<8x128xf32, #tpu.memory_space<vmem>>) target(%dma_start3A_977 : memref<8x128xf32, #tpu.memory_space<hbm>>) target_semaphore(%arg13 : memref<!tpu.dma_semaphore, #tpu.memory_space<semaphore_mem>>)
      %add3A_981 = arith.constant 1 : i32
      %add3A_982 = arith.addi %mul3A_963, %add3A_981 : i32
      %dma_start3A_983 = arith.constant 0 : i32
      %dma_start3A_984 = arith.constant 8 : i32
      %dma_start3A_985 = arith.constant 0 : i32
      %dma_start3A_986 = tpu.memref_slice %arg9[%dma_start3A_984, %dma_start3A_985] : memref<128x129xf32, #tpu.memory_space<vmem>> -> memref<8x128xf32, #tpu.memory_space<vmem>>
      %dma_start3A_987 = arith.constant 0 : i32
      %dma_start3A_988 = arith.constant 0 : i32
      %dma_start3A_989 = tpu.memref_slice %arg4[%select_n3A_945, %dma_start3A_983, %add3A_982, %dma_start3A_987, %dma_start3A_988] : memref<200x4x32x8x128xf32, #tpu.memory_space<hbm>> -> memref<1x1x1x8x128xf32, #tpu.memory_space<hbm>>
      %dma_start3A_990 = tpu.memref_squeeze %dma_start3A_989 : memref<1x1x1x8x128xf32, #tpu.memory_space<hbm>> -> memref<8x128xf32, #tpu.memory_space<hbm>>
      %dma_start3A_991 = arith.constant 0 : i32
      %dma_start3A_992 = arith.constant 0 : i32
      %dma_start3A_993 = tpu.memref_slice %arg4[%select_n3A_945, %dma_start3A_983, %add3A_982, %dma_start3A_991, %dma_start3A_992] : memref<200x4x32x8x128xf32, #tpu.memory_space<hbm>> -> memref<1x1x1x8x128xf32, #tpu.memory_space<hbm>>
      %dma_start3A_994 = tpu.memref_squeeze %dma_start3A_993 : memref<1x1x1x8x128xf32, #tpu.memory_space<hbm>> -> memref<8x128xf32, #tpu.memory_space<hbm>>
      %dma_start3A_995 = arith.constant 8 : i32
      %dma_start3A_996 = arith.constant 0 : i32
      %dma_start3A_997 = tpu.memref_slice %arg9[%dma_start3A_995, %dma_start3A_996] : memref<128x129xf32, #tpu.memory_space<vmem>> -> memref<8x128xf32, #tpu.memory_space<vmem>>
      tpu.enqueue_dma source(%dma_start3A_997 : memref<8x128xf32, #tpu.memory_space<vmem>>) target(%dma_start3A_994 : memref<8x128xf32, #tpu.memory_space<hbm>>) target_semaphore(%arg13 : memref<!tpu.dma_semaphore, #tpu.memory_space<semaphore_mem>>)
      %add3A_998 = arith.constant 2 : i32
      %add3A_999 = arith.addi %mul3A_963, %add3A_998 : i32
      %dma_start3A_1000 = arith.constant 0 : i32
      %dma_start3A_1001 = arith.constant 16 : i32
      %dma_start3A_1002 = arith.constant 0 : i32
      %dma_start3A_1003 = tpu.memref_slice %arg9[%dma_start3A_1001, %dma_start3A_1002] : memref<128x129xf32, #tpu.memory_space<vmem>> -> memref<8x128xf32, #tpu.memory_space<vmem>>
      %dma_start3A_1004 = arith.constant 0 : i32
      %dma_start3A_1005 = arith.constant 0 : i32
      %dma_start3A_1006 = tpu.memref_slice %arg4[%select_n3A_945, %dma_start3A_1000, %add3A_999, %dma_start3A_1004, %dma_start3A_1005] : memref<200x4x32x8x128xf32, #tpu.memory_space<hbm>> -> memref<1x1x1x8x128xf32, #tpu.memory_space<hbm>>
      %dma_start3A_1007 = tpu.memref_squeeze %dma_start3A_1006 : memref<1x1x1x8x128xf32, #tpu.memory_space<hbm>> -> memref<8x128xf32, #tpu.memory_space<hbm>>
      %dma_start3A_1008 = arith.constant 0 : i32
      %dma_start3A_1009 = arith.constant 0 : i32
      %dma_start3A_1010 = tpu.memref_slice %arg4[%select_n3A_945, %dma_start3A_1000, %add3A_999, %dma_start3A_1008, %dma_start3A_1009] : memref<200x4x32x8x128xf32, #tpu.memory_space<hbm>> -> memref<1x1x1x8x128xf32, #tpu.memory_space<hbm>>
      %dma_start3A_1011 = tpu.memref_squeeze %dma_start3A_1010 : memref<1x1x1x8x128xf32, #tpu.memory_space<hbm>> -> memref<8x128xf32, #tpu.memory_space<hbm>>
      %dma_start3A_1012 = arith.constant 16 : i32
      %dma_start3A_1013 = arith.constant 0 : i32
      %dma_start3A_1014 = tpu.memref_slice %arg9[%dma_start3A_1012, %dma_start3A_1013] : memref<128x129xf32, #tpu.memory_space<vmem>> -> memref<8x128xf32, #tpu.memory_space<vmem>>
      tpu.enqueue_dma source(%dma_start3A_1014 : memref<8x128xf32, #tpu.memory_space<vmem>>) target(%dma_start3A_1011 : memref<8x128xf32, #tpu.memory_space<hbm>>) target_semaphore(%arg13 : memref<!tpu.dma_semaphore, #tpu.memory_space<semaphore_mem>>)
      %add3A_1015 = arith.constant 3 : i32
      %add3A_1016 = arith.addi %mul3A_963, %add3A_1015 : i32
      %dma_start3A_1017 = arith.constant 0 : i32
      %dma_start3A_1018 = arith.constant 24 : i32
      %dma_start3A_1019 = arith.constant 0 : i32
      %dma_start3A_1020 = tpu.memref_slice %arg9[%dma_start3A_1018, %dma_start3A_1019] : memref<128x129xf32, #tpu.memory_space<vmem>> -> memref<8x128xf32, #tpu.memory_space<vmem>>
      %dma_start3A_1021 = arith.constant 0 : i32
      %dma_start3A_1022 = arith.constant 0 : i32
      %dma_start3A_1023 = tpu.memref_slice %arg4[%select_n3A_945, %dma_start3A_1017, %add3A_1016, %dma_start3A_1021, %dma_start3A_1022] : memref<200x4x32x8x128xf32, #tpu.memory_space<hbm>> -> memref<1x1x1x8x128xf32, #tpu.memory_space<hbm>>
      %dma_start3A_1024 = tpu.memref_squeeze %dma_start3A_1023 : memref<1x1x1x8x128xf32, #tpu.memory_space<hbm>> -> memref<8x128xf32, #tpu.memory_space<hbm>>
      %dma_start3A_1025 = arith.constant 0 : i32
      %dma_start3A_1026 = arith.constant 0 : i32
      %dma_start3A_1027 = tpu.memref_slice %arg4[%select_n3A_945, %dma_start3A_1017, %add3A_1016, %dma_start3A_1025, %dma_start3A_1026] : memref<200x4x32x8x128xf32, #tpu.memory_space<hbm>> -> memref<1x1x1x8x128xf32, #tpu.memory_space<hbm>>
      %dma_start3A_1028 = tpu.memref_squeeze %dma_start3A_1027 : memref<1x1x1x8x128xf32, #tpu.memory_space<hbm>> -> memref<8x128xf32, #tpu.memory_space<hbm>>
      %dma_start3A_1029 = arith.constant 24 : i32
      %dma_start3A_1030 = arith.constant 0 : i32
      %dma_start3A_1031 = tpu.memref_slice %arg9[%dma_start3A_1029, %dma_start3A_1030] : memref<128x129xf32, #tpu.memory_space<vmem>> -> memref<8x128xf32, #tpu.memory_space<vmem>>
      tpu.enqueue_dma source(%dma_start3A_1031 : memref<8x128xf32, #tpu.memory_space<vmem>>) target(%dma_start3A_1028 : memref<8x128xf32, #tpu.memory_space<hbm>>) target_semaphore(%arg13 : memref<!tpu.dma_semaphore, #tpu.memory_space<semaphore_mem>>)
      %add3A_1032 = arith.constant 0 : i32
      %add3A_1033 = arith.addi %mul3A_963, %add3A_1032 : i32
      %dma_start3A_1034 = arith.constant 1 : i32
      %dma_start3A_1035 = arith.constant 32 : i32
      %dma_start3A_1036 = arith.constant 0 : i32
      %dma_start3A_1037 = tpu.memref_slice %arg9[%dma_start3A_1035, %dma_start3A_1036] : memref<128x129xf32, #tpu.memory_space<vmem>> -> memref<8x128xf32, #tpu.memory_space<vmem>>
      %dma_start3A_1038 = arith.constant 0 : i32
      %dma_start3A_1039 = arith.constant 0 : i32
      %dma_start3A_1040 = tpu.memref_slice %arg4[%select_n3A_945, %dma_start3A_1034, %add3A_1033, %dma_start3A_1038, %dma_start3A_1039] : memref<200x4x32x8x128xf32, #tpu.memory_space<hbm>> -> memref<1x1x1x8x128xf32, #tpu.memory_space<hbm>>
      %dma_start3A_1041 = tpu.memref_squeeze %dma_start3A_1040 : memref<1x1x1x8x128xf32, #tpu.memory_space<hbm>> -> memref<8x128xf32, #tpu.memory_space<hbm>>
      %dma_start3A_1042 = arith.constant 0 : i32
      %dma_start3A_1043 = arith.constant 0 : i32
      %dma_start3A_1044 = tpu.memref_slice %arg4[%select_n3A_945, %dma_start3A_1034, %add3A_1033, %dma_start3A_1042, %dma_start3A_1043] : memref<200x4x32x8x128xf32, #tpu.memory_space<hbm>> -> memref<1x1x1x8x128xf32, #tpu.memory_space<hbm>>
      %dma_start3A_1045 = tpu.memref_squeeze %dma_start3A_1044 : memref<1x1x1x8x128xf32, #tpu.memory_space<hbm>> -> memref<8x128xf32, #tpu.memory_space<hbm>>
      %dma_start3A_1046 = arith.constant 32 : i32
      %dma_start3A_1047 = arith.constant 0 : i32
      %dma_start3A_1048 = tpu.memref_slice %arg9[%dma_start3A_1046, %dma_start3A_1047] : memref<128x129xf32, #tpu.memory_space<vmem>> -> memref<8x128xf32, #tpu.memory_space<vmem>>
      tpu.enqueue_dma source(%dma_start3A_1048 : memref<8x128xf32, #tpu.memory_space<vmem>>) target(%dma_start3A_1045 : memref<8x128xf32, #tpu.memory_space<hbm>>) target_semaphore(%arg13 : memref<!tpu.dma_semaphore, #tpu.memory_space<semaphore_mem>>)
      %add3A_1049 = arith.constant 1 : i32
      %add3A_1050 = arith.addi %mul3A_963, %add3A_1049 : i32
      %dma_start3A_1051 = arith.constant 1 : i32
      %dma_start3A_1052 = arith.constant 40 : i32
      %dma_start3A_1053 = arith.constant 0 : i32
      %dma_start3A_1054 = tpu.memref_slice %arg9[%dma_start3A_1052, %dma_start3A_1053] : memref<128x129xf32, #tpu.memory_space<vmem>> -> memref<8x128xf32, #tpu.memory_space<vmem>>
      %dma_start3A_1055 = arith.constant 0 : i32
      %dma_start3A_1056 = arith.constant 0 : i32
      %dma_start3A_1057 = tpu.memref_slice %arg4[%select_n3A_945, %dma_start3A_1051, %add3A_1050, %dma_start3A_1055, %dma_start3A_1056] : memref<200x4x32x8x128xf32, #tpu.memory_space<hbm>> -> memref<1x1x1x8x128xf32, #tpu.memory_space<hbm>>
      %dma_start3A_1058 = tpu.memref_squeeze %dma_start3A_1057 : memref<1x1x1x8x128xf32, #tpu.memory_space<hbm>> -> memref<8x128xf32, #tpu.memory_space<hbm>>
      %dma_start3A_1059 = arith.constant 0 : i32
      %dma_start3A_1060 = arith.constant 0 : i32
      %dma_start3A_1061 = tpu.memref_slice %arg4[%select_n3A_945, %dma_start3A_1051, %add3A_1050, %dma_start3A_1059, %dma_start3A_1060] : memref<200x4x32x8x128xf32, #tpu.memory_space<hbm>> -> memref<1x1x1x8x128xf32, #tpu.memory_space<hbm>>
      %dma_start3A_1062 = tpu.memref_squeeze %dma_start3A_1061 : memref<1x1x1x8x128xf32, #tpu.memory_space<hbm>> -> memref<8x128xf32, #tpu.memory_space<hbm>>
      %dma_start3A_1063 = arith.constant 40 : i32
      %dma_start3A_1064 = arith.constant 0 : i32
      %dma_start3A_1065 = tpu.memref_slice %arg9[%dma_start3A_1063, %dma_start3A_1064] : memref<128x129xf32, #tpu.memory_space<vmem>> -> memref<8x128xf32, #tpu.memory_space<vmem>>
      tpu.enqueue_dma source(%dma_start3A_1065 : memref<8x128xf32, #tpu.memory_space<vmem>>) target(%dma_start3A_1062 : memref<8x128xf32, #tpu.memory_space<hbm>>) target_semaphore(%arg13 : memref<!tpu.dma_semaphore, #tpu.memory_space<semaphore_mem>>)
      %add3A_1066 = arith.constant 2 : i32
      %add3A_1067 = arith.addi %mul3A_963, %add3A_1066 : i32
      %dma_start3A_1068 = arith.constant 1 : i32
      %dma_start3A_1069 = arith.constant 48 : i32
      %dma_start3A_1070 = arith.constant 0 : i32
      %dma_start3A_1071 = tpu.memref_slice %arg9[%dma_start3A_1069, %dma_start3A_1070] : memref<128x129xf32, #tpu.memory_space<vmem>> -> memref<8x128xf32, #tpu.memory_space<vmem>>
      %dma_start3A_1072 = arith.constant 0 : i32
      %dma_start3A_1073 = arith.constant 0 : i32
      %dma_start3A_1074 = tpu.memref_slice %arg4[%select_n3A_945, %dma_start3A_1068, %add3A_1067, %dma_start3A_1072, %dma_start3A_1073] : memref<200x4x32x8x128xf32, #tpu.memory_space<hbm>> -> memref<1x1x1x8x128xf32, #tpu.memory_space<hbm>>
      %dma_start3A_1075 = tpu.memref_squeeze %dma_start3A_1074 : memref<1x1x1x8x128xf32, #tpu.memory_space<hbm>> -> memref<8x128xf32, #tpu.memory_space<hbm>>
      %dma_start3A_1076 = arith.constant 0 : i32
      %dma_start3A_1077 = arith.constant 0 : i32
      %dma_start3A_1078 = tpu.memref_slice %arg4[%select_n3A_945, %dma_start3A_1068, %add3A_1067, %dma_start3A_1076, %dma_start3A_1077] : memref<200x4x32x8x128xf32, #tpu.memory_space<hbm>> -> memref<1x1x1x8x128xf32, #tpu.memory_space<hbm>>
      %dma_start3A_1079 = tpu.memref_squeeze %dma_start3A_1078 : memref<1x1x1x8x128xf32, #tpu.memory_space<hbm>> -> memref<8x128xf32, #tpu.memory_space<hbm>>
      %dma_start3A_1080 = arith.constant 48 : i32
      %dma_start3A_1081 = arith.constant 0 : i32
      %dma_start3A_1082 = tpu.memref_slice %arg9[%dma_start3A_1080, %dma_start3A_1081] : memref<128x129xf32, #tpu.memory_space<vmem>> -> memref<8x128xf32, #tpu.memory_space<vmem>>
      tpu.enqueue_dma source(%dma_start3A_1082 : memref<8x128xf32, #tpu.memory_space<vmem>>) target(%dma_start3A_1079 : memref<8x128xf32, #tpu.memory_space<hbm>>) target_semaphore(%arg13 : memref<!tpu.dma_semaphore, #tpu.memory_space<semaphore_mem>>)
      %add3A_1083 = arith.constant 3 : i32
      %add3A_1084 = arith.addi %mul3A_963, %add3A_1083 : i32
      %dma_start3A_1085 = arith.constant 1 : i32
      %dma_start3A_1086 = arith.constant 56 : i32
      %dma_start3A_1087 = arith.constant 0 : i32
      %dma_start3A_1088 = tpu.memref_slice %arg9[%dma_start3A_1086, %dma_start3A_1087] : memref<128x129xf32, #tpu.memory_space<vmem>> -> memref<8x128xf32, #tpu.memory_space<vmem>>
      %dma_start3A_1089 = arith.constant 0 : i32
      %dma_start3A_1090 = arith.constant 0 : i32
      %dma_start3A_1091 = tpu.memref_slice %arg4[%select_n3A_945, %dma_start3A_1085, %add3A_1084, %dma_start3A_1089, %dma_start3A_1090] : memref<200x4x32x8x128xf32, #tpu.memory_space<hbm>> -> memref<1x1x1x8x128xf32, #tpu.memory_space<hbm>>
      %dma_start3A_1092 = tpu.memref_squeeze %dma_start3A_1091 : memref<1x1x1x8x128xf32, #tpu.memory_space<hbm>> -> memref<8x128xf32, #tpu.memory_space<hbm>>
      %dma_start3A_1093 = arith.constant 0 : i32
      %dma_start3A_1094 = arith.constant 0 : i32
      %dma_start3A_1095 = tpu.memref_slice %arg4[%select_n3A_945, %dma_start3A_1085, %add3A_1084, %dma_start3A_1093, %dma_start3A_1094] : memref<200x4x32x8x128xf32, #tpu.memory_space<hbm>> -> memref<1x1x1x8x128xf32, #tpu.memory_space<hbm>>
      %dma_start3A_1096 = tpu.memref_squeeze %dma_start3A_1095 : memref<1x1x1x8x128xf32, #tpu.memory_space<hbm>> -> memref<8x128xf32, #tpu.memory_space<hbm>>
      %dma_start3A_1097 = arith.constant 56 : i32
      %dma_start3A_1098 = arith.constant 0 : i32
      %dma_start3A_1099 = tpu.memref_slice %arg9[%dma_start3A_1097, %dma_start3A_1098] : memref<128x129xf32, #tpu.memory_space<vmem>> -> memref<8x128xf32, #tpu.memory_space<vmem>>
      tpu.enqueue_dma source(%dma_start3A_1099 : memref<8x128xf32, #tpu.memory_space<vmem>>) target(%dma_start3A_1096 : memref<8x128xf32, #tpu.memory_space<hbm>>) target_semaphore(%arg13 : memref<!tpu.dma_semaphore, #tpu.memory_space<semaphore_mem>>)
      %add3A_1100 = arith.constant 0 : i32
      %add3A_1101 = arith.addi %mul3A_963, %add3A_1100 : i32
      %dma_start3A_1102 = arith.constant 2 : i32
      %dma_start3A_1103 = arith.constant 64 : i32
      %dma_start3A_1104 = arith.constant 0 : i32
      %dma_start3A_1105 = tpu.memref_slice %arg9[%dma_start3A_1103, %dma_start3A_1104] : memref<128x129xf32, #tpu.memory_space<vmem>> -> memref<8x128xf32, #tpu.memory_space<vmem>>
      %dma_start3A_1106 = arith.constant 0 : i32
      %dma_start3A_1107 = arith.constant 0 : i32
      %dma_start3A_1108 = tpu.memref_slice %arg4[%select_n3A_945, %dma_start3A_1102, %add3A_1101, %dma_start3A_1106, %dma_start3A_1107] : memref<200x4x32x8x128xf32, #tpu.memory_space<hbm>> -> memref<1x1x1x8x128xf32, #tpu.memory_space<hbm>>
      %dma_start3A_1109 = tpu.memref_squeeze %dma_start3A_1108 : memref<1x1x1x8x128xf32, #tpu.memory_space<hbm>> -> memref<8x128xf32, #tpu.memory_space<hbm>>
      %dma_start3A_1110 = arith.constant 0 : i32
      %dma_start3A_1111 = arith.constant 0 : i32
      %dma_start3A_1112 = tpu.memref_slice %arg4[%select_n3A_945, %dma_start3A_1102, %add3A_1101, %dma_start3A_1110, %dma_start3A_1111] : memref<200x4x32x8x128xf32, #tpu.memory_space<hbm>> -> memref<1x1x1x8x128xf32, #tpu.memory_space<hbm>>
      %dma_start3A_1113 = tpu.memref_squeeze %dma_start3A_1112 : memref<1x1x1x8x128xf32, #tpu.memory_space<hbm>> -> memref<8x128xf32, #tpu.memory_space<hbm>>
      %dma_start3A_1114 = arith.constant 64 : i32
      %dma_start3A_1115 = arith.constant 0 : i32
      %dma_start3A_1116 = tpu.memref_slice %arg9[%dma_start3A_1114, %dma_start3A_1115] : memref<128x129xf32, #tpu.memory_space<vmem>> -> memref<8x128xf32, #tpu.memory_space<vmem>>
      tpu.enqueue_dma source(%dma_start3A_1116 : memref<8x128xf32, #tpu.memory_space<vmem>>) target(%dma_start3A_1113 : memref<8x128xf32, #tpu.memory_space<hbm>>) target_semaphore(%arg13 : memref<!tpu.dma_semaphore, #tpu.memory_space<semaphore_mem>>)
      %add3A_1117 = arith.constant 1 : i32
      %add3A_1118 = arith.addi %mul3A_963, %add3A_1117 : i32
      %dma_start3A_1119 = arith.constant 2 : i32
      %dma_start3A_1120 = arith.constant 72 : i32
      %dma_start3A_1121 = arith.constant 0 : i32
      %dma_start3A_1122 = tpu.memref_slice %arg9[%dma_start3A_1120, %dma_start3A_1121] : memref<128x129xf32, #tpu.memory_space<vmem>> -> memref<8x128xf32, #tpu.memory_space<vmem>>
      %dma_start3A_1123 = arith.constant 0 : i32
      %dma_start3A_1124 = arith.constant 0 : i32
      %dma_start3A_1125 = tpu.memref_slice %arg4[%select_n3A_945, %dma_start3A_1119, %add3A_1118, %dma_start3A_1123, %dma_start3A_1124] : memref<200x4x32x8x128xf32, #tpu.memory_space<hbm>> -> memref<1x1x1x8x128xf32, #tpu.memory_space<hbm>>
      %dma_start3A_1126 = tpu.memref_squeeze %dma_start3A_1125 : memref<1x1x1x8x128xf32, #tpu.memory_space<hbm>> -> memref<8x128xf32, #tpu.memory_space<hbm>>
      %dma_start3A_1127 = arith.constant 0 : i32
      %dma_start3A_1128 = arith.constant 0 : i32
      %dma_start3A_1129 = tpu.memref_slice %arg4[%select_n3A_945, %dma_start3A_1119, %add3A_1118, %dma_start3A_1127, %dma_start3A_1128] : memref<200x4x32x8x128xf32, #tpu.memory_space<hbm>> -> memref<1x1x1x8x128xf32, #tpu.memory_space<hbm>>
      %dma_start3A_1130 = tpu.memref_squeeze %dma_start3A_1129 : memref<1x1x1x8x128xf32, #tpu.memory_space<hbm>> -> memref<8x128xf32, #tpu.memory_space<hbm>>
      %dma_start3A_1131 = arith.constant 72 : i32
      %dma_start3A_1132 = arith.constant 0 : i32
      %dma_start3A_1133 = tpu.memref_slice %arg9[%dma_start3A_1131, %dma_start3A_1132] : memref<128x129xf32, #tpu.memory_space<vmem>> -> memref<8x128xf32, #tpu.memory_space<vmem>>
      tpu.enqueue_dma source(%dma_start3A_1133 : memref<8x128xf32, #tpu.memory_space<vmem>>) target(%dma_start3A_1130 : memref<8x128xf32, #tpu.memory_space<hbm>>) target_semaphore(%arg13 : memref<!tpu.dma_semaphore, #tpu.memory_space<semaphore_mem>>)
      %add3A_1134 = arith.constant 2 : i32
      %add3A_1135 = arith.addi %mul3A_963, %add3A_1134 : i32
      %dma_start3A_1136 = arith.constant 2 : i32
      %dma_start3A_1137 = arith.constant 80 : i32
      %dma_start3A_1138 = arith.constant 0 : i32
      %dma_start3A_1139 = tpu.memref_slice %arg9[%dma_start3A_1137, %dma_start3A_1138] : memref<128x129xf32, #tpu.memory_space<vmem>> -> memref<8x128xf32, #tpu.memory_space<vmem>>
      %dma_start3A_1140 = arith.constant 0 : i32
      %dma_start3A_1141 = arith.constant 0 : i32
      %dma_start3A_1142 = tpu.memref_slice %arg4[%select_n3A_945, %dma_start3A_1136, %add3A_1135, %dma_start3A_1140, %dma_start3A_1141] : memref<200x4x32x8x128xf32, #tpu.memory_space<hbm>> -> memref<1x1x1x8x128xf32, #tpu.memory_space<hbm>>
      %dma_start3A_1143 = tpu.memref_squeeze %dma_start3A_1142 : memref<1x1x1x8x128xf32, #tpu.memory_space<hbm>> -> memref<8x128xf32, #tpu.memory_space<hbm>>
      %dma_start3A_1144 = arith.constant 0 : i32
      %dma_start3A_1145 = arith.constant 0 : i32
      %dma_start3A_1146 = tpu.memref_slice %arg4[%select_n3A_945, %dma_start3A_1136, %add3A_1135, %dma_start3A_1144, %dma_start3A_1145] : memref<200x4x32x8x128xf32, #tpu.memory_space<hbm>> -> memref<1x1x1x8x128xf32, #tpu.memory_space<hbm>>
      %dma_start3A_1147 = tpu.memref_squeeze %dma_start3A_1146 : memref<1x1x1x8x128xf32, #tpu.memory_space<hbm>> -> memref<8x128xf32, #tpu.memory_space<hbm>>
      %dma_start3A_1148 = arith.constant 80 : i32
      %dma_start3A_1149 = arith.constant 0 : i32
      %dma_start3A_1150 = tpu.memref_slice %arg9[%dma_start3A_1148, %dma_start3A_1149] : memref<128x129xf32, #tpu.memory_space<vmem>> -> memref<8x128xf32, #tpu.memory_space<vmem>>
      tpu.enqueue_dma source(%dma_start3A_1150 : memref<8x128xf32, #tpu.memory_space<vmem>>) target(%dma_start3A_1147 : memref<8x128xf32, #tpu.memory_space<hbm>>) target_semaphore(%arg13 : memref<!tpu.dma_semaphore, #tpu.memory_space<semaphore_mem>>)
      %add3A_1151 = arith.constant 3 : i32
      %add3A_1152 = arith.addi %mul3A_963, %add3A_1151 : i32
      %dma_start3A_1153 = arith.constant 2 : i32
      %dma_start3A_1154 = arith.constant 88 : i32
      %dma_start3A_1155 = arith.constant 0 : i32
      %dma_start3A_1156 = tpu.memref_slice %arg9[%dma_start3A_1154, %dma_start3A_1155] : memref<128x129xf32, #tpu.memory_space<vmem>> -> memref<8x128xf32, #tpu.memory_space<vmem>>
      %dma_start3A_1157 = arith.constant 0 : i32
      %dma_start3A_1158 = arith.constant 0 : i32
      %dma_start3A_1159 = tpu.memref_slice %arg4[%select_n3A_945, %dma_start3A_1153, %add3A_1152, %dma_start3A_1157, %dma_start3A_1158] : memref<200x4x32x8x128xf32, #tpu.memory_space<hbm>> -> memref<1x1x1x8x128xf32, #tpu.memory_space<hbm>>
      %dma_start3A_1160 = tpu.memref_squeeze %dma_start3A_1159 : memref<1x1x1x8x128xf32, #tpu.memory_space<hbm>> -> memref<8x128xf32, #tpu.memory_space<hbm>>
      %dma_start3A_1161 = arith.constant 0 : i32
      %dma_start3A_1162 = arith.constant 0 : i32
      %dma_start3A_1163 = tpu.memref_slice %arg4[%select_n3A_945, %dma_start3A_1153, %add3A_1152, %dma_start3A_1161, %dma_start3A_1162] : memref<200x4x32x8x128xf32, #tpu.memory_space<hbm>> -> memref<1x1x1x8x128xf32, #tpu.memory_space<hbm>>
      %dma_start3A_1164 = tpu.memref_squeeze %dma_start3A_1163 : memref<1x1x1x8x128xf32, #tpu.memory_space<hbm>> -> memref<8x128xf32, #tpu.memory_space<hbm>>
      %dma_start3A_1165 = arith.constant 88 : i32
      %dma_start3A_1166 = arith.constant 0 : i32
      %dma_start3A_1167 = tpu.memref_slice %arg9[%dma_start3A_1165, %dma_start3A_1166] : memref<128x129xf32, #tpu.memory_space<vmem>> -> memref<8x128xf32, #tpu.memory_space<vmem>>
      tpu.enqueue_dma source(%dma_start3A_1167 : memref<8x128xf32, #tpu.memory_space<vmem>>) target(%dma_start3A_1164 : memref<8x128xf32, #tpu.memory_space<hbm>>) target_semaphore(%arg13 : memref<!tpu.dma_semaphore, #tpu.memory_space<semaphore_mem>>)
      %add3A_1168 = arith.constant 0 : i32
      %add3A_1169 = arith.addi %mul3A_963, %add3A_1168 : i32
      %dma_start3A_1170 = arith.constant 3 : i32
      %dma_start3A_1171 = arith.constant 96 : i32
      %dma_start3A_1172 = arith.constant 0 : i32
      %dma_start3A_1173 = tpu.memref_slice %arg9[%dma_start3A_1171, %dma_start3A_1172] : memref<128x129xf32, #tpu.memory_space<vmem>> -> memref<8x128xf32, #tpu.memory_space<vmem>>
      %dma_start3A_1174 = arith.constant 0 : i32
      %dma_start3A_1175 = arith.constant 0 : i32
      %dma_start3A_1176 = tpu.memref_slice %arg4[%select_n3A_945, %dma_start3A_1170, %add3A_1169, %dma_start3A_1174, %dma_start3A_1175] : memref<200x4x32x8x128xf32, #tpu.memory_space<hbm>> -> memref<1x1x1x8x128xf32, #tpu.memory_space<hbm>>
      %dma_start3A_1177 = tpu.memref_squeeze %dma_start3A_1176 : memref<1x1x1x8x128xf32, #tpu.memory_space<hbm>> -> memref<8x128xf32, #tpu.memory_space<hbm>>
      %dma_start3A_1178 = arith.constant 0 : i32
      %dma_start3A_1179 = arith.constant 0 : i32
      %dma_start3A_1180 = tpu.memref_slice %arg4[%select_n3A_945, %dma_start3A_1170, %add3A_1169, %dma_start3A_1178, %dma_start3A_1179] : memref<200x4x32x8x128xf32, #tpu.memory_space<hbm>> -> memref<1x1x1x8x128xf32, #tpu.memory_space<hbm>>
      %dma_start3A_1181 = tpu.memref_squeeze %dma_start3A_1180 : memref<1x1x1x8x128xf32, #tpu.memory_space<hbm>> -> memref<8x128xf32, #tpu.memory_space<hbm>>
      %dma_start3A_1182 = arith.constant 96 : i32
      %dma_start3A_1183 = arith.constant 0 : i32
      %dma_start3A_1184 = tpu.memref_slice %arg9[%dma_start3A_1182, %dma_start3A_1183] : memref<128x129xf32, #tpu.memory_space<vmem>> -> memref<8x128xf32, #tpu.memory_space<vmem>>
      tpu.enqueue_dma source(%dma_start3A_1184 : memref<8x128xf32, #tpu.memory_space<vmem>>) target(%dma_start3A_1181 : memref<8x128xf32, #tpu.memory_space<hbm>>) target_semaphore(%arg13 : memref<!tpu.dma_semaphore, #tpu.memory_space<semaphore_mem>>)
      %add3A_1185 = arith.constant 1 : i32
      %add3A_1186 = arith.addi %mul3A_963, %add3A_1185 : i32
      %dma_start3A_1187 = arith.constant 3 : i32
      %dma_start3A_1188 = arith.constant 104 : i32
      %dma_start3A_1189 = arith.constant 0 : i32
      %dma_start3A_1190 = tpu.memref_slice %arg9[%dma_start3A_1188, %dma_start3A_1189] : memref<128x129xf32, #tpu.memory_space<vmem>> -> memref<8x128xf32, #tpu.memory_space<vmem>>
      %dma_start3A_1191 = arith.constant 0 : i32
      %dma_start3A_1192 = arith.constant 0 : i32
      %dma_start3A_1193 = tpu.memref_slice %arg4[%select_n3A_945, %dma_start3A_1187, %add3A_1186, %dma_start3A_1191, %dma_start3A_1192] : memref<200x4x32x8x128xf32, #tpu.memory_space<hbm>> -> memref<1x1x1x8x128xf32, #tpu.memory_space<hbm>>
      %dma_start3A_1194 = tpu.memref_squeeze %dma_start3A_1193 : memref<1x1x1x8x128xf32, #tpu.memory_space<hbm>> -> memref<8x128xf32, #tpu.memory_space<hbm>>
      %dma_start3A_1195 = arith.constant 0 : i32
      %dma_start3A_1196 = arith.constant 0 : i32
      %dma_start3A_1197 = tpu.memref_slice %arg4[%select_n3A_945, %dma_start3A_1187, %add3A_1186, %dma_start3A_1195, %dma_start3A_1196] : memref<200x4x32x8x128xf32, #tpu.memory_space<hbm>> -> memref<1x1x1x8x128xf32, #tpu.memory_space<hbm>>
      %dma_start3A_1198 = tpu.memref_squeeze %dma_start3A_1197 : memref<1x1x1x8x128xf32, #tpu.memory_space<hbm>> -> memref<8x128xf32, #tpu.memory_space<hbm>>
      %dma_start3A_1199 = arith.constant 104 : i32
      %dma_start3A_1200 = arith.constant 0 : i32
      %dma_start3A_1201 = tpu.memref_slice %arg9[%dma_start3A_1199, %dma_start3A_1200] : memref<128x129xf32, #tpu.memory_space<vmem>> -> memref<8x128xf32, #tpu.memory_space<vmem>>
      tpu.enqueue_dma source(%dma_start3A_1201 : memref<8x128xf32, #tpu.memory_space<vmem>>) target(%dma_start3A_1198 : memref<8x128xf32, #tpu.memory_space<hbm>>) target_semaphore(%arg13 : memref<!tpu.dma_semaphore, #tpu.memory_space<semaphore_mem>>)
      %add3A_1202 = arith.constant 2 : i32
      %add3A_1203 = arith.addi %mul3A_963, %add3A_1202 : i32
      %dma_start3A_1204 = arith.constant 3 : i32
      %dma_start3A_1205 = arith.constant 112 : i32
      %dma_start3A_1206 = arith.constant 0 : i32
      %dma_start3A_1207 = tpu.memref_slice %arg9[%dma_start3A_1205, %dma_start3A_1206] : memref<128x129xf32, #tpu.memory_space<vmem>> -> memref<8x128xf32, #tpu.memory_space<vmem>>
      %dma_start3A_1208 = arith.constant 0 : i32
      %dma_start3A_1209 = arith.constant 0 : i32
      %dma_start3A_1210 = tpu.memref_slice %arg4[%select_n3A_945, %dma_start3A_1204, %add3A_1203, %dma_start3A_1208, %dma_start3A_1209] : memref<200x4x32x8x128xf32, #tpu.memory_space<hbm>> -> memref<1x1x1x8x128xf32, #tpu.memory_space<hbm>>
      %dma_start3A_1211 = tpu.memref_squeeze %dma_start3A_1210 : memref<1x1x1x8x128xf32, #tpu.memory_space<hbm>> -> memref<8x128xf32, #tpu.memory_space<hbm>>
      %dma_start3A_1212 = arith.constant 0 : i32
      %dma_start3A_1213 = arith.constant 0 : i32
      %dma_start3A_1214 = tpu.memref_slice %arg4[%select_n3A_945, %dma_start3A_1204, %add3A_1203, %dma_start3A_1212, %dma_start3A_1213] : memref<200x4x32x8x128xf32, #tpu.memory_space<hbm>> -> memref<1x1x1x8x128xf32, #tpu.memory_space<hbm>>
      %dma_start3A_1215 = tpu.memref_squeeze %dma_start3A_1214 : memref<1x1x1x8x128xf32, #tpu.memory_space<hbm>> -> memref<8x128xf32, #tpu.memory_space<hbm>>
      %dma_start3A_1216 = arith.constant 112 : i32
      %dma_start3A_1217 = arith.constant 0 : i32
      %dma_start3A_1218 = tpu.memref_slice %arg9[%dma_start3A_1216, %dma_start3A_1217] : memref<128x129xf32, #tpu.memory_space<vmem>> -> memref<8x128xf32, #tpu.memory_space<vmem>>
      tpu.enqueue_dma source(%dma_start3A_1218 : memref<8x128xf32, #tpu.memory_space<vmem>>) target(%dma_start3A_1215 : memref<8x128xf32, #tpu.memory_space<hbm>>) target_semaphore(%arg13 : memref<!tpu.dma_semaphore, #tpu.memory_space<semaphore_mem>>)
      %add3A_1219 = arith.constant 3 : i32
      %add3A_1220 = arith.addi %mul3A_963, %add3A_1219 : i32
      %dma_start3A_1221 = arith.constant 3 : i32
      %dma_start3A_1222 = arith.constant 120 : i32
      %dma_start3A_1223 = arith.constant 0 : i32
      %dma_start3A_1224 = tpu.memref_slice %arg9[%dma_start3A_1222, %dma_start3A_1223] : memref<128x129xf32, #tpu.memory_space<vmem>> -> memref<8x128xf32, #tpu.memory_space<vmem>>
      %dma_start3A_1225 = arith.constant 0 : i32
      %dma_start3A_1226 = arith.constant 0 : i32
      %dma_start3A_1227 = tpu.memref_slice %arg4[%select_n3A_945, %dma_start3A_1221, %add3A_1220, %dma_start3A_1225, %dma_start3A_1226] : memref<200x4x32x8x128xf32, #tpu.memory_space<hbm>> -> memref<1x1x1x8x128xf32, #tpu.memory_space<hbm>>
      %dma_start3A_1228 = tpu.memref_squeeze %dma_start3A_1227 : memref<1x1x1x8x128xf32, #tpu.memory_space<hbm>> -> memref<8x128xf32, #tpu.memory_space<hbm>>
      %dma_start3A_1229 = arith.constant 0 : i32
      %dma_start3A_1230 = arith.constant 0 : i32
      %dma_start3A_1231 = tpu.memref_slice %arg4[%select_n3A_945, %dma_start3A_1221, %add3A_1220, %dma_start3A_1229, %dma_start3A_1230] : memref<200x4x32x8x128xf32, #tpu.memory_space<hbm>> -> memref<1x1x1x8x128xf32, #tpu.memory_space<hbm>>
      %dma_start3A_1232 = tpu.memref_squeeze %dma_start3A_1231 : memref<1x1x1x8x128xf32, #tpu.memory_space<hbm>> -> memref<8x128xf32, #tpu.memory_space<hbm>>
      %dma_start3A_1233 = arith.constant 120 : i32
      %dma_start3A_1234 = arith.constant 0 : i32
      %dma_start3A_1235 = tpu.memref_slice %arg9[%dma_start3A_1233, %dma_start3A_1234] : memref<128x129xf32, #tpu.memory_space<vmem>> -> memref<8x128xf32, #tpu.memory_space<vmem>>
      tpu.enqueue_dma source(%dma_start3A_1235 : memref<8x128xf32, #tpu.memory_space<vmem>>) target(%dma_start3A_1232 : memref<8x128xf32, #tpu.memory_space<hbm>>) target_semaphore(%arg13 : memref<!tpu.dma_semaphore, #tpu.memory_space<semaphore_mem>>)
    }
    %scan3A_22 = arith.constant 25 : i32
    %dma_wait3A = arith.constant 0 : i32
    %dma_wait3A_23 = arith.constant 0 : i32
    %dma_wait3A_24 = arith.constant 0 : i32
    %dma_wait3A_25 = arith.constant 0 : i32
    %dma_wait3A_26 = arith.constant 0 : i32
    %dma_wait3A_27 = tpu.memref_slice %arg8[%dma_wait3A_25, %dma_wait3A_26] : memref<128x129xf32, #tpu.memory_space<vmem>> -> memref<8x128xf32, #tpu.memory_space<vmem>>
    %dma_wait3A_28 = arith.constant 0 : i32
    %dma_wait3A_29 = arith.constant 0 : i32
    %dma_wait3A_30 = tpu.memref_slice %arg4[%dma_wait3A, %dma_wait3A_23, %dma_wait3A_24, %dma_wait3A_28, %dma_wait3A_29] : memref<200x4x32x8x128xf32, #tpu.memory_space<hbm>> -> memref<1x1x1x8x128xf32, #tpu.memory_space<hbm>>
    %dma_wait3A_31 = tpu.memref_squeeze %dma_wait3A_30 : memref<1x1x1x8x128xf32, #tpu.memory_space<hbm>> -> memref<8x128xf32, #tpu.memory_space<hbm>>
    %dma_wait3A_32 = arith.constant 0 : i32
    %dma_wait3A_33 = arith.constant 0 : i32
    %dma_wait3A_34 = tpu.memref_slice %arg4[%dma_wait3A, %dma_wait3A_23, %dma_wait3A_24, %dma_wait3A_32, %dma_wait3A_33] : memref<200x4x32x8x128xf32, #tpu.memory_space<hbm>> -> memref<1x1x1x8x128xf32, #tpu.memory_space<hbm>>
    %dma_wait3A_35 = tpu.memref_squeeze %dma_wait3A_34 : memref<1x1x1x8x128xf32, #tpu.memory_space<hbm>> -> memref<8x128xf32, #tpu.memory_space<hbm>>
    %dma_wait3A_36 = arith.constant 0 : i32
    %dma_wait3A_37 = arith.constant 0 : i32
    %dma_wait3A_38 = tpu.memref_slice %arg8[%dma_wait3A_36, %dma_wait3A_37] : memref<128x129xf32, #tpu.memory_space<vmem>> -> memref<8x128xf32, #tpu.memory_space<vmem>>
    tpu.wait_dma2 semaphore(%arg12 : memref<!tpu.dma_semaphore, #tpu.memory_space<semaphore_mem>>) src(%dma_wait3A_38 : memref<8x128xf32, #tpu.memory_space<vmem>>) dst(%dma_wait3A_35 : memref<8x128xf32, #tpu.memory_space<hbm>>)
    %dma_wait3A_39 = arith.constant 0 : i32
    %dma_wait3A_40 = arith.constant 0 : i32
    %dma_wait3A_41 = arith.constant 0 : i32
    %dma_wait3A_42 = arith.constant 0 : i32
    %dma_wait3A_43 = arith.constant 0 : i32
    %dma_wait3A_44 = tpu.memref_slice %arg8[%dma_wait3A_42, %dma_wait3A_43] : memref<128x129xf32, #tpu.memory_space<vmem>> -> memref<8x128xf32, #tpu.memory_space<vmem>>
    %dma_wait3A_45 = arith.constant 0 : i32
    %dma_wait3A_46 = arith.constant 0 : i32
    %dma_wait3A_47 = tpu.memref_slice %arg4[%dma_wait3A_39, %dma_wait3A_40, %dma_wait3A_41, %dma_wait3A_45, %dma_wait3A_46] : memref<200x4x32x8x128xf32, #tpu.memory_space<hbm>> -> memref<1x1x1x8x128xf32, #tpu.memory_space<hbm>>
    %dma_wait3A_48 = tpu.memref_squeeze %dma_wait3A_47 : memref<1x1x1x8x128xf32, #tpu.memory_space<hbm>> -> memref<8x128xf32, #tpu.memory_space<hbm>>
    %dma_wait3A_49 = arith.constant 0 : i32
    %dma_wait3A_50 = arith.constant 0 : i32
    %dma_wait3A_51 = tpu.memref_slice %arg4[%dma_wait3A_39, %dma_wait3A_40, %dma_wait3A_41, %dma_wait3A_49, %dma_wait3A_50] : memref<200x4x32x8x128xf32, #tpu.memory_space<hbm>> -> memref<1x1x1x8x128xf32, #tpu.memory_space<hbm>>
    %dma_wait3A_52 = tpu.memref_squeeze %dma_wait3A_51 : memref<1x1x1x8x128xf32, #tpu.memory_space<hbm>> -> memref<8x128xf32, #tpu.memory_space<hbm>>
    %dma_wait3A_53 = arith.constant 0 : i32
    %dma_wait3A_54 = arith.constant 0 : i32
    %dma_wait3A_55 = tpu.memref_slice %arg8[%dma_wait3A_53, %dma_wait3A_54] : memref<128x129xf32, #tpu.memory_space<vmem>> -> memref<8x128xf32, #tpu.memory_space<vmem>>
    tpu.wait_dma2 semaphore(%arg12 : memref<!tpu.dma_semaphore, #tpu.memory_space<semaphore_mem>>) src(%dma_wait3A_55 : memref<8x128xf32, #tpu.memory_space<vmem>>) dst(%dma_wait3A_52 : memref<8x128xf32, #tpu.memory_space<hbm>>)
    %dma_wait3A_56 = arith.constant 0 : i32
    %dma_wait3A_57 = arith.constant 0 : i32
    %dma_wait3A_58 = arith.constant 0 : i32
    %dma_wait3A_59 = arith.constant 0 : i32
    %dma_wait3A_60 = arith.constant 0 : i32
    %dma_wait3A_61 = tpu.memref_slice %arg8[%dma_wait3A_59, %dma_wait3A_60] : memref<128x129xf32, #tpu.memory_space<vmem>> -> memref<8x128xf32, #tpu.memory_space<vmem>>
    %dma_wait3A_62 = arith.constant 0 : i32
    %dma_wait3A_63 = arith.constant 0 : i32
    %dma_wait3A_64 = tpu.memref_slice %arg4[%dma_wait3A_56, %dma_wait3A_57, %dma_wait3A_58, %dma_wait3A_62, %dma_wait3A_63] : memref<200x4x32x8x128xf32, #tpu.memory_space<hbm>> -> memref<1x1x1x8x128xf32, #tpu.memory_space<hbm>>
    %dma_wait3A_65 = tpu.memref_squeeze %dma_wait3A_64 : memref<1x1x1x8x128xf32, #tpu.memory_space<hbm>> -> memref<8x128xf32, #tpu.memory_space<hbm>>
    %dma_wait3A_66 = arith.constant 0 : i32
    %dma_wait3A_67 = arith.constant 0 : i32
    %dma_wait3A_68 = tpu.memref_slice %arg4[%dma_wait3A_56, %dma_wait3A_57, %dma_wait3A_58, %dma_wait3A_66, %dma_wait3A_67] : memref<200x4x32x8x128xf32, #tpu.memory_space<hbm>> -> memref<1x1x1x8x128xf32, #tpu.memory_space<hbm>>
    %dma_wait3A_69 = tpu.memref_squeeze %dma_wait3A_68 : memref<1x1x1x8x128xf32, #tpu.memory_space<hbm>> -> memref<8x128xf32, #tpu.memory_space<hbm>>
    %dma_wait3A_70 = arith.constant 0 : i32
    %dma_wait3A_71 = arith.constant 0 : i32
    %dma_wait3A_72 = tpu.memref_slice %arg8[%dma_wait3A_70, %dma_wait3A_71] : memref<128x129xf32, #tpu.memory_space<vmem>> -> memref<8x128xf32, #tpu.memory_space<vmem>>
    tpu.wait_dma2 semaphore(%arg12 : memref<!tpu.dma_semaphore, #tpu.memory_space<semaphore_mem>>) src(%dma_wait3A_72 : memref<8x128xf32, #tpu.memory_space<vmem>>) dst(%dma_wait3A_69 : memref<8x128xf32, #tpu.memory_space<hbm>>)
    %dma_wait3A_73 = arith.constant 0 : i32
    %dma_wait3A_74 = arith.constant 0 : i32
    %dma_wait3A_75 = arith.constant 0 : i32
    %dma_wait3A_76 = arith.constant 0 : i32
    %dma_wait3A_77 = arith.constant 0 : i32
    %dma_wait3A_78 = tpu.memref_slice %arg8[%dma_wait3A_76, %dma_wait3A_77] : memref<128x129xf32, #tpu.memory_space<vmem>> -> memref<8x128xf32, #tpu.memory_space<vmem>>
    %dma_wait3A_79 = arith.constant 0 : i32
    %dma_wait3A_80 = arith.constant 0 : i32
    %dma_wait3A_81 = tpu.memref_slice %arg4[%dma_wait3A_73, %dma_wait3A_74, %dma_wait3A_75, %dma_wait3A_79, %dma_wait3A_80] : memref<200x4x32x8x128xf32, #tpu.memory_space<hbm>> -> memref<1x1x1x8x128xf32, #tpu.memory_space<hbm>>
    %dma_wait3A_82 = tpu.memref_squeeze %dma_wait3A_81 : memref<1x1x1x8x128xf32, #tpu.memory_space<hbm>> -> memref<8x128xf32, #tpu.memory_space<hbm>>
    %dma_wait3A_83 = arith.constant 0 : i32
    %dma_wait3A_84 = arith.constant 0 : i32
    %dma_wait3A_85 = tpu.memref_slice %arg4[%dma_wait3A_73, %dma_wait3A_74, %dma_wait3A_75, %dma_wait3A_83, %dma_wait3A_84] : memref<200x4x32x8x128xf32, #tpu.memory_space<hbm>> -> memref<1x1x1x8x128xf32, #tpu.memory_space<hbm>>
    %dma_wait3A_86 = tpu.memref_squeeze %dma_wait3A_85 : memref<1x1x1x8x128xf32, #tpu.memory_space<hbm>> -> memref<8x128xf32, #tpu.memory_space<hbm>>
    %dma_wait3A_87 = arith.constant 0 : i32
    %dma_wait3A_88 = arith.constant 0 : i32
    %dma_wait3A_89 = tpu.memref_slice %arg8[%dma_wait3A_87, %dma_wait3A_88] : memref<128x129xf32, #tpu.memory_space<vmem>> -> memref<8x128xf32, #tpu.memory_space<vmem>>
    tpu.wait_dma2 semaphore(%arg12 : memref<!tpu.dma_semaphore, #tpu.memory_space<semaphore_mem>>) src(%dma_wait3A_89 : memref<8x128xf32, #tpu.memory_space<vmem>>) dst(%dma_wait3A_86 : memref<8x128xf32, #tpu.memory_space<hbm>>)
    %dma_wait3A_90 = arith.constant 0 : i32
    %dma_wait3A_91 = arith.constant 0 : i32
    %dma_wait3A_92 = arith.constant 0 : i32
    %dma_wait3A_93 = arith.constant 0 : i32
    %dma_wait3A_94 = arith.constant 0 : i32
    %dma_wait3A_95 = tpu.memref_slice %arg8[%dma_wait3A_93, %dma_wait3A_94] : memref<128x129xf32, #tpu.memory_space<vmem>> -> memref<8x128xf32, #tpu.memory_space<vmem>>
    %dma_wait3A_96 = arith.constant 0 : i32
    %dma_wait3A_97 = arith.constant 0 : i32
    %dma_wait3A_98 = tpu.memref_slice %arg4[%dma_wait3A_90, %dma_wait3A_91, %dma_wait3A_92, %dma_wait3A_96, %dma_wait3A_97] : memref<200x4x32x8x128xf32, #tpu.memory_space<hbm>> -> memref<1x1x1x8x128xf32, #tpu.memory_space<hbm>>
    %dma_wait3A_99 = tpu.memref_squeeze %dma_wait3A_98 : memref<1x1x1x8x128xf32, #tpu.memory_space<hbm>> -> memref<8x128xf32, #tpu.memory_space<hbm>>
    %dma_wait3A_100 = arith.constant 0 : i32
    %dma_wait3A_101 = arith.constant 0 : i32
    %dma_wait3A_102 = tpu.memref_slice %arg4[%dma_wait3A_90, %dma_wait3A_91, %dma_wait3A_92, %dma_wait3A_100, %dma_wait3A_101] : memref<200x4x32x8x128xf32, #tpu.memory_space<hbm>> -> memref<1x1x1x8x128xf32, #tpu.memory_space<hbm>>
    %dma_wait3A_103 = tpu.memref_squeeze %dma_wait3A_102 : memref<1x1x1x8x128xf32, #tpu.memory_space<hbm>> -> memref<8x128xf32, #tpu.memory_space<hbm>>
    %dma_wait3A_104 = arith.constant 0 : i32
    %dma_wait3A_105 = arith.constant 0 : i32
    %dma_wait3A_106 = tpu.memref_slice %arg8[%dma_wait3A_104, %dma_wait3A_105] : memref<128x129xf32, #tpu.memory_space<vmem>> -> memref<8x128xf32, #tpu.memory_space<vmem>>
    tpu.wait_dma2 semaphore(%arg12 : memref<!tpu.dma_semaphore, #tpu.memory_space<semaphore_mem>>) src(%dma_wait3A_106 : memref<8x128xf32, #tpu.memory_space<vmem>>) dst(%dma_wait3A_103 : memref<8x128xf32, #tpu.memory_space<hbm>>)
    %dma_wait3A_107 = arith.constant 0 : i32
    %dma_wait3A_108 = arith.constant 0 : i32
    %dma_wait3A_109 = arith.constant 0 : i32
    %dma_wait3A_110 = arith.constant 0 : i32
    %dma_wait3A_111 = arith.constant 0 : i32
    %dma_wait3A_112 = tpu.memref_slice %arg8[%dma_wait3A_110, %dma_wait3A_111] : memref<128x129xf32, #tpu.memory_space<vmem>> -> memref<8x128xf32, #tpu.memory_space<vmem>>
    %dma_wait3A_113 = arith.constant 0 : i32
    %dma_wait3A_114 = arith.constant 0 : i32
    %dma_wait3A_115 = tpu.memref_slice %arg4[%dma_wait3A_107, %dma_wait3A_108, %dma_wait3A_109, %dma_wait3A_113, %dma_wait3A_114] : memref<200x4x32x8x128xf32, #tpu.memory_space<hbm>> -> memref<1x1x1x8x128xf32, #tpu.memory_space<hbm>>
    %dma_wait3A_116 = tpu.memref_squeeze %dma_wait3A_115 : memref<1x1x1x8x128xf32, #tpu.memory_space<hbm>> -> memref<8x128xf32, #tpu.memory_space<hbm>>
    %dma_wait3A_117 = arith.constant 0 : i32
    %dma_wait3A_118 = arith.constant 0 : i32
    %dma_wait3A_119 = tpu.memref_slice %arg4[%dma_wait3A_107, %dma_wait3A_108, %dma_wait3A_109, %dma_wait3A_117, %dma_wait3A_118] : memref<200x4x32x8x128xf32, #tpu.memory_space<hbm>> -> memref<1x1x1x8x128xf32, #tpu.memory_space<hbm>>
    %dma_wait3A_120 = tpu.memref_squeeze %dma_wait3A_119 : memref<1x1x1x8x128xf32, #tpu.memory_space<hbm>> -> memref<8x128xf32, #tpu.memory_space<hbm>>
    %dma_wait3A_121 = arith.constant 0 : i32
    %dma_wait3A_122 = arith.constant 0 : i32
    %dma_wait3A_123 = tpu.memref_slice %arg8[%dma_wait3A_121, %dma_wait3A_122] : memref<128x129xf32, #tpu.memory_space<vmem>> -> memref<8x128xf32, #tpu.memory_space<vmem>>
    tpu.wait_dma2 semaphore(%arg12 : memref<!tpu.dma_semaphore, #tpu.memory_space<semaphore_mem>>) src(%dma_wait3A_123 : memref<8x128xf32, #tpu.memory_space<vmem>>) dst(%dma_wait3A_120 : memref<8x128xf32, #tpu.memory_space<hbm>>)
    %dma_wait3A_124 = arith.constant 0 : i32
    %dma_wait3A_125 = arith.constant 0 : i32
    %dma_wait3A_126 = arith.constant 0 : i32
    %dma_wait3A_127 = arith.constant 0 : i32
    %dma_wait3A_128 = arith.constant 0 : i32
    %dma_wait3A_129 = tpu.memref_slice %arg8[%dma_wait3A_127, %dma_wait3A_128] : memref<128x129xf32, #tpu.memory_space<vmem>> -> memref<8x128xf32, #tpu.memory_space<vmem>>
    %dma_wait3A_130 = arith.constant 0 : i32
    %dma_wait3A_131 = arith.constant 0 : i32
    %dma_wait3A_132 = tpu.memref_slice %arg4[%dma_wait3A_124, %dma_wait3A_125, %dma_wait3A_126, %dma_wait3A_130, %dma_wait3A_131] : memref<200x4x32x8x128xf32, #tpu.memory_space<hbm>> -> memref<1x1x1x8x128xf32, #tpu.memory_space<hbm>>
    %dma_wait3A_133 = tpu.memref_squeeze %dma_wait3A_132 : memref<1x1x1x8x128xf32, #tpu.memory_space<hbm>> -> memref<8x128xf32, #tpu.memory_space<hbm>>
    %dma_wait3A_134 = arith.constant 0 : i32
    %dma_wait3A_135 = arith.constant 0 : i32
    %dma_wait3A_136 = tpu.memref_slice %arg4[%dma_wait3A_124, %dma_wait3A_125, %dma_wait3A_126, %dma_wait3A_134, %dma_wait3A_135] : memref<200x4x32x8x128xf32, #tpu.memory_space<hbm>> -> memref<1x1x1x8x128xf32, #tpu.memory_space<hbm>>
    %dma_wait3A_137 = tpu.memref_squeeze %dma_wait3A_136 : memref<1x1x1x8x128xf32, #tpu.memory_space<hbm>> -> memref<8x128xf32, #tpu.memory_space<hbm>>
    %dma_wait3A_138 = arith.constant 0 : i32
    %dma_wait3A_139 = arith.constant 0 : i32
    %dma_wait3A_140 = tpu.memref_slice %arg8[%dma_wait3A_138, %dma_wait3A_139] : memref<128x129xf32, #tpu.memory_space<vmem>> -> memref<8x128xf32, #tpu.memory_space<vmem>>
    tpu.wait_dma2 semaphore(%arg12 : memref<!tpu.dma_semaphore, #tpu.memory_space<semaphore_mem>>) src(%dma_wait3A_140 : memref<8x128xf32, #tpu.memory_space<vmem>>) dst(%dma_wait3A_137 : memref<8x128xf32, #tpu.memory_space<hbm>>)
    %dma_wait3A_141 = arith.constant 0 : i32
    %dma_wait3A_142 = arith.constant 0 : i32
    %dma_wait3A_143 = arith.constant 0 : i32
    %dma_wait3A_144 = arith.constant 0 : i32
    %dma_wait3A_145 = arith.constant 0 : i32
    %dma_wait3A_146 = tpu.memref_slice %arg8[%dma_wait3A_144, %dma_wait3A_145] : memref<128x129xf32, #tpu.memory_space<vmem>> -> memref<8x128xf32, #tpu.memory_space<vmem>>
    %dma_wait3A_147 = arith.constant 0 : i32
    %dma_wait3A_148 = arith.constant 0 : i32
    %dma_wait3A_149 = tpu.memref_slice %arg4[%dma_wait3A_141, %dma_wait3A_142, %dma_wait3A_143, %dma_wait3A_147, %dma_wait3A_148] : memref<200x4x32x8x128xf32, #tpu.memory_space<hbm>> -> memref<1x1x1x8x128xf32, #tpu.memory_space<hbm>>
    %dma_wait3A_150 = tpu.memref_squeeze %dma_wait3A_149 : memref<1x1x1x8x128xf32, #tpu.memory_space<hbm>> -> memref<8x128xf32, #tpu.memory_space<hbm>>
    %dma_wait3A_151 = arith.constant 0 : i32
    %dma_wait3A_152 = arith.constant 0 : i32
    %dma_wait3A_153 = tpu.memref_slice %arg4[%dma_wait3A_141, %dma_wait3A_142, %dma_wait3A_143, %dma_wait3A_151, %dma_wait3A_152] : memref<200x4x32x8x128xf32, #tpu.memory_space<hbm>> -> memref<1x1x1x8x128xf32, #tpu.memory_space<hbm>>
    %dma_wait3A_154 = tpu.memref_squeeze %dma_wait3A_153 : memref<1x1x1x8x128xf32, #tpu.memory_space<hbm>> -> memref<8x128xf32, #tpu.memory_space<hbm>>
    %dma_wait3A_155 = arith.constant 0 : i32
    %dma_wait3A_156 = arith.constant 0 : i32
    %dma_wait3A_157 = tpu.memref_slice %arg8[%dma_wait3A_155, %dma_wait3A_156] : memref<128x129xf32, #tpu.memory_space<vmem>> -> memref<8x128xf32, #tpu.memory_space<vmem>>
    tpu.wait_dma2 semaphore(%arg12 : memref<!tpu.dma_semaphore, #tpu.memory_space<semaphore_mem>>) src(%dma_wait3A_157 : memref<8x128xf32, #tpu.memory_space<vmem>>) dst(%dma_wait3A_154 : memref<8x128xf32, #tpu.memory_space<hbm>>)
    %dma_wait3A_158 = arith.constant 0 : i32
    %dma_wait3A_159 = arith.constant 0 : i32
    %dma_wait3A_160 = arith.constant 0 : i32
    %dma_wait3A_161 = arith.constant 0 : i32
    %dma_wait3A_162 = arith.constant 0 : i32
    %dma_wait3A_163 = tpu.memref_slice %arg8[%dma_wait3A_161, %dma_wait3A_162] : memref<128x129xf32, #tpu.memory_space<vmem>> -> memref<8x128xf32, #tpu.memory_space<vmem>>
    %dma_wait3A_164 = arith.constant 0 : i32
    %dma_wait3A_165 = arith.constant 0 : i32
    %dma_wait3A_166 = tpu.memref_slice %arg4[%dma_wait3A_158, %dma_wait3A_159, %dma_wait3A_160, %dma_wait3A_164, %dma_wait3A_165] : memref<200x4x32x8x128xf32, #tpu.memory_space<hbm>> -> memref<1x1x1x8x128xf32, #tpu.memory_space<hbm>>
    %dma_wait3A_167 = tpu.memref_squeeze %dma_wait3A_166 : memref<1x1x1x8x128xf32, #tpu.memory_space<hbm>> -> memref<8x128xf32, #tpu.memory_space<hbm>>
    %dma_wait3A_168 = arith.constant 0 : i32
    %dma_wait3A_169 = arith.constant 0 : i32
    %dma_wait3A_170 = tpu.memref_slice %arg4[%dma_wait3A_158, %dma_wait3A_159, %dma_wait3A_160, %dma_wait3A_168, %dma_wait3A_169] : memref<200x4x32x8x128xf32, #tpu.memory_space<hbm>> -> memref<1x1x1x8x128xf32, #tpu.memory_space<hbm>>
    %dma_wait3A_171 = tpu.memref_squeeze %dma_wait3A_170 : memref<1x1x1x8x128xf32, #tpu.memory_space<hbm>> -> memref<8x128xf32, #tpu.memory_space<hbm>>
    %dma_wait3A_172 = arith.constant 0 : i32
    %dma_wait3A_173 = arith.constant 0 : i32
    %dma_wait3A_174 = tpu.memref_slice %arg8[%dma_wait3A_172, %dma_wait3A_173] : memref<128x129xf32, #tpu.memory_space<vmem>> -> memref<8x128xf32, #tpu.memory_space<vmem>>
    tpu.wait_dma2 semaphore(%arg12 : memref<!tpu.dma_semaphore, #tpu.memory_space<semaphore_mem>>) src(%dma_wait3A_174 : memref<8x128xf32, #tpu.memory_space<vmem>>) dst(%dma_wait3A_171 : memref<8x128xf32, #tpu.memory_space<hbm>>)
    %dma_wait3A_175 = arith.constant 0 : i32
    %dma_wait3A_176 = arith.constant 0 : i32
    %dma_wait3A_177 = arith.constant 0 : i32
    %dma_wait3A_178 = arith.constant 0 : i32
    %dma_wait3A_179 = arith.constant 0 : i32
    %dma_wait3A_180 = tpu.memref_slice %arg8[%dma_wait3A_178, %dma_wait3A_179] : memref<128x129xf32, #tpu.memory_space<vmem>> -> memref<8x128xf32, #tpu.memory_space<vmem>>
    %dma_wait3A_181 = arith.constant 0 : i32
    %dma_wait3A_182 = arith.constant 0 : i32
    %dma_wait3A_183 = tpu.memref_slice %arg4[%dma_wait3A_175, %dma_wait3A_176, %dma_wait3A_177, %dma_wait3A_181, %dma_wait3A_182] : memref<200x4x32x8x128xf32, #tpu.memory_space<hbm>> -> memref<1x1x1x8x128xf32, #tpu.memory_space<hbm>>
    %dma_wait3A_184 = tpu.memref_squeeze %dma_wait3A_183 : memref<1x1x1x8x128xf32, #tpu.memory_space<hbm>> -> memref<8x128xf32, #tpu.memory_space<hbm>>
    %dma_wait3A_185 = arith.constant 0 : i32
    %dma_wait3A_186 = arith.constant 0 : i32
    %dma_wait3A_187 = tpu.memref_slice %arg4[%dma_wait3A_175, %dma_wait3A_176, %dma_wait3A_177, %dma_wait3A_185, %dma_wait3A_186] : memref<200x4x32x8x128xf32, #tpu.memory_space<hbm>> -> memref<1x1x1x8x128xf32, #tpu.memory_space<hbm>>
    %dma_wait3A_188 = tpu.memref_squeeze %dma_wait3A_187 : memref<1x1x1x8x128xf32, #tpu.memory_space<hbm>> -> memref<8x128xf32, #tpu.memory_space<hbm>>
    %dma_wait3A_189 = arith.constant 0 : i32
    %dma_wait3A_190 = arith.constant 0 : i32
    %dma_wait3A_191 = tpu.memref_slice %arg8[%dma_wait3A_189, %dma_wait3A_190] : memref<128x129xf32, #tpu.memory_space<vmem>> -> memref<8x128xf32, #tpu.memory_space<vmem>>
    tpu.wait_dma2 semaphore(%arg12 : memref<!tpu.dma_semaphore, #tpu.memory_space<semaphore_mem>>) src(%dma_wait3A_191 : memref<8x128xf32, #tpu.memory_space<vmem>>) dst(%dma_wait3A_188 : memref<8x128xf32, #tpu.memory_space<hbm>>)
    %dma_wait3A_192 = arith.constant 0 : i32
    %dma_wait3A_193 = arith.constant 0 : i32
    %dma_wait3A_194 = arith.constant 0 : i32
    %dma_wait3A_195 = arith.constant 0 : i32
    %dma_wait3A_196 = arith.constant 0 : i32
    %dma_wait3A_197 = tpu.memref_slice %arg8[%dma_wait3A_195, %dma_wait3A_196] : memref<128x129xf32, #tpu.memory_space<vmem>> -> memref<8x128xf32, #tpu.memory_space<vmem>>
    %dma_wait3A_198 = arith.constant 0 : i32
    %dma_wait3A_199 = arith.constant 0 : i32
    %dma_wait3A_200 = tpu.memref_slice %arg4[%dma_wait3A_192, %dma_wait3A_193, %dma_wait3A_194, %dma_wait3A_198, %dma_wait3A_199] : memref<200x4x32x8x128xf32, #tpu.memory_space<hbm>> -> memref<1x1x1x8x128xf32, #tpu.memory_space<hbm>>
    %dma_wait3A_201 = tpu.memref_squeeze %dma_wait3A_200 : memref<1x1x1x8x128xf32, #tpu.memory_space<hbm>> -> memref<8x128xf32, #tpu.memory_space<hbm>>
    %dma_wait3A_202 = arith.constant 0 : i32
    %dma_wait3A_203 = arith.constant 0 : i32
    %dma_wait3A_204 = tpu.memref_slice %arg4[%dma_wait3A_192, %dma_wait3A_193, %dma_wait3A_194, %dma_wait3A_202, %dma_wait3A_203] : memref<200x4x32x8x128xf32, #tpu.memory_space<hbm>> -> memref<1x1x1x8x128xf32, #tpu.memory_space<hbm>>
    %dma_wait3A_205 = tpu.memref_squeeze %dma_wait3A_204 : memref<1x1x1x8x128xf32, #tpu.memory_space<hbm>> -> memref<8x128xf32, #tpu.memory_space<hbm>>
    %dma_wait3A_206 = arith.constant 0 : i32
    %dma_wait3A_207 = arith.constant 0 : i32
    %dma_wait3A_208 = tpu.memref_slice %arg8[%dma_wait3A_206, %dma_wait3A_207] : memref<128x129xf32, #tpu.memory_space<vmem>> -> memref<8x128xf32, #tpu.memory_space<vmem>>
    tpu.wait_dma2 semaphore(%arg12 : memref<!tpu.dma_semaphore, #tpu.memory_space<semaphore_mem>>) src(%dma_wait3A_208 : memref<8x128xf32, #tpu.memory_space<vmem>>) dst(%dma_wait3A_205 : memref<8x128xf32, #tpu.memory_space<hbm>>)
    %dma_wait3A_209 = arith.constant 0 : i32
    %dma_wait3A_210 = arith.constant 0 : i32
    %dma_wait3A_211 = arith.constant 0 : i32
    %dma_wait3A_212 = arith.constant 0 : i32
    %dma_wait3A_213 = arith.constant 0 : i32
    %dma_wait3A_214 = tpu.memref_slice %arg8[%dma_wait3A_212, %dma_wait3A_213] : memref<128x129xf32, #tpu.memory_space<vmem>> -> memref<8x128xf32, #tpu.memory_space<vmem>>
    %dma_wait3A_215 = arith.constant 0 : i32
    %dma_wait3A_216 = arith.constant 0 : i32
    %dma_wait3A_217 = tpu.memref_slice %arg4[%dma_wait3A_209, %dma_wait3A_210, %dma_wait3A_211, %dma_wait3A_215, %dma_wait3A_216] : memref<200x4x32x8x128xf32, #tpu.memory_space<hbm>> -> memref<1x1x1x8x128xf32, #tpu.memory_space<hbm>>
    %dma_wait3A_218 = tpu.memref_squeeze %dma_wait3A_217 : memref<1x1x1x8x128xf32, #tpu.memory_space<hbm>> -> memref<8x128xf32, #tpu.memory_space<hbm>>
    %dma_wait3A_219 = arith.constant 0 : i32
    %dma_wait3A_220 = arith.constant 0 : i32
    %dma_wait3A_221 = tpu.memref_slice %arg4[%dma_wait3A_209, %dma_wait3A_210, %dma_wait3A_211, %dma_wait3A_219, %dma_wait3A_220] : memref<200x4x32x8x128xf32, #tpu.memory_space<hbm>> -> memref<1x1x1x8x128xf32, #tpu.memory_space<hbm>>
    %dma_wait3A_222 = tpu.memref_squeeze %dma_wait3A_221 : memref<1x1x1x8x128xf32, #tpu.memory_space<hbm>> -> memref<8x128xf32, #tpu.memory_space<hbm>>
    %dma_wait3A_223 = arith.constant 0 : i32
    %dma_wait3A_224 = arith.constant 0 : i32
    %dma_wait3A_225 = tpu.memref_slice %arg8[%dma_wait3A_223, %dma_wait3A_224] : memref<128x129xf32, #tpu.memory_space<vmem>> -> memref<8x128xf32, #tpu.memory_space<vmem>>
    tpu.wait_dma2 semaphore(%arg12 : memref<!tpu.dma_semaphore, #tpu.memory_space<semaphore_mem>>) src(%dma_wait3A_225 : memref<8x128xf32, #tpu.memory_space<vmem>>) dst(%dma_wait3A_222 : memref<8x128xf32, #tpu.memory_space<hbm>>)
    %dma_wait3A_226 = arith.constant 0 : i32
    %dma_wait3A_227 = arith.constant 0 : i32
    %dma_wait3A_228 = arith.constant 0 : i32
    %dma_wait3A_229 = arith.constant 0 : i32
    %dma_wait3A_230 = arith.constant 0 : i32
    %dma_wait3A_231 = tpu.memref_slice %arg8[%dma_wait3A_229, %dma_wait3A_230] : memref<128x129xf32, #tpu.memory_space<vmem>> -> memref<8x128xf32, #tpu.memory_space<vmem>>
    %dma_wait3A_232 = arith.constant 0 : i32
    %dma_wait3A_233 = arith.constant 0 : i32
    %dma_wait3A_234 = tpu.memref_slice %arg4[%dma_wait3A_226, %dma_wait3A_227, %dma_wait3A_228, %dma_wait3A_232, %dma_wait3A_233] : memref<200x4x32x8x128xf32, #tpu.memory_space<hbm>> -> memref<1x1x1x8x128xf32, #tpu.memory_space<hbm>>
    %dma_wait3A_235 = tpu.memref_squeeze %dma_wait3A_234 : memref<1x1x1x8x128xf32, #tpu.memory_space<hbm>> -> memref<8x128xf32, #tpu.memory_space<hbm>>
    %dma_wait3A_236 = arith.constant 0 : i32
    %dma_wait3A_237 = arith.constant 0 : i32
    %dma_wait3A_238 = tpu.memref_slice %arg4[%dma_wait3A_226, %dma_wait3A_227, %dma_wait3A_228, %dma_wait3A_236, %dma_wait3A_237] : memref<200x4x32x8x128xf32, #tpu.memory_space<hbm>> -> memref<1x1x1x8x128xf32, #tpu.memory_space<hbm>>
    %dma_wait3A_239 = tpu.memref_squeeze %dma_wait3A_238 : memref<1x1x1x8x128xf32, #tpu.memory_space<hbm>> -> memref<8x128xf32, #tpu.memory_space<hbm>>
    %dma_wait3A_240 = arith.constant 0 : i32
    %dma_wait3A_241 = arith.constant 0 : i32
    %dma_wait3A_242 = tpu.memref_slice %arg8[%dma_wait3A_240, %dma_wait3A_241] : memref<128x129xf32, #tpu.memory_space<vmem>> -> memref<8x128xf32, #tpu.memory_space<vmem>>
    tpu.wait_dma2 semaphore(%arg12 : memref<!tpu.dma_semaphore, #tpu.memory_space<semaphore_mem>>) src(%dma_wait3A_242 : memref<8x128xf32, #tpu.memory_space<vmem>>) dst(%dma_wait3A_239 : memref<8x128xf32, #tpu.memory_space<hbm>>)
    %dma_wait3A_243 = arith.constant 0 : i32
    %dma_wait3A_244 = arith.constant 0 : i32
    %dma_wait3A_245 = arith.constant 0 : i32
    %dma_wait3A_246 = arith.constant 0 : i32
    %dma_wait3A_247 = arith.constant 0 : i32
    %dma_wait3A_248 = tpu.memref_slice %arg8[%dma_wait3A_246, %dma_wait3A_247] : memref<128x129xf32, #tpu.memory_space<vmem>> -> memref<8x128xf32, #tpu.memory_space<vmem>>
    %dma_wait3A_249 = arith.constant 0 : i32
    %dma_wait3A_250 = arith.constant 0 : i32
    %dma_wait3A_251 = tpu.memref_slice %arg4[%dma_wait3A_243, %dma_wait3A_244, %dma_wait3A_245, %dma_wait3A_249, %dma_wait3A_250] : memref<200x4x32x8x128xf32, #tpu.memory_space<hbm>> -> memref<1x1x1x8x128xf32, #tpu.memory_space<hbm>>
    %dma_wait3A_252 = tpu.memref_squeeze %dma_wait3A_251 : memref<1x1x1x8x128xf32, #tpu.memory_space<hbm>> -> memref<8x128xf32, #tpu.memory_space<hbm>>
    %dma_wait3A_253 = arith.constant 0 : i32
    %dma_wait3A_254 = arith.constant 0 : i32
    %dma_wait3A_255 = tpu.memref_slice %arg4[%dma_wait3A_243, %dma_wait3A_244, %dma_wait3A_245, %dma_wait3A_253, %dma_wait3A_254] : memref<200x4x32x8x128xf32, #tpu.memory_space<hbm>> -> memref<1x1x1x8x128xf32, #tpu.memory_space<hbm>>
    %dma_wait3A_256 = tpu.memref_squeeze %dma_wait3A_255 : memref<1x1x1x8x128xf32, #tpu.memory_space<hbm>> -> memref<8x128xf32, #tpu.memory_space<hbm>>
    %dma_wait3A_257 = arith.constant 0 : i32
    %dma_wait3A_258 = arith.constant 0 : i32
    %dma_wait3A_259 = tpu.memref_slice %arg8[%dma_wait3A_257, %dma_wait3A_258] : memref<128x129xf32, #tpu.memory_space<vmem>> -> memref<8x128xf32, #tpu.memory_space<vmem>>
    tpu.wait_dma2 semaphore(%arg12 : memref<!tpu.dma_semaphore, #tpu.memory_space<semaphore_mem>>) src(%dma_wait3A_259 : memref<8x128xf32, #tpu.memory_space<vmem>>) dst(%dma_wait3A_256 : memref<8x128xf32, #tpu.memory_space<hbm>>)
    %dma_wait3A_260 = arith.constant 0 : i32
    %dma_wait3A_261 = arith.constant 0 : i32
    %dma_wait3A_262 = arith.constant 0 : i32
    %dma_wait3A_263 = arith.constant 0 : i32
    %dma_wait3A_264 = arith.constant 0 : i32
    %dma_wait3A_265 = tpu.memref_slice %arg8[%dma_wait3A_263, %dma_wait3A_264] : memref<128x129xf32, #tpu.memory_space<vmem>> -> memref<8x128xf32, #tpu.memory_space<vmem>>
    %dma_wait3A_266 = arith.constant 0 : i32
    %dma_wait3A_267 = arith.constant 0 : i32
    %dma_wait3A_268 = tpu.memref_slice %arg4[%dma_wait3A_260, %dma_wait3A_261, %dma_wait3A_262, %dma_wait3A_266, %dma_wait3A_267] : memref<200x4x32x8x128xf32, #tpu.memory_space<hbm>> -> memref<1x1x1x8x128xf32, #tpu.memory_space<hbm>>
    %dma_wait3A_269 = tpu.memref_squeeze %dma_wait3A_268 : memref<1x1x1x8x128xf32, #tpu.memory_space<hbm>> -> memref<8x128xf32, #tpu.memory_space<hbm>>
    %dma_wait3A_270 = arith.constant 0 : i32
    %dma_wait3A_271 = arith.constant 0 : i32
    %dma_wait3A_272 = tpu.memref_slice %arg4[%dma_wait3A_260, %dma_wait3A_261, %dma_wait3A_262, %dma_wait3A_270, %dma_wait3A_271] : memref<200x4x32x8x128xf32, #tpu.memory_space<hbm>> -> memref<1x1x1x8x128xf32, #tpu.memory_space<hbm>>
    %dma_wait3A_273 = tpu.memref_squeeze %dma_wait3A_272 : memref<1x1x1x8x128xf32, #tpu.memory_space<hbm>> -> memref<8x128xf32, #tpu.memory_space<hbm>>
    %dma_wait3A_274 = arith.constant 0 : i32
    %dma_wait3A_275 = arith.constant 0 : i32
    %dma_wait3A_276 = tpu.memref_slice %arg8[%dma_wait3A_274, %dma_wait3A_275] : memref<128x129xf32, #tpu.memory_space<vmem>> -> memref<8x128xf32, #tpu.memory_space<vmem>>
    tpu.wait_dma2 semaphore(%arg12 : memref<!tpu.dma_semaphore, #tpu.memory_space<semaphore_mem>>) src(%dma_wait3A_276 : memref<8x128xf32, #tpu.memory_space<vmem>>) dst(%dma_wait3A_273 : memref<8x128xf32, #tpu.memory_space<hbm>>)
    %dma_wait3A_277 = arith.constant 0 : i32
    %dma_wait3A_278 = arith.constant 0 : i32
    %dma_wait3A_279 = arith.constant 0 : i32
    %dma_wait3A_280 = arith.constant 0 : i32
    %dma_wait3A_281 = arith.constant 0 : i32
    %dma_wait3A_282 = tpu.memref_slice %arg8[%dma_wait3A_280, %dma_wait3A_281] : memref<128x129xf32, #tpu.memory_space<vmem>> -> memref<8x128xf32, #tpu.memory_space<vmem>>
    %dma_wait3A_283 = arith.constant 0 : i32
    %dma_wait3A_284 = arith.constant 0 : i32
    %dma_wait3A_285 = tpu.memref_slice %arg4[%dma_wait3A_277, %dma_wait3A_278, %dma_wait3A_279, %dma_wait3A_283, %dma_wait3A_284] : memref<200x4x32x8x128xf32, #tpu.memory_space<hbm>> -> memref<1x1x1x8x128xf32, #tpu.memory_space<hbm>>
    %dma_wait3A_286 = tpu.memref_squeeze %dma_wait3A_285 : memref<1x1x1x8x128xf32, #tpu.memory_space<hbm>> -> memref<8x128xf32, #tpu.memory_space<hbm>>
    %dma_wait3A_287 = arith.constant 0 : i32
    %dma_wait3A_288 = arith.constant 0 : i32
    %dma_wait3A_289 = tpu.memref_slice %arg4[%dma_wait3A_277, %dma_wait3A_278, %dma_wait3A_279, %dma_wait3A_287, %dma_wait3A_288] : memref<200x4x32x8x128xf32, #tpu.memory_space<hbm>> -> memref<1x1x1x8x128xf32, #tpu.memory_space<hbm>>
    %dma_wait3A_290 = tpu.memref_squeeze %dma_wait3A_289 : memref<1x1x1x8x128xf32, #tpu.memory_space<hbm>> -> memref<8x128xf32, #tpu.memory_space<hbm>>
    %dma_wait3A_291 = arith.constant 0 : i32
    %dma_wait3A_292 = arith.constant 0 : i32
    %dma_wait3A_293 = tpu.memref_slice %arg8[%dma_wait3A_291, %dma_wait3A_292] : memref<128x129xf32, #tpu.memory_space<vmem>> -> memref<8x128xf32, #tpu.memory_space<vmem>>
    tpu.wait_dma2 semaphore(%arg12 : memref<!tpu.dma_semaphore, #tpu.memory_space<semaphore_mem>>) src(%dma_wait3A_293 : memref<8x128xf32, #tpu.memory_space<vmem>>) dst(%dma_wait3A_290 : memref<8x128xf32, #tpu.memory_space<hbm>>)
    %dma_wait3A_294 = arith.constant 0 : i32
    %dma_wait3A_295 = arith.constant 0 : i32
    %dma_wait3A_296 = arith.constant 0 : i32
    %dma_wait3A_297 = arith.constant 0 : i32
    %dma_wait3A_298 = arith.constant 0 : i32
    %dma_wait3A_299 = tpu.memref_slice %arg9[%dma_wait3A_297, %dma_wait3A_298] : memref<128x129xf32, #tpu.memory_space<vmem>> -> memref<8x128xf32, #tpu.memory_space<vmem>>
    %dma_wait3A_300 = arith.constant 0 : i32
    %dma_wait3A_301 = arith.constant 0 : i32
    %dma_wait3A_302 = tpu.memref_slice %arg4[%dma_wait3A_294, %dma_wait3A_295, %dma_wait3A_296, %dma_wait3A_300, %dma_wait3A_301] : memref<200x4x32x8x128xf32, #tpu.memory_space<hbm>> -> memref<1x1x1x8x128xf32, #tpu.memory_space<hbm>>
    %dma_wait3A_303 = tpu.memref_squeeze %dma_wait3A_302 : memref<1x1x1x8x128xf32, #tpu.memory_space<hbm>> -> memref<8x128xf32, #tpu.memory_space<hbm>>
    %dma_wait3A_304 = arith.constant 0 : i32
    %dma_wait3A_305 = arith.constant 0 : i32
    %dma_wait3A_306 = tpu.memref_slice %arg4[%dma_wait3A_294, %dma_wait3A_295, %dma_wait3A_296, %dma_wait3A_304, %dma_wait3A_305] : memref<200x4x32x8x128xf32, #tpu.memory_space<hbm>> -> memref<1x1x1x8x128xf32, #tpu.memory_space<hbm>>
    %dma_wait3A_307 = tpu.memref_squeeze %dma_wait3A_306 : memref<1x1x1x8x128xf32, #tpu.memory_space<hbm>> -> memref<8x128xf32, #tpu.memory_space<hbm>>
    %dma_wait3A_308 = arith.constant 0 : i32
    %dma_wait3A_309 = arith.constant 0 : i32
    %dma_wait3A_310 = tpu.memref_slice %arg9[%dma_wait3A_308, %dma_wait3A_309] : memref<128x129xf32, #tpu.memory_space<vmem>> -> memref<8x128xf32, #tpu.memory_space<vmem>>
    tpu.wait_dma2 semaphore(%arg13 : memref<!tpu.dma_semaphore, #tpu.memory_space<semaphore_mem>>) src(%dma_wait3A_310 : memref<8x128xf32, #tpu.memory_space<vmem>>) dst(%dma_wait3A_307 : memref<8x128xf32, #tpu.memory_space<hbm>>)
    %dma_wait3A_311 = arith.constant 0 : i32
    %dma_wait3A_312 = arith.constant 0 : i32
    %dma_wait3A_313 = arith.constant 0 : i32
    %dma_wait3A_314 = arith.constant 0 : i32
    %dma_wait3A_315 = arith.constant 0 : i32
    %dma_wait3A_316 = tpu.memref_slice %arg9[%dma_wait3A_314, %dma_wait3A_315] : memref<128x129xf32, #tpu.memory_space<vmem>> -> memref<8x128xf32, #tpu.memory_space<vmem>>
    %dma_wait3A_317 = arith.constant 0 : i32
    %dma_wait3A_318 = arith.constant 0 : i32
    %dma_wait3A_319 = tpu.memref_slice %arg4[%dma_wait3A_311, %dma_wait3A_312, %dma_wait3A_313, %dma_wait3A_317, %dma_wait3A_318] : memref<200x4x32x8x128xf32, #tpu.memory_space<hbm>> -> memref<1x1x1x8x128xf32, #tpu.memory_space<hbm>>
    %dma_wait3A_320 = tpu.memref_squeeze %dma_wait3A_319 : memref<1x1x1x8x128xf32, #tpu.memory_space<hbm>> -> memref<8x128xf32, #tpu.memory_space<hbm>>
    %dma_wait3A_321 = arith.constant 0 : i32
    %dma_wait3A_322 = arith.constant 0 : i32
    %dma_wait3A_323 = tpu.memref_slice %arg4[%dma_wait3A_311, %dma_wait3A_312, %dma_wait3A_313, %dma_wait3A_321, %dma_wait3A_322] : memref<200x4x32x8x128xf32, #tpu.memory_space<hbm>> -> memref<1x1x1x8x128xf32, #tpu.memory_space<hbm>>
    %dma_wait3A_324 = tpu.memref_squeeze %dma_wait3A_323 : memref<1x1x1x8x128xf32, #tpu.memory_space<hbm>> -> memref<8x128xf32, #tpu.memory_space<hbm>>
    %dma_wait3A_325 = arith.constant 0 : i32
    %dma_wait3A_326 = arith.constant 0 : i32
    %dma_wait3A_327 = tpu.memref_slice %arg9[%dma_wait3A_325, %dma_wait3A_326] : memref<128x129xf32, #tpu.memory_space<vmem>> -> memref<8x128xf32, #tpu.memory_space<vmem>>
    tpu.wait_dma2 semaphore(%arg13 : memref<!tpu.dma_semaphore, #tpu.memory_space<semaphore_mem>>) src(%dma_wait3A_327 : memref<8x128xf32, #tpu.memory_space<vmem>>) dst(%dma_wait3A_324 : memref<8x128xf32, #tpu.memory_space<hbm>>)
    %dma_wait3A_328 = arith.constant 0 : i32
    %dma_wait3A_329 = arith.constant 0 : i32
    %dma_wait3A_330 = arith.constant 0 : i32
    %dma_wait3A_331 = arith.constant 0 : i32
    %dma_wait3A_332 = arith.constant 0 : i32
    %dma_wait3A_333 = tpu.memref_slice %arg9[%dma_wait3A_331, %dma_wait3A_332] : memref<128x129xf32, #tpu.memory_space<vmem>> -> memref<8x128xf32, #tpu.memory_space<vmem>>
    %dma_wait3A_334 = arith.constant 0 : i32
    %dma_wait3A_335 = arith.constant 0 : i32
    %dma_wait3A_336 = tpu.memref_slice %arg4[%dma_wait3A_328, %dma_wait3A_329, %dma_wait3A_330, %dma_wait3A_334, %dma_wait3A_335] : memref<200x4x32x8x128xf32, #tpu.memory_space<hbm>> -> memref<1x1x1x8x128xf32, #tpu.memory_space<hbm>>
    %dma_wait3A_337 = tpu.memref_squeeze %dma_wait3A_336 : memref<1x1x1x8x128xf32, #tpu.memory_space<hbm>> -> memref<8x128xf32, #tpu.memory_space<hbm>>
    %dma_wait3A_338 = arith.constant 0 : i32
    %dma_wait3A_339 = arith.constant 0 : i32
    %dma_wait3A_340 = tpu.memref_slice %arg4[%dma_wait3A_328, %dma_wait3A_329, %dma_wait3A_330, %dma_wait3A_338, %dma_wait3A_339] : memref<200x4x32x8x128xf32, #tpu.memory_space<hbm>> -> memref<1x1x1x8x128xf32, #tpu.memory_space<hbm>>
    %dma_wait3A_341 = tpu.memref_squeeze %dma_wait3A_340 : memref<1x1x1x8x128xf32, #tpu.memory_space<hbm>> -> memref<8x128xf32, #tpu.memory_space<hbm>>
    %dma_wait3A_342 = arith.constant 0 : i32
    %dma_wait3A_343 = arith.constant 0 : i32
    %dma_wait3A_344 = tpu.memref_slice %arg9[%dma_wait3A_342, %dma_wait3A_343] : memref<128x129xf32, #tpu.memory_space<vmem>> -> memref<8x128xf32, #tpu.memory_space<vmem>>
    tpu.wait_dma2 semaphore(%arg13 : memref<!tpu.dma_semaphore, #tpu.memory_space<semaphore_mem>>) src(%dma_wait3A_344 : memref<8x128xf32, #tpu.memory_space<vmem>>) dst(%dma_wait3A_341 : memref<8x128xf32, #tpu.memory_space<hbm>>)
    %dma_wait3A_345 = arith.constant 0 : i32
    %dma_wait3A_346 = arith.constant 0 : i32
    %dma_wait3A_347 = arith.constant 0 : i32
    %dma_wait3A_348 = arith.constant 0 : i32
    %dma_wait3A_349 = arith.constant 0 : i32
    %dma_wait3A_350 = tpu.memref_slice %arg9[%dma_wait3A_348, %dma_wait3A_349] : memref<128x129xf32, #tpu.memory_space<vmem>> -> memref<8x128xf32, #tpu.memory_space<vmem>>
    %dma_wait3A_351 = arith.constant 0 : i32
    %dma_wait3A_352 = arith.constant 0 : i32
    %dma_wait3A_353 = tpu.memref_slice %arg4[%dma_wait3A_345, %dma_wait3A_346, %dma_wait3A_347, %dma_wait3A_351, %dma_wait3A_352] : memref<200x4x32x8x128xf32, #tpu.memory_space<hbm>> -> memref<1x1x1x8x128xf32, #tpu.memory_space<hbm>>
    %dma_wait3A_354 = tpu.memref_squeeze %dma_wait3A_353 : memref<1x1x1x8x128xf32, #tpu.memory_space<hbm>> -> memref<8x128xf32, #tpu.memory_space<hbm>>
    %dma_wait3A_355 = arith.constant 0 : i32
    %dma_wait3A_356 = arith.constant 0 : i32
    %dma_wait3A_357 = tpu.memref_slice %arg4[%dma_wait3A_345, %dma_wait3A_346, %dma_wait3A_347, %dma_wait3A_355, %dma_wait3A_356] : memref<200x4x32x8x128xf32, #tpu.memory_space<hbm>> -> memref<1x1x1x8x128xf32, #tpu.memory_space<hbm>>
    %dma_wait3A_358 = tpu.memref_squeeze %dma_wait3A_357 : memref<1x1x1x8x128xf32, #tpu.memory_space<hbm>> -> memref<8x128xf32, #tpu.memory_space<hbm>>
    %dma_wait3A_359 = arith.constant 0 : i32
    %dma_wait3A_360 = arith.constant 0 : i32
    %dma_wait3A_361 = tpu.memref_slice %arg9[%dma_wait3A_359, %dma_wait3A_360] : memref<128x129xf32, #tpu.memory_space<vmem>> -> memref<8x128xf32, #tpu.memory_space<vmem>>
    tpu.wait_dma2 semaphore(%arg13 : memref<!tpu.dma_semaphore, #tpu.memory_space<semaphore_mem>>) src(%dma_wait3A_361 : memref<8x128xf32, #tpu.memory_space<vmem>>) dst(%dma_wait3A_358 : memref<8x128xf32, #tpu.memory_space<hbm>>)
    %dma_wait3A_362 = arith.constant 0 : i32
    %dma_wait3A_363 = arith.constant 0 : i32
    %dma_wait3A_364 = arith.constant 0 : i32
    %dma_wait3A_365 = arith.constant 0 : i32
    %dma_wait3A_366 = arith.constant 0 : i32
    %dma_wait3A_367 = tpu.memref_slice %arg9[%dma_wait3A_365, %dma_wait3A_366] : memref<128x129xf32, #tpu.memory_space<vmem>> -> memref<8x128xf32, #tpu.memory_space<vmem>>
    %dma_wait3A_368 = arith.constant 0 : i32
    %dma_wait3A_369 = arith.constant 0 : i32
    %dma_wait3A_370 = tpu.memref_slice %arg4[%dma_wait3A_362, %dma_wait3A_363, %dma_wait3A_364, %dma_wait3A_368, %dma_wait3A_369] : memref<200x4x32x8x128xf32, #tpu.memory_space<hbm>> -> memref<1x1x1x8x128xf32, #tpu.memory_space<hbm>>
    %dma_wait3A_371 = tpu.memref_squeeze %dma_wait3A_370 : memref<1x1x1x8x128xf32, #tpu.memory_space<hbm>> -> memref<8x128xf32, #tpu.memory_space<hbm>>
    %dma_wait3A_372 = arith.constant 0 : i32
    %dma_wait3A_373 = arith.constant 0 : i32
    %dma_wait3A_374 = tpu.memref_slice %arg4[%dma_wait3A_362, %dma_wait3A_363, %dma_wait3A_364, %dma_wait3A_372, %dma_wait3A_373] : memref<200x4x32x8x128xf32, #tpu.memory_space<hbm>> -> memref<1x1x1x8x128xf32, #tpu.memory_space<hbm>>
    %dma_wait3A_375 = tpu.memref_squeeze %dma_wait3A_374 : memref<1x1x1x8x128xf32, #tpu.memory_space<hbm>> -> memref<8x128xf32, #tpu.memory_space<hbm>>
    %dma_wait3A_376 = arith.constant 0 : i32
    %dma_wait3A_377 = arith.constant 0 : i32
    %dma_wait3A_378 = tpu.memref_slice %arg9[%dma_wait3A_376, %dma_wait3A_377] : memref<128x129xf32, #tpu.memory_space<vmem>> -> memref<8x128xf32, #tpu.memory_space<vmem>>
    tpu.wait_dma2 semaphore(%arg13 : memref<!tpu.dma_semaphore, #tpu.memory_space<semaphore_mem>>) src(%dma_wait3A_378 : memref<8x128xf32, #tpu.memory_space<vmem>>) dst(%dma_wait3A_375 : memref<8x128xf32, #tpu.memory_space<hbm>>)
    %dma_wait3A_379 = arith.constant 0 : i32
    %dma_wait3A_380 = arith.constant 0 : i32
    %dma_wait3A_381 = arith.constant 0 : i32
    %dma_wait3A_382 = arith.constant 0 : i32
    %dma_wait3A_383 = arith.constant 0 : i32
    %dma_wait3A_384 = tpu.memref_slice %arg9[%dma_wait3A_382, %dma_wait3A_383] : memref<128x129xf32, #tpu.memory_space<vmem>> -> memref<8x128xf32, #tpu.memory_space<vmem>>
    %dma_wait3A_385 = arith.constant 0 : i32
    %dma_wait3A_386 = arith.constant 0 : i32
    %dma_wait3A_387 = tpu.memref_slice %arg4[%dma_wait3A_379, %dma_wait3A_380, %dma_wait3A_381, %dma_wait3A_385, %dma_wait3A_386] : memref<200x4x32x8x128xf32, #tpu.memory_space<hbm>> -> memref<1x1x1x8x128xf32, #tpu.memory_space<hbm>>
    %dma_wait3A_388 = tpu.memref_squeeze %dma_wait3A_387 : memref<1x1x1x8x128xf32, #tpu.memory_space<hbm>> -> memref<8x128xf32, #tpu.memory_space<hbm>>
    %dma_wait3A_389 = arith.constant 0 : i32
    %dma_wait3A_390 = arith.constant 0 : i32
    %dma_wait3A_391 = tpu.memref_slice %arg4[%dma_wait3A_379, %dma_wait3A_380, %dma_wait3A_381, %dma_wait3A_389, %dma_wait3A_390] : memref<200x4x32x8x128xf32, #tpu.memory_space<hbm>> -> memref<1x1x1x8x128xf32, #tpu.memory_space<hbm>>
    %dma_wait3A_392 = tpu.memref_squeeze %dma_wait3A_391 : memref<1x1x1x8x128xf32, #tpu.memory_space<hbm>> -> memref<8x128xf32, #tpu.memory_space<hbm>>
    %dma_wait3A_393 = arith.constant 0 : i32
    %dma_wait3A_394 = arith.constant 0 : i32
    %dma_wait3A_395 = tpu.memref_slice %arg9[%dma_wait3A_393, %dma_wait3A_394] : memref<128x129xf32, #tpu.memory_space<vmem>> -> memref<8x128xf32, #tpu.memory_space<vmem>>
    tpu.wait_dma2 semaphore(%arg13 : memref<!tpu.dma_semaphore, #tpu.memory_space<semaphore_mem>>) src(%dma_wait3A_395 : memref<8x128xf32, #tpu.memory_space<vmem>>) dst(%dma_wait3A_392 : memref<8x128xf32, #tpu.memory_space<hbm>>)
    %dma_wait3A_396 = arith.constant 0 : i32
    %dma_wait3A_397 = arith.constant 0 : i32
    %dma_wait3A_398 = arith.constant 0 : i32
    %dma_wait3A_399 = arith.constant 0 : i32
    %dma_wait3A_400 = arith.constant 0 : i32
    %dma_wait3A_401 = tpu.memref_slice %arg9[%dma_wait3A_399, %dma_wait3A_400] : memref<128x129xf32, #tpu.memory_space<vmem>> -> memref<8x128xf32, #tpu.memory_space<vmem>>
    %dma_wait3A_402 = arith.constant 0 : i32
    %dma_wait3A_403 = arith.constant 0 : i32
    %dma_wait3A_404 = tpu.memref_slice %arg4[%dma_wait3A_396, %dma_wait3A_397, %dma_wait3A_398, %dma_wait3A_402, %dma_wait3A_403] : memref<200x4x32x8x128xf32, #tpu.memory_space<hbm>> -> memref<1x1x1x8x128xf32, #tpu.memory_space<hbm>>
    %dma_wait3A_405 = tpu.memref_squeeze %dma_wait3A_404 : memref<1x1x1x8x128xf32, #tpu.memory_space<hbm>> -> memref<8x128xf32, #tpu.memory_space<hbm>>
    %dma_wait3A_406 = arith.constant 0 : i32
    %dma_wait3A_407 = arith.constant 0 : i32
    %dma_wait3A_408 = tpu.memref_slice %arg4[%dma_wait3A_396, %dma_wait3A_397, %dma_wait3A_398, %dma_wait3A_406, %dma_wait3A_407] : memref<200x4x32x8x128xf32, #tpu.memory_space<hbm>> -> memref<1x1x1x8x128xf32, #tpu.memory_space<hbm>>
    %dma_wait3A_409 = tpu.memref_squeeze %dma_wait3A_408 : memref<1x1x1x8x128xf32, #tpu.memory_space<hbm>> -> memref<8x128xf32, #tpu.memory_space<hbm>>
    %dma_wait3A_410 = arith.constant 0 : i32
    %dma_wait3A_411 = arith.constant 0 : i32
    %dma_wait3A_412 = tpu.memref_slice %arg9[%dma_wait3A_410, %dma_wait3A_411] : memref<128x129xf32, #tpu.memory_space<vmem>> -> memref<8x128xf32, #tpu.memory_space<vmem>>
    tpu.wait_dma2 semaphore(%arg13 : memref<!tpu.dma_semaphore, #tpu.memory_space<semaphore_mem>>) src(%dma_wait3A_412 : memref<8x128xf32, #tpu.memory_space<vmem>>) dst(%dma_wait3A_409 : memref<8x128xf32, #tpu.memory_space<hbm>>)
    %dma_wait3A_413 = arith.constant 0 : i32
    %dma_wait3A_414 = arith.constant 0 : i32
    %dma_wait3A_415 = arith.constant 0 : i32
    %dma_wait3A_416 = arith.constant 0 : i32
    %dma_wait3A_417 = arith.constant 0 : i32
    %dma_wait3A_418 = tpu.memref_slice %arg9[%dma_wait3A_416, %dma_wait3A_417] : memref<128x129xf32, #tpu.memory_space<vmem>> -> memref<8x128xf32, #tpu.memory_space<vmem>>
    %dma_wait3A_419 = arith.constant 0 : i32
    %dma_wait3A_420 = arith.constant 0 : i32
    %dma_wait3A_421 = tpu.memref_slice %arg4[%dma_wait3A_413, %dma_wait3A_414, %dma_wait3A_415, %dma_wait3A_419, %dma_wait3A_420] : memref<200x4x32x8x128xf32, #tpu.memory_space<hbm>> -> memref<1x1x1x8x128xf32, #tpu.memory_space<hbm>>
    %dma_wait3A_422 = tpu.memref_squeeze %dma_wait3A_421 : memref<1x1x1x8x128xf32, #tpu.memory_space<hbm>> -> memref<8x128xf32, #tpu.memory_space<hbm>>
    %dma_wait3A_423 = arith.constant 0 : i32
    %dma_wait3A_424 = arith.constant 0 : i32
    %dma_wait3A_425 = tpu.memref_slice %arg4[%dma_wait3A_413, %dma_wait3A_414, %dma_wait3A_415, %dma_wait3A_423, %dma_wait3A_424] : memref<200x4x32x8x128xf32, #tpu.memory_space<hbm>> -> memref<1x1x1x8x128xf32, #tpu.memory_space<hbm>>
    %dma_wait3A_426 = tpu.memref_squeeze %dma_wait3A_425 : memref<1x1x1x8x128xf32, #tpu.memory_space<hbm>> -> memref<8x128xf32, #tpu.memory_space<hbm>>
    %dma_wait3A_427 = arith.constant 0 : i32
    %dma_wait3A_428 = arith.constant 0 : i32
    %dma_wait3A_429 = tpu.memref_slice %arg9[%dma_wait3A_427, %dma_wait3A_428] : memref<128x129xf32, #tpu.memory_space<vmem>> -> memref<8x128xf32, #tpu.memory_space<vmem>>
    tpu.wait_dma2 semaphore(%arg13 : memref<!tpu.dma_semaphore, #tpu.memory_space<semaphore_mem>>) src(%dma_wait3A_429 : memref<8x128xf32, #tpu.memory_space<vmem>>) dst(%dma_wait3A_426 : memref<8x128xf32, #tpu.memory_space<hbm>>)
    %dma_wait3A_430 = arith.constant 0 : i32
    %dma_wait3A_431 = arith.constant 0 : i32
    %dma_wait3A_432 = arith.constant 0 : i32
    %dma_wait3A_433 = arith.constant 0 : i32
    %dma_wait3A_434 = arith.constant 0 : i32
    %dma_wait3A_435 = tpu.memref_slice %arg9[%dma_wait3A_433, %dma_wait3A_434] : memref<128x129xf32, #tpu.memory_space<vmem>> -> memref<8x128xf32, #tpu.memory_space<vmem>>
    %dma_wait3A_436 = arith.constant 0 : i32
    %dma_wait3A_437 = arith.constant 0 : i32
    %dma_wait3A_438 = tpu.memref_slice %arg4[%dma_wait3A_430, %dma_wait3A_431, %dma_wait3A_432, %dma_wait3A_436, %dma_wait3A_437] : memref<200x4x32x8x128xf32, #tpu.memory_space<hbm>> -> memref<1x1x1x8x128xf32, #tpu.memory_space<hbm>>
    %dma_wait3A_439 = tpu.memref_squeeze %dma_wait3A_438 : memref<1x1x1x8x128xf32, #tpu.memory_space<hbm>> -> memref<8x128xf32, #tpu.memory_space<hbm>>
    %dma_wait3A_440 = arith.constant 0 : i32
    %dma_wait3A_441 = arith.constant 0 : i32
    %dma_wait3A_442 = tpu.memref_slice %arg4[%dma_wait3A_430, %dma_wait3A_431, %dma_wait3A_432, %dma_wait3A_440, %dma_wait3A_441] : memref<200x4x32x8x128xf32, #tpu.memory_space<hbm>> -> memref<1x1x1x8x128xf32, #tpu.memory_space<hbm>>
    %dma_wait3A_443 = tpu.memref_squeeze %dma_wait3A_442 : memref<1x1x1x8x128xf32, #tpu.memory_space<hbm>> -> memref<8x128xf32, #tpu.memory_space<hbm>>
    %dma_wait3A_444 = arith.constant 0 : i32
    %dma_wait3A_445 = arith.constant 0 : i32
    %dma_wait3A_446 = tpu.memref_slice %arg9[%dma_wait3A_444, %dma_wait3A_445] : memref<128x129xf32, #tpu.memory_space<vmem>> -> memref<8x128xf32, #tpu.memory_space<vmem>>
    tpu.wait_dma2 semaphore(%arg13 : memref<!tpu.dma_semaphore, #tpu.memory_space<semaphore_mem>>) src(%dma_wait3A_446 : memref<8x128xf32, #tpu.memory_space<vmem>>) dst(%dma_wait3A_443 : memref<8x128xf32, #tpu.memory_space<hbm>>)
    %dma_wait3A_447 = arith.constant 0 : i32
    %dma_wait3A_448 = arith.constant 0 : i32
    %dma_wait3A_449 = arith.constant 0 : i32
    %dma_wait3A_450 = arith.constant 0 : i32
    %dma_wait3A_451 = arith.constant 0 : i32
    %dma_wait3A_452 = tpu.memref_slice %arg9[%dma_wait3A_450, %dma_wait3A_451] : memref<128x129xf32, #tpu.memory_space<vmem>> -> memref<8x128xf32, #tpu.memory_space<vmem>>
    %dma_wait3A_453 = arith.constant 0 : i32
    %dma_wait3A_454 = arith.constant 0 : i32
    %dma_wait3A_455 = tpu.memref_slice %arg4[%dma_wait3A_447, %dma_wait3A_448, %dma_wait3A_449, %dma_wait3A_453, %dma_wait3A_454] : memref<200x4x32x8x128xf32, #tpu.memory_space<hbm>> -> memref<1x1x1x8x128xf32, #tpu.memory_space<hbm>>
    %dma_wait3A_456 = tpu.memref_squeeze %dma_wait3A_455 : memref<1x1x1x8x128xf32, #tpu.memory_space<hbm>> -> memref<8x128xf32, #tpu.memory_space<hbm>>
    %dma_wait3A_457 = arith.constant 0 : i32
    %dma_wait3A_458 = arith.constant 0 : i32
    %dma_wait3A_459 = tpu.memref_slice %arg4[%dma_wait3A_447, %dma_wait3A_448, %dma_wait3A_449, %dma_wait3A_457, %dma_wait3A_458] : memref<200x4x32x8x128xf32, #tpu.memory_space<hbm>> -> memref<1x1x1x8x128xf32, #tpu.memory_space<hbm>>
    %dma_wait3A_460 = tpu.memref_squeeze %dma_wait3A_459 : memref<1x1x1x8x128xf32, #tpu.memory_space<hbm>> -> memref<8x128xf32, #tpu.memory_space<hbm>>
    %dma_wait3A_461 = arith.constant 0 : i32
    %dma_wait3A_462 = arith.constant 0 : i32
    %dma_wait3A_463 = tpu.memref_slice %arg9[%dma_wait3A_461, %dma_wait3A_462] : memref<128x129xf32, #tpu.memory_space<vmem>> -> memref<8x128xf32, #tpu.memory_space<vmem>>
    tpu.wait_dma2 semaphore(%arg13 : memref<!tpu.dma_semaphore, #tpu.memory_space<semaphore_mem>>) src(%dma_wait3A_463 : memref<8x128xf32, #tpu.memory_space<vmem>>) dst(%dma_wait3A_460 : memref<8x128xf32, #tpu.memory_space<hbm>>)
    %dma_wait3A_464 = arith.constant 0 : i32
    %dma_wait3A_465 = arith.constant 0 : i32
    %dma_wait3A_466 = arith.constant 0 : i32
    %dma_wait3A_467 = arith.constant 0 : i32
    %dma_wait3A_468 = arith.constant 0 : i32
    %dma_wait3A_469 = tpu.memref_slice %arg9[%dma_wait3A_467, %dma_wait3A_468] : memref<128x129xf32, #tpu.memory_space<vmem>> -> memref<8x128xf32, #tpu.memory_space<vmem>>
    %dma_wait3A_470 = arith.constant 0 : i32
    %dma_wait3A_471 = arith.constant 0 : i32
    %dma_wait3A_472 = tpu.memref_slice %arg4[%dma_wait3A_464, %dma_wait3A_465, %dma_wait3A_466, %dma_wait3A_470, %dma_wait3A_471] : memref<200x4x32x8x128xf32, #tpu.memory_space<hbm>> -> memref<1x1x1x8x128xf32, #tpu.memory_space<hbm>>
    %dma_wait3A_473 = tpu.memref_squeeze %dma_wait3A_472 : memref<1x1x1x8x128xf32, #tpu.memory_space<hbm>> -> memref<8x128xf32, #tpu.memory_space<hbm>>
    %dma_wait3A_474 = arith.constant 0 : i32
    %dma_wait3A_475 = arith.constant 0 : i32
    %dma_wait3A_476 = tpu.memref_slice %arg4[%dma_wait3A_464, %dma_wait3A_465, %dma_wait3A_466, %dma_wait3A_474, %dma_wait3A_475] : memref<200x4x32x8x128xf32, #tpu.memory_space<hbm>> -> memref<1x1x1x8x128xf32, #tpu.memory_space<hbm>>
    %dma_wait3A_477 = tpu.memref_squeeze %dma_wait3A_476 : memref<1x1x1x8x128xf32, #tpu.memory_space<hbm>> -> memref<8x128xf32, #tpu.memory_space<hbm>>
    %dma_wait3A_478 = arith.constant 0 : i32
    %dma_wait3A_479 = arith.constant 0 : i32
    %dma_wait3A_480 = tpu.memref_slice %arg9[%dma_wait3A_478, %dma_wait3A_479] : memref<128x129xf32, #tpu.memory_space<vmem>> -> memref<8x128xf32, #tpu.memory_space<vmem>>
    tpu.wait_dma2 semaphore(%arg13 : memref<!tpu.dma_semaphore, #tpu.memory_space<semaphore_mem>>) src(%dma_wait3A_480 : memref<8x128xf32, #tpu.memory_space<vmem>>) dst(%dma_wait3A_477 : memref<8x128xf32, #tpu.memory_space<hbm>>)
    %dma_wait3A_481 = arith.constant 0 : i32
    %dma_wait3A_482 = arith.constant 0 : i32
    %dma_wait3A_483 = arith.constant 0 : i32
    %dma_wait3A_484 = arith.constant 0 : i32
    %dma_wait3A_485 = arith.constant 0 : i32
    %dma_wait3A_486 = tpu.memref_slice %arg9[%dma_wait3A_484, %dma_wait3A_485] : memref<128x129xf32, #tpu.memory_space<vmem>> -> memref<8x128xf32, #tpu.memory_space<vmem>>
    %dma_wait3A_487 = arith.constant 0 : i32
    %dma_wait3A_488 = arith.constant 0 : i32
    %dma_wait3A_489 = tpu.memref_slice %arg4[%dma_wait3A_481, %dma_wait3A_482, %dma_wait3A_483, %dma_wait3A_487, %dma_wait3A_488] : memref<200x4x32x8x128xf32, #tpu.memory_space<hbm>> -> memref<1x1x1x8x128xf32, #tpu.memory_space<hbm>>
    %dma_wait3A_490 = tpu.memref_squeeze %dma_wait3A_489 : memref<1x1x1x8x128xf32, #tpu.memory_space<hbm>> -> memref<8x128xf32, #tpu.memory_space<hbm>>
    %dma_wait3A_491 = arith.constant 0 : i32
    %dma_wait3A_492 = arith.constant 0 : i32
    %dma_wait3A_493 = tpu.memref_slice %arg4[%dma_wait3A_481, %dma_wait3A_482, %dma_wait3A_483, %dma_wait3A_491, %dma_wait3A_492] : memref<200x4x32x8x128xf32, #tpu.memory_space<hbm>> -> memref<1x1x1x8x128xf32, #tpu.memory_space<hbm>>
    %dma_wait3A_494 = tpu.memref_squeeze %dma_wait3A_493 : memref<1x1x1x8x128xf32, #tpu.memory_space<hbm>> -> memref<8x128xf32, #tpu.memory_space<hbm>>
    %dma_wait3A_495 = arith.constant 0 : i32
    %dma_wait3A_496 = arith.constant 0 : i32
    %dma_wait3A_497 = tpu.memref_slice %arg9[%dma_wait3A_495, %dma_wait3A_496] : memref<128x129xf32, #tpu.memory_space<vmem>> -> memref<8x128xf32, #tpu.memory_space<vmem>>
    tpu.wait_dma2 semaphore(%arg13 : memref<!tpu.dma_semaphore, #tpu.memory_space<semaphore_mem>>) src(%dma_wait3A_497 : memref<8x128xf32, #tpu.memory_space<vmem>>) dst(%dma_wait3A_494 : memref<8x128xf32, #tpu.memory_space<hbm>>)
    %dma_wait3A_498 = arith.constant 0 : i32
    %dma_wait3A_499 = arith.constant 0 : i32
    %dma_wait3A_500 = arith.constant 0 : i32
    %dma_wait3A_501 = arith.constant 0 : i32
    %dma_wait3A_502 = arith.constant 0 : i32
    %dma_wait3A_503 = tpu.memref_slice %arg9[%dma_wait3A_501, %dma_wait3A_502] : memref<128x129xf32, #tpu.memory_space<vmem>> -> memref<8x128xf32, #tpu.memory_space<vmem>>
    %dma_wait3A_504 = arith.constant 0 : i32
    %dma_wait3A_505 = arith.constant 0 : i32
    %dma_wait3A_506 = tpu.memref_slice %arg4[%dma_wait3A_498, %dma_wait3A_499, %dma_wait3A_500, %dma_wait3A_504, %dma_wait3A_505] : memref<200x4x32x8x128xf32, #tpu.memory_space<hbm>> -> memref<1x1x1x8x128xf32, #tpu.memory_space<hbm>>
    %dma_wait3A_507 = tpu.memref_squeeze %dma_wait3A_506 : memref<1x1x1x8x128xf32, #tpu.memory_space<hbm>> -> memref<8x128xf32, #tpu.memory_space<hbm>>
    %dma_wait3A_508 = arith.constant 0 : i32
    %dma_wait3A_509 = arith.constant 0 : i32
    %dma_wait3A_510 = tpu.memref_slice %arg4[%dma_wait3A_498, %dma_wait3A_499, %dma_wait3A_500, %dma_wait3A_508, %dma_wait3A_509] : memref<200x4x32x8x128xf32, #tpu.memory_space<hbm>> -> memref<1x1x1x8x128xf32, #tpu.memory_space<hbm>>
    %dma_wait3A_511 = tpu.memref_squeeze %dma_wait3A_510 : memref<1x1x1x8x128xf32, #tpu.memory_space<hbm>> -> memref<8x128xf32, #tpu.memory_space<hbm>>
    %dma_wait3A_512 = arith.constant 0 : i32
    %dma_wait3A_513 = arith.constant 0 : i32
    %dma_wait3A_514 = tpu.memref_slice %arg9[%dma_wait3A_512, %dma_wait3A_513] : memref<128x129xf32, #tpu.memory_space<vmem>> -> memref<8x128xf32, #tpu.memory_space<vmem>>
    tpu.wait_dma2 semaphore(%arg13 : memref<!tpu.dma_semaphore, #tpu.memory_space<semaphore_mem>>) src(%dma_wait3A_514 : memref<8x128xf32, #tpu.memory_space<vmem>>) dst(%dma_wait3A_511 : memref<8x128xf32, #tpu.memory_space<hbm>>)
    %dma_wait3A_515 = arith.constant 0 : i32
    %dma_wait3A_516 = arith.constant 0 : i32
    %dma_wait3A_517 = arith.constant 0 : i32
    %dma_wait3A_518 = arith.constant 0 : i32
    %dma_wait3A_519 = arith.constant 0 : i32
    %dma_wait3A_520 = tpu.memref_slice %arg9[%dma_wait3A_518, %dma_wait3A_519] : memref<128x129xf32, #tpu.memory_space<vmem>> -> memref<8x128xf32, #tpu.memory_space<vmem>>
    %dma_wait3A_521 = arith.constant 0 : i32
    %dma_wait3A_522 = arith.constant 0 : i32
    %dma_wait3A_523 = tpu.memref_slice %arg4[%dma_wait3A_515, %dma_wait3A_516, %dma_wait3A_517, %dma_wait3A_521, %dma_wait3A_522] : memref<200x4x32x8x128xf32, #tpu.memory_space<hbm>> -> memref<1x1x1x8x128xf32, #tpu.memory_space<hbm>>
    %dma_wait3A_524 = tpu.memref_squeeze %dma_wait3A_523 : memref<1x1x1x8x128xf32, #tpu.memory_space<hbm>> -> memref<8x128xf32, #tpu.memory_space<hbm>>
    %dma_wait3A_525 = arith.constant 0 : i32
    %dma_wait3A_526 = arith.constant 0 : i32
    %dma_wait3A_527 = tpu.memref_slice %arg4[%dma_wait3A_515, %dma_wait3A_516, %dma_wait3A_517, %dma_wait3A_525, %dma_wait3A_526] : memref<200x4x32x8x128xf32, #tpu.memory_space<hbm>> -> memref<1x1x1x8x128xf32, #tpu.memory_space<hbm>>
    %dma_wait3A_528 = tpu.memref_squeeze %dma_wait3A_527 : memref<1x1x1x8x128xf32, #tpu.memory_space<hbm>> -> memref<8x128xf32, #tpu.memory_space<hbm>>
    %dma_wait3A_529 = arith.constant 0 : i32
    %dma_wait3A_530 = arith.constant 0 : i32
    %dma_wait3A_531 = tpu.memref_slice %arg9[%dma_wait3A_529, %dma_wait3A_530] : memref<128x129xf32, #tpu.memory_space<vmem>> -> memref<8x128xf32, #tpu.memory_space<vmem>>
    tpu.wait_dma2 semaphore(%arg13 : memref<!tpu.dma_semaphore, #tpu.memory_space<semaphore_mem>>) src(%dma_wait3A_531 : memref<8x128xf32, #tpu.memory_space<vmem>>) dst(%dma_wait3A_528 : memref<8x128xf32, #tpu.memory_space<hbm>>)
    %dma_wait3A_532 = arith.constant 0 : i32
    %dma_wait3A_533 = arith.constant 0 : i32
    %dma_wait3A_534 = arith.constant 0 : i32
    %dma_wait3A_535 = arith.constant 0 : i32
    %dma_wait3A_536 = arith.constant 0 : i32
    %dma_wait3A_537 = tpu.memref_slice %arg9[%dma_wait3A_535, %dma_wait3A_536] : memref<128x129xf32, #tpu.memory_space<vmem>> -> memref<8x128xf32, #tpu.memory_space<vmem>>
    %dma_wait3A_538 = arith.constant 0 : i32
    %dma_wait3A_539 = arith.constant 0 : i32
    %dma_wait3A_540 = tpu.memref_slice %arg4[%dma_wait3A_532, %dma_wait3A_533, %dma_wait3A_534, %dma_wait3A_538, %dma_wait3A_539] : memref<200x4x32x8x128xf32, #tpu.memory_space<hbm>> -> memref<1x1x1x8x128xf32, #tpu.memory_space<hbm>>
    %dma_wait3A_541 = tpu.memref_squeeze %dma_wait3A_540 : memref<1x1x1x8x128xf32, #tpu.memory_space<hbm>> -> memref<8x128xf32, #tpu.memory_space<hbm>>
    %dma_wait3A_542 = arith.constant 0 : i32
    %dma_wait3A_543 = arith.constant 0 : i32
    %dma_wait3A_544 = tpu.memref_slice %arg4[%dma_wait3A_532, %dma_wait3A_533, %dma_wait3A_534, %dma_wait3A_542, %dma_wait3A_543] : memref<200x4x32x8x128xf32, #tpu.memory_space<hbm>> -> memref<1x1x1x8x128xf32, #tpu.memory_space<hbm>>
    %dma_wait3A_545 = tpu.memref_squeeze %dma_wait3A_544 : memref<1x1x1x8x128xf32, #tpu.memory_space<hbm>> -> memref<8x128xf32, #tpu.memory_space<hbm>>
    %dma_wait3A_546 = arith.constant 0 : i32
    %dma_wait3A_547 = arith.constant 0 : i32
    %dma_wait3A_548 = tpu.memref_slice %arg9[%dma_wait3A_546, %dma_wait3A_547] : memref<128x129xf32, #tpu.memory_space<vmem>> -> memref<8x128xf32, #tpu.memory_space<vmem>>
    tpu.wait_dma2 semaphore(%arg13 : memref<!tpu.dma_semaphore, #tpu.memory_space<semaphore_mem>>) src(%dma_wait3A_548 : memref<8x128xf32, #tpu.memory_space<vmem>>) dst(%dma_wait3A_545 : memref<8x128xf32, #tpu.memory_space<hbm>>)
    %dma_wait3A_549 = arith.constant 0 : i32
    %dma_wait3A_550 = arith.constant 0 : i32
    %dma_wait3A_551 = arith.constant 0 : i32
    %dma_wait3A_552 = arith.constant 0 : i32
    %dma_wait3A_553 = arith.constant 0 : i32
    %dma_wait3A_554 = tpu.memref_slice %arg9[%dma_wait3A_552, %dma_wait3A_553] : memref<128x129xf32, #tpu.memory_space<vmem>> -> memref<8x128xf32, #tpu.memory_space<vmem>>
    %dma_wait3A_555 = arith.constant 0 : i32
    %dma_wait3A_556 = arith.constant 0 : i32
    %dma_wait3A_557 = tpu.memref_slice %arg4[%dma_wait3A_549, %dma_wait3A_550, %dma_wait3A_551, %dma_wait3A_555, %dma_wait3A_556] : memref<200x4x32x8x128xf32, #tpu.memory_space<hbm>> -> memref<1x1x1x8x128xf32, #tpu.memory_space<hbm>>
    %dma_wait3A_558 = tpu.memref_squeeze %dma_wait3A_557 : memref<1x1x1x8x128xf32, #tpu.memory_space<hbm>> -> memref<8x128xf32, #tpu.memory_space<hbm>>
    %dma_wait3A_559 = arith.constant 0 : i32
    %dma_wait3A_560 = arith.constant 0 : i32
    %dma_wait3A_561 = tpu.memref_slice %arg4[%dma_wait3A_549, %dma_wait3A_550, %dma_wait3A_551, %dma_wait3A_559, %dma_wait3A_560] : memref<200x4x32x8x128xf32, #tpu.memory_space<hbm>> -> memref<1x1x1x8x128xf32, #tpu.memory_space<hbm>>
    %dma_wait3A_562 = tpu.memref_squeeze %dma_wait3A_561 : memref<1x1x1x8x128xf32, #tpu.memory_space<hbm>> -> memref<8x128xf32, #tpu.memory_space<hbm>>
    %dma_wait3A_563 = arith.constant 0 : i32
    %dma_wait3A_564 = arith.constant 0 : i32
    %dma_wait3A_565 = tpu.memref_slice %arg9[%dma_wait3A_563, %dma_wait3A_564] : memref<128x129xf32, #tpu.memory_space<vmem>> -> memref<8x128xf32, #tpu.memory_space<vmem>>
    tpu.wait_dma2 semaphore(%arg13 : memref<!tpu.dma_semaphore, #tpu.memory_space<semaphore_mem>>) src(%dma_wait3A_565 : memref<8x128xf32, #tpu.memory_space<vmem>>) dst(%dma_wait3A_562 : memref<8x128xf32, #tpu.memory_space<hbm>>)
    return
  }
}

</mosaic_0001>

<sc_bundles>
// kernel: kernel.4.cloned.1.call-start
scs
__scs_entry_jumppad:
0x0: {  	(pc) =	sbr.rel $0x88, $3  }
0x1: {  	(tag) =	ssettag $0x0;
	lr =	simm.s32 $0x1  }
0x2: {  	[smem:$0x3F9F] =	sst lr;
	_ =	strace $0xD0000000  }
0x3: {  	_ = 	snop  }
0x4: {  	_ = 	snop  }
0x5: {  	_ = 	snop  }
0x6: {  	_ = 	snop  }
0x7: {  	_ = 	snop  }
__scs_overlays_trampoline_lowered:
0x8: {  	[smem:$0x3FAE] =	sst s0  }
0x9: {  	[smem:$0x3FAF] =	sst s1  }
0xa: {  	[smem:$0x3FB0] =	sst s2  }
0xb: {  	[smem:$0x3FB1] =	sst s3  }
0xc: {  	[smem:$0x3FB2] =	sst s4  }
0xd: {  	[smem:$0x3FB3] =	sst s5  }
0xe: {  	[smem:$0x3FB4] =	sst s6  }
0xf: {  	[smem:$0x3FB5] =	sst s7  }
0x10: {  	[smem:$0x3FB6] =	sst s8  }
0x11: {  	[smem:$0x3FB7] =	sst s9;
	s0 =	simm.s32 @!p0 $0x0  }
0x12: {  	s1 =	sld [smem:$0x3F9D];
	s0 =	simm.s32 @p0 $0x1  }
0x13: {  	[smem:$0x3FB8] =	sst s0;
	s0 =	simm.s32 @!p1 $0x0  }
0x14: {  	s2 =	sld [smem:$0x3F9C];
	s0 =	simm.s32 @p1 $0x1  }
0x15: {  	[smem:$0x3FB9] =	sst s0;
	s0 =	simm.s32 @!p2 $0x0  }
0x16: {  	s3 =	sld [smem:$0x3FDB];
	s0 =	simm.s32 @p2 $0x1  }
0x17: {  	s4 =	simm.s32 $0x1BF5;
	[smem:$0x3FBB] =	sst s0  }
0x18: {  	s0 =	sld [smem:$0x3F9E];
	_ =	swait.ge [sflag:s4], $0x0  }
0x19: {  	s7 =	sld [smem:$0x3F9F]  }
0x1a: {  	s8 =	sadd.s32 $0xFFFFE003, lr  }
0x1b: {  	s9 =	sadd.s32 $0xFFFFFEF7, lr;
	s5 =	simm.s32 $0xFFFFFFFF;
	p2 =	slt.u32 s8, $0xFFFFF086  }
0x1c: {  	p1 =	slt.u32 s9, $0xF7A;
	s5 =	simm.s32 @!p2 $0x0  }
0x1d: {  	s5 =	simm.s32 @p1 $0x1;
	p0 =	seq.s32 s7, s2  }
0x1e: {  	s7 =	smul.u32 @!p0 $0xF7A, s2;
	p2 =	seq.s32 @!p0 s5, $0x0  }
0x1f: {  	s9 =	smul.u32 $0xF7A, s1;
	s8 =	simm.s32 @!p0 $0x1BF5;
	p2 =	por !p2, p0  }
0x20: {  	[sflag:s8] =	ssyncset.s32 @!p0 $0xFFFFF086;
	s6 =	sadd.s32 @!p0 s3, s7;
	s7 =	simm.s32 @!p0 $0x108  }
0x21: {  	s3 =	sadd.s32 s3, s9;
	s6 =	sadd.s32 @!p0 $0x88, s6;
	s7 =	simm.s32 @p2 $0x1082  }
0x22: {  	[simem:s7], [sflag:s8] =	dma.local @!p0 [hbm:s6], $0xF7A  }
0x23: {  	s9 =	sor.u32 $0xD0000000, s2;
	s6 =	simm.s32 $0x108;
	_ =	swait.ge @!p0 [sflag:s8], $0x0  }
0x24: {  	s3 =	sadd.s32 $0x88, s3;
	s6 =	simm.s32 @!p1 $0x1082;
	[sflag:s4] =	ssyncset.s32 $0xFFFFF086  }
0x25: {  	[simem:s6], [sflag:s4] =	dma.local [hbm:s3], $0xF7A  }
0x26: {  	[smem:$0x3F9F] =	sst s1;
	(tag) =	ssettag s2;
	_ =	strace s9  }
0x27: {  	s1 =	sld [smem:$0x3FAF]  }
0x28: {  	s2 =	sld [smem:$0x3FB0]  }
0x29: {  	s4 =	sld [smem:$0x3FB2]  }
0x2a: {  	p0 =	seq.s32 s5, $0x0;
	s5 =	sld [smem:$0x3FB3]  }
0x2b: {  	s6 =	sld [smem:$0x3FB4]  }
0x2c: {  	s7 =	sld [smem:$0x3FB5]  }
0x2d: {  	s3 =	simm.s32 $0x108;
	s8 =	sld [smem:$0x3FB6]  }
0x2e: {  	s3 =	simm.s32 @!p0 $0x1082;
	s9 =	sld [smem:$0x3FB7]  }
0x2f: {  	lr =	sadd.s32 s0, s3;
	s0 =	sld [smem:$0x3FAE]  }
0x30: {  	s3 =	sld [smem:$0x3FB1]  }
0x31: {  	[smem:$0x3FBA] =	sst s10  }
0x32: {  	s10 =	sld [smem:$0x3FB8];
	_ =	sdelay $0x3  }
0x33: {  	p0 =	seq.s32 s10, $0x1;
	s10 =	sld [smem:$0x3FBA];
	_ =	sdelay $0x3  }
0x34: {  	[smem:$0x3FBA] =	sst s10  }
0x35: {  	s10 =	sld [smem:$0x3FB9];
	_ =	sdelay $0x3  }
0x36: {  	p1 =	seq.s32 s10, $0x1;
	s10 =	sld [smem:$0x3FBA];
	_ =	sdelay $0x3  }
0x37: {  	[smem:$0x3FBA] =	sst s10  }
0x38: {  	s10 =	sld [smem:$0x3FBB]  }
0x39: {  	_ = 	snop;
	(pc) =	sbr.ind lr, $3  }
0x3a: {  	_ = 	snop  }
0x3b: {  	_ = 	snop  }
0x3c: {  	p2 =	seq.s32 s10, $0x1;
	s10 =	sld [smem:$0x3FBA]  }
0x3d: {  	_ =	shalt  }
0x3e: {  	_ =	shalt  }
0x3f: {  	_ =	shalt  }
0x40: {  	_ =	shalt  }
0x41: {  	_ =	shalt  }
0x42: {  	_ =	shalt  }
0x43: {  	_ =	shalt  }
0x44: {  	_ =	shalt  }
0x45: {  	_ =	shalt  }
0x46: {  	_ =	shalt  }
0x47: {  	_ =	shalt  }
0x48: {  	_ =	shalt  }
0x49: {  	_ =	shalt  }
0x4a: {  	_ =	shalt  }
0x4b: {  	_ =	shalt  }
0x4c: {  	_ =	shalt  }
0x4d: {  	_ =	shalt  }
0x4e: {  	_ =	shalt  }
0x4f: {  	_ =	shalt  }
0x50: {  	_ =	shalt  }
0x51: {  	_ =	shalt  }
0x52: {  	_ =	shalt  }
0x53: {  	_ =	shalt  }
0x54: {  	_ =	shalt  }
0x55: {  	_ =	shalt  }
0x56: {  	_ =	shalt  }
0x57: {  	_ =	shalt  }
0x58: {  	_ =	shalt  }
0x59: {  	_ =	shalt  }
0x5a: {  	_ =	shalt  }
0x5b: {  	_ =	shalt  }
0x5c: {  	_ =	shalt  }
0x5d: {  	_ =	shalt  }
0x5e: {  	_ =	shalt  }
0x5f: {  	_ =	shalt  }
0x60: {  	_ =	shalt  }
0x61: {  	_ =	shalt  }
0x62: {  	_ =	shalt  }
0x63: {  	_ =	shalt  }
0x64: {  	_ =	shalt  }
0x65: {  	_ =	shalt  }
0x66: {  	_ =	shalt  }
0x67: {  	_ =	shalt  }
0x68: {  	_ =	shalt  }
0x69: {  	_ =	shalt  }
0x6a: {  	_ =	shalt  }
0x6b: {  	_ =	shalt  }
0x6c: {  	_ =	shalt  }
0x6d: {  	_ =	shalt  }
0x6e: {  	_ =	shalt  }
0x6f: {  	_ =	shalt  }
0x70: {  	_ =	shalt  }
0x71: {  	_ =	shalt  }
0x72: {  	_ =	shalt  }
0x73: {  	_ =	shalt  }
0x74: {  	_ =	shalt  }
0x75: {  	_ =	shalt  }
0x76: {  	_ =	shalt  }
0x77: {  	_ =	shalt  }
0x78: {  	_ =	shalt  }
0x79: {  	_ =	shalt  }
0x7a: {  	_ =	shalt  }
0x7b: {  	_ =	shalt  }
0x7c: {  	_ =	shalt  }
0x7d: {  	_ =	shalt  }
0x7e: {  	_ =	shalt  }
0x7f: {  	_ =	shalt  }
0x80: {  	_ =	shalt  }
0x81: {  	_ =	shalt  }
0x82: {  	_ =	shalt  }
0x83: {  	_ =	shalt  }
0x84: {  	_ =	shalt  }
0x85: {  	_ =	shalt  }
0x86: {  	_ =	shalt  }
0x87: {  	_ =	shalt  }
.Lfunc_end0:
.L_simem_size_0:
called_computation_lowered:
.L_overlay_start_0:
0x88: {  	s2 =	sld [smem:$0x3FD9]  }
0x89: {  	s3 =	sld [smem:$0x3FFE];
	_ =	sdelay $0x1  }
0x8a: {  	s1 =	srdreg.scid  }
0x8b: {  	s0 =	sand.u32 $0x1, s1  }
0x8c: {  	s17 =	sshll.u32 s0, $0xA;
	s2 =	sadd.s32 s3, s2  }
0x8d: {  	s2 =	sadd.s32 s2, s17  }
0x8e: {  	[smem:$0x3FC6] =	sst s2  }
0x8f: {  	_ = 	snop  }
0x90: {  	s2 =	sld [smem:$0x3FC8]  }
0x91: {  	s18 =	sld [smem:$0x3FD0];
	(tm) =	ssettm $0x1  }
0x92: {  	s4 =	sld [smem:$0x3FFB];
	_ =	sdelay $0x3  }
0x93: {  	_ =	strace s4  }
0x94: {  	s4 =	sld [smem:$0x3FFC];
	_ =	sdelay $0x3  }
0x95: {  	_ =	strace s4  }
0x96: {  	s4 =	sld [smem:$0x3FFD];
	_ =	sdelay $0x3  }
0x97: {  	_ =	strace s4  }
0x98: {  	_ =	strace $0x8FFFFFFF  }
0x99: {  	s19 =	sld [smem:$0x3FDB];
	_ =	sdelay $0x1  }
0x9a: {  	s5 =	simm.s32 $_scs_section_size  }
0x9b: {  	s6 =	simm.s32 $_size__tile_overlayer_lowered;
	s7 =	simm.s32 $_tile_overlayer_lowered  }
0x9c: {  	s22 =	simm.s32 $0x1BFF;
	s21 =	sshll.u32 s7, $0x1;
	s4 =	sadd.s32 s5, s19  }
0x9d: {  	s8 =	simm.s32 $0x0;
	s20 =	sshll.u32 s6, $0x1;
	s6 =	sadd.s32 s21, s4  }
0x9e: {  	[timem:s8], [sflag:s22] =	dma.local [hbm:s6], s20  }
0x9f: {  	_ =	swait.ge [sflag:s22], s20  }
0xa0: {  	s5 =	ssub.s32 $0x0, s20;
	[sflag:s22] =	ssyncset.done $0x0  }
0xa1: {  	[sflag:s22] =	ssyncadd.s32 s5;
	_ =	sdelay $0x1  }
0xa2: {  	s23 =	simm.s32 $0x1B8B  }
0xa3: {  	_ =	swait.ge [sflag:s23], $0x1  }
0xa4: {  	[sflag:s23] =	ssyncset.done $0x0  }
0xa5: {  	s25 =	simm.s32 $0x1B8E;
	s24 =	sld [smem:$0x3FFE];
	[sflag:s23] =	ssyncadd.s32 $0xFFFFFFFF  }
0xa6: {  	s26 =	simm.s32 $execute0_lowered;
	[smem:$0x3FD2] =	sst s25  }
0xa7: {  	s6 =	sshll.u32 s26, $0x1;
	_ =	strace $0x80000046;
	[dreg:$0x1] =	wrdreg $0xFFFFFFFF  }
0xa8: {  	s28 =	simm.s32 $_size_execute0_lowered;
	s4 =	sadd.s32 s4, s6;
	[dreg:$0x0] =	wrdreg $0x0  }
0xa9: {  	s6 =	sshll.u32 s28, $0x1;
	[dreg:$0x2] =	wrdreg s4  }
0xaa: {  	[dreg:$0x3] =	wrdreg s6  }
0xab: {  	[dreg:$0x4] =	wrdreg $0xC0  }
0xac: {  	_ =	task [dreg:s8], $0x5FFFF  }
0xad: {  	[dreg:$0x1] =	wrdreg $0xFFFFFFFF  }
0xae: {  	[dreg:$0x0] =	wrdreg $0x60  }
0xaf: {  	[dreg:$0x2] =	wrdreg s2  }
0xb0: {  	[dreg:$0x3] =	wrdreg s18  }
0xb1: {  	[dreg:$0x4] =	wrdreg s24  }
0xb2: {  	[dreg:$0x5] =	wrdreg $0x9  }
0xb3: {  	_ =	task.clear_ibuf [dreg:s8], $0x6FFFF;
	_ =	strace $0x90000046  }
0xb4: {  	s29 =	simm.s32 $0x9;
	_ =	strace $0x80000048  }
0xb5: {  	_ =	swait.ge [sflag:s29], $0x1  }
0xb6: {  	[sflag:s29] =	ssyncadd.s32 $0xFFFFFFFF  }
0xb7: {  	_ =	strace $0x90000048  }
0xb8: {  	_ =	sfence  }
0xb9: {  	s30 =	sld [smem:$0x0];
	_ =	sdelay $0x2  }
0xba: {  	s31 =	sshll.u32 s1, $0xD;
	s1 =	sshrl.u32 s1, $0x2  }
0xbb: {  	s3 =	sand.u32 $0x4000, s31;
	s1 =	sadd.s32 s1, s30  }
0xbc: {  	s0 =	sor.u32 s3, s0;
	s1 =	sshll.u32 s1, $0x11  }
0xbd: {  	s0 =	sor.u32 s1, s0  }
0xbe: {  	s0 =	sadd.s32 $0x8F2B, s0  }
0xbf: {  	[sflag:s0] =	ssyncadd.remote.s32 $0x1  }
0xc0: {  	_ =	sfence.sel $0xFFFF  }
0xc1: {  	[dreg:$0x0] =	wrdreg $0xFFFFFFFF;
	(pc) =	sbr.abs _section_cstart, $3  }
0xc2: {  	[dreg:$0x1] =	wrdreg $0xFFFFFFFF  }
0xc3: {  	_ =	task.clear_ibuf [dreg:s8], $0x2FFFF;
	_ =	strace $0x9FFFFFFF  }
0xc4: {  	(tm) =	ssettm $0x7FFFFFFF  }
0xc5: {  	_ =	shalt  }
tec
execute0_lowered:
.L_overlay_start_1:
0x0: {  	(tag) =	ssettag $0x1  }
0x1: {  	s1 =	rddreg [dreg:$0x0];
	s0 =	srdreg.scid;
	v0 =	vimm.s32 $0x1780  }
0x2: {  	s4 =	stileid.u32;
	s2 =	rddreg [dreg:$0x2];
	vm0 =	vcmask $0x300;
	v1 =	vimm.s32 $0x3F80;
	vm1 =	vcmask $0x704;
	s16 =	simm.s32 $0x1400  }
0x3: {  	vm15 =	vcmask $0xB08;
	s17 =	simm.s32 $0x2800;
	s18 =	simm.s32 $0x3C00;
	s19 =	simm.s32 $0x5000;
	v0 =	vsel vm0, $0x0, v0;
	v1 =	vsel vm0, $0x2800, v1  }
0x4: {  	vm4 =	vcmask $0xF0C;
	s22 =	simm.s32 $0x8C00;
	s23 =	simm.s32 $0x1;
	s24 =	simm.s32 $0xA000;
	v0 =	vsel vm1, $0x80, v0;
	v1 =	vsel vm1, $0x2880, v1  }
0x5: {  	vm5 =	vcmask $0x1310;
	s25 =	simm.s32 $0x2;
	s3 =	sand.u32 $0x1, s0;
	s26 =	sshll.u32 s4, $0x1;
	v0 =	vsel vm15, $0x100, v0;
	v1 =	vsel vm15, $0x2900, v1  }
0x6: {  	vm6 =	vcmask $0x1714;
	s4 =	simm.s32 $0x0;
	s30 =	sadd.s32 $0x3D1200, s2;
	s12 =	sadd.s32 $0x4000, s1;
	v0 =	vsel vm4, $0x180, v0;
	v1 =	vsel vm4, $0x2980, v1  }
0x7: {  	vm7 =	vcmask $0x1B18;
	s0 =	sor.u32 s3, s26;
	[smem:$0x7FF] =	sst s4;
	s3 =	ssub.s32 $0x2, s3;
	v0 =	vsel vm5, $0x200, v0;
	v1 =	vsel vm5, $0x2A00, v1  }
0x8: {  	s26 =	simm.s32 $0xE000;
	s5 =	sshll.u32 s0, $0xC;
	_ =	strace $0x80000047;
	v0 =	vsel vm6, $0x280, v0;
	v1 =	vsel vm6, $0x2A80, v1  }
0x9: {  	vm8 =	vcmask $0x1F1C;
	s6 =	sshll.u32 s0, $0xB;
	s8 =	sshrl.u32 s3, $0x1;
	s9 =	sshll.u32 s0, $0x9;
	v0 =	vsel vm7, $0x300, v0;
	v1 =	vsel vm7, $0x2B00, v1  }
0xa: {  	vm9 =	vcmask $0x2320;
	[dreg:$0x8] =	wrdreg s30;
	p0 =	seq.s32 s0, $0x0;
	s7 =	sshrl.u32 s5, $0x3;
	v0 =	vsel vm8, $0x380, v0;
	v1 =	vsel vm8, $0x2B80, v1  }
0xb: {  	vm10 =	vcmask $0x2724;
	s6 =	sadd.s32 s6, s2;
	s3 =	ssub.s32 s3, s8;
	s29 =	sadd.s32 s1, s9;
	v0 =	vsel vm9, $0x1400, v0;
	v1 =	vsel vm9, $0x3C00, v1  }
0xc: {  	vm11 =	vcmask $0x2B28;
	s2 =	sadd.s32 $0x3D0A00, s2;
	s7 =	sadd.s32 s1, s7;
	[dreg:$0x7] =	wrdreg s29;
	v0 =	vsel vm10, $0x1480, v0;
	v1 =	vsel vm10, $0x3C80, v1  }
.Ltmp0:
0xd: {  	vm12 =	vcmask $0x2F2C;
	[dreg:$0x9] =	wrdreg s2;
	s31 =	smax.u32 s3, $0x1;
	v0 =	vsel vm11, $0x1500, v0;
	v1 =	vsel vm11, $0x3D00, v1;
	(pc) =	sbr.rel .LBB2_1-.Ltmp0, $4  }
0xe: {  	vm13 =	vcmask $0x3330;
	p1 =	seq.s32 s0, $0x1F;
	s10 =	sadd.s32 $0x1E8500, s7;
	[dreg:$0xa] =	wrdreg s31;
	v0 =	vsel vm12, $0x1580, v0;
	v1 =	vsel vm12, $0x3D80, v1  }
0xf: {  	vm14 =	vcmask $0x3734;
	p2 =	sne.s32 s0, $0x0;
	s28 =	sadd.s32 $0xF4280, s7;
	[dreg:$0x4] =	wrdreg s10;
	v0 =	vsel vm13, $0x1600, v0;
	v1 =	vsel vm13, $0x3E00, v1  }
0x10: {  	vm15 =	vcmask $0x3B38;
	s0 =	simm.s32 $0x0;
	s7 =	sadd.s32 $0x2DC780, s7;
	[dreg:$0x5] =	wrdreg s28;
	v0 =	vsel vm14, $0x1680, v0;
	v1 =	vsel vm14, $0x3E80, v1  }
0x11: {  	s13 =	sadd.s32 $0xA00, s6;
	[dreg:$0x6] =	wrdreg s7;
	s10 =	sor.u32 $0x40000, s5;
	v0 =	vsel vm15, $0x1700, v0;
	v1 =	vsel vm15, $0x3F00, v1  }
.LBB2_14:
0x12: {  	s2 =	rddreg [dreg:$0x1];
	s3 =	simm.s32 $0x12000;
	s29 =	simm.s32 $0x6  }
0x13: {  	[tilespmem:s3], [sflag:$0x6] =	stream.linear.gather [hbm4b:s2+s4], $0x800, $0x38;
	[tilespmem:$0x12800] =	vst v63  }
0x14: {  	_ =	swait.ge [sflag:s29], $0x800  }
0x15: {  	[sflag:s29] =	ssyncset.done $0x0  }
0x16: {  	s31 =	simm.s32 $0x5;
	s30 =	rddreg [dreg:$0x8];
	[sflag:s29] =	ssyncadd.s32 $0xFFFFF800  }
0x17: {  	[hbm4b:s30+s4] =	stream.linear.scatter [tilespmem:s3], [sflag:$0x5], $0x800, $0x38;
	[tilespmem:$0x12800] =	vst v63  }
0x18: {  	_ =	swait.ge [sflag:s31], $0x800  }
0x19: {  	[sflag:s31] =	ssyncset.done $0x0  }
0x1a: {  	[sflag:s31] =	ssyncadd.s32 $0xFFFFF800  }
.LBB2_15:
0x1b: {  	s2 =	simm.s32 $0x3  }
0x1c: {  	_ =	swait.ge [sflag:s2], $0x4000  }
0x1d: {  	[sflag:s2] =	ssyncset.done $0x0  }
0x1e: {  	s3 =	simm.s32 $0x4;
	[sflag:s2] =	ssyncadd.s32 $0xFFFFC000  }
0x1f: {  	_ =	swait.ge [sflag:s3], $0x4000  }
0x20: {  	s0 =	sadd.s32 $0x1, s0;
	s31 =	rddreg [dreg:$0xa]  }
0x21: {  	p3 =	sne.s32 s0, s31  }
.Ltmp1:
0x22: {  	_ = 	snop;
	(pc) =	sbr.rel @!p3 .LBB2_16-.Ltmp1, $3  }
0x23: {  	_ =	sdelay $0x1  }
0x24: {  	[sflag:s3] =	ssyncset.done $0x0  }
0x25: {  	[sflag:s3] =	ssyncadd.s32 $0xFFFFC000  }
.LBB2_1:
0x26: {  	s2 =	rddreg [dreg:$0x7]  }
0x27: {  	[tilespmem:s4], [sflag:$0x1] =	stream.linear.gather [hbm4b:s2+s4], $0x1000, $0x38;
	[tilespmem:$0x12800] =	vst v63  }
0x28: {  	s29 =	rddreg [dreg:$0x5]  }
0x29: {  	[tilespmem:s16], [sflag:$0x1] =	stream.linear.gather [hbm4b:s29+s4], $0x1000, $0x38;
	[tilespmem:$0x12800] =	vst v63  }
.Ltmp2:
0x2a: {  	_ = 	snop;
	(pc) =	sbr.rel .LBB2_2-.Ltmp2, $4  }
0x2b: {  	s30 =	rddreg [dreg:$0x4]  }
0x2c: {  	[tilespmem:s17], [sflag:$0x1] =	stream.linear.gather [hbm4b:s30+s4], $0x1000, $0x38;
	[tilespmem:$0x12800] =	vst v63  }
0x2d: {  	s31 =	rddreg [dreg:$0x6];
	s2 =	simm.s32 $0x0  }
0x2e: {  	[tilespmem:s18], [sflag:$0x1] =	stream.linear.gather [hbm4b:s31+s4], $0x1000, $0x38;
	[tilespmem:$0x12800] =	vst v63  }
.LBB2_8:
0x2f: {  	s2 =	sadd.s32 $0x1, s2  }
0x30: {  	p3 =	sne.s32 s2, $0x1F  }
.Ltmp3:
0x31: {  	_ = 	snop;
	(pc) =	sbr.rel @!p3 .LBB2_9-.Ltmp3, $1  }
0x32: {  	_ =	sdelay $0x3  }
.LBB2_2:
0x33: {  	p3 =	seq.s32 @!p0 s2, $0x1E  }
0x34: {  	p3 =	por p0, !p3  }
0x35: {  	s6 =	sshll.u32 @p3 s2, $0x12  }
0x36: {  	s6 =	sor.u32 @p3 s5, s6  }
0x37: {  	s6 =	sshrl.u32 @p3 s6, $0x3  }
0x38: {  	s9 =	simm.s32 $0x1;
	s7 =	sadd.s32 @p3 s6, s12;
	s6 =	sadd.s32 @p3 s1, s6  }
0x39: {  	[tilespmem:s19], [sflag:$0x2] =	stream.linear.gather @p3 [hbm4b:s7+s4], $0x1000, $0x38;
	[tilespmem:$0x12800] =	vst v63  }
0x3a: {  	s8 =	simm.s32 $0x2;
	s3 =	simm.s32 @p3 $0x6400;
	s7 =	sadd.s32 @p3 $0xF8280, s6  }
0x3b: {  	[tilespmem:s3], [sflag:$0x2] =	stream.linear.gather @p3 [hbm4b:s7+s4], $0x1000, $0x38;
	[tilespmem:$0x12800] =	vst v63  }
0x3c: {  	s11 =	simm.s32 $0x7;
	s7 =	sadd.s32 @p3 $0x1EC500, s6;
	s3 =	simm.s32 @p3 $0x7800  }
0x3d: {  	v5 =	vmov s11;
	[tilespmem:s3], [sflag:$0x2] =	stream.linear.gather @p3 [hbm4b:s7+s4], $0x1000, $0x38;
	[tilespmem:$0x12800] =	vst v63  }
0x3e: {  	s14 =	simm.s32 $0x3;
	s15 =	simm.s32 $0x4;
	v3 =	vmov s9;
	v4 =	vmov s8;
	v8 =	vshll.u32 v5, $0x3;
	s6 =	sadd.s32 @p3 $0x2E0780, s6  }
0x3f: {  	v6 =	vmov s14;
	v5 =	vand.u32 $0x7F, v5;
	v8 =	vand.u32 $0xC00, v8;
	[tilespmem:s22], [sflag:$0x2] =	stream.linear.gather @p3 [hbm4b:s6+s4], $0x1000, $0x38;
	[tilespmem:$0x12800] =	vst v63  }
0x40: {  	v7 =	vmov s15;
	v10 =	vshll.u32 v3, $0x3;
	v5 =	vor.u32 v5, v8;
	_ =	swait.ge [sflag:s23], $0x4000  }
0x41: {  	v3 =	vand.u32 $0x79, v3;
	v8 =	vand.u32 $0xC00, v10;
	v10 =	vadd.s32 v0, v5;
	p3 =	seq.s32 s2, $0x0;
	[sflag:s23] =	ssyncset.done $0x0  }
0x42: {  	v3 =	vor.u32 v3, v8;
	v8 =	vshll.u32 v4, $0x3;
	v5 =	vadd.s32 v1, v5;
	s6 =	simm.s32 @!p3 $0x3;
	[sflag:s23] =	ssyncadd.s32 $0xFFFFC000  }
0x43: {  	s20 =	simm.s32 $0x5;
	v4 =	vand.u32 $0x7A, v4;
	v12 =	vadd.s32 v0, v3;
	v8 =	vand.u32 $0xC00, v8;
	_ =	swait.ge @!p3 [sflag:s6], $0x4000  }
0x44: {  	s21 =	simm.s32 $0x6;
	v9 =	vmov s20;
	v3 =	vadd.s32 v1, v3;
	v4 =	vor.u32 v4, v8;
	[sflag:s6] =	ssyncset.done @!p3 $0x0  }
0x45: {  	v11 =	vmov s21;
	v8 =	vshll.u32 v6, $0x3;
	v13 =	vadd.s32 v0, v4;
	[sflag:s6] =	ssyncadd.s32 @!p3 $0xFFFFC000  }
0x46: {  	v6 =	vand.u32 $0x7B, v6;
	v8 =	vand.u32 $0xC00, v8;
	v4 =	vadd.s32 v1, v4;
	v10 =	vld.idx.msk [tilespmem:v10+s4+$0x0], $0xffff  }
0x47: {  	v6 =	vor.u32 v6, v8;
	v8 =	vshll.u32 v7, $0x3;
	v7 =	vand.u32 $0x7C, v7;
	s7 =	simm.s32 $0x0;
	v15 =	vld.idx.msk [tilespmem:v5+s4+$0x0], $0xffff  }
0x48: {  	v14 =	vadd.s32 v0, v6;
	v8 =	vand.u32 $0xC00, v8;
	v2 =	vmov s7;
	v12 =	vld.idx.msk [tilespmem:v12+s4+$0x0], $0xffff  }
0x49: {  	v5 =	vadd.s32 v1, v6;
	v6 =	vor.u32 v7, v8;
	v7 =	vshll.u32 v9, $0x3;
	v16 =	vld.idx.msk [tilespmem:v3+s4+$0x0], $0xffff  }
0x4a: {  	v3 =	vand.u32 $0x7D, v9;
	v13 =	vld.idx.msk [tilespmem:v13+s4+$0x0], $0xffff;
	v17 =	vadd.s32 v0, v6;
	v7 =	vand.u32 $0xC00, v7  }
0x4b: {  	s28 =	sshll.u32 s2, $0x1;
	s29 =	simm.s32 $0x8;
	s30 =	simm.s32 $0x60;
	v9 =	vadd.s32 v1, v6;
	v6 =	vor.u32 v3, v7;
	v7 =	vshll.u32 v11, $0x3  }
0x4c: {  	s31 =	simm.s32 $0xA0;
	s14 =	simm.s32 $0xE0;
	s11 =	simm.s32 $0xA080;
	v8 =	vand.u32 $0x7E, v11;
	v3 =	vld.idx.msk [tilespmem:v4+s4+$0x0], $0xffff;
	v18 =	vadd.s32 v0, v6;
	v7 =	vand.u32 $0xC00, v7  }
0x4d: {  	s15 =	simm.s32 $0xA;
	s8 =	simm.s32 $0x20;
	s20 =	simm.s32 $0x40;
	v11 =	vshll.u32 v2, $0x3;
	v4 =	vld.idx.msk [tilespmem:v14+s4+$0x0], $0xffff;
	v6 =	vadd.s32 v1, v6;
	v14 =	vor.u32 v8, v7;
	[tilespmem:s11+$0x60] =	vst v10  }
0x4e: {  	s21 =	simm.s32 $0xC0;
	s9 =	sor.u32 $0x70, s14;
	s3 =	simm.s32 $0x9;
	v2 =	vand.u32 $0x78, v2;
	v7 =	vand.u32 $0xC00, v11;
	v5 =	vld.idx.msk [tilespmem:v5+s4+$0x0], $0xffff;
	v8 =	vadd.s32 v0, v14;
	[tilespmem:s11+$0xFFFFFFA0] =	vst v12  }
0x4f: {  	s7 =	sor.u32 $0x30, s8;
	s8 =	sor.u32 $0x70, s30;
	s30 =	simm.s32 $0xF;
	v19 =	vor.u32 v2, v7;
	v11 =	vadd.s32 v1, v14;
	[tilespmem:s11+$0xFFFFFFC0] =	vst v13;
	v7 =	vld.idx.msk [tilespmem:v17+s4+$0x0], $0xffff  }
0x50: {  	s6 =	sor.u32 $0x50, s21;
	v2 =	vmov s29;
	v12 =	vmov s15;
	s15 =	simm.s32 $0xB;
	[tilespmem:s9+$0xA000] =	vst v15;
	s9 =	sor.u32 $0x50, s20;
	v10 =	vadd.s32 v0, v19;
	v9 =	vld.idx.msk [tilespmem:v9+s4+$0x0], $0xffff  }
0x51: {  	v15 =	vmov s3;
	[tilespmem:s7+$0xA000] =	vst v16;
	s7 =	sor.u32 $0x30, s31;
	s31 =	simm.s32 $0xC;
	v16 =	vmov s30;
	s30 =	simm.s32 $0x10;
	v14 =	vadd.s32 v1, v19;
	v13 =	vld.idx.msk [tilespmem:v18+s4+$0x0], $0xffff  }
.LBB2_3:
0x52: {  	p4 =	slt.u32 s30, $0x1F8;
	v17 =	vmov s15;
	v18 =	vmov s31;
	s3 =	sadd.s32 $0x5, s29;
	v19 =	vshll.u32 v16, $0x3;
	[tilespmem:s9+$0xA000] =	vst v3;
	v3 =	vld.idx.msk [tilespmem:v6+s4+$0x0], $0xffff  }
0x53: {  	v16 =	vand.u32 $0x7F, v16;
	v6 =	vmov s3;
	s3 =	sadd.s32 $0x6, s29;
	v19 =	vand.u32 $0xC00, v19;
	[tilespmem:s11+$0xFFFFFFE0] =	vst v4;
	v4 =	vld.idx.msk [tilespmem:v8+s4+$0x0], $0xffff;
	s29 =	smov.u32 s30  }
0x54: {  	v8 =	vshll.u32 v15, $0x3;
	v20 =	vmov s3;
	v16 =	vor.u32 v16, v19;
	[tilespmem:s8+$0xA000] =	vst v5;
	v5 =	vld.idx.msk [tilespmem:v11+s4+$0x0], $0xffff  }
0x55: {  	v11 =	vand.u32 $0x79, v15;
	v8 =	vand.u32 $0xC00, v8;
	v15 =	vadd.s32 v0, v16;
	v10 =	vld.idx.msk [tilespmem:v10+s4+$0x0], $0xffff;
	[tilespmem:s11+$0x0] =	vst v7  }
0x56: {  	v7 =	vor.u32 v11, v8;
	v8 =	vshll.u32 v12, $0x3;
	v11 =	vadd.s32 v1, v16;
	v14 =	vld.idx.msk [tilespmem:v14+s4+$0x0], $0xffff;
	[tilespmem:s11+$0x10] =	vst v9  }
0x57: {  	v12 =	vand.u32 $0x7A, v12;
	v9 =	vadd.s32 v0, v7;
	v8 =	vand.u32 $0xC00, v8;
	[tilespmem:s11+$0x20] =	vst v13  }
0x58: {  	v7 =	vadd.s32 v1, v7;
	v8 =	vor.u32 v12, v8;
	v12 =	vshll.u32 v17, $0x3;
	[tilespmem:s7+$0xA000] =	vst v3  }
0x59: {  	v13 =	vand.u32 $0x7B, v17;
	v3 =	vadd.s32 v0, v8;
	v12 =	vand.u32 $0xC00, v12;
	[tilespmem:s11+$0x40] =	vst v4  }
0x5a: {  	v4 =	vadd.s32 v1, v8;
	v8 =	vor.u32 v13, v12;
	v12 =	vshll.u32 v18, $0x3;
	v13 =	vld.idx.msk [tilespmem:v15+s4+$0x0], $0xffff;
	[tilespmem:s6+$0xA000] =	vst v5  }
0x5b: {  	v5 =	vadd.s32 v0, v8;
	v15 =	vand.u32 $0x7C, v18;
	v12 =	vand.u32 $0xC00, v12;
	v11 =	vld.idx.msk [tilespmem:v11+s4+$0x0], $0xffff;
	[tilespmem:s11+$0xFFFFFF80] =	vst v10  }
0x5c: {  	v8 =	vadd.s32 v1, v8;
	v10 =	vor.u32 v15, v12;
	v12 =	vshll.u32 v6, $0x3;
	v9 =	vld.idx.msk [tilespmem:v9+s4+$0x0], $0xffff;
	[tilespmem:s11+$0xFFFFFF90] =	vst v14  }
0x5d: {  	v6 =	vand.u32 $0x7D, v6;
	v12 =	vand.u32 $0xC00, v12;
	v14 =	vld.idx.msk [tilespmem:v7+s4+$0x0], $0xffff;
	v7 =	vadd.s32 v0, v10  }
0x5e: {  	s14 =	sadd.s32 $0x100, s14;
	s3 =	sadd.s32 $0x1, s30;
	v16 =	vadd.s32 v1, v10;
	v6 =	vor.u32 v6, v12;
	v10 =	vshll.u32 v20, $0x3;
	v17 =	vld.idx.msk [tilespmem:v3+s4+$0x0], $0xffff  }
0x5f: {  	s15 =	sadd.s32 $0x2, s30;
	s8 =	sor.u32 $0x70, s14;
	s11 =	sadd.s32 $0x100, s11;
	v12 =	vand.u32 $0x7E, v20;
	v18 =	vadd.s32 v0, v6;
	v10 =	vand.u32 $0xC00, v10;
	v3 =	vld.idx.msk [tilespmem:v4+s4+$0x0], $0xffff  }
.Ltmp4:
0x60: {  	s7 =	sadd.s32 $0xFFFFFF60, s14;
	s6 =	sadd.s32 $0xFFFFFF40, s14;
	v15 =	vshll.u32 v2, $0x3;
	v6 =	vadd.s32 v1, v6;
	v10 =	vor.u32 v12, v10;
	v4 =	vld.idx.msk [tilespmem:v5+s4+$0x0], $0xffff;
	[tilespmem:s11+$0x60] =	vst v13;
	(pc) =	sbr.rel @p4 .LBB2_3-.Ltmp4, $4  }
0x61: {  	s31 =	sadd.s32 $0xFFFFFF80, s14;
	s20 =	sadd.s32 $0xFFFFFFC0, s14;
	s21 =	sadd.s32 $0xFFFFFFE0, s14;
	v2 =	vand.u32 $0x78, v2;
	v12 =	vand.u32 $0xC00, v15;
	v5 =	vld.idx.msk [tilespmem:v8+s4+$0x0], $0xffff;
	v8 =	vadd.s32 v0, v10;
	[tilespmem:s8+$0xA000] =	vst v11  }
0x62: {  	s9 =	sor.u32 $0x50, s7;
	s6 =	sor.u32 $0x30, s6;
	v13 =	vor.u32 v2, v12;
	s8 =	sor.u32 $0x70, s31;
	v11 =	vadd.s32 v1, v10;
	[tilespmem:s11+$0xFFFFFFA0] =	vst v9;
	v7 =	vld.idx.msk [tilespmem:v7+s4+$0x0], $0xffff  }
0x63: {  	s7 =	sor.u32 $0x30, s20;
	v15 =	vmov s3;
	s3 =	sadd.s32 $0x7, s30;
	v2 =	vmov s30;
	v10 =	vadd.s32 v0, v13;
	[tilespmem:s6+$0xA000] =	vst v14;
	v9 =	vld.idx.msk [tilespmem:v16+s4+$0x0], $0xffff;
	s6 =	sor.u32 $0x50, s21  }
0x64: {  	v12 =	vmov s15;
	s15 =	sadd.s32 $0x3, s29;
	s30 =	sadd.s32 $0x8, s30;
	s31 =	sadd.s32 $0x4, s29;
	v16 =	vmov s3;
	v14 =	vadd.s32 v1, v13;
	[tilespmem:s11+$0xFFFFFFC0] =	vst v17;
	v13 =	vld.idx.msk [tilespmem:v18+s4+$0x0], $0xffff  }
0x65: {  	_ = 	snop  }
0x66: {  	v19 =	vshll.u32 v16, $0x3;
	v32 =	vand.u32 $0x7F, v16;
	[tilespmem:s9+$0xA000] =	vst v3;
	v3 =	vshll.u32 v15, $0x3  }
0x67: {  	v34 =	vand.u32 $0x79, v15;
	v36 =	vshll.u32 v12, $0x3;
	v19 =	vand.u32 $0xC00, v19  }
0x68: {  	v39 =	vand.u32 $0x7A, v12;
	v3 =	vand.u32 $0xC00, v3;
	v16 =	vor.u32 v32, v19  }
0x69: {  	v6 =	vld.idx.msk [tilespmem:v6+s4+$0x0], $0xffff;
	[tilespmem:s11+$0xFFFFFFE0] =	vst v4;
	v4 =	vand.u32 $0xC00, v36;
	v3 =	vor.u32 v34, v3;
	v35 =	vadd.s32 v0, v16  }
0x6a: {  	v17 =	vmov s15;
	s3 =	sadd.s32 $0x5, s29;
	v8 =	vld.idx.msk [tilespmem:v8+s4+$0x0], $0xffff;
	[tilespmem:s8+$0xA000] =	vst v5;
	v4 =	vor.u32 v39, v4;
	v38 =	vadd.s32 v0, v3  }
0x6b: {  	v18 =	vmov s31;
	s30 =	sadd.s32 $0x6, s29;
	v10 =	vld.idx.msk [tilespmem:v10+s4+$0x0], $0xffff;
	v20 =	vmov s3;
	[tilespmem:s11+$0x0] =	vst v7;
	v42 =	vadd.s32 v0, v4  }
0x6c: {  	v41 =	vld.idx.msk [tilespmem:v14+s4+$0x0], $0xffff;
	v33 =	vmov s30;
	v40 =	vshll.u32 v17, $0x3;
	v37 =	vadd.s32 v1, v16;
	[tilespmem:s11+$0x10] =	vst v9  }
0x6d: {  	v11 =	vld.idx.msk [tilespmem:v11+s4+$0x0], $0xffff;
	v43 =	vand.u32 $0x7B, v17;
	v3 =	vadd.s32 v1, v3;
	v9 =	vand.u32 $0xC00, v40;
	[tilespmem:s11+$0x20] =	vst v13  }
0x6e: {  	v45 =	vshll.u32 v18, $0x3;
	v4 =	vadd.s32 v1, v4;
	v44 =	vor.u32 v43, v9;
	[tilespmem:s7+$0xA000] =	vst v6;
	v46 =	vld.idx.msk [tilespmem:v35+s4+$0x0], $0xffff  }
0x6f: {  	v48 =	vand.u32 $0x7C, v18;
	v9 =	vand.u32 $0xC00, v45;
	[tilespmem:s11+$0x40] =	vst v8;
	v47 =	vadd.s32 v0, v44;
	v7 =	vld.idx.msk [tilespmem:v38+s4+$0x0], $0xffff  }
0x70: {  	v53 =	vshll.u32 v33, $0x3;
	v6 =	vadd.s32 v1, v44;
	v9 =	vor.u32 v48, v9;
	[tilespmem:s11+$0xFFFFFF80] =	vst v10;
	v52 =	vld.idx.msk [tilespmem:v42+s4+$0x0], $0xffff  }
0x71: {  	v54 =	vand.u32 $0x7E, v33;
	v13 =	vand.u32 $0xC00, v53;
	[tilespmem:s11+$0xFFFFFF90] =	vst v41;
	v50 =	vadd.s32 v0, v9;
	v5 =	vld.idx.msk [tilespmem:v37+s4+$0x0], $0xffff  }
0x72: {  	v49 =	vshll.u32 v20, $0x3;
	v13 =	vor.u32 v54, v13;
	[tilespmem:s6+$0xA000] =	vst v11;
	v9 =	vadd.s32 v1, v9;
	s6 =	sadd.s32 $0x100, s11;
	v3 =	vld.idx.msk [tilespmem:v3+s4+$0x0], $0xffff  }
0x73: {  	v51 =	vand.u32 $0x7D, v20;
	v11 =	vand.u32 $0xC00, v49;
	v57 =	vadd.s32 v0, v13;
	v4 =	vld.idx.msk [tilespmem:v4+s4+$0x0], $0xffff;
	[tilespmem:s6+$0x60] =	vst v46  }
0x74: {  	s31 =	sadd.s32 $0x100, s14;
	v55 =	vshll.u32 v2, $0x3;
	v59 =	vadd.s32 v1, v13;
	v11 =	vor.u32 v51, v11;
	v8 =	vld.idx.msk [tilespmem:v47+s4+$0x0], $0xffff;
	[tilespmem:s6+$0xFFFFFFA0] =	vst v7  }
0x75: {  	v2 =	vand.u32 $0x78, v2;
	s9 =	sor.u32 $0x70, s31;
	v56 =	vand.u32 $0xC00, v55;
	s11 =	sadd.s32 $0xFFFFFF40, s31;
	v15 =	vadd.s32 v0, v11;
	v6 =	vld.idx.msk [tilespmem:v6+s4+$0x0], $0xffff;
	[tilespmem:s6+$0xFFFFFFC0] =	vst v52  }
0x76: {  	s15 =	sadd.s32 $0xFFFFFF60, s31;
	v2 =	vor.u32 v2, v56;
	s14 =	sor.u32 $0x30, s11;
	v11 =	vadd.s32 v1, v11;
	v58 =	vld.idx.msk [tilespmem:v50+s4+$0x0], $0xffff;
	[tilespmem:s9+$0xA000] =	vst v5  }
0x77: {  	s20 =	sor.u32 $0x50, s15;
	v9 =	vld.idx.msk [tilespmem:v9+s4+$0x0], $0xffff;
	[tilespmem:s14+$0xA000] =	vst v3;
	v3 =	vadd.s32 v0, v2  }
0x78: {  	s21 =	sadd.s32 $0xFFFFFF80, s31;
	v62 =	vld.idx.msk [tilespmem:v57+s4+$0x0], $0xffff;
	v2 =	vadd.s32 v1, v2;
	[tilespmem:s20+$0xA000] =	vst v4  }
0x79: {  	s29 =	sor.u32 $0x70, s21;
	v63 =	vld.idx.msk [tilespmem:v59+s4+$0x0], $0xffff;
	[tilespmem:s6+$0xFFFFFFE0] =	vst v8  }
0x7a: {  	v60 =	vld.idx.msk [tilespmem:v15+s4+$0x0], $0xffff;
	[tilespmem:s29+$0xA000] =	vst v6  }
0x7b: {  	v61 =	vld.idx.msk [tilespmem:v11+s4+$0x0], $0xffff;
	[tilespmem:s6+$0x0] =	vst v58  }
0x7c: {  	s3 =	sadd.s32 $0xFFFFFFE0, s31;
	[tilespmem:s6+$0x10] =	vst v9;
	v3 =	vld.idx.msk [tilespmem:v3+s4+$0x0], $0xffff  }
0x7d: {  	s28 =	sor.u32 $0x1, s28;
	s3 =	sor.u32 $0x50, s3;
	[tilespmem:s6+$0x40] =	vst v62;
	v2 =	vld.idx.msk [tilespmem:v2+s4+$0x0], $0xffff  }
0x7e: {  	s30 =	sadd.s32 $0xFFFFFFC0, s31;
	p4 =	sgt.u32 s28, $0x3C;
	[tilespmem:s3+$0xA000] =	vst v63  }
.Ltmp5:
0x7f: {  	s7 =	sor.u32 $0x30, s30;
	[tilespmem:s6+$0x20] =	vst v60;
	(pc) =	sbr.rel @p4 .LBB2_8-.Ltmp5, $4  }
0x80: {  	[tilespmem:s7+$0xA000] =	vst v61  }
0x81: {  	s31 =	sshll.u32 s2, $0x11;
	[tilespmem:s6+$0xFFFFFF80] =	vst v3  }
0x82: {  	s3 =	sadd.s32 s31, s13;
	[tilespmem:s6+$0xFFFFFF90] =	vst v2  }
0x83: {  	[hbm4b:s3+s4] =	stream.linear.scatter [tilespmem:s24], [sflag:$0x3], $0x4000, $0x38;
	[tilespmem:$0x12800] =	vst v63  }
0x84: {  	s3 =	sshll.u32 s2, $0x12  }
0x85: {  	s3 =	sadd.s32 s10, s3  }
0x86: {  	s3 =	sshrl.u32 s3, $0x3  }
0x87: {  	s3 =	sadd.s32 s1, s3  }
0x88: {  	[tilespmem:s4], [sflag:$0x1] =	stream.linear.gather [hbm4b:s3+s4], $0x1000, $0x38;
	[tilespmem:$0x12800] =	vst v63  }
0x89: {  	s9 =	simm.s32 $0x0;
	s6 =	sadd.s32 $0xF4280, s3  }
0x8a: {  	[tilespmem:s16], [sflag:$0x1] =	stream.linear.gather [hbm4b:s6+s4], $0x1000, $0x38;
	[tilespmem:$0x12800] =	vst v63  }
0x8b: {  	s11 =	simm.s32 $0x1;
	s14 =	simm.s32 $0x7;
	s8 =	sadd.s32 $0x1E8500, s3  }
0x8c: {  	v5 =	vmov s14;
	[tilespmem:s17], [sflag:$0x1] =	stream.linear.gather [hbm4b:s8+s4], $0x1000, $0x38;
	[tilespmem:$0x12800] =	vst v63  }
0x8d: {  	s7 =	simm.s32 $0x2;
	s15 =	simm.s32 $0x3;
	v2 =	vmov s9;
	v3 =	vmov s11;
	v8 =	vshll.u32 v5, $0x3;
	s3 =	sadd.s32 $0x2DC780, s3  }
0x8e: {  	v4 =	vmov s7;
	v5 =	vand.u32 $0x7F, v5;
	v8 =	vand.u32 $0xC00, v8;
	[tilespmem:s18], [sflag:$0x1] =	stream.linear.gather [hbm4b:s3+s4], $0x1000, $0x38;
	[tilespmem:$0x12800] =	vst v63  }
0x8f: {  	v6 =	vmov s15;
	v10 =	vshll.u32 v3, $0x3;
	v5 =	vor.u32 v5, v8;
	_ =	swait.ge [sflag:s25], $0x4000  }
0x90: {  	v3 =	vand.u32 $0x79, v3;
	v8 =	vand.u32 $0xC00, v10;
	v10 =	vadd.s32 v0, v5;
	[sflag:s25] =	ssyncset.done $0x0  }
0x91: {  	v3 =	vor.u32 v3, v8;
	v8 =	vshll.u32 v4, $0x3;
	v5 =	vadd.s32 v1, v5;
	s3 =	simm.s32 @!p3 $0x4;
	[sflag:s25] =	ssyncadd.s32 $0xFFFFC000  }
0x92: {  	s20 =	simm.s32 $0x4;
	v4 =	vand.u32 $0x7A, v4;
	v12 =	vadd.s32 v0, v3;
	v8 =	vand.u32 $0xC00, v8;
	_ =	swait.ge @!p3 [sflag:s3], $0x4000  }
0x93: {  	s21 =	simm.s32 $0x5;
	v7 =	vmov s20;
	v3 =	vadd.s32 v1, v3;
	v4 =	vor.u32 v4, v8;
	[sflag:s3] =	ssyncset.done @!p3 $0x0  }
0x94: {  	v9 =	vmov s21;
	s6 =	simm.s32 $0x6;
	v8 =	vshll.u32 v6, $0x3;
	v13 =	vadd.s32 v0, v4;
	[sflag:s3] =	ssyncadd.s32 @!p3 $0xFFFFC000  }
0x95: {  	v11 =	vmov s6;
	v6 =	vand.u32 $0x7B, v6;
	v8 =	vand.u32 $0xC00, v8;
	v10 =	vld.idx.msk [tilespmem:v10+s19+$0x0], $0xffff  }
0x96: {  	v4 =	vadd.s32 v1, v4;
	v6 =	vor.u32 v6, v8;
	v8 =	vshll.u32 v7, $0x3;
	v15 =	vld.idx.msk [tilespmem:v5+s19+$0x0], $0xffff  }
0x97: {  	v7 =	vand.u32 $0x7C, v7;
	v14 =	vadd.s32 v0, v6;
	v8 =	vand.u32 $0xC00, v8;
	v12 =	vld.idx.msk [tilespmem:v12+s19+$0x0], $0xffff  }
0x98: {  	v5 =	vadd.s32 v1, v6;
	v6 =	vor.u32 v7, v8;
	v7 =	vshll.u32 v9, $0x3;
	v16 =	vld.idx.msk [tilespmem:v3+s19+$0x0], $0xffff  }
0x99: {  	v3 =	vand.u32 $0x7D, v9;
	v13 =	vld.idx.msk [tilespmem:v13+s19+$0x0], $0xffff;
	v17 =	vadd.s32 v0, v6;
	v7 =	vand.u32 $0xC00, v7  }
0x9a: {  	s29 =	simm.s32 $0x8;
	s30 =	simm.s32 $0xC0;
	v9 =	vadd.s32 v1, v6;
	v6 =	vor.u32 v3, v7;
	v7 =	vshll.u32 v11, $0x3  }
0x9b: {  	s31 =	simm.s32 $0xC;
	s14 =	simm.s32 $0xE0;
	s11 =	simm.s32 $0xE080;
	v8 =	vand.u32 $0x7E, v11;
	v3 =	vld.idx.msk [tilespmem:v4+s19+$0x0], $0xffff;
	v18 =	vadd.s32 v0, v6;
	v7 =	vand.u32 $0xC00, v7  }
0x9c: {  	s15 =	simm.s32 $0xA;
	s7 =	simm.s32 $0x20;
	s9 =	simm.s32 $0x40;
	v11 =	vshll.u32 v2, $0x3;
	v4 =	vld.idx.msk [tilespmem:v14+s19+$0x0], $0xffff;
	v6 =	vadd.s32 v1, v6;
	v14 =	vor.u32 v8, v7;
	[tilespmem:s11+$0x60] =	vst v10  }
0x9d: {  	s20 =	simm.s32 $0x60;
	s21 =	simm.s32 $0xA0;
	s9 =	sor.u32 $0x50, s9;
	v2 =	vand.u32 $0x78, v2;
	v7 =	vand.u32 $0xC00, v11;
	v5 =	vld.idx.msk [tilespmem:v5+s19+$0x0], $0xffff;
	v8 =	vadd.s32 v0, v14;
	[tilespmem:s11+$0xFFFFFFA0] =	vst v12  }
0x9e: {  	s6 =	sor.u32 $0x30, s7;
	s7 =	sor.u32 $0x30, s21;
	s8 =	sor.u32 $0x70, s14;
	v19 =	vor.u32 v2, v7;
	v11 =	vadd.s32 v1, v14;
	[tilespmem:s11+$0xFFFFFFC0] =	vst v13;
	v7 =	vld.idx.msk [tilespmem:v17+s19+$0x0], $0xffff  }
0x9f: {  	s3 =	simm.s32 $0x9;
	v2 =	vmov s29;
	v12 =	vmov s15;
	[tilespmem:s8+$0xE000] =	vst v15;
	s8 =	sor.u32 $0x70, s20;
	s20 =	simm.s32 $0xF;
	v10 =	vadd.s32 v0, v19;
	v9 =	vld.idx.msk [tilespmem:v9+s19+$0x0], $0xffff  }
0xa0: {  	s15 =	simm.s32 $0xB;
	v15 =	vmov s3;
	[tilespmem:s6+$0xE000] =	vst v16;
	s6 =	sor.u32 $0x50, s30;
	s30 =	simm.s32 $0x10;
	v14 =	vadd.s32 v1, v19;
	v16 =	vmov s20;
	v13 =	vld.idx.msk [tilespmem:v18+s19+$0x0], $0xffff  }
.LBB2_6:
0xa1: {  	p3 =	slt.u32 s30, $0x1F8;
	v17 =	vmov s15;
	v18 =	vmov s31;
	s3 =	sadd.s32 $0x5, s29;
	v19 =	vshll.u32 v16, $0x3;
	[tilespmem:s9+$0xE000] =	vst v3;
	v3 =	vld.idx.msk [tilespmem:v6+s19+$0x0], $0xffff  }
0xa2: {  	v16 =	vand.u32 $0x7F, v16;
	v6 =	vmov s3;
	s3 =	sadd.s32 $0x6, s29;
	v19 =	vand.u32 $0xC00, v19;
	[tilespmem:s11+$0xFFFFFFE0] =	vst v4;
	v4 =	vld.idx.msk [tilespmem:v8+s19+$0x0], $0xffff;
	s29 =	smov.u32 s30  }
0xa3: {  	v8 =	vshll.u32 v15, $0x3;
	v20 =	vmov s3;
	v16 =	vor.u32 v16, v19;
	[tilespmem:s8+$0xE000] =	vst v5;
	v5 =	vld.idx.msk [tilespmem:v11+s19+$0x0], $0xffff  }
0xa4: {  	v11 =	vand.u32 $0x79, v15;
	v8 =	vand.u32 $0xC00, v8;
	v15 =	vadd.s32 v0, v16;
	v10 =	vld.idx.msk [tilespmem:v10+s19+$0x0], $0xffff;
	[tilespmem:s11+$0x0] =	vst v7  }
0xa5: {  	v7 =	vor.u32 v11, v8;
	v8 =	vshll.u32 v12, $0x3;
	v11 =	vadd.s32 v1, v16;
	v14 =	vld.idx.msk [tilespmem:v14+s19+$0x0], $0xffff;
	[tilespmem:s11+$0x10] =	vst v9  }
0xa6: {  	v12 =	vand.u32 $0x7A, v12;
	v9 =	vadd.s32 v0, v7;
	v8 =	vand.u32 $0xC00, v8;
	[tilespmem:s11+$0x20] =	vst v13  }
0xa7: {  	v7 =	vadd.s32 v1, v7;
	v8 =	vor.u32 v12, v8;
	v12 =	vshll.u32 v17, $0x3;
	[tilespmem:s7+$0xE000] =	vst v3  }
0xa8: {  	v13 =	vand.u32 $0x7B, v17;
	v3 =	vadd.s32 v0, v8;
	v12 =	vand.u32 $0xC00, v12;
	[tilespmem:s11+$0x40] =	vst v4  }
0xa9: {  	v4 =	vadd.s32 v1, v8;
	v8 =	vor.u32 v13, v12;
	v12 =	vshll.u32 v18, $0x3;
	v13 =	vld.idx.msk [tilespmem:v15+s19+$0x0], $0xffff;
	[tilespmem:s6+$0xE000] =	vst v5  }
0xaa: {  	v5 =	vadd.s32 v0, v8;
	v15 =	vand.u32 $0x7C, v18;
	v12 =	vand.u32 $0xC00, v12;
	v11 =	vld.idx.msk [tilespmem:v11+s19+$0x0], $0xffff;
	[tilespmem:s11+$0xFFFFFF80] =	vst v10  }
0xab: {  	v8 =	vadd.s32 v1, v8;
	v10 =	vor.u32 v15, v12;
	v12 =	vshll.u32 v6, $0x3;
	v9 =	vld.idx.msk [tilespmem:v9+s19+$0x0], $0xffff;
	[tilespmem:s11+$0xFFFFFF90] =	vst v14  }
0xac: {  	v6 =	vand.u32 $0x7D, v6;
	v12 =	vand.u32 $0xC00, v12;
	v14 =	vld.idx.msk [tilespmem:v7+s19+$0x0], $0xffff;
	v7 =	vadd.s32 v0, v10  }
0xad: {  	s14 =	sadd.s32 $0x100, s14;
	s3 =	sadd.s32 $0x1, s30;
	v16 =	vadd.s32 v1, v10;
	v6 =	vor.u32 v6, v12;
	v10 =	vshll.u32 v20, $0x3;
	v17 =	vld.idx.msk [tilespmem:v3+s19+$0x0], $0xffff  }
0xae: {  	s15 =	sadd.s32 $0x2, s30;
	s8 =	sor.u32 $0x70, s14;
	s11 =	sadd.s32 $0x100, s11;
	v12 =	vand.u32 $0x7E, v20;
	v18 =	vadd.s32 v0, v6;
	v10 =	vand.u32 $0xC00, v10;
	v3 =	vld.idx.msk [tilespmem:v4+s19+$0x0], $0xffff  }
.Ltmp6:
0xaf: {  	s7 =	sadd.s32 $0xFFFFFF60, s14;
	s6 =	sadd.s32 $0xFFFFFF40, s14;
	v15 =	vshll.u32 v2, $0x3;
	v6 =	vadd.s32 v1, v6;
	v10 =	vor.u32 v12, v10;
	v4 =	vld.idx.msk [tilespmem:v5+s19+$0x0], $0xffff;
	[tilespmem:s11+$0x60] =	vst v13;
	(pc) =	sbr.rel @p3 .LBB2_6-.Ltmp6, $4  }
0xb0: {  	s20 =	sadd.s32 $0xFFFFFF80, s14;
	s21 =	sadd.s32 $0xFFFFFFC0, s14;
	s31 =	sadd.s32 $0xFFFFFFE0, s14;
	v2 =	vand.u32 $0x78, v2;
	v12 =	vand.u32 $0xC00, v15;
	v5 =	vld.idx.msk [tilespmem:v8+s19+$0x0], $0xffff;
	v8 =	vadd.s32 v0, v10;
	[tilespmem:s8+$0xE000] =	vst v11  }
0xb1: {  	s9 =	sor.u32 $0x50, s7;
	s6 =	sor.u32 $0x30, s6;
	v13 =	vor.u32 v2, v12;
	s8 =	sor.u32 $0x70, s20;
	v11 =	vadd.s32 v1, v10;
	[tilespmem:s11+$0xFFFFFFA0] =	vst v9;
	v7 =	vld.idx.msk [tilespmem:v7+s19+$0x0], $0xffff  }
0xb2: {  	s7 =	sor.u32 $0x30, s21;
	v15 =	vmov s3;
	s3 =	sadd.s32 $0x7, s30;
	v2 =	vmov s30;
	v10 =	vadd.s32 v0, v13;
	[tilespmem:s6+$0xE000] =	vst v14;
	v9 =	vld.idx.msk [tilespmem:v16+s19+$0x0], $0xffff;
	s6 =	sor.u32 $0x50, s31  }
0xb3: {  	v12 =	vmov s15;
	s15 =	sadd.s32 $0x3, s29;
	s30 =	sadd.s32 $0x8, s30;
	s31 =	sadd.s32 $0x4, s29;
	v16 =	vmov s3;
	v14 =	vadd.s32 v1, v13;
	[tilespmem:s11+$0xFFFFFFC0] =	vst v17;
	v13 =	vld.idx.msk [tilespmem:v18+s19+$0x0], $0xffff  }
0xb4: {  	_ = 	snop  }
0xb5: {  	v19 =	vshll.u32 v16, $0x3;
	v32 =	vand.u32 $0x7F, v16;
	[tilespmem:s9+$0xE000] =	vst v3;
	v3 =	vshll.u32 v15, $0x3  }
0xb6: {  	v34 =	vand.u32 $0x79, v15;
	v36 =	vshll.u32 v12, $0x3;
	v19 =	vand.u32 $0xC00, v19  }
0xb7: {  	v39 =	vand.u32 $0x7A, v12;
	v3 =	vand.u32 $0xC00, v3;
	v16 =	vor.u32 v32, v19  }
0xb8: {  	v6 =	vld.idx.msk [tilespmem:v6+s19+$0x0], $0xffff;
	[tilespmem:s11+$0xFFFFFFE0] =	vst v4;
	v4 =	vand.u32 $0xC00, v36;
	v3 =	vor.u32 v34, v3;
	v35 =	vadd.s32 v0, v16  }
0xb9: {  	v17 =	vmov s15;
	s3 =	sadd.s32 $0x5, s29;
	v8 =	vld.idx.msk [tilespmem:v8+s19+$0x0], $0xffff;
	[tilespmem:s8+$0xE000] =	vst v5;
	v4 =	vor.u32 v39, v4;
	v38 =	vadd.s32 v0, v3  }
0xba: {  	v18 =	vmov s31;
	s30 =	sadd.s32 $0x6, s29;
	v10 =	vld.idx.msk [tilespmem:v10+s19+$0x0], $0xffff;
	v20 =	vmov s3;
	[tilespmem:s11+$0x0] =	vst v7;
	v42 =	vadd.s32 v0, v4  }
0xbb: {  	v41 =	vld.idx.msk [tilespmem:v14+s19+$0x0], $0xffff;
	v33 =	vmov s30;
	v40 =	vshll.u32 v17, $0x3;
	v37 =	vadd.s32 v1, v16;
	[tilespmem:s11+$0x10] =	vst v9  }
0xbc: {  	v11 =	vld.idx.msk [tilespmem:v11+s19+$0x0], $0xffff;
	v43 =	vand.u32 $0x7B, v17;
	v3 =	vadd.s32 v1, v3;
	v9 =	vand.u32 $0xC00, v40;
	[tilespmem:s11+$0x20] =	vst v13  }
0xbd: {  	v45 =	vshll.u32 v18, $0x3;
	v4 =	vadd.s32 v1, v4;
	v44 =	vor.u32 v43, v9;
	[tilespmem:s7+$0xE000] =	vst v6;
	v46 =	vld.idx.msk [tilespmem:v35+s19+$0x0], $0xffff  }
0xbe: {  	v48 =	vand.u32 $0x7C, v18;
	v9 =	vand.u32 $0xC00, v45;
	[tilespmem:s11+$0x40] =	vst v8;
	v47 =	vadd.s32 v0, v44;
	v7 =	vld.idx.msk [tilespmem:v38+s19+$0x0], $0xffff  }
0xbf: {  	v53 =	vshll.u32 v33, $0x3;
	v6 =	vadd.s32 v1, v44;
	v9 =	vor.u32 v48, v9;
	[tilespmem:s11+$0xFFFFFF80] =	vst v10;
	v52 =	vld.idx.msk [tilespmem:v42+s19+$0x0], $0xffff  }
0xc0: {  	v54 =	vand.u32 $0x7E, v33;
	v13 =	vand.u32 $0xC00, v53;
	[tilespmem:s11+$0xFFFFFF90] =	vst v41;
	v50 =	vadd.s32 v0, v9;
	v5 =	vld.idx.msk [tilespmem:v37+s19+$0x0], $0xffff  }
0xc1: {  	v49 =	vshll.u32 v20, $0x3;
	v13 =	vor.u32 v54, v13;
	[tilespmem:s6+$0xE000] =	vst v11;
	v9 =	vadd.s32 v1, v9;
	s6 =	sadd.s32 $0x100, s11;
	v3 =	vld.idx.msk [tilespmem:v3+s19+$0x0], $0xffff  }
0xc2: {  	v51 =	vand.u32 $0x7D, v20;
	v11 =	vand.u32 $0xC00, v49;
	v57 =	vadd.s32 v0, v13;
	v4 =	vld.idx.msk [tilespmem:v4+s19+$0x0], $0xffff;
	[tilespmem:s6+$0x60] =	vst v46  }
0xc3: {  	s31 =	sadd.s32 $0x100, s14;
	v55 =	vshll.u32 v2, $0x3;
	v59 =	vadd.s32 v1, v13;
	v11 =	vor.u32 v51, v11;
	v8 =	vld.idx.msk [tilespmem:v47+s19+$0x0], $0xffff;
	[tilespmem:s6+$0xFFFFFFA0] =	vst v7  }
0xc4: {  	v2 =	vand.u32 $0x78, v2;
	s9 =	sor.u32 $0x70, s31;
	v56 =	vand.u32 $0xC00, v55;
	s11 =	sadd.s32 $0xFFFFFF40, s31;
	v15 =	vadd.s32 v0, v11;
	v6 =	vld.idx.msk [tilespmem:v6+s19+$0x0], $0xffff;
	[tilespmem:s6+$0xFFFFFFC0] =	vst v52  }
0xc5: {  	s15 =	sadd.s32 $0xFFFFFF60, s31;
	v2 =	vor.u32 v2, v56;
	s14 =	sor.u32 $0x30, s11;
	v11 =	vadd.s32 v1, v11;
	v58 =	vld.idx.msk [tilespmem:v50+s19+$0x0], $0xffff;
	[tilespmem:s9+$0xE000] =	vst v5  }
0xc6: {  	s20 =	sor.u32 $0x50, s15;
	v9 =	vld.idx.msk [tilespmem:v9+s19+$0x0], $0xffff;
	[tilespmem:s14+$0xE000] =	vst v3;
	v3 =	vadd.s32 v0, v2  }
0xc7: {  	s21 =	sadd.s32 $0xFFFFFF80, s31;
	v62 =	vld.idx.msk [tilespmem:v57+s19+$0x0], $0xffff;
	v2 =	vadd.s32 v1, v2;
	[tilespmem:s20+$0xE000] =	vst v4  }
0xc8: {  	s29 =	sor.u32 $0x70, s21;
	v63 =	vld.idx.msk [tilespmem:v59+s19+$0x0], $0xffff;
	[tilespmem:s6+$0xFFFFFFE0] =	vst v8  }
0xc9: {  	v60 =	vld.idx.msk [tilespmem:v15+s19+$0x0], $0xffff;
	[tilespmem:s29+$0xE000] =	vst v6  }
0xca: {  	v61 =	vld.idx.msk [tilespmem:v11+s19+$0x0], $0xffff;
	[tilespmem:s6+$0x0] =	vst v58  }
0xcb: {  	s3 =	sadd.s32 $0xFFFFFFE0, s31;
	[tilespmem:s6+$0x10] =	vst v9;
	v3 =	vld.idx.msk [tilespmem:v3+s19+$0x0], $0xffff  }
0xcc: {  	s3 =	sor.u32 $0x50, s3;
	[tilespmem:s6+$0x40] =	vst v62;
	v2 =	vld.idx.msk [tilespmem:v2+s19+$0x0], $0xffff  }
0xcd: {  	s30 =	sadd.s32 $0xFFFFFFC0, s31;
	[tilespmem:s3+$0xE000] =	vst v63  }
.Ltmp7:
0xce: {  	s7 =	sor.u32 $0x30, s30;
	[tilespmem:s6+$0x20] =	vst v60;
	(pc) =	sbr.rel .LBB2_8-.Ltmp7, $4  }
0xcf: {  	[tilespmem:s7+$0xE000] =	vst v61  }
0xd0: {  	s31 =	sshll.u32 s28, $0x10;
	[tilespmem:s6+$0xFFFFFF80] =	vst v3  }
0xd1: {  	s3 =	sadd.s32 s31, s13;
	[tilespmem:s6+$0xFFFFFF90] =	vst v2  }
0xd2: {  	[hbm4b:s3+s4] =	stream.linear.scatter [tilespmem:s26], [sflag:$0x4], $0x4000, $0x38;
	[tilespmem:$0x12800] =	vst v63  }
.LBB2_9:
.Ltmp8:
0xd3: {  	(pc) =	sbr.rel @p1 .LBB2_14-.Ltmp8, $1  }
0xd4: {  	_ =	sdelay $0x3  }
.Ltmp9:
0xd5: {  	(pc) =	sbr.rel @p2 .LBB2_15-.Ltmp9, $1  }
0xd6: {  	_ =	sdelay $0x3  }
0xd7: {  	s2 =	simm.s32 $0x0  }
0xd8: {  	s3 =	simm.s32 $0x1;
	s6 =	simm.s32 $0x2;
	s11 =	simm.s32 $0x7;
	v2 =	vmov s2  }
0xd9: {  	s14 =	simm.s32 $0x3;
	s15 =	simm.s32 $0x4;
	v3 =	vmov s3;
	v4 =	vmov s6;
	v5 =	vmov s11  }
0xda: {  	s20 =	simm.s32 $0x5;
	v6 =	vmov s14;
	v7 =	vmov s15;
	v8 =	vshll.u32 v5, $0x3  }
0xdb: {  	s21 =	simm.s32 $0x6;
	v9 =	vmov s20;
	v5 =	vand.u32 $0x7F, v5;
	v8 =	vand.u32 $0xC00, v8  }
0xdc: {  	_ =	swait.ge [sflag:s25], $0x4000;
	v11 =	vmov s21;
	v10 =	vshll.u32 v3, $0x3;
	v5 =	vor.u32 v5, v8  }
0xdd: {  	[sflag:s25] =	ssyncset.done $0x0;
	v3 =	vand.u32 $0x79, v3;
	v8 =	vand.u32 $0xC00, v10;
	v10 =	vadd.s32 v0, v5  }
0xde: {  	s30 =	simm.s32 $0x4;
	[sflag:s25] =	ssyncadd.s32 $0xFFFFC000;
	v3 =	vor.u32 v3, v8;
	v8 =	vshll.u32 v4, $0x3;
	v5 =	vadd.s32 v1, v5  }
0xdf: {  	_ =	swait.ge [sflag:s30], $0x4000;
	v4 =	vand.u32 $0x7A, v4;
	v12 =	vadd.s32 v0, v3;
	v8 =	vand.u32 $0xC00, v8  }
0xe0: {  	[sflag:s30] =	ssyncset.done $0x0;
	v3 =	vadd.s32 v1, v3;
	v4 =	vor.u32 v4, v8;
	v8 =	vshll.u32 v6, $0x3  }
0xe1: {  	[sflag:s30] =	ssyncadd.s32 $0xFFFFC000;
	v6 =	vand.u32 $0x7B, v6;
	v13 =	vadd.s32 v0, v4;
	v8 =	vand.u32 $0xC00, v8  }
0xe2: {  	v4 =	vadd.s32 v1, v4;
	v6 =	vor.u32 v6, v8;
	v8 =	vshll.u32 v7, $0x3;
	v10 =	vld.idx.msk [tilespmem:v10+s19+$0x0], $0xffff  }
0xe3: {  	v7 =	vand.u32 $0x7C, v7;
	v14 =	vadd.s32 v0, v6;
	v8 =	vand.u32 $0xC00, v8;
	v15 =	vld.idx.msk [tilespmem:v5+s19+$0x0], $0xffff  }
0xe4: {  	v5 =	vadd.s32 v1, v6;
	v12 =	vld.idx.msk [tilespmem:v12+s19+$0x0], $0xffff;
	v6 =	vor.u32 v7, v8;
	v7 =	vshll.u32 v9, $0x3  }
0xe5: {  	v16 =	vld.idx.msk [tilespmem:v3+s19+$0x0], $0xffff;
	v3 =	vand.u32 $0x7D, v9;
	v17 =	vadd.s32 v0, v6;
	v7 =	vand.u32 $0xC00, v7  }
0xe6: {  	s31 =	simm.s32 $0x9;
	s7 =	simm.s32 $0x40;
	v9 =	vadd.s32 v1, v6;
	v13 =	vld.idx.msk [tilespmem:v13+s19+$0x0], $0xffff;
	v6 =	vor.u32 v3, v7;
	v7 =	vshll.u32 v11, $0x3  }
0xe7: {  	s28 =	simm.s32 $0xC0;
	s11 =	simm.s32 $0xE0;
	s2 =	simm.s32 $0xE080;
	v8 =	vand.u32 $0x7E, v11;
	v3 =	vld.idx.msk [tilespmem:v4+s19+$0x0], $0xffff;
	v18 =	vadd.s32 v0, v6;
	v7 =	vand.u32 $0xC00, v7  }
0xe8: {  	s29 =	simm.s32 $0xC;
	s14 =	simm.s32 $0x8;
	s8 =	sor.u32 $0x70, s11;
	v11 =	vshll.u32 v2, $0x3;
	v6 =	vadd.s32 v1, v6;
	v4 =	vld.idx.msk [tilespmem:v14+s19+$0x0], $0xffff;
	v14 =	vor.u32 v8, v7;
	[tilespmem:s2+$0x60] =	vst v10  }
0xe9: {  	s15 =	simm.s32 $0xA;
	s20 =	simm.s32 $0x60;
	s30 =	simm.s32 $0x20;
	v2 =	vand.u32 $0x78, v2;
	v7 =	vand.u32 $0xC00, v11;
	v5 =	vld.idx.msk [tilespmem:v5+s19+$0x0], $0xffff;
	v8 =	vadd.s32 v0, v14;
	[tilespmem:s8+$0xE000] =	vst v15  }
0xea: {  	s21 =	simm.s32 $0xA0;
	s9 =	sor.u32 $0x50, s7;
	s6 =	sor.u32 $0x30, s30;
	v19 =	vor.u32 v2, v7;
	[tilespmem:s2+$0xFFFFFFA0] =	vst v12;
	v11 =	vadd.s32 v1, v14;
	v7 =	vld.idx.msk [tilespmem:v17+s19+$0x0], $0xffff  }
0xeb: {  	s7 =	sor.u32 $0x30, s21;
	s8 =	sor.u32 $0x70, s20;
	v2 =	vmov s14;
	v15 =	vmov s31;
	s31 =	simm.s32 $0xF;
	v10 =	vadd.s32 v0, v19;
	[tilespmem:s6+$0xE000] =	vst v16;
	v9 =	vld.idx.msk [tilespmem:v9+s19+$0x0], $0xffff  }
0xec: {  	v12 =	vmov s15;
	s15 =	simm.s32 $0xB;
	s6 =	sor.u32 $0x50, s28;
	v16 =	vmov s31;
	s28 =	simm.s32 $0x10;
	v14 =	vadd.s32 v1, v19;
	[tilespmem:s2+$0xFFFFFFC0] =	vst v13;
	v13 =	vld.idx.msk [tilespmem:v18+s19+$0x0], $0xffff  }
.LBB2_12:
0xed: {  	p3 =	slt.u32 s28, $0x1F8;
	v17 =	vmov s15;
	v18 =	vmov s29;
	s3 =	sadd.s32 $0x5, s14;
	v19 =	vshll.u32 v16, $0x3;
	[tilespmem:s9+$0xE000] =	vst v3;
	v3 =	vld.idx.msk [tilespmem:v6+s19+$0x0], $0xffff  }
0xee: {  	v16 =	vand.u32 $0x7F, v16;
	v6 =	vmov s3;
	s3 =	sadd.s32 $0x6, s14;
	v19 =	vand.u32 $0xC00, v19;
	[tilespmem:s2+$0xFFFFFFE0] =	vst v4;
	v4 =	vld.idx.msk [tilespmem:v8+s19+$0x0], $0xffff;
	s14 =	smov.u32 s28  }
0xef: {  	v8 =	vshll.u32 v15, $0x3;
	v20 =	vmov s3;
	v16 =	vor.u32 v16, v19;
	[tilespmem:s8+$0xE000] =	vst v5;
	v5 =	vld.idx.msk [tilespmem:v11+s19+$0x0], $0xffff  }
0xf0: {  	v11 =	vand.u32 $0x79, v15;
	v8 =	vand.u32 $0xC00, v8;
	v15 =	vadd.s32 v0, v16;
	v10 =	vld.idx.msk [tilespmem:v10+s19+$0x0], $0xffff;
	[tilespmem:s2+$0x0] =	vst v7  }
0xf1: {  	v7 =	vor.u32 v11, v8;
	v8 =	vshll.u32 v12, $0x3;
	v11 =	vadd.s32 v1, v16;
	v14 =	vld.idx.msk [tilespmem:v14+s19+$0x0], $0xffff;
	[tilespmem:s2+$0x10] =	vst v9  }
0xf2: {  	v12 =	vand.u32 $0x7A, v12;
	v9 =	vadd.s32 v0, v7;
	v8 =	vand.u32 $0xC00, v8;
	[tilespmem:s2+$0x20] =	vst v13  }
0xf3: {  	v7 =	vadd.s32 v1, v7;
	v8 =	vor.u32 v12, v8;
	v12 =	vshll.u32 v17, $0x3;
	[tilespmem:s7+$0xE000] =	vst v3  }
0xf4: {  	v13 =	vand.u32 $0x7B, v17;
	v3 =	vadd.s32 v0, v8;
	v12 =	vand.u32 $0xC00, v12;
	[tilespmem:s2+$0x40] =	vst v4  }
0xf5: {  	v4 =	vadd.s32 v1, v8;
	v8 =	vor.u32 v13, v12;
	v12 =	vshll.u32 v18, $0x3;
	v13 =	vld.idx.msk [tilespmem:v15+s19+$0x0], $0xffff;
	[tilespmem:s6+$0xE000] =	vst v5  }
0xf6: {  	v5 =	vadd.s32 v0, v8;
	v15 =	vand.u32 $0x7C, v18;
	v12 =	vand.u32 $0xC00, v12;
	v11 =	vld.idx.msk [tilespmem:v11+s19+$0x0], $0xffff;
	[tilespmem:s2+$0xFFFFFF80] =	vst v10  }
0xf7: {  	v8 =	vadd.s32 v1, v8;
	v10 =	vor.u32 v15, v12;
	v12 =	vshll.u32 v6, $0x3;
	v9 =	vld.idx.msk [tilespmem:v9+s19+$0x0], $0xffff;
	[tilespmem:s2+$0xFFFFFF90] =	vst v14  }
0xf8: {  	v6 =	vand.u32 $0x7D, v6;
	v12 =	vand.u32 $0xC00, v12;
	v14 =	vld.idx.msk [tilespmem:v7+s19+$0x0], $0xffff;
	v7 =	vadd.s32 v0, v10  }
0xf9: {  	s11 =	sadd.s32 $0x100, s11;
	s3 =	sadd.s32 $0x1, s28;
	v16 =	vadd.s32 v1, v10;
	v6 =	vor.u32 v6, v12;
	v10 =	vshll.u32 v20, $0x3;
	v17 =	vld.idx.msk [tilespmem:v3+s19+$0x0], $0xffff  }
0xfa: {  	s15 =	sadd.s32 $0x2, s28;
	s8 =	sor.u32 $0x70, s11;
	s2 =	sadd.s32 $0x100, s2;
	v12 =	vand.u32 $0x7E, v20;
	v18 =	vadd.s32 v0, v6;
	v10 =	vand.u32 $0xC00, v10;
	v3 =	vld.idx.msk [tilespmem:v4+s19+$0x0], $0xffff  }
.Ltmp10:
0xfb: {  	s7 =	sadd.s32 $0xFFFFFF60, s11;
	s6 =	sadd.s32 $0xFFFFFF40, s11;
	v15 =	vshll.u32 v2, $0x3;
	v6 =	vadd.s32 v1, v6;
	v10 =	vor.u32 v12, v10;
	v4 =	vld.idx.msk [tilespmem:v5+s19+$0x0], $0xffff;
	[tilespmem:s2+$0x60] =	vst v13;
	(pc) =	sbr.rel @p3 .LBB2_12-.Ltmp10, $4  }
0xfc: {  	s20 =	sadd.s32 $0xFFFFFF80, s11;
	s21 =	sadd.s32 $0xFFFFFFC0, s11;
	s29 =	sadd.s32 $0xFFFFFFE0, s11;
	v2 =	vand.u32 $0x78, v2;
	v12 =	vand.u32 $0xC00, v15;
	v5 =	vld.idx.msk [tilespmem:v8+s19+$0x0], $0xffff;
	v8 =	vadd.s32 v0, v10;
	[tilespmem:s8+$0xE000] =	vst v11  }
0xfd: {  	s9 =	sor.u32 $0x50, s7;
	s6 =	sor.u32 $0x30, s6;
	v13 =	vor.u32 v2, v12;
	s8 =	sor.u32 $0x70, s20;
	v11 =	vadd.s32 v1, v10;
	[tilespmem:s2+$0xFFFFFFA0] =	vst v9;
	v7 =	vld.idx.msk [tilespmem:v7+s19+$0x0], $0xffff  }
0xfe: {  	s7 =	sor.u32 $0x30, s21;
	v15 =	vmov s3;
	s3 =	sadd.s32 $0x7, s28;
	v2 =	vmov s28;
	v10 =	vadd.s32 v0, v13;
	[tilespmem:s6+$0xE000] =	vst v14;
	v9 =	vld.idx.msk [tilespmem:v16+s19+$0x0], $0xffff;
	s6 =	sor.u32 $0x50, s29  }
0xff: {  	v12 =	vmov s15;
	s15 =	sadd.s32 $0x3, s14;
	s28 =	sadd.s32 $0x8, s28;
	s29 =	sadd.s32 $0x4, s14;
	v16 =	vmov s3;
	v14 =	vadd.s32 v1, v13;
	[tilespmem:s2+$0xFFFFFFC0] =	vst v17;
	v13 =	vld.idx.msk [tilespmem:v18+s19+$0x0], $0xffff  }
0x100: {  	_ = 	snop  }
0x101: {  	v19 =	vshll.u32 v16, $0x3;
	v32 =	vand.u32 $0x7F, v16;
	[tilespmem:s9+$0xE000] =	vst v3;
	v3 =	vshll.u32 v15, $0x3  }
0x102: {  	v34 =	vand.u32 $0x79, v15;
	v36 =	vshll.u32 v12, $0x3;
	v19 =	vand.u32 $0xC00, v19  }
0x103: {  	v39 =	vand.u32 $0x7A, v12;
	v3 =	vand.u32 $0xC00, v3;
	v16 =	vor.u32 v32, v19  }
0x104: {  	v6 =	vld.idx.msk [tilespmem:v6+s19+$0x0], $0xffff;
	[tilespmem:s2+$0xFFFFFFE0] =	vst v4;
	v4 =	vand.u32 $0xC00, v36;
	v3 =	vor.u32 v34, v3;
	v35 =	vadd.s32 v0, v16  }
0x105: {  	v17 =	vmov s15;
	s3 =	sadd.s32 $0x5, s14;
	v8 =	vld.idx.msk [tilespmem:v8+s19+$0x0], $0xffff;
	[tilespmem:s8+$0xE000] =	vst v5;
	v4 =	vor.u32 v39, v4;
	v38 =	vadd.s32 v0, v3  }
0x106: {  	v18 =	vmov s29;
	s31 =	sadd.s32 $0x6, s14;
	v10 =	vld.idx.msk [tilespmem:v10+s19+$0x0], $0xffff;
	v20 =	vmov s3;
	[tilespmem:s2+$0x0] =	vst v7;
	v42 =	vadd.s32 v0, v4  }
0x107: {  	v41 =	vld.idx.msk [tilespmem:v14+s19+$0x0], $0xffff;
	v33 =	vmov s31;
	v40 =	vshll.u32 v17, $0x3;
	v37 =	vadd.s32 v1, v16;
	[tilespmem:s2+$0x10] =	vst v9  }
0x108: {  	v11 =	vld.idx.msk [tilespmem:v11+s19+$0x0], $0xffff;
	v43 =	vand.u32 $0x7B, v17;
	v3 =	vadd.s32 v1, v3;
	v9 =	vand.u32 $0xC00, v40;
	[tilespmem:s2+$0x20] =	vst v13  }
0x109: {  	v45 =	vshll.u32 v18, $0x3;
	v4 =	vadd.s32 v1, v4;
	v44 =	vor.u32 v43, v9;
	[tilespmem:s7+$0xE000] =	vst v6;
	v46 =	vld.idx.msk [tilespmem:v35+s19+$0x0], $0xffff  }
0x10a: {  	v48 =	vand.u32 $0x7C, v18;
	v9 =	vand.u32 $0xC00, v45;
	[tilespmem:s2+$0x40] =	vst v8;
	v47 =	vadd.s32 v0, v44;
	v7 =	vld.idx.msk [tilespmem:v38+s19+$0x0], $0xffff  }
0x10b: {  	v53 =	vshll.u32 v33, $0x3;
	v6 =	vadd.s32 v1, v44;
	v9 =	vor.u32 v48, v9;
	[tilespmem:s2+$0xFFFFFF80] =	vst v10;
	v52 =	vld.idx.msk [tilespmem:v42+s19+$0x0], $0xffff  }
0x10c: {  	v54 =	vand.u32 $0x7E, v33;
	v13 =	vand.u32 $0xC00, v53;
	[tilespmem:s2+$0xFFFFFF90] =	vst v41;
	v50 =	vadd.s32 v0, v9;
	v5 =	vld.idx.msk [tilespmem:v37+s19+$0x0], $0xffff  }
0x10d: {  	s9 =	sadd.s32 $0x100, s11;
	s11 =	sadd.s32 $0x100, s2;
	v49 =	vshll.u32 v20, $0x3;
	v13 =	vor.u32 v54, v13;
	[tilespmem:s6+$0xE000] =	vst v11;
	v9 =	vadd.s32 v1, v9;
	v3 =	vld.idx.msk [tilespmem:v3+s19+$0x0], $0xffff  }
0x10e: {  	v51 =	vand.u32 $0x7D, v20;
	v11 =	vand.u32 $0xC00, v49;
	v57 =	vadd.s32 v0, v13;
	v4 =	vld.idx.msk [tilespmem:v4+s19+$0x0], $0xffff;
	[tilespmem:s11+$0x60] =	vst v46  }
0x10f: {  	v55 =	vshll.u32 v2, $0x3;
	v59 =	vadd.s32 v1, v13;
	v11 =	vor.u32 v51, v11;
	v8 =	vld.idx.msk [tilespmem:v47+s19+$0x0], $0xffff;
	[tilespmem:s11+$0xFFFFFFA0] =	vst v7  }
0x110: {  	v2 =	vand.u32 $0x78, v2;
	s14 =	sor.u32 $0x70, s9;
	s15 =	sadd.s32 $0xFFFFFF40, s9;
	v56 =	vand.u32 $0xC00, v55;
	v15 =	vadd.s32 v0, v11;
	v6 =	vld.idx.msk [tilespmem:v6+s19+$0x0], $0xffff;
	[tilespmem:s11+$0xFFFFFFC0] =	vst v52  }
0x111: {  	s21 =	sadd.s32 $0xFFFFFF60, s9;
	s20 =	sor.u32 $0x30, s15;
	v2 =	vor.u32 v2, v56;
	v11 =	vadd.s32 v1, v11;
	v58 =	vld.idx.msk [tilespmem:v50+s19+$0x0], $0xffff;
	[tilespmem:s14+$0xE000] =	vst v5  }
0x112: {  	s28 =	sor.u32 $0x50, s21;
	v9 =	vld.idx.msk [tilespmem:v9+s19+$0x0], $0xffff;
	[tilespmem:s20+$0xE000] =	vst v3;
	v3 =	vadd.s32 v0, v2  }
0x113: {  	s29 =	sadd.s32 $0xFFFFFF80, s9;
	v62 =	vld.idx.msk [tilespmem:v57+s19+$0x0], $0xffff;
	v2 =	vadd.s32 v1, v2;
	[tilespmem:s28+$0xE000] =	vst v4  }
0x114: {  	s30 =	sor.u32 $0x70, s29;
	v63 =	vld.idx.msk [tilespmem:v59+s19+$0x0], $0xffff;
	[tilespmem:s11+$0xFFFFFFE0] =	vst v8  }
0x115: {  	v60 =	vld.idx.msk [tilespmem:v15+s19+$0x0], $0xffff;
	[tilespmem:s30+$0xE000] =	vst v6  }
0x116: {  	v61 =	vld.idx.msk [tilespmem:v11+s19+$0x0], $0xffff;
	[tilespmem:s11+$0x0] =	vst v58  }
0x117: {  	s3 =	sadd.s32 $0xFFFFFFE0, s9;
	[tilespmem:s11+$0x10] =	vst v9;
	v3 =	vld.idx.msk [tilespmem:v3+s19+$0x0], $0xffff  }
0x118: {  	s3 =	sor.u32 $0x50, s3;
	[tilespmem:s11+$0x40] =	vst v62;
	v2 =	vld.idx.msk [tilespmem:v2+s19+$0x0], $0xffff  }
0x119: {  	s31 =	sadd.s32 $0xFFFFFFC0, s9;
	[tilespmem:s3+$0xE000] =	vst v63  }
0x11a: {  	s6 =	sor.u32 $0x30, s31;
	[tilespmem:s11+$0x20] =	vst v60  }
.Ltmp11:
0x11b: {  	[tilespmem:s6+$0xE000] =	vst v61;
	(pc) =	sbr.rel .LBB2_15-.Ltmp11, $4  }
0x11c: {  	[tilespmem:s11+$0xFFFFFF80] =	vst v3  }
0x11d: {  	[tilespmem:s11+$0xFFFFFF90] =	vst v2  }
0x11e: {  	s2 =	rddreg [dreg:$0x9]  }
0x11f: {  	[hbm4b:s2+s4] =	stream.linear.scatter [tilespmem:s26], [sflag:$0x4], $0x4000, $0x38;
	[tilespmem:$0x12800] =	vst v63  }
.LBB2_16:
0x120: {  	_ =	sfence.sel $0x180000  }
0x121: {  	[bflag:$0x0] =	sbarrier.arrive $0xFFFF  }
0x122: {  	_ =	strace $0x90000047  }
0x123: {  	s0 =	stileid.u32;
	[bflag:$0x2] =	sbarrier.arrive $0xFFFF  }
0x124: {  	p0 =	sne.s32 s0, $0x0;
	s0 =	rddreg [dreg:$0x3]  }
0x125: {  	s0 =	sadd.s32 @!p0 $0x100000, s0  }
0x126: {  	[sflag:s0] =	ssyncadd.tile.s32 @!p0 $0x1;
	_ =	shalt  }
.Lfunc_end2:
_tile_overlayer_lowered:
.L_overlay_start_2:
0x127: {  	(tag) =	ssettag $0x2  }
0x128: {  	s0 =	rddreg [dreg:$0x0];
	s2 =	stileid.u32  }
0x129: {  	s1 =	rddreg [dreg:$0x1];
	p0 =	sne.s32 s2, $0x0  }
0x12a: {  	s3 =	rddreg [dreg:$0x2];
	[bflag:$0x3] =	sbarrier.arrive $0xFFFF;
	s2 =	simm.s32 @!p0 $0x1C06  }
0x12b: {  	[timem:s3], [sflag:s2] =	dma.local @!p0 [hbm:s0], s1  }
0x12c: {  	s0 =	simm.s32 @!p0 $0x6  }
0x12d: {  	_ =	swait.ge @!p0 [sflag:s0], s1  }
0x12e: {  	s1 =	ssub.s32 @!p0 $0x0, s1;
	[sflag:s0] =	ssyncset.done @!p0 $0x0  }
0x12f: {  	[sflag:s0] =	ssyncadd.s32 @!p0 s1  }
0x130: {  	[bflag:$0x3] =	sbarrier.arrive $0xFFFF  }
0x131: {  	_ =	shalt  }

// kernel: kernel.7.cloned.1.call-start
scs
__scs_entry_jumppad:
0x0: {  	(pc) =	sbr.rel $0x88, $3  }
0x1: {  	(tag) =	ssettag $0x0;
	lr =	simm.s32 $0x1  }
0x2: {  	[smem:$0x3F9F] =	sst lr;
	_ =	strace $0xD0000000  }
0x3: {  	_ = 	snop  }
0x4: {  	_ = 	snop  }
0x5: {  	_ = 	snop  }
0x6: {  	_ = 	snop  }
0x7: {  	_ = 	snop  }
__scs_overlays_trampoline_lowered:
0x8: {  	[smem:$0x3FAE] =	sst s0  }
0x9: {  	[smem:$0x3FAF] =	sst s1  }
0xa: {  	[smem:$0x3FB0] =	sst s2  }
0xb: {  	[smem:$0x3FB1] =	sst s3  }
0xc: {  	[smem:$0x3FB2] =	sst s4  }
0xd: {  	[smem:$0x3FB3] =	sst s5  }
0xe: {  	[smem:$0x3FB4] =	sst s6  }
0xf: {  	[smem:$0x3FB5] =	sst s7  }
0x10: {  	[smem:$0x3FB6] =	sst s8  }
0x11: {  	[smem:$0x3FB7] =	sst s9;
	s0 =	simm.s32 @!p0 $0x0  }
0x12: {  	s1 =	sld [smem:$0x3F9D];
	s0 =	simm.s32 @p0 $0x1  }
0x13: {  	[smem:$0x3FB8] =	sst s0;
	s0 =	simm.s32 @!p1 $0x0  }
0x14: {  	s2 =	sld [smem:$0x3F9C];
	s0 =	simm.s32 @p1 $0x1  }
0x15: {  	[smem:$0x3FB9] =	sst s0;
	s0 =	simm.s32 @!p2 $0x0  }
0x16: {  	s3 =	sld [smem:$0x3FDB];
	s0 =	simm.s32 @p2 $0x1  }
0x17: {  	s4 =	simm.s32 $0x1BF5;
	[smem:$0x3FBB] =	sst s0  }
0x18: {  	s0 =	sld [smem:$0x3F9E];
	_ =	swait.ge [sflag:s4], $0x0  }
0x19: {  	s7 =	sld [smem:$0x3F9F]  }
0x1a: {  	s8 =	sadd.s32 $0xFFFFE003, lr  }
0x1b: {  	s9 =	sadd.s32 $0xFFFFFEF7, lr;
	s5 =	simm.s32 $0xFFFFFFFF;
	p2 =	slt.u32 s8, $0xFFFFF086  }
0x1c: {  	p1 =	slt.u32 s9, $0xF7A;
	s5 =	simm.s32 @!p2 $0x0  }
0x1d: {  	s5 =	simm.s32 @p1 $0x1;
	p0 =	seq.s32 s7, s2  }
0x1e: {  	s7 =	smul.u32 @!p0 $0xF7A, s2;
	p2 =	seq.s32 @!p0 s5, $0x0  }
0x1f: {  	s9 =	smul.u32 $0xF7A, s1;
	s8 =	simm.s32 @!p0 $0x1BF5;
	p2 =	por !p2, p0  }
0x20: {  	[sflag:s8] =	ssyncset.s32 @!p0 $0xFFFFF086;
	s6 =	sadd.s32 @!p0 s3, s7;
	s7 =	simm.s32 @!p0 $0x108  }
0x21: {  	s3 =	sadd.s32 s3, s9;
	s6 =	sadd.s32 @!p0 $0x88, s6;
	s7 =	simm.s32 @p2 $0x1082  }
0x22: {  	[simem:s7], [sflag:s8] =	dma.local @!p0 [hbm:s6], $0xF7A  }
0x23: {  	s9 =	sor.u32 $0xD0000000, s2;
	s6 =	simm.s32 $0x108;
	_ =	swait.ge @!p0 [sflag:s8], $0x0  }
0x24: {  	s3 =	sadd.s32 $0x88, s3;
	s6 =	simm.s32 @!p1 $0x1082;
	[sflag:s4] =	ssyncset.s32 $0xFFFFF086  }
0x25: {  	[simem:s6], [sflag:s4] =	dma.local [hbm:s3], $0xF7A  }
0x26: {  	[smem:$0x3F9F] =	sst s1;
	(tag) =	ssettag s2;
	_ =	strace s9  }
0x27: {  	s1 =	sld [smem:$0x3FAF]  }
0x28: {  	s2 =	sld [smem:$0x3FB0]  }
0x29: {  	s4 =	sld [smem:$0x3FB2]  }
0x2a: {  	p0 =	seq.s32 s5, $0x0;
	s5 =	sld [smem:$0x3FB3]  }
0x2b: {  	s6 =	sld [smem:$0x3FB4]  }
0x2c: {  	s7 =	sld [smem:$0x3FB5]  }
0x2d: {  	s3 =	simm.s32 $0x108;
	s8 =	sld [smem:$0x3FB6]  }
0x2e: {  	s3 =	simm.s32 @!p0 $0x1082;
	s9 =	sld [smem:$0x3FB7]  }
0x2f: {  	lr =	sadd.s32 s0, s3;
	s0 =	sld [smem:$0x3FAE]  }
0x30: {  	s3 =	sld [smem:$0x3FB1]  }
0x31: {  	[smem:$0x3FBA] =	sst s10  }
0x32: {  	s10 =	sld [smem:$0x3FB8];
	_ =	sdelay $0x3  }
0x33: {  	p0 =	seq.s32 s10, $0x1;
	s10 =	sld [smem:$0x3FBA];
	_ =	sdelay $0x3  }
0x34: {  	[smem:$0x3FBA] =	sst s10  }
0x35: {  	s10 =	sld [smem:$0x3FB9];
	_ =	sdelay $0x3  }
0x36: {  	p1 =	seq.s32 s10, $0x1;
	s10 =	sld [smem:$0x3FBA];
	_ =	sdelay $0x3  }
0x37: {  	[smem:$0x3FBA] =	sst s10  }
0x38: {  	s10 =	sld [smem:$0x3FBB]  }
0x39: {  	_ = 	snop;
	(pc) =	sbr.ind lr, $3  }
0x3a: {  	_ = 	snop  }
0x3b: {  	_ = 	snop  }
0x3c: {  	p2 =	seq.s32 s10, $0x1;
	s10 =	sld [smem:$0x3FBA]  }
0x3d: {  	_ =	shalt  }
0x3e: {  	_ =	shalt  }
0x3f: {  	_ =	shalt  }
0x40: {  	_ =	shalt  }
0x41: {  	_ =	shalt  }
0x42: {  	_ =	shalt  }
0x43: {  	_ =	shalt  }
0x44: {  	_ =	shalt  }
0x45: {  	_ =	shalt  }
0x46: {  	_ =	shalt  }
0x47: {  	_ =	shalt  }
0x48: {  	_ =	shalt  }
0x49: {  	_ =	shalt  }
0x4a: {  	_ =	shalt  }
0x4b: {  	_ =	shalt  }
0x4c: {  	_ =	shalt  }
0x4d: {  	_ =	shalt  }
0x4e: {  	_ =	shalt  }
0x4f: {  	_ =	shalt  }
0x50: {  	_ =	shalt  }
0x51: {  	_ =	shalt  }
0x52: {  	_ =	shalt  }
0x53: {  	_ =	shalt  }
0x54: {  	_ =	shalt  }
0x55: {  	_ =	shalt  }
0x56: {  	_ =	shalt  }
0x57: {  	_ =	shalt  }
0x58: {  	_ =	shalt  }
0x59: {  	_ =	shalt  }
0x5a: {  	_ =	shalt  }
0x5b: {  	_ =	shalt  }
0x5c: {  	_ =	shalt  }
0x5d: {  	_ =	shalt  }
0x5e: {  	_ =	shalt  }
0x5f: {  	_ =	shalt  }
0x60: {  	_ =	shalt  }
0x61: {  	_ =	shalt  }
0x62: {  	_ =	shalt  }
0x63: {  	_ =	shalt  }
0x64: {  	_ =	shalt  }
0x65: {  	_ =	shalt  }
0x66: {  	_ =	shalt  }
0x67: {  	_ =	shalt  }
0x68: {  	_ =	shalt  }
0x69: {  	_ =	shalt  }
0x6a: {  	_ =	shalt  }
0x6b: {  	_ =	shalt  }
0x6c: {  	_ =	shalt  }
0x6d: {  	_ =	shalt  }
0x6e: {  	_ =	shalt  }
0x6f: {  	_ =	shalt  }
0x70: {  	_ =	shalt  }
0x71: {  	_ =	shalt  }
0x72: {  	_ =	shalt  }
0x73: {  	_ =	shalt  }
0x74: {  	_ =	shalt  }
0x75: {  	_ =	shalt  }
0x76: {  	_ =	shalt  }
0x77: {  	_ =	shalt  }
0x78: {  	_ =	shalt  }
0x79: {  	_ =	shalt  }
0x7a: {  	_ =	shalt  }
0x7b: {  	_ =	shalt  }
0x7c: {  	_ =	shalt  }
0x7d: {  	_ =	shalt  }
0x7e: {  	_ =	shalt  }
0x7f: {  	_ =	shalt  }
0x80: {  	_ =	shalt  }
0x81: {  	_ =	shalt  }
0x82: {  	_ =	shalt  }
0x83: {  	_ =	shalt  }
0x84: {  	_ =	shalt  }
0x85: {  	_ =	shalt  }
0x86: {  	_ =	shalt  }
0x87: {  	_ =	shalt  }
.Lfunc_end0:
.L_simem_size_0:
called_computation.1_lowered:
.L_overlay_start_0:
0x88: {  	s2 =	sld [smem:$0x3FD9]  }
0x89: {  	s3 =	sld [smem:$0x3FFE];
	_ =	sdelay $0x1  }
0x8a: {  	s1 =	srdreg.scid  }
0x8b: {  	s0 =	sand.u32 $0x1, s1  }
0x8c: {  	s17 =	sshll.u32 s0, $0xA;
	s2 =	sadd.s32 s3, s2  }
0x8d: {  	s2 =	sadd.s32 s2, s17  }
0x8e: {  	[smem:$0x3FC6] =	sst s2  }
0x8f: {  	_ = 	snop  }
0x90: {  	s2 =	sld [smem:$0x3FD0];
	(tm) =	ssettm $0x1  }
0x91: {  	s18 =	sld [smem:$0x3FFB];
	_ =	sdelay $0x3  }
0x92: {  	_ =	strace s18  }
0x93: {  	s3 =	sld [smem:$0x3FFC];
	_ =	sdelay $0x3  }
0x94: {  	_ =	strace s3  }
0x95: {  	s3 =	sld [smem:$0x3FFD];
	_ =	sdelay $0x3  }
0x96: {  	_ =	strace s3  }
0x97: {  	_ =	strace $0x8FFFFFFF  }
0x98: {  	s19 =	sld [smem:$0x3FDB];
	_ =	sdelay $0x1  }
0x99: {  	s4 =	simm.s32 $_scs_section_size  }
0x9a: {  	s5 =	simm.s32 $_size__tile_overlayer_lowered;
	s6 =	simm.s32 $_tile_overlayer_lowered  }
0x9b: {  	s22 =	simm.s32 $0x1BFF;
	s21 =	sshll.u32 s6, $0x1;
	s3 =	sadd.s32 s4, s19  }
0x9c: {  	s7 =	simm.s32 $0x0;
	s20 =	sshll.u32 s5, $0x1;
	s5 =	sadd.s32 s21, s3  }
0x9d: {  	[timem:s7], [sflag:s22] =	dma.local [hbm:s5], s20  }
0x9e: {  	_ =	swait.ge [sflag:s22], s20  }
0x9f: {  	s4 =	ssub.s32 $0x0, s20;
	[sflag:s22] =	ssyncset.done $0x0  }
0xa0: {  	[sflag:s22] =	ssyncadd.s32 s4;
	_ =	sdelay $0x1  }
0xa1: {  	s23 =	simm.s32 $0x1B8B  }
0xa2: {  	_ =	swait.ge [sflag:s23], $0x1  }
0xa3: {  	[sflag:s23] =	ssyncset.done $0x0  }
0xa4: {  	s25 =	simm.s32 $0x1B8E;
	s24 =	sld [smem:$0x3FFE];
	[sflag:s23] =	ssyncadd.s32 $0xFFFFFFFF  }
0xa5: {  	s26 =	simm.s32 $execute0_lowered;
	[smem:$0x3FD2] =	sst s25  }
0xa6: {  	s5 =	sshll.u32 s26, $0x1;
	_ =	strace $0x80000049;
	[dreg:$0x1] =	wrdreg $0xFFFFFFFF  }
0xa7: {  	s28 =	simm.s32 $_size_execute0_lowered;
	s3 =	sadd.s32 s3, s5;
	[dreg:$0x0] =	wrdreg $0x0  }
0xa8: {  	s5 =	sshll.u32 s28, $0x1;
	[dreg:$0x2] =	wrdreg s3  }
0xa9: {  	[dreg:$0x3] =	wrdreg s5  }
0xaa: {  	[dreg:$0x4] =	wrdreg $0xC0  }
0xab: {  	_ =	task [dreg:s7], $0x5FFFF  }
0xac: {  	[dreg:$0x1] =	wrdreg $0xFFFFFFFF  }
0xad: {  	[dreg:$0x0] =	wrdreg $0x60  }
0xae: {  	[dreg:$0x2] =	wrdreg s24  }
0xaf: {  	[dreg:$0x3] =	wrdreg s2  }
0xb0: {  	[dreg:$0x4] =	wrdreg $0x9  }
0xb1: {  	_ =	task.clear_ibuf [dreg:s7], $0x5FFFF;
	_ =	strace $0x90000049  }
0xb2: {  	s29 =	simm.s32 $0x9;
	_ =	strace $0x8000004B  }
0xb3: {  	_ =	swait.ge [sflag:s29], $0x1  }
0xb4: {  	[sflag:s29] =	ssyncadd.s32 $0xFFFFFFFF  }
0xb5: {  	_ =	strace $0x9000004B  }
0xb6: {  	_ =	sfence  }
0xb7: {  	s30 =	sld [smem:$0x0];
	_ =	sdelay $0x2  }
0xb8: {  	s31 =	sshll.u32 s1, $0xD;
	s1 =	sshrl.u32 s1, $0x2  }
0xb9: {  	s3 =	sand.u32 $0x4000, s31;
	s1 =	sadd.s32 s1, s30  }
0xba: {  	s0 =	sor.u32 s3, s0;
	s1 =	sshll.u32 s1, $0x11  }
0xbb: {  	s0 =	sor.u32 s1, s0  }
0xbc: {  	s0 =	sadd.s32 $0x8F2B, s0  }
0xbd: {  	[sflag:s0] =	ssyncadd.remote.s32 $0x1  }
0xbe: {  	_ =	sfence.sel $0xFFFF  }
0xbf: {  	[dreg:$0x0] =	wrdreg $0xFFFFFFFF;
	(pc) =	sbr.abs _section_cstart, $3  }
0xc0: {  	[dreg:$0x1] =	wrdreg $0xFFFFFFFF  }
0xc1: {  	_ =	task.clear_ibuf [dreg:s7], $0x2FFFF;
	_ =	strace $0x9FFFFFFF  }
0xc2: {  	(tm) =	ssettm $0x7FFFFFFF  }
0xc3: {  	_ =	shalt  }
tec
execute0_lowered:
.L_overlay_start_1:
0x0: {  	(tag) =	ssettag $0x1  }
0x1: {  	v0 =	vimm.s32 $0x14B8  }
0x2: {  	vm0 =	vcmask $0x300;
	vm1 =	vcmask $0x704;
	v1 =	vimm.s32 $0x36B8  }
0x3: {  	vm2 =	vcmask $0xB08;
	v0 =	vsel vm0, $0x0, v0;
	v1 =	vsel vm0, $0x2200, v1  }
0x4: {  	vm3 =	vcmask $0xF0C;
	v0 =	vsel vm1, $0x88, v0;
	v1 =	vsel vm1, $0x2288, v1  }
0x5: {  	s0 =	srdreg.scid;
	s2 =	stileid.u32;
	vm15 =	vcmask $0x1310;
	v0 =	vsel vm2, $0x110, v0;
	v1 =	vsel vm2, $0x2310, v1  }
0x6: {  	s1 =	rddreg [dreg:$0x0];
	s12 =	simm.s32 $0x200;
	s15 =	simm.s32 $0x1;
	vm6 =	vcmask $0x1714;
	v0 =	vsel vm3, $0x198, v0;
	v1 =	vsel vm3, $0x2398, v1  }
0x7: {  	s16 =	simm.s32 $0xE400;
	s18 =	simm.s32 $0x2;
	s19 =	simm.s32 $0x4;
	vm7 =	vcmask $0x1B18;
	v0 =	vsel vm15, $0x220, v0;
	v1 =	vsel vm15, $0x2420, v1  }
0x8: {  	s20 =	simm.s32 $0x12800;
	vm8 =	vcmask $0x1F1C;
	s10 =	simm.s32 $0x168D0;
	s11 =	simm.s32 $0x16958;
	v0 =	vsel vm6, $0x2A8, v0;
	v1 =	vsel vm6, $0x24A8, v1  }
0x9: {  	vm9 =	vcmask $0x2320;
	s13 =	simm.s32 $0x169E0;
	s14 =	simm.s32 $0x16A68;
	s17 =	simm.s32 $0x16AF0;
	v0 =	vsel vm7, $0x330, v0;
	v1 =	vsel vm7, $0x2530, v1  }
0xa: {  	vm10 =	vcmask $0x2724;
	s21 =	simm.s32 $0x16B78;
	s0 =	sand.u32 $0x1, s0;
	s3 =	sshll.u32 s2, $0x1;
	v0 =	vsel vm8, $0x3B8, v0;
	v1 =	vsel vm8, $0x25B8, v1  }
0xb: {  	vm11 =	vcmask $0x2B28;
	s22 =	simm.s32 $0x3;
	s2 =	rddreg [dreg:$0x1];
	s5 =	sor.u32 s0, s3;
	v0 =	vsel vm9, $0x1100, v0;
	v1 =	vsel vm9, $0x3300, v1  }
0xc: {  	vm12 =	vcmask $0x2F2C;
	s3 =	simm.s32 $0x0;
	s0 =	ssub.s32 $0x2, s0;
	s8 =	sadd.s32 $0x2000, s2;
	v0 =	vsel vm10, $0x1188, v0;
	v1 =	vsel vm10, $0x3388, v1  }
0xd: {  	vm13 =	vcmask $0x3330;
	s4 =	smul.u32 $0xC80, s5;
	[smem:$0x7FF] =	sst s3;
	s7 =	sshrl.u32 s0, $0x1;
	v0 =	vsel vm11, $0x1210, v0;
	v1 =	vsel vm11, $0x3410, v1  }
0xe: {  	vm14 =	vcmask $0x3734;
	s9 =	sadd.s32 $0x3000, s2;
	_ =	strace $0x8000004A;
	s0 =	ssub.s32 s0, s7;
	v0 =	vsel vm12, $0x1298, v0;
	v1 =	vsel vm12, $0x3498, v1  }
0xf: {  	v2 =	vimm.s32 $0x0;
	s7 =	sadd.s32 $0x1000, s2;
	s6 =	sadd.s32 s4, s1;
	s0 =	smax.u32 s0, $0x1;
	v0 =	vsel vm13, $0x1320, v0;
	v1 =	vsel vm13, $0x3520, v1  }
0x10: {  	s4 =	sadd.s32 $0xA00, s1;
	vm15 =	vcmask $0x3B38;
	s31 =	sadd.s32 $0x3D1400, s6;
	[dreg:$0x4] =	wrdreg s0;
	v0 =	vsel vm14, $0x13A8, v0;
	v3 =	vsel vm14, $0x35A8, v1  }
0x11: {  	s1 =	simm.s32 $0x0;
	s6 =	smul.u32 $0x32, s5;
	[dreg:$0x3] =	wrdreg s31;
	v1 =	vsel vm0, $0x3, v2;
	v0 =	vsel vm15, $0x1430, v0;
	v2 =	vsel vm15, $0x3630, v3  }
.LBB2_1:
0x12: {  	[dreg:$0x5] =	wrdreg s1  }
0x13: {  	s0 =	rddreg [dreg:$0x3];
	s30 =	simm.s32 $0x5  }
0x14: {  	[tilespmem:s3], [sflag:$0x5] =	stream.linear.gather [hbm4b:s0+s3], $0x6400, $0x38;
	[tilespmem:$0x16C00] =	vst v63  }
0x15: {  	_ =	swait.ge [sflag:s30], $0x6400  }
0x16: {  	[sflag:s30] =	ssyncset.done $0x0  }
0x17: {  	s31 =	simm.s32 $0x6400;
	s23 =	simm.s32 $0x0;
	[sflag:s30] =	ssyncadd.s32 $0xFFFF9C00  }
0x18: {  	[tilespmem:s31], [sflag:$0x1] =	stream.indirect.gather [hbm4b:s4+s12], $0x20, s3, s12, $0xb8;
	[tilespmem:$0x16C00] =	vst v63  }
.LBB2_2:
0x19: {  	s24 =	sshllo.u32 s23, $0x1  }
0x1a: {  	s25 =	sshll.u32 s24, $0x9  }
0x1b: {  	s0 =	simm.s32 $0xA400;
	s25 =	sand.u32 $0x3FFFFE00, s25  }
0x1c: {  	[tilespmem:s0], [sflag:$0x2] =	stream.indirect.gather [hbm4b:s4+s12], $0x20, s25, s12, $0xb8;
	[tilespmem:$0x16C00] =	vst v63  }
0x1d: {  	_ =	swait.ge [sflag:s15], $0x4000  }
0x1e: {  	p0 =	seq.s32 s23, $0x0;
	[sflag:s15] =	ssyncset.done $0x0  }
0x1f: {  	s25 =	simm.s32 @!p0 $0x3;
	[sflag:s15] =	ssyncadd.s32 $0xFFFFC000  }
0x20: {  	_ =	swait.ge @!p0 [sflag:s25], $0x400  }
0x21: {  	[sflag:s25] =	ssyncset.done @!p0 $0x0  }
0x22: {  	[sflag:s25] =	ssyncadd.s32 @!p0 $0xFFFFFC00  }
0x23: {  	_ =	swait.ge @!p0 [sflag:s25], $0x400  }
0x24: {  	[sflag:s25] =	ssyncset.done @!p0 $0x0  }
0x25: {  	[sflag:s25] =	ssyncadd.s32 @!p0 $0xFFFFFC00  }
0x26: {  	_ =	swait.ge @!p0 [sflag:s25], $0x400  }
0x27: {  	[sflag:s25] =	ssyncset.done @!p0 $0x0  }
0x28: {  	[sflag:s25] =	ssyncadd.s32 @!p0 $0xFFFFFC00  }
0x29: {  	_ =	swait.ge @!p0 [sflag:s25], $0x400  }
0x2a: {  	[sflag:s25] =	ssyncset.done @!p0 $0x0  }
0x2b: {  	[sflag:s25] =	ssyncadd.s32 @!p0 $0xFFFFFC00  }
0x2c: {  	_ =	swait.ge @!p0 [sflag:s25], $0x400  }
0x2d: {  	[sflag:s25] =	ssyncset.done @!p0 $0x0  }
0x2e: {  	[sflag:s25] =	ssyncadd.s32 @!p0 $0xFFFFFC00  }
0x2f: {  	_ =	swait.ge @!p0 [sflag:s25], $0x400  }
0x30: {  	[sflag:s25] =	ssyncset.done @!p0 $0x0  }
0x31: {  	[sflag:s25] =	ssyncadd.s32 @!p0 $0xFFFFFC00  }
0x32: {  	_ =	swait.ge @!p0 [sflag:s25], $0x400  }
0x33: {  	[sflag:s25] =	ssyncset.done @!p0 $0x0  }
0x34: {  	[sflag:s25] =	ssyncadd.s32 @!p0 $0xFFFFFC00  }
0x35: {  	_ =	swait.ge @!p0 [sflag:s25], $0x400  }
0x36: {  	[sflag:s25] =	ssyncset.done @!p0 $0x0  }
0x37: {  	[sflag:s25] =	ssyncadd.s32 @!p0 $0xFFFFFC00  }
0x38: {  	_ =	swait.ge @!p0 [sflag:s25], $0x400  }
0x39: {  	[sflag:s25] =	ssyncset.done @!p0 $0x0  }
0x3a: {  	[sflag:s25] =	ssyncadd.s32 @!p0 $0xFFFFFC00  }
0x3b: {  	_ =	swait.ge @!p0 [sflag:s25], $0x400  }
0x3c: {  	[sflag:s25] =	ssyncset.done @!p0 $0x0  }
0x3d: {  	[sflag:s25] =	ssyncadd.s32 @!p0 $0xFFFFFC00  }
0x3e: {  	_ =	swait.ge @!p0 [sflag:s25], $0x400  }
0x3f: {  	[sflag:s25] =	ssyncset.done @!p0 $0x0  }
0x40: {  	[sflag:s25] =	ssyncadd.s32 @!p0 $0xFFFFFC00  }
0x41: {  	_ =	swait.ge @!p0 [sflag:s25], $0x400  }
0x42: {  	[sflag:s25] =	ssyncset.done @!p0 $0x0  }
0x43: {  	[sflag:s25] =	ssyncadd.s32 @!p0 $0xFFFFFC00  }
0x44: {  	_ =	swait.ge @!p0 [sflag:s25], $0x400  }
0x45: {  	[sflag:s25] =	ssyncset.done @!p0 $0x0  }
0x46: {  	[sflag:s25] =	ssyncadd.s32 @!p0 $0xFFFFFC00  }
0x47: {  	_ =	swait.ge @!p0 [sflag:s25], $0x400  }
0x48: {  	[sflag:s25] =	ssyncset.done @!p0 $0x0  }
0x49: {  	[sflag:s25] =	ssyncadd.s32 @!p0 $0xFFFFFC00  }
0x4a: {  	_ =	swait.ge @!p0 [sflag:s25], $0x400  }
0x4b: {  	[sflag:s25] =	ssyncset.done @!p0 $0x0  }
0x4c: {  	s28 =	simm.s32 $0x6480;
	[sflag:s25] =	ssyncadd.s32 @!p0 $0xFFFFFC00  }
0x4d: {  	s26 =	simm.s32 $0x1;
	s30 =	simm.s32 $0x2;
	_ =	swait.ge @!p0 [sflag:s25], $0x400  }
0x4e: {  	s31 =	simm.s32 $0x4;
	s26 =	sand.u32 $0x78, s26;
	[sflag:s25] =	ssyncset.done @!p0 $0x0  }
0x4f: {  	s5 =	sand.u32 $0x78, s30;
	s0 =	simm.s32 $0x3;
	[sflag:s25] =	ssyncadd.s32 @!p0 $0xFFFFFC00  }
0x50: {  	v7 =	vmov s5;
	v5 =	vmov s26;
	s5 =	sand.u32 $0x78, s31;
	s1 =	sand.u32 $0x78, s0;
	s25 =	simm.s32 $0x0;
	v3 =	vld [tilespmem:s28+$0x30]  }
0x51: {  	v11 =	vshrl.u32 v5, $0x3;
	v12 =	vmov s5;
	v10 =	vmov s1;
	s29 =	sand.u32 $0x78, s25;
	v6 =	vld [tilespmem:s28+$0xFFFFFFE0]  }
0x52: {  	v7 =	vshrl.u32 v7, $0x3;
	v10 =	vshrl.u32 v10, $0x3;
	v9 =	vld [tilespmem:s28+$0xFFFFFF80];
	v4 =	vmov s29  }
0x53: {  	v15 =	vshll.u32 v7, v1;
	v10 =	vshll.u32 v10, v1;
	v13 =	vld [tilespmem:s28+$0xFFFFFFA0];
	v4 =	vshrl.u32 v4, $0x3  }
0x54: {  	s30 =	simm.s32 $0x0;
	v22 =	vbroadcast v15, $0x0;
	v10 =	vbroadcast v10, $0x0;
	v15 =	vld [tilespmem:s28+$0x0];
	v4 =	vshll.u32 v4, v1  }
0x55: {  	s26 =	sand.u32 $0x18, s30;
	s31 =	simm.s32 $0x6;
	v8 =	vld [tilespmem:s28+$0x20];
	v5 =	vbroadcast v4, $0x0;
	v4 =	vshll.u32 v11, v1;
	v11 =	vshrl.u32 v12, $0x3  }
0x56: {  	s5 =	simm.s32 $0x7;
	s29 =	sand.u32 $0x78, s31;
	v14 =	vbroadcast v4, $0x0;
	v3 =	vmul.f32 $5.656854150e+00, v3;
	v4 =	vmov s26  }
0x57: {  	s31 =	sand.u32 $0x78, s5;
	v21 =	vmul.f32 $5.656854150e+00, v6;
	v7 =	vmul.f32 $5.656854150e+00, v9;
	v9 =	vmov s29  }
0x58: {  	s0 =	simm.s32 $0x5;
	v16 =	vshll.u32 v11, v1;
	v11 =	vmov s31;
	v25 =	vmul.f32 $5.656854150e+00, v13  }
0x59: {  	s1 =	sand.u32 $0x78, s0;
	v12 =	vld [tilespmem:s28+$0xFFFFFFC0];
	v13 =	vmul.f32 $5.656854150e+00, v15;
	v6 =	vmul.u32 $0x88, v4;
	v9 =	vshrl.u32 v9, $0x3  }
0x5a: {  	v4 =	vmul.f32 $5.656854150e+00, v8;
	v8 =	vmov s1;
	v9 =	vshll.u32 v9, v1  }
0x5b: {  	v24 =	vbroadcast v9, $0x0;
	v9 =	vshrl.u32 v11, $0x3;
	v6 =	vbroadcast v6, $0x0  }
0x5c: {  	v27 =	vbroadcast v16, $0x0;
	v8 =	vshrl.u32 v8, $0x3;
	v9 =	vshll.u32 v9, v1  }
0x5d: {  	v8 =	vshll.u32 v8, v1;
	v28 =	vbroadcast v9, $0x0;
	v9 =	vadd.s32 v0, v6  }
0x5e: {  	v11 =	vmul.f32 $5.656854150e+00, v12;
	v8 =	vbroadcast v8, $0x0;
	v15 =	vadd.s32 v10, v9  }
0x5f: {  	v30 =	vld [tilespmem:s28+$0x60];
	v17 =	vadd.s32 v2, v6;
	v12 =	vadd.s32 v14, v9;
	v29 =	vor.u32 $0x3, v15  }
0x60: {  	v32 =	vld [tilespmem:s28+$0x40];
	v16 =	vadd.s32 v24, v9;
	v18 =	vadd.s32 v27, v9;
	v19 =	vadd.s32 v8, v9  }
0x61: {  	v33 =	vld [tilespmem:s28+$0xFFFFFFD0];
	v8 =	vadd.s32 v8, v17;
	v15 =	vadd.s32 v10, v17;
	v20 =	vadd.s32 v28, v9  }
0x62: {  	v31 =	vor.u32 $0x1, v12;
	v23 =	vor.u32 $0x4, v18;
	v10 =	vor.u32 $0x5, v19;
	v18 =	vld [tilespmem:s28+$0x50]  }
0x63: {  	v19 =	vor.u32 $0x6, v16;
	v34 =	vor.u32 $0x7, v20;
	v16 =	vor.u32 $0x3, v15;
	v15 =	vld [tilespmem:s28+$0xFFFFFFF0]  }
0x64: {  	v30 =	vmul.f32 $5.656854150e+00, v30;
	v24 =	vadd.s32 v24, v17;
	[tilespmem:v29+s16+$0x0] =	vst.idx.msk $0xffff, v21;
	v29 =	vadd.s32 v27, v17;
	v27 =	vld [tilespmem:s28+$0x10]  }
0x65: {  	v12 =	vadd.s32 v22, v9;
	v8 =	vor.u32 $0x5, v8;
	v24 =	vor.u32 $0x6, v24;
	v21 =	vld [tilespmem:s28+$0x70]  }
0x66: {  	v28 =	vadd.s32 v28, v17;
	v26 =	vor.u32 $0x2, v12;
	v12 =	vadd.s32 v22, v17;
	v22 =	vld [tilespmem:s28+$0xFFFFFFB0]  }
0x67: {  	v20 =	vadd.s32 v5, v9;
	v9 =	vadd.s32 v14, v17;
	v14 =	vmul.f32 $5.656854150e+00, v33;
	[tilespmem:v31+s16+$0x0] =	vst.idx.msk $0xffff, v25  }
0x68: {  	s26 =	sshll.u32 s23, $0x1;
	v6 =	vld [tilespmem:s28+$0xFFFFFF90];
	v9 =	vor.u32 $0x1, v9;
	v12 =	vor.u32 $0x2, v12;
	v25 =	vmul.f32 $5.656854150e+00, v32;
	s28 =	simm.s32 $0x6580;
	[tilespmem:v34+s16+$0x0] =	vst.idx.msk $0xffff, v30  }
.LBB2_3:
0x69: {  	s29 =	sadd.s32 $0x9, s25;
	v27 =	vmul.f32 $5.656854150e+00, v27  }
0x6a: {  	s30 =	sadd.s32 $0xA, s25;
	v30 =	vld [tilespmem:s28+$0xFFFFFFE0];
	v17 =	vadd.s32 v5, v17;
	[tilespmem:v23+s16+$0x0] =	vst.idx.msk $0xffff, v13;
	v13 =	vmul.f32 $5.656854150e+00, v21;
	s31 =	smov.u32 s25;
	s25 =	sadd.s32 $0x8, s25;
	v5 =	vmul.f32 $5.656854150e+00, v18  }
0x6b: {  	v15 =	vmul.f32 $5.656854150e+00, v15;
	s1 =	sand.u32 $0x78, s25;
	s29 =	sand.u32 $0x78, s29;
	v21 =	vld [tilespmem:s28+$0x30];
	s0 =	sadd.s32 $0xF, s31;
	v22 =	vmul.f32 $5.656854150e+00, v22;
	[tilespmem:v26+s16+$0x0] =	vst.idx.msk $0xffff, v11;
	v11 =	vor.u32 $0x4, v29  }
0x6c: {  	s5 =	sadd.s32 $0xE, s31;
	v18 =	vmov s1;
	v23 =	vld [tilespmem:s28+$0xFFFFFF90];
	s1 =	sand.u32 $0x78, s30;
	s30 =	sadd.s32 $0xB, s31;
	[tilespmem:v20+s16+$0x0] =	vst.idx.msk $0xffff, v7;
	v7 =	vor.u32 $0x7, v28  }
0x6d: {  	v18 =	vshrl.u32 v18, $0x3;
	v20 =	vmov s1;
	s1 =	sand.u32 $0x78, s30;
	s30 =	sadd.s32 $0xC, s31;
	s31 =	sadd.s32 $0xD, s31;
	v26 =	vld [tilespmem:s28+$0x20];
	[tilespmem:v19+s16+$0x0] =	vst.idx.msk $0xffff, v25  }
0x6e: {  	s5 =	sand.u32 $0x78, s5;
	v25 =	vmov s29;
	v19 =	vld [tilespmem:s28+$0xFFFFFF80];
	v18 =	vshll.u32 v18, v1;
	v28 =	vmov s1;
	s1 =	sand.u32 $0x78, s30;
	s29 =	sand.u32 $0x78, s31;
	[tilespmem:v24+s16+$0x0] =	vst.idx.msk $0xffff, v5  }
0x6f: {  	p1 =	slt.u32 s25, $0x1F8;
	v29 =	vmul.f32 $5.656854150e+00, v6;
	v24 =	vshrl.u32 v25, $0x3;
	v25 =	vmov s1;
	[tilespmem:v16+s16+$0x0] =	vst.idx.msk $0xffff, v15  }
0x70: {  	s1 =	sshrl.u32 s25, $0x4;
	v5 =	vbroadcast v18, $0x0;
	v15 =	vshll.u32 v24, v1;
	v16 =	vshrl.u32 v28, $0x3;
	[tilespmem:v11+s16+$0x0] =	vst.idx.msk $0xffff, v27  }
0x71: {  	s0 =	sand.u32 $0x78, s0;
	s1 =	sand.u32 $0x18, s1;
	v24 =	vbroadcast v15, $0x0;
	v11 =	vshrl.u32 v25, $0x3;
	v15 =	vmul.f32 $5.656854150e+00, v21;
	[tilespmem:v17+s16+$0x0] =	vst.idx.msk $0xffff, v29;
	v6 =	vmovc v23  }
0x72: {  	v20 =	vshrl.u32 v20, $0x3;
	v25 =	vmul.f32 $5.656854150e+00, v30;
	v17 =	vmov s1;
	v18 =	vld [tilespmem:s28+$0xFFFFFFC0];
	[tilespmem:v10+s16+$0x0] =	vst.idx.msk $0xffff, v4  }
0x73: {  	v20 =	vshll.u32 v20, v1;
	v10 =	vmul.u32 $0x88, v17;
	v4 =	vmul.f32 $5.656854150e+00, v26;
	v17 =	vld [tilespmem:s28+$0xFFFFFFA0];
	[tilespmem:v7+s16+$0x0] =	vst.idx.msk $0xffff, v13  }
0x74: {  	v7 =	vmul.f32 $5.656854150e+00, v19;
	v13 =	vmov s29;
	v19 =	vmov s5;
	[tilespmem:v12+s16+$0x0] =	vst.idx.msk $0xffff, v14  }
0x75: {  	v12 =	vbroadcast v20, $0x0;
	v14 =	vshll.u32 v16, v1;
	v19 =	vshrl.u32 v19, $0x3;
	v16 =	vld [tilespmem:s28+$0x0];
	[tilespmem:v8+s16+$0x0] =	vst.idx.msk $0xffff, v3;
	v3 =	vmovc v15  }
0x76: {  	v8 =	vshll.u32 v11, v1;
	v11 =	vshll.u32 v19, v1;
	v15 =	vmov s0;
	[tilespmem:v9+s16+$0x0] =	vst.idx.msk $0xffff, v22  }
0x77: {  	v9 =	vbroadcast v14, $0x0;
	v14 =	vbroadcast v11, $0x0;
	v15 =	vshrl.u32 v15, $0x3  }
0x78: {  	v11 =	vmul.f32 $5.656854150e+00, v18;
	v15 =	vshll.u32 v15, v1;
	v28 =	vmul.f32 $5.656854150e+00, v17  }
0x79: {  	v10 =	vbroadcast v10, $0x0;
	v29 =	vbroadcast v8, $0x0;
	v8 =	vshrl.u32 v13, $0x3  }
0x7a: {  	v8 =	vshll.u32 v8, v1;
	v30 =	vbroadcast v15, $0x0;
	v13 =	vmul.f32 $5.656854150e+00, v16  }
0x7b: {  	v17 =	vadd.s32 v2, v10;
	v8 =	vbroadcast v8, $0x0;
	v16 =	vadd.s32 v0, v10;
	v18 =	vld [tilespmem:s28+$0x50]  }
0x7c: {  	v10 =	vadd.s32 v24, v16;
	v19 =	vadd.s32 v9, v16;
	v20 =	vadd.s32 v14, v16;
	v15 =	vld [tilespmem:s28+$0xFFFFFFF0]  }
0x7d: {  	v22 =	vadd.s32 v29, v16;
	v26 =	vadd.s32 v8, v16;
	v8 =	vadd.s32 v8, v17;
	v21 =	vld [tilespmem:s28+$0x70]  }
0x7e: {  	v9 =	vadd.s32 v9, v17;
	v27 =	vadd.s32 v30, v16;
	v31 =	vor.u32 $0x3, v19;
	v32 =	vld [tilespmem:s28+$0x60]  }
0x7f: {  	v34 =	vadd.s32 v12, v16;
	v33 =	vor.u32 $0x1, v10;
	v23 =	vor.u32 $0x4, v22;
	v35 =	vld [tilespmem:s28+$0x40]  }
0x80: {  	v10 =	vor.u32 $0x5, v26;
	v19 =	vor.u32 $0x6, v20;
	v37 =	vor.u32 $0x7, v27;
	v36 =	vld [tilespmem:s28+$0xFFFFFFD0]  }
.Ltmp0:
0x81: {  	v20 =	vadd.s32 v5, v16;
	v16 =	vor.u32 $0x3, v9;
	v8 =	vor.u32 $0x5, v8;
	v27 =	vld [tilespmem:s28+$0x10];
	(pc) =	sbr.rel @p1 .LBB2_3-.Ltmp0, $4  }
0x82: {  	v12 =	vadd.s32 v12, v17;
	v9 =	vadd.s32 v24, v17;
	v26 =	vor.u32 $0x2, v34;
	v22 =	vld [tilespmem:s28+$0xFFFFFFB0]  }
0x83: {  	v12 =	vor.u32 $0x2, v12;
	v9 =	vor.u32 $0x1, v9;
	[tilespmem:v31+s16+$0x0] =	vst.idx.msk $0xffff, v25;
	v31 =	vmul.f32 $5.656854150e+00, v32  }
0x84: {  	v29 =	vadd.s32 v29, v17;
	v24 =	vadd.s32 v14, v17;
	[tilespmem:v33+s16+$0x0] =	vst.idx.msk $0xffff, v28;
	v25 =	vmul.f32 $5.656854150e+00, v35  }
0x85: {  	v24 =	vor.u32 $0x6, v24;
	s28 =	sadd.s32 $0x100, s28;
	v28 =	vadd.s32 v30, v17;
	v14 =	vmul.f32 $5.656854150e+00, v36;
	[tilespmem:v37+s16+$0x0] =	vst.idx.msk $0xffff, v31  }
0x86: {  	_ =	sdelay $0x3  }
0x87: {  	[tilespmem:v23+s16+$0x0] =	vst.idx.msk $0xffff, v13  }
0x88: {  	[tilespmem:v26+s16+$0x0] =	vst.idx.msk $0xffff, v11  }
0x89: {  	[tilespmem:v20+s16+$0x0] =	vst.idx.msk $0xffff, v7  }
0x8a: {  	[tilespmem:v19+s16+$0x0] =	vst.idx.msk $0xffff, v25  }
0x8b: {  	[tilespmem:v10+s16+$0x0] =	vst.idx.msk $0xffff, v4  }
0x8c: {  	v57 =	vor.u32 $0x4, v29;
	v58 =	vmul.f32 $5.656854150e+00, v18;
	[tilespmem:v12+s16+$0x0] =	vst.idx.msk $0xffff, v14  }
0x8d: {  	v5 =	vadd.s32 v5, v17;
	v59 =	vmul.f32 $5.656854150e+00, v15;
	[tilespmem:v8+s16+$0x0] =	vst.idx.msk $0xffff, v3  }
0x8e: {  	v61 =	vor.u32 $0x7, v28;
	s0 =	sadd.s32 s6, s26;
	v63 =	vmul.f32 $5.656854150e+00, v22;
	[tilespmem:v24+s16+$0x0] =	vst.idx.msk $0xffff, v58  }
0x8f: {  	v60 =	vmul.f32 $5.656854150e+00, v27;
	s1 =	sshll.u32 s0, $0xC;
	s0 =	sshll.u32 s0, $0xE;
	[tilespmem:v16+s16+$0x0] =	vst.idx.msk $0xffff, v59  }
0x90: {  	v6 =	vmul.f32 $5.656854150e+00, v6;
	s1 =	sand.u32 $0x6000, s1;
	s0 =	sand.u32 $0x7FFE0000, s0;
	[tilespmem:v9+s16+$0x0] =	vst.idx.msk $0xffff, v63  }
0x91: {  	v62 =	vmul.f32 $5.656854150e+00, v21;
	s0 =	sor.u32 s1, s0;
	[tilespmem:v57+s16+$0x0] =	vst.idx.msk $0xffff, v60  }
0x92: {  	s25 =	sshrl.u32 s0, $0x3;
	[tilespmem:v5+s16+$0x0] =	vst.idx.msk $0xffff, v6  }
0x93: {  	[tilespmem:v61+s16+$0x0] =	vst.idx.msk $0xffff, v62;
	s0 =	sadd.s32 s2, s25  }
0x94: {  	[hbm4b:s0+s3] =	stream.linear.scatter [tilespmem:s16], [sflag:$0x3], $0x80, $0x38;
	[tilespmem:$0x16C00] =	vst v63  }
0x95: {  	s5 =	simm.s32 $0xE488;
	s31 =	sadd.s32 $0x10, s0  }
0x96: {  	[hbm4b:s31+s3] =	stream.linear.scatter [tilespmem:s5], [sflag:$0x3], $0x80, $0x38;
	[tilespmem:$0x16C00] =	vst v63  }
0x97: {  	s26 =	simm.s32 $0xE510;
	s5 =	sadd.s32 $0x20, s0  }
0x98: {  	[hbm4b:s5+s3] =	stream.linear.scatter [tilespmem:s26], [sflag:$0x3], $0x80, $0x38;
	[tilespmem:$0x16C00] =	vst v63  }
0x99: {  	s29 =	simm.s32 $0xE598;
	s28 =	sadd.s32 $0x30, s0  }
0x9a: {  	[hbm4b:s28+s3] =	stream.linear.scatter [tilespmem:s29], [sflag:$0x3], $0x80, $0x38;
	[tilespmem:$0x16C00] =	vst v63  }
0x9b: {  	s30 =	sadd.s32 $0x40, s0;
	s31 =	simm.s32 $0xE620  }
0x9c: {  	[hbm4b:s30+s3] =	stream.linear.scatter [tilespmem:s31], [sflag:$0x3], $0x80, $0x38;
	[tilespmem:$0x16C00] =	vst v63  }
0x9d: {  	s26 =	sadd.s32 $0x50, s0;
	s28 =	simm.s32 $0xE6A8  }
0x9e: {  	[hbm4b:s26+s3] =	stream.linear.scatter [tilespmem:s28], [sflag:$0x3], $0x80, $0x38;
	[tilespmem:$0x16C00] =	vst v63  }
0x9f: {  	s29 =	sadd.s32 $0x60, s0;
	s30 =	simm.s32 $0xE730  }
0xa0: {  	[hbm4b:s29+s3] =	stream.linear.scatter [tilespmem:s30], [sflag:$0x3], $0x80, $0x38;
	[tilespmem:$0x16C00] =	vst v63  }
0xa1: {  	s0 =	sadd.s32 $0x70, s0;
	s31 =	simm.s32 $0xE7B8;
	s26 =	sor.u32 $0x80, s25  }
0xa2: {  	[hbm4b:s0+s3] =	stream.linear.scatter [tilespmem:s31], [sflag:$0x3], $0x80, $0x38;
	[tilespmem:$0x16C00] =	vst v63  }
0xa3: {  	s5 =	simm.s32 $0xE840;
	s0 =	sadd.s32 s2, s26  }
0xa4: {  	[hbm4b:s0+s3] =	stream.linear.scatter [tilespmem:s5], [sflag:$0x3], $0x80, $0x38;
	[tilespmem:$0x16C00] =	vst v63  }
0xa5: {  	s29 =	simm.s32 $0xE8C8;
	s28 =	sadd.s32 $0x10, s0  }
0xa6: {  	[hbm4b:s28+s3] =	stream.linear.scatter [tilespmem:s29], [sflag:$0x3], $0x80, $0x38;
	[tilespmem:$0x16C00] =	vst v63  }
0xa7: {  	s31 =	simm.s32 $0xE950;
	s30 =	sadd.s32 $0x20, s0  }
0xa8: {  	[hbm4b:s30+s3] =	stream.linear.scatter [tilespmem:s31], [sflag:$0x3], $0x80, $0x38;
	[tilespmem:$0x16C00] =	vst v63  }
0xa9: {  	s28 =	sadd.s32 $0x30, s0;
	s29 =	simm.s32 $0xE9D8  }
0xaa: {  	[hbm4b:s28+s3] =	stream.linear.scatter [tilespmem:s29], [sflag:$0x3], $0x80, $0x38;
	[tilespmem:$0x16C00] =	vst v63  }
0xab: {  	s30 =	sadd.s32 $0x40, s0;
	s31 =	simm.s32 $0xEA60  }
0xac: {  	[hbm4b:s30+s3] =	stream.linear.scatter [tilespmem:s31], [sflag:$0x3], $0x80, $0x38;
	[tilespmem:$0x16C00] =	vst v63  }
0xad: {  	s28 =	sadd.s32 $0x50, s0;
	s29 =	simm.s32 $0xEAE8  }
0xae: {  	[hbm4b:s28+s3] =	stream.linear.scatter [tilespmem:s29], [sflag:$0x3], $0x80, $0x38;
	[tilespmem:$0x16C00] =	vst v63  }
0xaf: {  	s30 =	sadd.s32 $0x60, s0;
	s31 =	simm.s32 $0xEB70  }
0xb0: {  	[hbm4b:s30+s3] =	stream.linear.scatter [tilespmem:s31], [sflag:$0x3], $0x80, $0x38;
	[tilespmem:$0x16C00] =	vst v63  }
0xb1: {  	s0 =	sadd.s32 $0x70, s0;
	s28 =	simm.s32 $0xEBF8  }
0xb2: {  	[hbm4b:s0+s3] =	stream.linear.scatter [tilespmem:s28], [sflag:$0x3], $0x80, $0x38;
	[tilespmem:$0x16C00] =	vst v63  }
0xb3: {  	s28 =	sor.u32 $0x100, s25  }
0xb4: {  	s29 =	simm.s32 $0xEC80;
	s0 =	sadd.s32 s2, s28  }
0xb5: {  	[hbm4b:s0+s3] =	stream.linear.scatter [tilespmem:s29], [sflag:$0x3], $0x80, $0x38;
	[tilespmem:$0x16C00] =	vst v63  }
0xb6: {  	s31 =	simm.s32 $0xED08;
	s30 =	sadd.s32 $0x10, s0  }
0xb7: {  	[hbm4b:s30+s3] =	stream.linear.scatter [tilespmem:s31], [sflag:$0x3], $0x80, $0x38;
	[tilespmem:$0x16C00] =	vst v63  }
0xb8: {  	s5 =	sadd.s32 $0x20, s0;
	s29 =	simm.s32 $0xED90  }
0xb9: {  	[hbm4b:s5+s3] =	stream.linear.scatter [tilespmem:s29], [sflag:$0x3], $0x80, $0x38;
	[tilespmem:$0x16C00] =	vst v63  }
0xba: {  	s30 =	sadd.s32 $0x30, s0;
	s31 =	simm.s32 $0xEE18  }
0xbb: {  	[hbm4b:s30+s3] =	stream.linear.scatter [tilespmem:s31], [sflag:$0x3], $0x80, $0x38;
	[tilespmem:$0x16C00] =	vst v63  }
0xbc: {  	s5 =	sadd.s32 $0x40, s0;
	s29 =	simm.s32 $0xEEA0  }
0xbd: {  	[hbm4b:s5+s3] =	stream.linear.scatter [tilespmem:s29], [sflag:$0x3], $0x80, $0x38;
	[tilespmem:$0x16C00] =	vst v63  }
0xbe: {  	s30 =	sadd.s32 $0x50, s0;
	s31 =	simm.s32 $0xEF28  }
0xbf: {  	[hbm4b:s30+s3] =	stream.linear.scatter [tilespmem:s31], [sflag:$0x3], $0x80, $0x38;
	[tilespmem:$0x16C00] =	vst v63  }
0xc0: {  	s29 =	sadd.s32 $0x60, s0;
	s30 =	simm.s32 $0xEFB0  }
0xc1: {  	[hbm4b:s29+s3] =	stream.linear.scatter [tilespmem:s30], [sflag:$0x3], $0x80, $0x38;
	[tilespmem:$0x16C00] =	vst v63  }
0xc2: {  	s0 =	sadd.s32 $0x70, s0;
	s31 =	simm.s32 $0xF038;
	s29 =	sor.u32 $0x180, s25  }
0xc3: {  	[hbm4b:s0+s3] =	stream.linear.scatter [tilespmem:s31], [sflag:$0x3], $0x80, $0x38;
	[tilespmem:$0x16C00] =	vst v63  }
0xc4: {  	s5 =	simm.s32 $0xF0C0;
	s0 =	sadd.s32 s2, s29  }
0xc5: {  	[hbm4b:s0+s3] =	stream.linear.scatter [tilespmem:s5], [sflag:$0x3], $0x80, $0x38;
	[tilespmem:$0x16C00] =	vst v63  }
0xc6: {  	s31 =	simm.s32 $0xF148;
	s30 =	sadd.s32 $0x10, s0  }
0xc7: {  	[hbm4b:s30+s3] =	stream.linear.scatter [tilespmem:s31], [sflag:$0x3], $0x80, $0x38;
	[tilespmem:$0x16C00] =	vst v63  }
0xc8: {  	s30 =	sadd.s32 $0x20, s0;
	s31 =	simm.s32 $0xF1D0  }
0xc9: {  	[hbm4b:s30+s3] =	stream.linear.scatter [tilespmem:s31], [sflag:$0x3], $0x80, $0x38;
	[tilespmem:$0x16C00] =	vst v63  }
0xca: {  	s30 =	sadd.s32 $0x30, s0;
	s31 =	simm.s32 $0xF258  }
0xcb: {  	[hbm4b:s30+s3] =	stream.linear.scatter [tilespmem:s31], [sflag:$0x3], $0x80, $0x38;
	[tilespmem:$0x16C00] =	vst v63  }
0xcc: {  	s30 =	sadd.s32 $0x40, s0;
	s31 =	simm.s32 $0xF2E0  }
0xcd: {  	[hbm4b:s30+s3] =	stream.linear.scatter [tilespmem:s31], [sflag:$0x3], $0x80, $0x38;
	[tilespmem:$0x16C00] =	vst v63  }
0xce: {  	s30 =	sadd.s32 $0x50, s0;
	s31 =	simm.s32 $0xF368  }
0xcf: {  	[hbm4b:s30+s3] =	stream.linear.scatter [tilespmem:s31], [sflag:$0x3], $0x80, $0x38;
	[tilespmem:$0x16C00] =	vst v63  }
0xd0: {  	s5 =	sadd.s32 $0x60, s0;
	s30 =	simm.s32 $0xF3F0  }
0xd1: {  	[hbm4b:s5+s3] =	stream.linear.scatter [tilespmem:s30], [sflag:$0x3], $0x80, $0x38;
	[tilespmem:$0x16C00] =	vst v63  }
0xd2: {  	s0 =	sadd.s32 $0x70, s0;
	s31 =	simm.s32 $0xF478  }
0xd3: {  	[hbm4b:s0+s3] =	stream.linear.scatter [tilespmem:s31], [sflag:$0x3], $0x80, $0x38;
	[tilespmem:$0x16C00] =	vst v63  }
0xd4: {  	s5 =	simm.s32 $0xF500;
	s0 =	sadd.s32 s25, s7  }
0xd5: {  	[hbm4b:s0+s3] =	stream.linear.scatter [tilespmem:s5], [sflag:$0x3], $0x80, $0x38;
	[tilespmem:$0x16C00] =	vst v63  }
0xd6: {  	s31 =	simm.s32 $0xF588;
	s30 =	sadd.s32 $0x10, s0  }
0xd7: {  	[hbm4b:s30+s3] =	stream.linear.scatter [tilespmem:s31], [sflag:$0x3], $0x80, $0x38;
	[tilespmem:$0x16C00] =	vst v63  }
0xd8: {  	s30 =	sadd.s32 $0x20, s0;
	s31 =	simm.s32 $0xF610  }
0xd9: {  	[hbm4b:s30+s3] =	stream.linear.scatter [tilespmem:s31], [sflag:$0x3], $0x80, $0x38;
	[tilespmem:$0x16C00] =	vst v63  }
0xda: {  	s30 =	sadd.s32 $0x30, s0;
	s31 =	simm.s32 $0xF698  }
0xdb: {  	[hbm4b:s30+s3] =	stream.linear.scatter [tilespmem:s31], [sflag:$0x3], $0x80, $0x38;
	[tilespmem:$0x16C00] =	vst v63  }
0xdc: {  	s30 =	sadd.s32 $0x40, s0;
	s31 =	simm.s32 $0xF720  }
0xdd: {  	[hbm4b:s30+s3] =	stream.linear.scatter [tilespmem:s31], [sflag:$0x3], $0x80, $0x38;
	[tilespmem:$0x16C00] =	vst v63  }
0xde: {  	s30 =	sadd.s32 $0x50, s0;
	s31 =	simm.s32 $0xF7A8  }
0xdf: {  	[hbm4b:s30+s3] =	stream.linear.scatter [tilespmem:s31], [sflag:$0x3], $0x80, $0x38;
	[tilespmem:$0x16C00] =	vst v63  }
0xe0: {  	s5 =	sadd.s32 $0x60, s0;
	s30 =	simm.s32 $0xF830  }
0xe1: {  	[hbm4b:s5+s3] =	stream.linear.scatter [tilespmem:s30], [sflag:$0x3], $0x80, $0x38;
	[tilespmem:$0x16C00] =	vst v63  }
0xe2: {  	s0 =	sadd.s32 $0x70, s0;
	s31 =	simm.s32 $0xF8B8  }
0xe3: {  	[hbm4b:s0+s3] =	stream.linear.scatter [tilespmem:s31], [sflag:$0x3], $0x80, $0x38;
	[tilespmem:$0x16C00] =	vst v63  }
0xe4: {  	s5 =	simm.s32 $0xF940;
	s0 =	sadd.s32 s26, s7  }
0xe5: {  	[hbm4b:s0+s3] =	stream.linear.scatter [tilespmem:s5], [sflag:$0x3], $0x80, $0x38;
	[tilespmem:$0x16C00] =	vst v63  }
0xe6: {  	s31 =	simm.s32 $0xF9C8;
	s30 =	sadd.s32 $0x10, s0  }
0xe7: {  	[hbm4b:s30+s3] =	stream.linear.scatter [tilespmem:s31], [sflag:$0x3], $0x80, $0x38;
	[tilespmem:$0x16C00] =	vst v63  }
0xe8: {  	s30 =	sadd.s32 $0x20, s0;
	s31 =	simm.s32 $0xFA50  }
0xe9: {  	[hbm4b:s30+s3] =	stream.linear.scatter [tilespmem:s31], [sflag:$0x3], $0x80, $0x38;
	[tilespmem:$0x16C00] =	vst v63  }
0xea: {  	s30 =	sadd.s32 $0x30, s0;
	s31 =	simm.s32 $0xFAD8  }
0xeb: {  	[hbm4b:s30+s3] =	stream.linear.scatter [tilespmem:s31], [sflag:$0x3], $0x80, $0x38;
	[tilespmem:$0x16C00] =	vst v63  }
0xec: {  	s30 =	sadd.s32 $0x40, s0;
	s31 =	simm.s32 $0xFB60  }
0xed: {  	[hbm4b:s30+s3] =	stream.linear.scatter [tilespmem:s31], [sflag:$0x3], $0x80, $0x38;
	[tilespmem:$0x16C00] =	vst v63  }
0xee: {  	s30 =	sadd.s32 $0x50, s0;
	s31 =	simm.s32 $0xFBE8  }
0xef: {  	[hbm4b:s30+s3] =	stream.linear.scatter [tilespmem:s31], [sflag:$0x3], $0x80, $0x38;
	[tilespmem:$0x16C00] =	vst v63  }
0xf0: {  	s5 =	sadd.s32 $0x60, s0;
	s30 =	simm.s32 $0xFC70  }
0xf1: {  	[hbm4b:s5+s3] =	stream.linear.scatter [tilespmem:s30], [sflag:$0x3], $0x80, $0x38;
	[tilespmem:$0x16C00] =	vst v63  }
0xf2: {  	s0 =	sadd.s32 $0x70, s0;
	s31 =	simm.s32 $0xFCF8  }
0xf3: {  	[hbm4b:s0+s3] =	stream.linear.scatter [tilespmem:s31], [sflag:$0x3], $0x80, $0x38;
	[tilespmem:$0x16C00] =	vst v63  }
0xf4: {  	s5 =	simm.s32 $0xFD80;
	s0 =	sadd.s32 s28, s7  }
0xf5: {  	[hbm4b:s0+s3] =	stream.linear.scatter [tilespmem:s5], [sflag:$0x3], $0x80, $0x38;
	[tilespmem:$0x16C00] =	vst v63  }
0xf6: {  	s31 =	simm.s32 $0xFE08;
	s30 =	sadd.s32 $0x10, s0  }
0xf7: {  	[hbm4b:s30+s3] =	stream.linear.scatter [tilespmem:s31], [sflag:$0x3], $0x80, $0x38;
	[tilespmem:$0x16C00] =	vst v63  }
0xf8: {  	s30 =	sadd.s32 $0x20, s0;
	s31 =	simm.s32 $0xFE90  }
0xf9: {  	[hbm4b:s30+s3] =	stream.linear.scatter [tilespmem:s31], [sflag:$0x3], $0x80, $0x38;
	[tilespmem:$0x16C00] =	vst v63  }
0xfa: {  	s30 =	sadd.s32 $0x30, s0;
	s31 =	simm.s32 $0xFF18  }
0xfb: {  	[hbm4b:s30+s3] =	stream.linear.scatter [tilespmem:s31], [sflag:$0x3], $0x80, $0x38;
	[tilespmem:$0x16C00] =	vst v63  }
0xfc: {  	s30 =	sadd.s32 $0x40, s0;
	s31 =	simm.s32 $0xFFA0  }
0xfd: {  	[hbm4b:s30+s3] =	stream.linear.scatter [tilespmem:s31], [sflag:$0x3], $0x80, $0x38;
	[tilespmem:$0x16C00] =	vst v63  }
0xfe: {  	s30 =	sadd.s32 $0x50, s0;
	s31 =	simm.s32 $0x10028  }
0xff: {  	[hbm4b:s30+s3] =	stream.linear.scatter [tilespmem:s31], [sflag:$0x3], $0x80, $0x38;
	[tilespmem:$0x16C00] =	vst v63  }
0x100: {  	s5 =	sadd.s32 $0x60, s0;
	s30 =	simm.s32 $0x100B0  }
0x101: {  	[hbm4b:s5+s3] =	stream.linear.scatter [tilespmem:s30], [sflag:$0x3], $0x80, $0x38;
	[tilespmem:$0x16C00] =	vst v63  }
0x102: {  	s0 =	sadd.s32 $0x70, s0;
	s31 =	simm.s32 $0x10138  }
0x103: {  	[hbm4b:s0+s3] =	stream.linear.scatter [tilespmem:s31], [sflag:$0x3], $0x80, $0x38;
	[tilespmem:$0x16C00] =	vst v63  }
0x104: {  	s5 =	simm.s32 $0x101C0;
	s0 =	sadd.s32 s29, s7  }
0x105: {  	[hbm4b:s0+s3] =	stream.linear.scatter [tilespmem:s5], [sflag:$0x3], $0x80, $0x38;
	[tilespmem:$0x16C00] =	vst v63  }
0x106: {  	s31 =	simm.s32 $0x10248;
	s30 =	sadd.s32 $0x10, s0  }
0x107: {  	[hbm4b:s30+s3] =	stream.linear.scatter [tilespmem:s31], [sflag:$0x3], $0x80, $0x38;
	[tilespmem:$0x16C00] =	vst v63  }
0x108: {  	s30 =	sadd.s32 $0x20, s0;
	s31 =	simm.s32 $0x102D0  }
0x109: {  	[hbm4b:s30+s3] =	stream.linear.scatter [tilespmem:s31], [sflag:$0x3], $0x80, $0x38;
	[tilespmem:$0x16C00] =	vst v63  }
0x10a: {  	s30 =	sadd.s32 $0x30, s0;
	s31 =	simm.s32 $0x10358  }
0x10b: {  	[hbm4b:s30+s3] =	stream.linear.scatter [tilespmem:s31], [sflag:$0x3], $0x80, $0x38;
	[tilespmem:$0x16C00] =	vst v63  }
0x10c: {  	s30 =	sadd.s32 $0x40, s0;
	s31 =	simm.s32 $0x103E0  }
0x10d: {  	[hbm4b:s30+s3] =	stream.linear.scatter [tilespmem:s31], [sflag:$0x3], $0x80, $0x38;
	[tilespmem:$0x16C00] =	vst v63  }
0x10e: {  	s30 =	sadd.s32 $0x50, s0;
	s31 =	simm.s32 $0x10468  }
0x10f: {  	[hbm4b:s30+s3] =	stream.linear.scatter [tilespmem:s31], [sflag:$0x3], $0x80, $0x38;
	[tilespmem:$0x16C00] =	vst v63  }
0x110: {  	s5 =	sadd.s32 $0x60, s0;
	s30 =	simm.s32 $0x104F0  }
0x111: {  	[hbm4b:s5+s3] =	stream.linear.scatter [tilespmem:s30], [sflag:$0x3], $0x80, $0x38;
	[tilespmem:$0x16C00] =	vst v63  }
0x112: {  	s0 =	sadd.s32 $0x70, s0;
	s31 =	simm.s32 $0x10578  }
0x113: {  	[hbm4b:s0+s3] =	stream.linear.scatter [tilespmem:s31], [sflag:$0x3], $0x80, $0x38;
	[tilespmem:$0x16C00] =	vst v63  }
0x114: {  	s5 =	simm.s32 $0x10600;
	s0 =	sadd.s32 s25, s8  }
0x115: {  	[hbm4b:s0+s3] =	stream.linear.scatter [tilespmem:s5], [sflag:$0x3], $0x80, $0x38;
	[tilespmem:$0x16C00] =	vst v63  }
0x116: {  	s31 =	simm.s32 $0x10688;
	s30 =	sadd.s32 $0x10, s0  }
0x117: {  	[hbm4b:s30+s3] =	stream.linear.scatter [tilespmem:s31], [sflag:$0x3], $0x80, $0x38;
	[tilespmem:$0x16C00] =	vst v63  }
0x118: {  	s30 =	sadd.s32 $0x20, s0;
	s31 =	simm.s32 $0x10710  }
0x119: {  	[hbm4b:s30+s3] =	stream.linear.scatter [tilespmem:s31], [sflag:$0x3], $0x80, $0x38;
	[tilespmem:$0x16C00] =	vst v63  }
0x11a: {  	s30 =	sadd.s32 $0x30, s0;
	s31 =	simm.s32 $0x10798  }
0x11b: {  	[hbm4b:s30+s3] =	stream.linear.scatter [tilespmem:s31], [sflag:$0x3], $0x80, $0x38;
	[tilespmem:$0x16C00] =	vst v63  }
0x11c: {  	s30 =	sadd.s32 $0x40, s0;
	s31 =	simm.s32 $0x10820  }
0x11d: {  	[hbm4b:s30+s3] =	stream.linear.scatter [tilespmem:s31], [sflag:$0x3], $0x80, $0x38;
	[tilespmem:$0x16C00] =	vst v63  }
0x11e: {  	s30 =	sadd.s32 $0x50, s0;
	s31 =	simm.s32 $0x108A8  }
0x11f: {  	[hbm4b:s30+s3] =	stream.linear.scatter [tilespmem:s31], [sflag:$0x3], $0x80, $0x38;
	[tilespmem:$0x16C00] =	vst v63  }
0x120: {  	s5 =	sadd.s32 $0x60, s0;
	s30 =	simm.s32 $0x10930  }
0x121: {  	[hbm4b:s5+s3] =	stream.linear.scatter [tilespmem:s30], [sflag:$0x3], $0x80, $0x38;
	[tilespmem:$0x16C00] =	vst v63  }
0x122: {  	s0 =	sadd.s32 $0x70, s0;
	s31 =	simm.s32 $0x109B8  }
0x123: {  	[hbm4b:s0+s3] =	stream.linear.scatter [tilespmem:s31], [sflag:$0x3], $0x80, $0x38;
	[tilespmem:$0x16C00] =	vst v63  }
0x124: {  	s5 =	simm.s32 $0x10A40;
	s0 =	sadd.s32 s26, s8  }
0x125: {  	[hbm4b:s0+s3] =	stream.linear.scatter [tilespmem:s5], [sflag:$0x3], $0x80, $0x38;
	[tilespmem:$0x16C00] =	vst v63  }
0x126: {  	s31 =	simm.s32 $0x10AC8;
	s30 =	sadd.s32 $0x10, s0  }
0x127: {  	[hbm4b:s30+s3] =	stream.linear.scatter [tilespmem:s31], [sflag:$0x3], $0x80, $0x38;
	[tilespmem:$0x16C00] =	vst v63  }
0x128: {  	s30 =	sadd.s32 $0x20, s0;
	s31 =	simm.s32 $0x10B50  }
0x129: {  	[hbm4b:s30+s3] =	stream.linear.scatter [tilespmem:s31], [sflag:$0x3], $0x80, $0x38;
	[tilespmem:$0x16C00] =	vst v63  }
0x12a: {  	s30 =	sadd.s32 $0x30, s0;
	s31 =	simm.s32 $0x10BD8  }
0x12b: {  	[hbm4b:s30+s3] =	stream.linear.scatter [tilespmem:s31], [sflag:$0x3], $0x80, $0x38;
	[tilespmem:$0x16C00] =	vst v63  }
0x12c: {  	s30 =	sadd.s32 $0x40, s0;
	s31 =	simm.s32 $0x10C60  }
0x12d: {  	[hbm4b:s30+s3] =	stream.linear.scatter [tilespmem:s31], [sflag:$0x3], $0x80, $0x38;
	[tilespmem:$0x16C00] =	vst v63  }
0x12e: {  	s30 =	sadd.s32 $0x50, s0;
	s31 =	simm.s32 $0x10CE8  }
0x12f: {  	[hbm4b:s30+s3] =	stream.linear.scatter [tilespmem:s31], [sflag:$0x3], $0x80, $0x38;
	[tilespmem:$0x16C00] =	vst v63  }
0x130: {  	s5 =	sadd.s32 $0x60, s0;
	s30 =	simm.s32 $0x10D70  }
0x131: {  	[hbm4b:s5+s3] =	stream.linear.scatter [tilespmem:s30], [sflag:$0x3], $0x80, $0x38;
	[tilespmem:$0x16C00] =	vst v63  }
0x132: {  	s0 =	sadd.s32 $0x70, s0;
	s31 =	simm.s32 $0x10DF8  }
0x133: {  	[hbm4b:s0+s3] =	stream.linear.scatter [tilespmem:s31], [sflag:$0x3], $0x80, $0x38;
	[tilespmem:$0x16C00] =	vst v63  }
0x134: {  	s5 =	simm.s32 $0x10E80;
	s0 =	sadd.s32 s28, s8  }
0x135: {  	[hbm4b:s0+s3] =	stream.linear.scatter [tilespmem:s5], [sflag:$0x3], $0x80, $0x38;
	[tilespmem:$0x16C00] =	vst v63  }
0x136: {  	s31 =	simm.s32 $0x10F08;
	s30 =	sadd.s32 $0x10, s0  }
0x137: {  	[hbm4b:s30+s3] =	stream.linear.scatter [tilespmem:s31], [sflag:$0x3], $0x80, $0x38;
	[tilespmem:$0x16C00] =	vst v63  }
0x138: {  	s30 =	sadd.s32 $0x20, s0;
	s31 =	simm.s32 $0x10F90  }
0x139: {  	[hbm4b:s30+s3] =	stream.linear.scatter [tilespmem:s31], [sflag:$0x3], $0x80, $0x38;
	[tilespmem:$0x16C00] =	vst v63  }
0x13a: {  	s30 =	sadd.s32 $0x30, s0;
	s31 =	simm.s32 $0x11018  }
0x13b: {  	[hbm4b:s30+s3] =	stream.linear.scatter [tilespmem:s31], [sflag:$0x3], $0x80, $0x38;
	[tilespmem:$0x16C00] =	vst v63  }
0x13c: {  	s30 =	sadd.s32 $0x40, s0;
	s31 =	simm.s32 $0x110A0  }
0x13d: {  	[hbm4b:s30+s3] =	stream.linear.scatter [tilespmem:s31], [sflag:$0x3], $0x80, $0x38;
	[tilespmem:$0x16C00] =	vst v63  }
0x13e: {  	s30 =	sadd.s32 $0x50, s0;
	s31 =	simm.s32 $0x11128  }
0x13f: {  	[hbm4b:s30+s3] =	stream.linear.scatter [tilespmem:s31], [sflag:$0x3], $0x80, $0x38;
	[tilespmem:$0x16C00] =	vst v63  }
0x140: {  	s5 =	sadd.s32 $0x60, s0;
	s30 =	simm.s32 $0x111B0  }
0x141: {  	[hbm4b:s5+s3] =	stream.linear.scatter [tilespmem:s30], [sflag:$0x3], $0x80, $0x38;
	[tilespmem:$0x16C00] =	vst v63  }
0x142: {  	s0 =	sadd.s32 $0x70, s0;
	s31 =	simm.s32 $0x11238  }
0x143: {  	[hbm4b:s0+s3] =	stream.linear.scatter [tilespmem:s31], [sflag:$0x3], $0x80, $0x38;
	[tilespmem:$0x16C00] =	vst v63  }
0x144: {  	s5 =	simm.s32 $0x112C0;
	s0 =	sadd.s32 s29, s8  }
0x145: {  	[hbm4b:s0+s3] =	stream.linear.scatter [tilespmem:s5], [sflag:$0x3], $0x80, $0x38;
	[tilespmem:$0x16C00] =	vst v63  }
0x146: {  	s31 =	simm.s32 $0x11348;
	s30 =	sadd.s32 $0x10, s0  }
0x147: {  	[hbm4b:s30+s3] =	stream.linear.scatter [tilespmem:s31], [sflag:$0x3], $0x80, $0x38;
	[tilespmem:$0x16C00] =	vst v63  }
0x148: {  	s30 =	sadd.s32 $0x20, s0;
	s31 =	simm.s32 $0x113D0  }
0x149: {  	[hbm4b:s30+s3] =	stream.linear.scatter [tilespmem:s31], [sflag:$0x3], $0x80, $0x38;
	[tilespmem:$0x16C00] =	vst v63  }
0x14a: {  	s30 =	sadd.s32 $0x30, s0;
	s31 =	simm.s32 $0x11458  }
0x14b: {  	[hbm4b:s30+s3] =	stream.linear.scatter [tilespmem:s31], [sflag:$0x3], $0x80, $0x38;
	[tilespmem:$0x16C00] =	vst v63  }
0x14c: {  	s30 =	sadd.s32 $0x40, s0;
	s31 =	simm.s32 $0x114E0  }
0x14d: {  	[hbm4b:s30+s3] =	stream.linear.scatter [tilespmem:s31], [sflag:$0x3], $0x80, $0x38;
	[tilespmem:$0x16C00] =	vst v63  }
0x14e: {  	s30 =	sadd.s32 $0x50, s0;
	s31 =	simm.s32 $0x11568  }
0x14f: {  	[hbm4b:s30+s3] =	stream.linear.scatter [tilespmem:s31], [sflag:$0x3], $0x80, $0x38;
	[tilespmem:$0x16C00] =	vst v63  }
0x150: {  	s30 =	sadd.s32 $0x60, s0;
	s31 =	simm.s32 $0x115F0  }
0x151: {  	[hbm4b:s30+s3] =	stream.linear.scatter [tilespmem:s31], [sflag:$0x3], $0x80, $0x38;
	[tilespmem:$0x16C00] =	vst v63  }
0x152: {  	s0 =	sadd.s32 $0x70, s0;
	s30 =	simm.s32 $0x11678  }
0x153: {  	[hbm4b:s0+s3] =	stream.linear.scatter [tilespmem:s30], [sflag:$0x3], $0x80, $0x38;
	[tilespmem:$0x16C00] =	vst v63  }
0x154: {  	s31 =	simm.s32 $0x11700;
	s0 =	sadd.s32 s25, s9  }
0x155: {  	[hbm4b:s0+s3] =	stream.linear.scatter [tilespmem:s31], [sflag:$0x3], $0x80, $0x38;
	[tilespmem:$0x16C00] =	vst v63  }
0x156: {  	s25 =	simm.s32 $0x11788;
	s5 =	sadd.s32 $0x10, s0  }
0x157: {  	[hbm4b:s5+s3] =	stream.linear.scatter [tilespmem:s25], [sflag:$0x3], $0x80, $0x38;
	[tilespmem:$0x16C00] =	vst v63  }
0x158: {  	s30 =	sadd.s32 $0x20, s0;
	s31 =	simm.s32 $0x11810  }
0x159: {  	[hbm4b:s30+s3] =	stream.linear.scatter [tilespmem:s31], [sflag:$0x3], $0x80, $0x38;
	[tilespmem:$0x16C00] =	vst v63  }
0x15a: {  	s5 =	sadd.s32 $0x30, s0;
	s25 =	simm.s32 $0x11898  }
0x15b: {  	[hbm4b:s5+s3] =	stream.linear.scatter [tilespmem:s25], [sflag:$0x3], $0x80, $0x38;
	[tilespmem:$0x16C00] =	vst v63  }
0x15c: {  	s30 =	sadd.s32 $0x40, s0;
	s31 =	simm.s32 $0x11920  }
0x15d: {  	[hbm4b:s30+s3] =	stream.linear.scatter [tilespmem:s31], [sflag:$0x3], $0x80, $0x38;
	[tilespmem:$0x16C00] =	vst v63  }
0x15e: {  	s5 =	sadd.s32 $0x50, s0;
	s25 =	simm.s32 $0x119A8  }
0x15f: {  	[hbm4b:s5+s3] =	stream.linear.scatter [tilespmem:s25], [sflag:$0x3], $0x80, $0x38;
	[tilespmem:$0x16C00] =	vst v63  }
0x160: {  	s30 =	sadd.s32 $0x60, s0;
	s31 =	simm.s32 $0x11A30  }
0x161: {  	[hbm4b:s30+s3] =	stream.linear.scatter [tilespmem:s31], [sflag:$0x3], $0x80, $0x38;
	[tilespmem:$0x16C00] =	vst v63  }
0x162: {  	s0 =	sadd.s32 $0x70, s0;
	s25 =	simm.s32 $0x11AB8  }
0x163: {  	[hbm4b:s0+s3] =	stream.linear.scatter [tilespmem:s25], [sflag:$0x3], $0x80, $0x38;
	[tilespmem:$0x16C00] =	vst v63  }
0x164: {  	s0 =	sadd.s32 s26, s9;
	s26 =	simm.s32 $0x11B40  }
0x165: {  	[hbm4b:s0+s3] =	stream.linear.scatter [tilespmem:s26], [sflag:$0x3], $0x80, $0x38;
	[tilespmem:$0x16C00] =	vst v63  }
0x166: {  	s31 =	simm.s32 $0x11BC8;
	s30 =	sadd.s32 $0x10, s0  }
0x167: {  	[hbm4b:s30+s3] =	stream.linear.scatter [tilespmem:s31], [sflag:$0x3], $0x80, $0x38;
	[tilespmem:$0x16C00] =	vst v63  }
0x168: {  	s25 =	sadd.s32 $0x20, s0;
	s26 =	simm.s32 $0x11C50  }
0x169: {  	[hbm4b:s25+s3] =	stream.linear.scatter [tilespmem:s26], [sflag:$0x3], $0x80, $0x38;
	[tilespmem:$0x16C00] =	vst v63  }
0x16a: {  	s30 =	sadd.s32 $0x30, s0;
	s31 =	simm.s32 $0x11CD8  }
0x16b: {  	[hbm4b:s30+s3] =	stream.linear.scatter [tilespmem:s31], [sflag:$0x3], $0x80, $0x38;
	[tilespmem:$0x16C00] =	vst v63  }
0x16c: {  	s25 =	sadd.s32 $0x40, s0;
	s26 =	simm.s32 $0x11D60  }
0x16d: {  	[hbm4b:s25+s3] =	stream.linear.scatter [tilespmem:s26], [sflag:$0x3], $0x80, $0x38;
	[tilespmem:$0x16C00] =	vst v63  }
0x16e: {  	s30 =	sadd.s32 $0x50, s0;
	s31 =	simm.s32 $0x11DE8  }
0x16f: {  	[hbm4b:s30+s3] =	stream.linear.scatter [tilespmem:s31], [sflag:$0x3], $0x80, $0x38;
	[tilespmem:$0x16C00] =	vst v63  }
0x170: {  	s5 =	sadd.s32 $0x60, s0;
	s25 =	simm.s32 $0x11E70  }
0x171: {  	[hbm4b:s5+s3] =	stream.linear.scatter [tilespmem:s25], [sflag:$0x3], $0x80, $0x38;
	[tilespmem:$0x16C00] =	vst v63  }
0x172: {  	s0 =	sadd.s32 $0x70, s0;
	s26 =	simm.s32 $0x11EF8  }
0x173: {  	[hbm4b:s0+s3] =	stream.linear.scatter [tilespmem:s26], [sflag:$0x3], $0x80, $0x38;
	[tilespmem:$0x16C00] =	vst v63  }
0x174: {  	s0 =	sadd.s32 s28, s9;
	s28 =	simm.s32 $0x11F80  }
0x175: {  	[hbm4b:s0+s3] =	stream.linear.scatter [tilespmem:s28], [sflag:$0x3], $0x80, $0x38;
	[tilespmem:$0x16C00] =	vst v63  }
0x176: {  	s31 =	simm.s32 $0x12008;
	s30 =	sadd.s32 $0x10, s0  }
0x177: {  	[hbm4b:s30+s3] =	stream.linear.scatter [tilespmem:s31], [sflag:$0x3], $0x80, $0x38;
	[tilespmem:$0x16C00] =	vst v63  }
0x178: {  	s25 =	simm.s32 $0x12090;
	s5 =	sadd.s32 $0x20, s0  }
0x179: {  	[hbm4b:s5+s3] =	stream.linear.scatter [tilespmem:s25], [sflag:$0x3], $0x80, $0x38;
	[tilespmem:$0x16C00] =	vst v63  }
0x17a: {  	s26 =	sadd.s32 $0x30, s0;
	s28 =	simm.s32 $0x12118  }
0x17b: {  	[hbm4b:s26+s3] =	stream.linear.scatter [tilespmem:s28], [sflag:$0x3], $0x80, $0x38;
	[tilespmem:$0x16C00] =	vst v63  }
0x17c: {  	s30 =	sadd.s32 $0x40, s0;
	s31 =	simm.s32 $0x121A0  }
0x17d: {  	[hbm4b:s30+s3] =	stream.linear.scatter [tilespmem:s31], [sflag:$0x3], $0x80, $0x38;
	[tilespmem:$0x16C00] =	vst v63  }
0x17e: {  	s25 =	sadd.s32 $0x50, s0;
	s26 =	simm.s32 $0x12228  }
0x17f: {  	[hbm4b:s25+s3] =	stream.linear.scatter [tilespmem:s26], [sflag:$0x3], $0x80, $0x38;
	[tilespmem:$0x16C00] =	vst v63  }
0x180: {  	s28 =	sadd.s32 $0x60, s0;
	s30 =	simm.s32 $0x122B0  }
0x181: {  	[hbm4b:s28+s3] =	stream.linear.scatter [tilespmem:s30], [sflag:$0x3], $0x80, $0x38;
	[tilespmem:$0x16C00] =	vst v63  }
0x182: {  	s0 =	sadd.s32 $0x70, s0;
	s31 =	simm.s32 $0x12338  }
0x183: {  	[hbm4b:s0+s3] =	stream.linear.scatter [tilespmem:s31], [sflag:$0x3], $0x80, $0x38;
	[tilespmem:$0x16C00] =	vst v63  }
0x184: {  	s5 =	simm.s32 $0x123C0;
	s0 =	sadd.s32 s29, s9  }
0x185: {  	[hbm4b:s0+s3] =	stream.linear.scatter [tilespmem:s5], [sflag:$0x3], $0x80, $0x38;
	[tilespmem:$0x16C00] =	vst v63  }
0x186: {  	s26 =	simm.s32 $0x12448;
	s25 =	sadd.s32 $0x10, s0  }
0x187: {  	[hbm4b:s25+s3] =	stream.linear.scatter [tilespmem:s26], [sflag:$0x3], $0x80, $0x38;
	[tilespmem:$0x16C00] =	vst v63  }
0x188: {  	s29 =	simm.s32 $0x124D0;
	s28 =	sadd.s32 $0x20, s0  }
0x189: {  	[hbm4b:s28+s3] =	stream.linear.scatter [tilespmem:s29], [sflag:$0x3], $0x80, $0x38;
	[tilespmem:$0x16C00] =	vst v63  }
0x18a: {  	s31 =	simm.s32 $0x12558;
	s30 =	sadd.s32 $0x30, s0  }
0x18b: {  	[hbm4b:s30+s3] =	stream.linear.scatter [tilespmem:s31], [sflag:$0x3], $0x80, $0x38;
	[tilespmem:$0x16C00] =	vst v63  }
0x18c: {  	s5 =	sadd.s32 $0x40, s0;
	s25 =	simm.s32 $0x125E0  }
0x18d: {  	[hbm4b:s5+s3] =	stream.linear.scatter [tilespmem:s25], [sflag:$0x3], $0x80, $0x38;
	[tilespmem:$0x16C00] =	vst v63  }
0x18e: {  	p1 =	sne.s32 s23, $0x18;
	s26 =	sadd.s32 $0x50, s0;
	s28 =	simm.s32 $0x12668  }
0x18f: {  	[hbm4b:s26+s3] =	stream.linear.scatter [tilespmem:s28], [sflag:$0x3], $0x80, $0x38;
	[tilespmem:$0x16C00] =	vst v63  }
.Ltmp1:
0x190: {  	_ = 	snop;
	(pc) =	sbr.rel @p1 .LBB2_6-.Ltmp1, $4  }
0x191: {  	s29 =	sadd.s32 $0x60, s0;
	s30 =	simm.s32 $0x126F0  }
0x192: {  	[hbm4b:s29+s3] =	stream.linear.scatter [tilespmem:s30], [sflag:$0x3], $0x80, $0x38;
	[tilespmem:$0x16C00] =	vst v63  }
0x193: {  	s0 =	sadd.s32 $0x70, s0;
	s31 =	simm.s32 $0x12778  }
0x194: {  	[hbm4b:s0+s3] =	stream.linear.scatter [tilespmem:s31], [sflag:$0x3], $0x80, $0x38;
	[tilespmem:$0x16C00] =	vst v63  }
.Ltmp2:
0x195: {  	(pc) =	sbr.rel .LBB2_7-.Ltmp2, $4  }
0x196: {  	_ = 	snop  }
0x197: {  	_ =	swait.ge [sflag:s18], $0x4000  }
0x198: {  	[sflag:s18] =	ssyncset.done $0x0  }
0x199: {  	[sflag:s18] =	ssyncadd.s32 $0xFFFFC000  }
.LBB2_6:
0x19a: {  	s0 =	sshll.u32 s23, $0xA  }
0x19b: {  	s0 =	sand.u32 $0x3FFFFC00, s0  }
.Ltmp3:
0x19c: {  	s1 =	simm.s32 $0x6400;
	s0 =	sadd.s32 $0x400, s0;
	(pc) =	sbr.rel @p0 .LBB2_8-.Ltmp3, $4  }
0x19d: {  	[tilespmem:s1], [sflag:$0x1] =	stream.indirect.gather [hbm4b:s4+s12], $0x20, s0, s12, $0xb8;
	[tilespmem:$0x16C00] =	vst v63  }
0x19e: {  	_ =	swait.ge [sflag:s18], $0x4000  }
0x19f: {  	[sflag:s18] =	ssyncset.done $0x0  }
0x1a0: {  	[sflag:s18] =	ssyncadd.s32 $0xFFFFC000  }
.LBB2_7:
0x1a1: {  	_ =	swait.ge [sflag:s19], $0x400  }
0x1a2: {  	[sflag:s19] =	ssyncset.done $0x0  }
0x1a3: {  	[sflag:s19] =	ssyncadd.s32 $0xFFFFFC00  }
0x1a4: {  	_ =	swait.ge [sflag:s19], $0x400  }
0x1a5: {  	[sflag:s19] =	ssyncset.done $0x0  }
0x1a6: {  	[sflag:s19] =	ssyncadd.s32 $0xFFFFFC00  }
0x1a7: {  	_ =	swait.ge [sflag:s19], $0x400  }
0x1a8: {  	[sflag:s19] =	ssyncset.done $0x0  }
0x1a9: {  	[sflag:s19] =	ssyncadd.s32 $0xFFFFFC00  }
0x1aa: {  	_ =	swait.ge [sflag:s19], $0x400  }
0x1ab: {  	[sflag:s19] =	ssyncset.done $0x0  }
0x1ac: {  	[sflag:s19] =	ssyncadd.s32 $0xFFFFFC00  }
0x1ad: {  	_ =	swait.ge [sflag:s19], $0x400  }
0x1ae: {  	[sflag:s19] =	ssyncset.done $0x0  }
0x1af: {  	[sflag:s19] =	ssyncadd.s32 $0xFFFFFC00  }
0x1b0: {  	_ =	swait.ge [sflag:s19], $0x400  }
0x1b1: {  	[sflag:s19] =	ssyncset.done $0x0  }
0x1b2: {  	[sflag:s19] =	ssyncadd.s32 $0xFFFFFC00  }
0x1b3: {  	_ =	swait.ge [sflag:s19], $0x400  }
0x1b4: {  	[sflag:s19] =	ssyncset.done $0x0  }
0x1b5: {  	[sflag:s19] =	ssyncadd.s32 $0xFFFFFC00  }
0x1b6: {  	_ =	swait.ge [sflag:s19], $0x400  }
0x1b7: {  	[sflag:s19] =	ssyncset.done $0x0  }
0x1b8: {  	[sflag:s19] =	ssyncadd.s32 $0xFFFFFC00  }
0x1b9: {  	_ =	swait.ge [sflag:s19], $0x400  }
0x1ba: {  	[sflag:s19] =	ssyncset.done $0x0  }
0x1bb: {  	[sflag:s19] =	ssyncadd.s32 $0xFFFFFC00  }
0x1bc: {  	_ =	swait.ge [sflag:s19], $0x400  }
0x1bd: {  	[sflag:s19] =	ssyncset.done $0x0  }
0x1be: {  	[sflag:s19] =	ssyncadd.s32 $0xFFFFFC00  }
0x1bf: {  	_ =	swait.ge [sflag:s19], $0x400  }
0x1c0: {  	[sflag:s19] =	ssyncset.done $0x0  }
0x1c1: {  	[sflag:s19] =	ssyncadd.s32 $0xFFFFFC00  }
0x1c2: {  	_ =	swait.ge [sflag:s19], $0x400  }
0x1c3: {  	[sflag:s19] =	ssyncset.done $0x0  }
0x1c4: {  	[sflag:s19] =	ssyncadd.s32 $0xFFFFFC00  }
0x1c5: {  	_ =	swait.ge [sflag:s19], $0x400  }
0x1c6: {  	[sflag:s19] =	ssyncset.done $0x0  }
0x1c7: {  	[sflag:s19] =	ssyncadd.s32 $0xFFFFFC00  }
0x1c8: {  	_ =	swait.ge [sflag:s19], $0x400  }
0x1c9: {  	[sflag:s19] =	ssyncset.done $0x0  }
0x1ca: {  	[sflag:s19] =	ssyncadd.s32 $0xFFFFFC00  }
0x1cb: {  	_ =	swait.ge [sflag:s19], $0x400  }
0x1cc: {  	[sflag:s19] =	ssyncset.done $0x0  }
0x1cd: {  	[sflag:s19] =	ssyncadd.s32 $0xFFFFFC00  }
0x1ce: {  	_ =	swait.ge [sflag:s19], $0x400  }
0x1cf: {  	[sflag:s19] =	ssyncset.done $0x0  }
0x1d0: {  	[sflag:s19] =	ssyncadd.s32 $0xFFFFFC00  }
.LBB2_8:
0x1d1: {  	s25 =	simm.s32 $0x0;
	s26 =	simm.s32 $0xA480  }
0x1d2: {  	s0 =	simm.s32 $0x1;
	s5 =	simm.s32 $0x2;
	s31 =	simm.s32 $0x3  }
0x1d3: {  	s28 =	simm.s32 $0x4;
	s1 =	sand.u32 $0x78, s25;
	s30 =	sand.u32 $0x78, s5  }
0x1d4: {  	s0 =	sand.u32 $0x78, s0;
	v3 =	vld [tilespmem:s26+$0x30];
	s5 =	sand.u32 $0x78, s31;
	s29 =	sand.u32 $0x78, s28;
	v4 =	vmov s1;
	v7 =	vmov s30  }
0x1d5: {  	v6 =	vld [tilespmem:s26+$0xFFFFFFE0];
	v5 =	vmov s0;
	v10 =	vmov s5;
	v12 =	vmov s29  }
0x1d6: {  	v9 =	vld [tilespmem:s26+$0xFFFFFF80];
	v4 =	vshrl.u32 v4, $0x3;
	v11 =	vshrl.u32 v5, $0x3;
	v7 =	vshrl.u32 v7, $0x3  }
0x1d7: {  	v10 =	vshrl.u32 v10, $0x3;
	v4 =	vshll.u32 v4, v1;
	v15 =	vshll.u32 v7, v1  }
0x1d8: {  	v8 =	vld [tilespmem:s26+$0x20];
	s30 =	simm.s32 $0x0;
	v10 =	vshll.u32 v10, v1;
	v5 =	vbroadcast v4, $0x0;
	v4 =	vshll.u32 v11, v1  }
0x1d9: {  	s31 =	simm.s32 $0x6;
	v14 =	vld [tilespmem:s26+$0xFFFFFFA0];
	s0 =	sand.u32 $0x18, s30;
	v11 =	vshrl.u32 v12, $0x3;
	v22 =	vbroadcast v15, $0x0;
	v10 =	vbroadcast v10, $0x0  }
0x1da: {  	s1 =	sand.u32 $0x78, s31;
	s30 =	simm.s32 $0x7;
	v13 =	vbroadcast v4, $0x0;
	v3 =	vmul.f32 $5.656854150e+00, v3;
	v4 =	vmov s0  }
0x1db: {  	s28 =	simm.s32 $0x5;
	s31 =	sand.u32 $0x78, s30;
	v21 =	vmul.f32 $5.656854150e+00, v6;
	v7 =	vmul.f32 $5.656854150e+00, v9;
	v9 =	vmov s1  }
0x1dc: {  	s29 =	sand.u32 $0x78, s28;
	v12 =	vld [tilespmem:s26+$0xFFFFFFC0];
	v16 =	vshll.u32 v11, v1;
	v11 =	vmov s31;
	v6 =	vmul.u32 $0x88, v4  }
0x1dd: {  	v15 =	vld [tilespmem:s26+$0x0];
	v4 =	vmul.f32 $5.656854150e+00, v8;
	v8 =	vmov s29;
	v9 =	vshrl.u32 v9, $0x3  }
0x1de: {  	v25 =	vmul.f32 $5.656854150e+00, v14;
	v9 =	vshll.u32 v9, v1;
	v8 =	vshrl.u32 v8, $0x3  }
0x1df: {  	v24 =	vbroadcast v9, $0x0;
	v9 =	vshrl.u32 v11, $0x3;
	v6 =	vbroadcast v6, $0x0  }
0x1e0: {  	v27 =	vbroadcast v16, $0x0;
	v8 =	vshll.u32 v8, v1;
	v9 =	vshll.u32 v9, v1  }
0x1e1: {  	v11 =	vmul.f32 $5.656854150e+00, v12;
	v28 =	vbroadcast v9, $0x0;
	v9 =	vadd.s32 v0, v6  }
0x1e2: {  	v14 =	vmul.f32 $5.656854150e+00, v15;
	v8 =	vbroadcast v8, $0x0;
	v15 =	vadd.s32 v10, v9  }
0x1e3: {  	v30 =	vld [tilespmem:s26+$0x60];
	v17 =	vadd.s32 v2, v6;
	v12 =	vadd.s32 v13, v9;
	v29 =	vor.u32 $0x3, v15  }
0x1e4: {  	v32 =	vld [tilespmem:s26+$0x40];
	v16 =	vadd.s32 v24, v9;
	v18 =	vadd.s32 v27, v9;
	v19 =	vadd.s32 v8, v9  }
0x1e5: {  	v33 =	vld [tilespmem:s26+$0xFFFFFFD0];
	v8 =	vadd.s32 v8, v17;
	v15 =	vadd.s32 v10, v17;
	v20 =	vadd.s32 v28, v9  }
0x1e6: {  	v31 =	vor.u32 $0x1, v12;
	v23 =	vor.u32 $0x4, v18;
	v10 =	vor.u32 $0x5, v19;
	v18 =	vld [tilespmem:s26+$0x50]  }
0x1e7: {  	v19 =	vor.u32 $0x6, v16;
	v34 =	vor.u32 $0x7, v20;
	v16 =	vor.u32 $0x3, v15;
	v15 =	vld [tilespmem:s26+$0xFFFFFFF0]  }
0x1e8: {  	v30 =	vmul.f32 $5.656854150e+00, v30;
	v24 =	vadd.s32 v24, v17;
	[tilespmem:v29+s20+$0x0] =	vst.idx.msk $0xffff, v21;
	v29 =	vadd.s32 v27, v17;
	v27 =	vld [tilespmem:s26+$0x10]  }
0x1e9: {  	v12 =	vadd.s32 v22, v9;
	v8 =	vor.u32 $0x5, v8;
	v24 =	vor.u32 $0x6, v24;
	v21 =	vld [tilespmem:s26+$0x70]  }
0x1ea: {  	v28 =	vadd.s32 v28, v17;
	v26 =	vor.u32 $0x2, v12;
	v12 =	vadd.s32 v22, v17;
	v22 =	vld [tilespmem:s26+$0xFFFFFFB0]  }
0x1eb: {  	v20 =	vadd.s32 v5, v9;
	v9 =	vadd.s32 v13, v17;
	v13 =	vmul.f32 $5.656854150e+00, v33;
	[tilespmem:v31+s20+$0x0] =	vst.idx.msk $0xffff, v25  }
0x1ec: {  	v6 =	vld [tilespmem:s26+$0xFFFFFF90];
	v9 =	vor.u32 $0x1, v9;
	v12 =	vor.u32 $0x2, v12;
	v25 =	vmul.f32 $5.656854150e+00, v32;
	s26 =	simm.s32 $0xA580;
	[tilespmem:v34+s20+$0x0] =	vst.idx.msk $0xffff, v30  }
.LBB2_9:
0x1ed: {  	s0 =	sadd.s32 $0x9, s25;
	v27 =	vmul.f32 $5.656854150e+00, v27  }
0x1ee: {  	s1 =	sadd.s32 $0xA, s25;
	v30 =	vld [tilespmem:s26+$0xFFFFFFE0];
	v17 =	vadd.s32 v5, v17;
	[tilespmem:v23+s20+$0x0] =	vst.idx.msk $0xffff, v14;
	v14 =	vmul.f32 $5.656854150e+00, v21;
	s5 =	smov.u32 s25;
	s25 =	sadd.s32 $0x8, s25;
	v5 =	vmul.f32 $5.656854150e+00, v18  }
0x1ef: {  	v15 =	vmul.f32 $5.656854150e+00, v15;
	s28 =	sand.u32 $0x78, s25;
	s0 =	sand.u32 $0x78, s0;
	v21 =	vld [tilespmem:s26+$0x30];
	s29 =	sadd.s32 $0xF, s5;
	v22 =	vmul.f32 $5.656854150e+00, v22;
	[tilespmem:v26+s20+$0x0] =	vst.idx.msk $0xffff, v11;
	v11 =	vor.u32 $0x4, v29  }
0x1f0: {  	s1 =	sand.u32 $0x78, s1;
	s30 =	sadd.s32 $0xE, s5;
	v18 =	vmov s28;
	v23 =	vld [tilespmem:s26+$0xFFFFFF90];
	s28 =	sadd.s32 $0xB, s5;
	[tilespmem:v20+s20+$0x0] =	vst.idx.msk $0xffff, v7;
	v7 =	vor.u32 $0x7, v28  }
0x1f1: {  	v20 =	vmov s1;
	v18 =	vshrl.u32 v18, $0x3;
	s1 =	sand.u32 $0x78, s28;
	s28 =	sadd.s32 $0xC, s5;
	s5 =	sadd.s32 $0xD, s5;
	v26 =	vld [tilespmem:s26+$0x20];
	[tilespmem:v19+s20+$0x0] =	vst.idx.msk $0xffff, v25  }
0x1f2: {  	v25 =	vmov s0;
	v19 =	vld [tilespmem:s26+$0xFFFFFF80];
	v18 =	vshll.u32 v18, v1;
	v28 =	vmov s1;
	s0 =	sand.u32 $0x78, s28;
	s1 =	sand.u32 $0x78, s5;
	s5 =	sand.u32 $0x78, s30;
	[tilespmem:v24+s20+$0x0] =	vst.idx.msk $0xffff, v5  }
0x1f3: {  	p0 =	slt.u32 s25, $0x1F8;
	v29 =	vmul.f32 $5.656854150e+00, v6;
	v24 =	vshrl.u32 v25, $0x3;
	v25 =	vmov s0;
	[tilespmem:v16+s20+$0x0] =	vst.idx.msk $0xffff, v15  }
0x1f4: {  	s0 =	sshrl.u32 s25, $0x4;
	v5 =	vbroadcast v18, $0x0;
	v15 =	vshll.u32 v24, v1;
	v16 =	vshrl.u32 v28, $0x3;
	[tilespmem:v11+s20+$0x0] =	vst.idx.msk $0xffff, v27  }
0x1f5: {  	s28 =	sand.u32 $0x78, s29;
	s0 =	sand.u32 $0x18, s0;
	v24 =	vbroadcast v15, $0x0;
	v11 =	vshrl.u32 v25, $0x3;
	v15 =	vmul.f32 $5.656854150e+00, v21;
	[tilespmem:v17+s20+$0x0] =	vst.idx.msk $0xffff, v29;
	v6 =	vmovc v23  }
0x1f6: {  	v20 =	vshrl.u32 v20, $0x3;
	v25 =	vmul.f32 $5.656854150e+00, v30;
	v17 =	vmov s0;
	v18 =	vld [tilespmem:s26+$0xFFFFFFC0];
	[tilespmem:v10+s20+$0x0] =	vst.idx.msk $0xffff, v4  }
0x1f7: {  	v20 =	vshll.u32 v20, v1;
	v10 =	vmul.u32 $0x88, v17;
	v4 =	vmul.f32 $5.656854150e+00, v26;
	v17 =	vld [tilespmem:s26+$0xFFFFFFA0];
	[tilespmem:v7+s20+$0x0] =	vst.idx.msk $0xffff, v14  }
0x1f8: {  	v7 =	vmul.f32 $5.656854150e+00, v19;
	v14 =	vmov s1;
	v19 =	vmov s5;
	[tilespmem:v12+s20+$0x0] =	vst.idx.msk $0xffff, v13  }
0x1f9: {  	v12 =	vbroadcast v20, $0x0;
	v13 =	vshll.u32 v16, v1;
	v19 =	vshrl.u32 v19, $0x3;
	v16 =	vld [tilespmem:s26+$0x0];
	[tilespmem:v8+s20+$0x0] =	vst.idx.msk $0xffff, v3;
	v3 =	vmovc v15  }
0x1fa: {  	v8 =	vshll.u32 v11, v1;
	v11 =	vshll.u32 v19, v1;
	v15 =	vmov s28;
	[tilespmem:v9+s20+$0x0] =	vst.idx.msk $0xffff, v22  }
0x1fb: {  	v9 =	vbroadcast v13, $0x0;
	v13 =	vbroadcast v11, $0x0;
	v15 =	vshrl.u32 v15, $0x3  }
0x1fc: {  	v11 =	vmul.f32 $5.656854150e+00, v18;
	v15 =	vshll.u32 v15, v1;
	v28 =	vmul.f32 $5.656854150e+00, v17  }
0x1fd: {  	v10 =	vbroadcast v10, $0x0;
	v29 =	vbroadcast v8, $0x0;
	v8 =	vshrl.u32 v14, $0x3  }
0x1fe: {  	v8 =	vshll.u32 v8, v1;
	v30 =	vbroadcast v15, $0x0;
	v14 =	vmul.f32 $5.656854150e+00, v16  }
0x1ff: {  	v17 =	vadd.s32 v2, v10;
	v8 =	vbroadcast v8, $0x0;
	v16 =	vadd.s32 v0, v10;
	v18 =	vld [tilespmem:s26+$0x50]  }
0x200: {  	v10 =	vadd.s32 v24, v16;
	v19 =	vadd.s32 v9, v16;
	v20 =	vadd.s32 v13, v16;
	v15 =	vld [tilespmem:s26+$0xFFFFFFF0]  }
0x201: {  	v22 =	vadd.s32 v29, v16;
	v26 =	vadd.s32 v8, v16;
	v8 =	vadd.s32 v8, v17;
	v21 =	vld [tilespmem:s26+$0x70]  }
0x202: {  	v9 =	vadd.s32 v9, v17;
	v27 =	vadd.s32 v30, v16;
	v31 =	vor.u32 $0x3, v19;
	v32 =	vld [tilespmem:s26+$0x60]  }
0x203: {  	v34 =	vadd.s32 v12, v16;
	v33 =	vor.u32 $0x1, v10;
	v23 =	vor.u32 $0x4, v22;
	v35 =	vld [tilespmem:s26+$0x40]  }
0x204: {  	v10 =	vor.u32 $0x5, v26;
	v19 =	vor.u32 $0x6, v20;
	v37 =	vor.u32 $0x7, v27;
	v36 =	vld [tilespmem:s26+$0xFFFFFFD0]  }
.Ltmp4:
0x205: {  	v20 =	vadd.s32 v5, v16;
	v16 =	vor.u32 $0x3, v9;
	v8 =	vor.u32 $0x5, v8;
	v27 =	vld [tilespmem:s26+$0x10];
	(pc) =	sbr.rel @p0 .LBB2_9-.Ltmp4, $4  }
0x206: {  	v12 =	vadd.s32 v12, v17;
	v9 =	vadd.s32 v24, v17;
	v26 =	vor.u32 $0x2, v34;
	v22 =	vld [tilespmem:s26+$0xFFFFFFB0]  }
0x207: {  	v12 =	vor.u32 $0x2, v12;
	v9 =	vor.u32 $0x1, v9;
	[tilespmem:v31+s20+$0x0] =	vst.idx.msk $0xffff, v25;
	v31 =	vmul.f32 $5.656854150e+00, v32  }
0x208: {  	v29 =	vadd.s32 v29, v17;
	v24 =	vadd.s32 v13, v17;
	[tilespmem:v33+s20+$0x0] =	vst.idx.msk $0xffff, v28;
	v25 =	vmul.f32 $5.656854150e+00, v35  }
0x209: {  	v24 =	vor.u32 $0x6, v24;
	s26 =	sadd.s32 $0x100, s26;
	v28 =	vadd.s32 v30, v17;
	v13 =	vmul.f32 $5.656854150e+00, v36;
	[tilespmem:v37+s20+$0x0] =	vst.idx.msk $0xffff, v31  }
0x20a: {  	_ =	sdelay $0x3  }
0x20b: {  	[tilespmem:v23+s20+$0x0] =	vst.idx.msk $0xffff, v14  }
0x20c: {  	[tilespmem:v26+s20+$0x0] =	vst.idx.msk $0xffff, v11  }
0x20d: {  	[tilespmem:v20+s20+$0x0] =	vst.idx.msk $0xffff, v7  }
0x20e: {  	[tilespmem:v19+s20+$0x0] =	vst.idx.msk $0xffff, v25  }
0x20f: {  	[tilespmem:v10+s20+$0x0] =	vst.idx.msk $0xffff, v4  }
0x210: {  	v57 =	vor.u32 $0x4, v29;
	v58 =	vmul.f32 $5.656854150e+00, v18;
	[tilespmem:v12+s20+$0x0] =	vst.idx.msk $0xffff, v13  }
0x211: {  	v5 =	vadd.s32 v5, v17;
	v59 =	vmul.f32 $5.656854150e+00, v15;
	[tilespmem:v8+s20+$0x0] =	vst.idx.msk $0xffff, v3  }
0x212: {  	v61 =	vor.u32 $0x7, v28;
	s0 =	sadd.s32 s6, s24;
	v63 =	vmul.f32 $5.656854150e+00, v22;
	[tilespmem:v24+s20+$0x0] =	vst.idx.msk $0xffff, v58  }
0x213: {  	v60 =	vmul.f32 $5.656854150e+00, v27;
	s1 =	sshll.u32 s0, $0xC;
	s0 =	sshll.u32 s0, $0xE;
	[tilespmem:v16+s20+$0x0] =	vst.idx.msk $0xffff, v59  }
0x214: {  	v6 =	vmul.f32 $5.656854150e+00, v6;
	s1 =	sand.u32 $0x7000, s1;
	s0 =	sand.u32 $0x7FFE0000, s0;
	[tilespmem:v9+s20+$0x0] =	vst.idx.msk $0xffff, v63  }
0x215: {  	v62 =	vmul.f32 $5.656854150e+00, v21;
	s0 =	sor.u32 s1, s0;
	[tilespmem:v57+s20+$0x0] =	vst.idx.msk $0xffff, v60  }
0x216: {  	s24 =	sshrl.u32 s0, $0x3;
	[tilespmem:v5+s20+$0x0] =	vst.idx.msk $0xffff, v6  }
0x217: {  	[tilespmem:v61+s20+$0x0] =	vst.idx.msk $0xffff, v62;
	s0 =	sadd.s32 s2, s24  }
0x218: {  	[hbm4b:s0+s3] =	stream.linear.scatter [tilespmem:s20], [sflag:$0x4], $0x80, $0x38;
	[tilespmem:$0x16C00] =	vst v63  }
0x219: {  	s5 =	simm.s32 $0x12888;
	s29 =	sadd.s32 $0x10, s0  }
0x21a: {  	[hbm4b:s29+s3] =	stream.linear.scatter [tilespmem:s5], [sflag:$0x4], $0x80, $0x38;
	[tilespmem:$0x16C00] =	vst v63  }
0x21b: {  	s31 =	simm.s32 $0x12910;
	s30 =	sadd.s32 $0x20, s0  }
0x21c: {  	[hbm4b:s30+s3] =	stream.linear.scatter [tilespmem:s31], [sflag:$0x4], $0x80, $0x38;
	[tilespmem:$0x16C00] =	vst v63  }
0x21d: {  	s26 =	simm.s32 $0x12998;
	s25 =	sadd.s32 $0x30, s0  }
0x21e: {  	[hbm4b:s25+s3] =	stream.linear.scatter [tilespmem:s26], [sflag:$0x4], $0x80, $0x38;
	[tilespmem:$0x16C00] =	vst v63  }
0x21f: {  	s28 =	sadd.s32 $0x40, s0;
	s29 =	simm.s32 $0x12A20  }
0x220: {  	[hbm4b:s28+s3] =	stream.linear.scatter [tilespmem:s29], [sflag:$0x4], $0x80, $0x38;
	[tilespmem:$0x16C00] =	vst v63  }
0x221: {  	s30 =	sadd.s32 $0x50, s0;
	s31 =	simm.s32 $0x12AA8  }
0x222: {  	[hbm4b:s30+s3] =	stream.linear.scatter [tilespmem:s31], [sflag:$0x4], $0x80, $0x38;
	[tilespmem:$0x16C00] =	vst v63  }
0x223: {  	s25 =	sadd.s32 $0x60, s0;
	s26 =	simm.s32 $0x12B30  }
0x224: {  	[hbm4b:s25+s3] =	stream.linear.scatter [tilespmem:s26], [sflag:$0x4], $0x80, $0x38;
	[tilespmem:$0x16C00] =	vst v63  }
0x225: {  	s0 =	sadd.s32 $0x70, s0;
	s28 =	simm.s32 $0x12BB8;
	s25 =	sor.u32 $0x80, s24  }
0x226: {  	[hbm4b:s0+s3] =	stream.linear.scatter [tilespmem:s28], [sflag:$0x4], $0x80, $0x38;
	[tilespmem:$0x16C00] =	vst v63  }
0x227: {  	s29 =	simm.s32 $0x12C40;
	s0 =	sadd.s32 s2, s25  }
0x228: {  	[hbm4b:s0+s3] =	stream.linear.scatter [tilespmem:s29], [sflag:$0x4], $0x80, $0x38;
	[tilespmem:$0x16C00] =	vst v63  }
0x229: {  	s31 =	simm.s32 $0x12CC8;
	s30 =	sadd.s32 $0x10, s0  }
0x22a: {  	[hbm4b:s30+s3] =	stream.linear.scatter [tilespmem:s31], [sflag:$0x4], $0x80, $0x38;
	[tilespmem:$0x16C00] =	vst v63  }
0x22b: {  	s26 =	simm.s32 $0x12D50;
	s5 =	sadd.s32 $0x20, s0  }
0x22c: {  	[hbm4b:s5+s3] =	stream.linear.scatter [tilespmem:s26], [sflag:$0x4], $0x80, $0x38;
	[tilespmem:$0x16C00] =	vst v63  }
0x22d: {  	s28 =	sadd.s32 $0x30, s0;
	s29 =	simm.s32 $0x12DD8  }
0x22e: {  	[hbm4b:s28+s3] =	stream.linear.scatter [tilespmem:s29], [sflag:$0x4], $0x80, $0x38;
	[tilespmem:$0x16C00] =	vst v63  }
0x22f: {  	s30 =	sadd.s32 $0x40, s0;
	s31 =	simm.s32 $0x12E60  }
0x230: {  	[hbm4b:s30+s3] =	stream.linear.scatter [tilespmem:s31], [sflag:$0x4], $0x80, $0x38;
	[tilespmem:$0x16C00] =	vst v63  }
0x231: {  	s26 =	sadd.s32 $0x50, s0;
	s28 =	simm.s32 $0x12EE8  }
0x232: {  	[hbm4b:s26+s3] =	stream.linear.scatter [tilespmem:s28], [sflag:$0x4], $0x80, $0x38;
	[tilespmem:$0x16C00] =	vst v63  }
0x233: {  	s29 =	sadd.s32 $0x60, s0;
	s30 =	simm.s32 $0x12F70  }
0x234: {  	[hbm4b:s29+s3] =	stream.linear.scatter [tilespmem:s30], [sflag:$0x4], $0x80, $0x38;
	[tilespmem:$0x16C00] =	vst v63  }
0x235: {  	s0 =	sadd.s32 $0x70, s0;
	s31 =	simm.s32 $0x12FF8;
	s26 =	sor.u32 $0x100, s24  }
0x236: {  	[hbm4b:s0+s3] =	stream.linear.scatter [tilespmem:s31], [sflag:$0x4], $0x80, $0x38;
	[tilespmem:$0x16C00] =	vst v63  }
0x237: {  	s5 =	simm.s32 $0x13080;
	s0 =	sadd.s32 s2, s26  }
0x238: {  	[hbm4b:s0+s3] =	stream.linear.scatter [tilespmem:s5], [sflag:$0x4], $0x80, $0x38;
	[tilespmem:$0x16C00] =	vst v63  }
0x239: {  	s29 =	simm.s32 $0x13108;
	s28 =	sadd.s32 $0x10, s0  }
0x23a: {  	[hbm4b:s28+s3] =	stream.linear.scatter [tilespmem:s29], [sflag:$0x4], $0x80, $0x38;
	[tilespmem:$0x16C00] =	vst v63  }
0x23b: {  	s31 =	simm.s32 $0x13190;
	s30 =	sadd.s32 $0x20, s0  }
0x23c: {  	[hbm4b:s30+s3] =	stream.linear.scatter [tilespmem:s31], [sflag:$0x4], $0x80, $0x38;
	[tilespmem:$0x16C00] =	vst v63  }
0x23d: {  	s28 =	sadd.s32 $0x30, s0;
	s29 =	simm.s32 $0x13218  }
0x23e: {  	[hbm4b:s28+s3] =	stream.linear.scatter [tilespmem:s29], [sflag:$0x4], $0x80, $0x38;
	[tilespmem:$0x16C00] =	vst v63  }
0x23f: {  	s30 =	sadd.s32 $0x40, s0;
	s31 =	simm.s32 $0x132A0  }
0x240: {  	[hbm4b:s30+s3] =	stream.linear.scatter [tilespmem:s31], [sflag:$0x4], $0x80, $0x38;
	[tilespmem:$0x16C00] =	vst v63  }
0x241: {  	s28 =	sadd.s32 $0x50, s0;
	s29 =	simm.s32 $0x13328  }
0x242: {  	[hbm4b:s28+s3] =	stream.linear.scatter [tilespmem:s29], [sflag:$0x4], $0x80, $0x38;
	[tilespmem:$0x16C00] =	vst v63  }
0x243: {  	s30 =	sadd.s32 $0x60, s0;
	s31 =	simm.s32 $0x133B0  }
0x244: {  	[hbm4b:s30+s3] =	stream.linear.scatter [tilespmem:s31], [sflag:$0x4], $0x80, $0x38;
	[tilespmem:$0x16C00] =	vst v63  }
0x245: {  	s0 =	sadd.s32 $0x70, s0;
	s28 =	simm.s32 $0x13438  }
0x246: {  	[hbm4b:s0+s3] =	stream.linear.scatter [tilespmem:s28], [sflag:$0x4], $0x80, $0x38;
	[tilespmem:$0x16C00] =	vst v63  }
0x247: {  	s28 =	sor.u32 $0x180, s24  }
0x248: {  	s29 =	simm.s32 $0x134C0;
	s0 =	sadd.s32 s2, s28  }
0x249: {  	[hbm4b:s0+s3] =	stream.linear.scatter [tilespmem:s29], [sflag:$0x4], $0x80, $0x38;
	[tilespmem:$0x16C00] =	vst v63  }
0x24a: {  	s31 =	simm.s32 $0x13548;
	s30 =	sadd.s32 $0x10, s0  }
0x24b: {  	[hbm4b:s30+s3] =	stream.linear.scatter [tilespmem:s31], [sflag:$0x4], $0x80, $0x38;
	[tilespmem:$0x16C00] =	vst v63  }
0x24c: {  	s5 =	sadd.s32 $0x20, s0;
	s29 =	simm.s32 $0x135D0  }
0x24d: {  	[hbm4b:s5+s3] =	stream.linear.scatter [tilespmem:s29], [sflag:$0x4], $0x80, $0x38;
	[tilespmem:$0x16C00] =	vst v63  }
0x24e: {  	s30 =	sadd.s32 $0x30, s0;
	s31 =	simm.s32 $0x13658  }
0x24f: {  	[hbm4b:s30+s3] =	stream.linear.scatter [tilespmem:s31], [sflag:$0x4], $0x80, $0x38;
	[tilespmem:$0x16C00] =	vst v63  }
0x250: {  	s5 =	sadd.s32 $0x40, s0;
	s29 =	simm.s32 $0x136E0  }
0x251: {  	[hbm4b:s5+s3] =	stream.linear.scatter [tilespmem:s29], [sflag:$0x4], $0x80, $0x38;
	[tilespmem:$0x16C00] =	vst v63  }
0x252: {  	s30 =	sadd.s32 $0x50, s0;
	s31 =	simm.s32 $0x13768  }
0x253: {  	[hbm4b:s30+s3] =	stream.linear.scatter [tilespmem:s31], [sflag:$0x4], $0x80, $0x38;
	[tilespmem:$0x16C00] =	vst v63  }
0x254: {  	s5 =	sadd.s32 $0x60, s0;
	s29 =	simm.s32 $0x137F0  }
0x255: {  	[hbm4b:s5+s3] =	stream.linear.scatter [tilespmem:s29], [sflag:$0x4], $0x80, $0x38;
	[tilespmem:$0x16C00] =	vst v63  }
0x256: {  	s0 =	sadd.s32 $0x70, s0;
	s30 =	simm.s32 $0x13878  }
0x257: {  	[hbm4b:s0+s3] =	stream.linear.scatter [tilespmem:s30], [sflag:$0x4], $0x80, $0x38;
	[tilespmem:$0x16C00] =	vst v63  }
0x258: {  	s31 =	simm.s32 $0x13900;
	s0 =	sadd.s32 s24, s7  }
0x259: {  	[hbm4b:s0+s3] =	stream.linear.scatter [tilespmem:s31], [sflag:$0x4], $0x80, $0x38;
	[tilespmem:$0x16C00] =	vst v63  }
0x25a: {  	s29 =	simm.s32 $0x13988;
	s5 =	sadd.s32 $0x10, s0  }
0x25b: {  	[hbm4b:s5+s3] =	stream.linear.scatter [tilespmem:s29], [sflag:$0x4], $0x80, $0x38;
	[tilespmem:$0x16C00] =	vst v63  }
0x25c: {  	s30 =	sadd.s32 $0x20, s0;
	s31 =	simm.s32 $0x13A10  }
0x25d: {  	[hbm4b:s30+s3] =	stream.linear.scatter [tilespmem:s31], [sflag:$0x4], $0x80, $0x38;
	[tilespmem:$0x16C00] =	vst v63  }
0x25e: {  	s5 =	sadd.s32 $0x30, s0;
	s29 =	simm.s32 $0x13A98  }
0x25f: {  	[hbm4b:s5+s3] =	stream.linear.scatter [tilespmem:s29], [sflag:$0x4], $0x80, $0x38;
	[tilespmem:$0x16C00] =	vst v63  }
0x260: {  	s30 =	sadd.s32 $0x40, s0;
	s31 =	simm.s32 $0x13B20  }
0x261: {  	[hbm4b:s30+s3] =	stream.linear.scatter [tilespmem:s31], [sflag:$0x4], $0x80, $0x38;
	[tilespmem:$0x16C00] =	vst v63  }
0x262: {  	s5 =	sadd.s32 $0x50, s0;
	s29 =	simm.s32 $0x13BA8  }
0x263: {  	[hbm4b:s5+s3] =	stream.linear.scatter [tilespmem:s29], [sflag:$0x4], $0x80, $0x38;
	[tilespmem:$0x16C00] =	vst v63  }
0x264: {  	s30 =	sadd.s32 $0x60, s0;
	s31 =	simm.s32 $0x13C30  }
0x265: {  	[hbm4b:s30+s3] =	stream.linear.scatter [tilespmem:s31], [sflag:$0x4], $0x80, $0x38;
	[tilespmem:$0x16C00] =	vst v63  }
0x266: {  	s0 =	sadd.s32 $0x70, s0;
	s5 =	simm.s32 $0x13CB8  }
0x267: {  	[hbm4b:s0+s3] =	stream.linear.scatter [tilespmem:s5], [sflag:$0x4], $0x80, $0x38;
	[tilespmem:$0x16C00] =	vst v63  }
0x268: {  	s29 =	simm.s32 $0x13D40;
	s0 =	sadd.s32 s25, s7  }
0x269: {  	[hbm4b:s0+s3] =	stream.linear.scatter [tilespmem:s29], [sflag:$0x4], $0x80, $0x38;
	[tilespmem:$0x16C00] =	vst v63  }
0x26a: {  	s31 =	simm.s32 $0x13DC8;
	s30 =	sadd.s32 $0x10, s0  }
0x26b: {  	[hbm4b:s30+s3] =	stream.linear.scatter [tilespmem:s31], [sflag:$0x4], $0x80, $0x38;
	[tilespmem:$0x16C00] =	vst v63  }
0x26c: {  	s5 =	sadd.s32 $0x20, s0;
	s29 =	simm.s32 $0x13E50  }
0x26d: {  	[hbm4b:s5+s3] =	stream.linear.scatter [tilespmem:s29], [sflag:$0x4], $0x80, $0x38;
	[tilespmem:$0x16C00] =	vst v63  }
0x26e: {  	s30 =	sadd.s32 $0x30, s0;
	s31 =	simm.s32 $0x13ED8  }
0x26f: {  	[hbm4b:s30+s3] =	stream.linear.scatter [tilespmem:s31], [sflag:$0x4], $0x80, $0x38;
	[tilespmem:$0x16C00] =	vst v63  }
0x270: {  	s5 =	sadd.s32 $0x40, s0;
	s29 =	simm.s32 $0x13F60  }
0x271: {  	[hbm4b:s5+s3] =	stream.linear.scatter [tilespmem:s29], [sflag:$0x4], $0x80, $0x38;
	[tilespmem:$0x16C00] =	vst v63  }
0x272: {  	s30 =	sadd.s32 $0x50, s0;
	s31 =	simm.s32 $0x13FE8  }
0x273: {  	[hbm4b:s30+s3] =	stream.linear.scatter [tilespmem:s31], [sflag:$0x4], $0x80, $0x38;
	[tilespmem:$0x16C00] =	vst v63  }
0x274: {  	s5 =	sadd.s32 $0x60, s0;
	s29 =	simm.s32 $0x14070  }
0x275: {  	[hbm4b:s5+s3] =	stream.linear.scatter [tilespmem:s29], [sflag:$0x4], $0x80, $0x38;
	[tilespmem:$0x16C00] =	vst v63  }
0x276: {  	s0 =	sadd.s32 $0x70, s0;
	s30 =	simm.s32 $0x140F8  }
0x277: {  	[hbm4b:s0+s3] =	stream.linear.scatter [tilespmem:s30], [sflag:$0x4], $0x80, $0x38;
	[tilespmem:$0x16C00] =	vst v63  }
0x278: {  	s31 =	simm.s32 $0x14180;
	s0 =	sadd.s32 s26, s7  }
0x279: {  	[hbm4b:s0+s3] =	stream.linear.scatter [tilespmem:s31], [sflag:$0x4], $0x80, $0x38;
	[tilespmem:$0x16C00] =	vst v63  }
0x27a: {  	s29 =	simm.s32 $0x14208;
	s5 =	sadd.s32 $0x10, s0  }
0x27b: {  	[hbm4b:s5+s3] =	stream.linear.scatter [tilespmem:s29], [sflag:$0x4], $0x80, $0x38;
	[tilespmem:$0x16C00] =	vst v63  }
0x27c: {  	s30 =	sadd.s32 $0x20, s0;
	s31 =	simm.s32 $0x14290  }
0x27d: {  	[hbm4b:s30+s3] =	stream.linear.scatter [tilespmem:s31], [sflag:$0x4], $0x80, $0x38;
	[tilespmem:$0x16C00] =	vst v63  }
0x27e: {  	s5 =	sadd.s32 $0x30, s0;
	s29 =	simm.s32 $0x14318  }
0x27f: {  	[hbm4b:s5+s3] =	stream.linear.scatter [tilespmem:s29], [sflag:$0x4], $0x80, $0x38;
	[tilespmem:$0x16C00] =	vst v63  }
0x280: {  	s30 =	sadd.s32 $0x40, s0;
	s31 =	simm.s32 $0x143A0  }
0x281: {  	[hbm4b:s30+s3] =	stream.linear.scatter [tilespmem:s31], [sflag:$0x4], $0x80, $0x38;
	[tilespmem:$0x16C00] =	vst v63  }
0x282: {  	s5 =	sadd.s32 $0x50, s0;
	s29 =	simm.s32 $0x14428  }
0x283: {  	[hbm4b:s5+s3] =	stream.linear.scatter [tilespmem:s29], [sflag:$0x4], $0x80, $0x38;
	[tilespmem:$0x16C00] =	vst v63  }
0x284: {  	s30 =	sadd.s32 $0x60, s0;
	s31 =	simm.s32 $0x144B0  }
0x285: {  	[hbm4b:s30+s3] =	stream.linear.scatter [tilespmem:s31], [sflag:$0x4], $0x80, $0x38;
	[tilespmem:$0x16C00] =	vst v63  }
0x286: {  	s0 =	sadd.s32 $0x70, s0;
	s5 =	simm.s32 $0x14538  }
0x287: {  	[hbm4b:s0+s3] =	stream.linear.scatter [tilespmem:s5], [sflag:$0x4], $0x80, $0x38;
	[tilespmem:$0x16C00] =	vst v63  }
0x288: {  	s29 =	simm.s32 $0x145C0;
	s0 =	sadd.s32 s28, s7  }
0x289: {  	[hbm4b:s0+s3] =	stream.linear.scatter [tilespmem:s29], [sflag:$0x4], $0x80, $0x38;
	[tilespmem:$0x16C00] =	vst v63  }
0x28a: {  	s31 =	simm.s32 $0x14648;
	s30 =	sadd.s32 $0x10, s0  }
0x28b: {  	[hbm4b:s30+s3] =	stream.linear.scatter [tilespmem:s31], [sflag:$0x4], $0x80, $0x38;
	[tilespmem:$0x16C00] =	vst v63  }
0x28c: {  	s5 =	sadd.s32 $0x20, s0;
	s29 =	simm.s32 $0x146D0  }
0x28d: {  	[hbm4b:s5+s3] =	stream.linear.scatter [tilespmem:s29], [sflag:$0x4], $0x80, $0x38;
	[tilespmem:$0x16C00] =	vst v63  }
0x28e: {  	s30 =	sadd.s32 $0x30, s0;
	s31 =	simm.s32 $0x14758  }
0x28f: {  	[hbm4b:s30+s3] =	stream.linear.scatter [tilespmem:s31], [sflag:$0x4], $0x80, $0x38;
	[tilespmem:$0x16C00] =	vst v63  }
0x290: {  	s5 =	sadd.s32 $0x40, s0;
	s29 =	simm.s32 $0x147E0  }
0x291: {  	[hbm4b:s5+s3] =	stream.linear.scatter [tilespmem:s29], [sflag:$0x4], $0x80, $0x38;
	[tilespmem:$0x16C00] =	vst v63  }
0x292: {  	s30 =	sadd.s32 $0x50, s0;
	s31 =	simm.s32 $0x14868  }
0x293: {  	[hbm4b:s30+s3] =	stream.linear.scatter [tilespmem:s31], [sflag:$0x4], $0x80, $0x38;
	[tilespmem:$0x16C00] =	vst v63  }
0x294: {  	s5 =	sadd.s32 $0x60, s0;
	s29 =	simm.s32 $0x148F0  }
0x295: {  	[hbm4b:s5+s3] =	stream.linear.scatter [tilespmem:s29], [sflag:$0x4], $0x80, $0x38;
	[tilespmem:$0x16C00] =	vst v63  }
0x296: {  	s0 =	sadd.s32 $0x70, s0;
	s30 =	simm.s32 $0x14978  }
0x297: {  	[hbm4b:s0+s3] =	stream.linear.scatter [tilespmem:s30], [sflag:$0x4], $0x80, $0x38;
	[tilespmem:$0x16C00] =	vst v63  }
0x298: {  	s31 =	simm.s32 $0x14A00;
	s0 =	sadd.s32 s24, s8  }
0x299: {  	[hbm4b:s0+s3] =	stream.linear.scatter [tilespmem:s31], [sflag:$0x4], $0x80, $0x38;
	[tilespmem:$0x16C00] =	vst v63  }
0x29a: {  	s29 =	simm.s32 $0x14A88;
	s5 =	sadd.s32 $0x10, s0  }
0x29b: {  	[hbm4b:s5+s3] =	stream.linear.scatter [tilespmem:s29], [sflag:$0x4], $0x80, $0x38;
	[tilespmem:$0x16C00] =	vst v63  }
0x29c: {  	s30 =	sadd.s32 $0x20, s0;
	s31 =	simm.s32 $0x14B10  }
0x29d: {  	[hbm4b:s30+s3] =	stream.linear.scatter [tilespmem:s31], [sflag:$0x4], $0x80, $0x38;
	[tilespmem:$0x16C00] =	vst v63  }
0x29e: {  	s5 =	sadd.s32 $0x30, s0;
	s29 =	simm.s32 $0x14B98  }
0x29f: {  	[hbm4b:s5+s3] =	stream.linear.scatter [tilespmem:s29], [sflag:$0x4], $0x80, $0x38;
	[tilespmem:$0x16C00] =	vst v63  }
0x2a0: {  	s30 =	sadd.s32 $0x40, s0;
	s31 =	simm.s32 $0x14C20  }
0x2a1: {  	[hbm4b:s30+s3] =	stream.linear.scatter [tilespmem:s31], [sflag:$0x4], $0x80, $0x38;
	[tilespmem:$0x16C00] =	vst v63  }
0x2a2: {  	s5 =	sadd.s32 $0x50, s0;
	s29 =	simm.s32 $0x14CA8  }
0x2a3: {  	[hbm4b:s5+s3] =	stream.linear.scatter [tilespmem:s29], [sflag:$0x4], $0x80, $0x38;
	[tilespmem:$0x16C00] =	vst v63  }
0x2a4: {  	s30 =	sadd.s32 $0x60, s0;
	s31 =	simm.s32 $0x14D30  }
0x2a5: {  	[hbm4b:s30+s3] =	stream.linear.scatter [tilespmem:s31], [sflag:$0x4], $0x80, $0x38;
	[tilespmem:$0x16C00] =	vst v63  }
0x2a6: {  	s0 =	sadd.s32 $0x70, s0;
	s5 =	simm.s32 $0x14DB8  }
0x2a7: {  	[hbm4b:s0+s3] =	stream.linear.scatter [tilespmem:s5], [sflag:$0x4], $0x80, $0x38;
	[tilespmem:$0x16C00] =	vst v63  }
0x2a8: {  	s29 =	simm.s32 $0x14E40;
	s0 =	sadd.s32 s25, s8  }
0x2a9: {  	[hbm4b:s0+s3] =	stream.linear.scatter [tilespmem:s29], [sflag:$0x4], $0x80, $0x38;
	[tilespmem:$0x16C00] =	vst v63  }
0x2aa: {  	s31 =	simm.s32 $0x14EC8;
	s30 =	sadd.s32 $0x10, s0  }
0x2ab: {  	[hbm4b:s30+s3] =	stream.linear.scatter [tilespmem:s31], [sflag:$0x4], $0x80, $0x38;
	[tilespmem:$0x16C00] =	vst v63  }
0x2ac: {  	s5 =	sadd.s32 $0x20, s0;
	s29 =	simm.s32 $0x14F50  }
0x2ad: {  	[hbm4b:s5+s3] =	stream.linear.scatter [tilespmem:s29], [sflag:$0x4], $0x80, $0x38;
	[tilespmem:$0x16C00] =	vst v63  }
0x2ae: {  	s30 =	sadd.s32 $0x30, s0;
	s31 =	simm.s32 $0x14FD8  }
0x2af: {  	[hbm4b:s30+s3] =	stream.linear.scatter [tilespmem:s31], [sflag:$0x4], $0x80, $0x38;
	[tilespmem:$0x16C00] =	vst v63  }
0x2b0: {  	s5 =	sadd.s32 $0x40, s0;
	s29 =	simm.s32 $0x15060  }
0x2b1: {  	[hbm4b:s5+s3] =	stream.linear.scatter [tilespmem:s29], [sflag:$0x4], $0x80, $0x38;
	[tilespmem:$0x16C00] =	vst v63  }
0x2b2: {  	s30 =	sadd.s32 $0x50, s0;
	s31 =	simm.s32 $0x150E8  }
0x2b3: {  	[hbm4b:s30+s3] =	stream.linear.scatter [tilespmem:s31], [sflag:$0x4], $0x80, $0x38;
	[tilespmem:$0x16C00] =	vst v63  }
0x2b4: {  	s5 =	sadd.s32 $0x60, s0;
	s29 =	simm.s32 $0x15170  }
0x2b5: {  	[hbm4b:s5+s3] =	stream.linear.scatter [tilespmem:s29], [sflag:$0x4], $0x80, $0x38;
	[tilespmem:$0x16C00] =	vst v63  }
0x2b6: {  	s0 =	sadd.s32 $0x70, s0;
	s30 =	simm.s32 $0x151F8  }
0x2b7: {  	[hbm4b:s0+s3] =	stream.linear.scatter [tilespmem:s30], [sflag:$0x4], $0x80, $0x38;
	[tilespmem:$0x16C00] =	vst v63  }
0x2b8: {  	s31 =	simm.s32 $0x15280;
	s0 =	sadd.s32 s26, s8  }
0x2b9: {  	[hbm4b:s0+s3] =	stream.linear.scatter [tilespmem:s31], [sflag:$0x4], $0x80, $0x38;
	[tilespmem:$0x16C00] =	vst v63  }
0x2ba: {  	s29 =	simm.s32 $0x15308;
	s5 =	sadd.s32 $0x10, s0  }
0x2bb: {  	[hbm4b:s5+s3] =	stream.linear.scatter [tilespmem:s29], [sflag:$0x4], $0x80, $0x38;
	[tilespmem:$0x16C00] =	vst v63  }
0x2bc: {  	s30 =	sadd.s32 $0x20, s0;
	s31 =	simm.s32 $0x15390  }
0x2bd: {  	[hbm4b:s30+s3] =	stream.linear.scatter [tilespmem:s31], [sflag:$0x4], $0x80, $0x38;
	[tilespmem:$0x16C00] =	vst v63  }
0x2be: {  	s5 =	sadd.s32 $0x30, s0;
	s29 =	simm.s32 $0x15418  }
0x2bf: {  	[hbm4b:s5+s3] =	stream.linear.scatter [tilespmem:s29], [sflag:$0x4], $0x80, $0x38;
	[tilespmem:$0x16C00] =	vst v63  }
0x2c0: {  	s30 =	sadd.s32 $0x40, s0;
	s31 =	simm.s32 $0x154A0  }
0x2c1: {  	[hbm4b:s30+s3] =	stream.linear.scatter [tilespmem:s31], [sflag:$0x4], $0x80, $0x38;
	[tilespmem:$0x16C00] =	vst v63  }
0x2c2: {  	s5 =	sadd.s32 $0x50, s0;
	s29 =	simm.s32 $0x15528  }
0x2c3: {  	[hbm4b:s5+s3] =	stream.linear.scatter [tilespmem:s29], [sflag:$0x4], $0x80, $0x38;
	[tilespmem:$0x16C00] =	vst v63  }
0x2c4: {  	s30 =	sadd.s32 $0x60, s0;
	s31 =	simm.s32 $0x155B0  }
0x2c5: {  	[hbm4b:s30+s3] =	stream.linear.scatter [tilespmem:s31], [sflag:$0x4], $0x80, $0x38;
	[tilespmem:$0x16C00] =	vst v63  }
0x2c6: {  	s0 =	sadd.s32 $0x70, s0;
	s5 =	simm.s32 $0x15638  }
0x2c7: {  	[hbm4b:s0+s3] =	stream.linear.scatter [tilespmem:s5], [sflag:$0x4], $0x80, $0x38;
	[tilespmem:$0x16C00] =	vst v63  }
0x2c8: {  	s29 =	simm.s32 $0x156C0;
	s0 =	sadd.s32 s28, s8  }
0x2c9: {  	[hbm4b:s0+s3] =	stream.linear.scatter [tilespmem:s29], [sflag:$0x4], $0x80, $0x38;
	[tilespmem:$0x16C00] =	vst v63  }
0x2ca: {  	s31 =	simm.s32 $0x15748;
	s30 =	sadd.s32 $0x10, s0  }
0x2cb: {  	[hbm4b:s30+s3] =	stream.linear.scatter [tilespmem:s31], [sflag:$0x4], $0x80, $0x38;
	[tilespmem:$0x16C00] =	vst v63  }
0x2cc: {  	s5 =	sadd.s32 $0x20, s0;
	s29 =	simm.s32 $0x157D0  }
0x2cd: {  	[hbm4b:s5+s3] =	stream.linear.scatter [tilespmem:s29], [sflag:$0x4], $0x80, $0x38;
	[tilespmem:$0x16C00] =	vst v63  }
0x2ce: {  	s30 =	sadd.s32 $0x30, s0;
	s31 =	simm.s32 $0x15858  }
0x2cf: {  	[hbm4b:s30+s3] =	stream.linear.scatter [tilespmem:s31], [sflag:$0x4], $0x80, $0x38;
	[tilespmem:$0x16C00] =	vst v63  }
0x2d0: {  	s5 =	sadd.s32 $0x40, s0;
	s29 =	simm.s32 $0x158E0  }
0x2d1: {  	[hbm4b:s5+s3] =	stream.linear.scatter [tilespmem:s29], [sflag:$0x4], $0x80, $0x38;
	[tilespmem:$0x16C00] =	vst v63  }
0x2d2: {  	s30 =	sadd.s32 $0x50, s0;
	s31 =	simm.s32 $0x15968  }
0x2d3: {  	[hbm4b:s30+s3] =	stream.linear.scatter [tilespmem:s31], [sflag:$0x4], $0x80, $0x38;
	[tilespmem:$0x16C00] =	vst v63  }
0x2d4: {  	s29 =	sadd.s32 $0x60, s0;
	s30 =	simm.s32 $0x159F0  }
0x2d5: {  	[hbm4b:s29+s3] =	stream.linear.scatter [tilespmem:s30], [sflag:$0x4], $0x80, $0x38;
	[tilespmem:$0x16C00] =	vst v63  }
0x2d6: {  	s0 =	sadd.s32 $0x70, s0;
	s31 =	simm.s32 $0x15A78  }
0x2d7: {  	[hbm4b:s0+s3] =	stream.linear.scatter [tilespmem:s31], [sflag:$0x4], $0x80, $0x38;
	[tilespmem:$0x16C00] =	vst v63  }
0x2d8: {  	s5 =	simm.s32 $0x15B00;
	s0 =	sadd.s32 s24, s9  }
0x2d9: {  	[hbm4b:s0+s3] =	stream.linear.scatter [tilespmem:s5], [sflag:$0x4], $0x80, $0x38;
	[tilespmem:$0x16C00] =	vst v63  }
0x2da: {  	s29 =	simm.s32 $0x15B88;
	s24 =	sadd.s32 $0x10, s0  }
0x2db: {  	[hbm4b:s24+s3] =	stream.linear.scatter [tilespmem:s29], [sflag:$0x4], $0x80, $0x38;
	[tilespmem:$0x16C00] =	vst v63  }
0x2dc: {  	s31 =	simm.s32 $0x15C10;
	s30 =	sadd.s32 $0x20, s0  }
0x2dd: {  	[hbm4b:s30+s3] =	stream.linear.scatter [tilespmem:s31], [sflag:$0x4], $0x80, $0x38;
	[tilespmem:$0x16C00] =	vst v63  }
0x2de: {  	s24 =	sadd.s32 $0x30, s0;
	s29 =	simm.s32 $0x15C98  }
0x2df: {  	[hbm4b:s24+s3] =	stream.linear.scatter [tilespmem:s29], [sflag:$0x4], $0x80, $0x38;
	[tilespmem:$0x16C00] =	vst v63  }
0x2e0: {  	s30 =	sadd.s32 $0x40, s0;
	s31 =	simm.s32 $0x15D20  }
0x2e1: {  	[hbm4b:s30+s3] =	stream.linear.scatter [tilespmem:s31], [sflag:$0x4], $0x80, $0x38;
	[tilespmem:$0x16C00] =	vst v63  }
0x2e2: {  	s24 =	sadd.s32 $0x50, s0;
	s29 =	simm.s32 $0x15DA8  }
0x2e3: {  	[hbm4b:s24+s3] =	stream.linear.scatter [tilespmem:s29], [sflag:$0x4], $0x80, $0x38;
	[tilespmem:$0x16C00] =	vst v63  }
0x2e4: {  	s30 =	sadd.s32 $0x60, s0;
	s31 =	simm.s32 $0x15E30  }
0x2e5: {  	[hbm4b:s30+s3] =	stream.linear.scatter [tilespmem:s31], [sflag:$0x4], $0x80, $0x38;
	[tilespmem:$0x16C00] =	vst v63  }
0x2e6: {  	s0 =	sadd.s32 $0x70, s0;
	s24 =	simm.s32 $0x15EB8  }
0x2e7: {  	[hbm4b:s0+s3] =	stream.linear.scatter [tilespmem:s24], [sflag:$0x4], $0x80, $0x38;
	[tilespmem:$0x16C00] =	vst v63  }
0x2e8: {  	s29 =	simm.s32 $0x15F40;
	s0 =	sadd.s32 s25, s9  }
0x2e9: {  	[hbm4b:s0+s3] =	stream.linear.scatter [tilespmem:s29], [sflag:$0x4], $0x80, $0x38;
	[tilespmem:$0x16C00] =	vst v63  }
0x2ea: {  	s31 =	simm.s32 $0x15FC8;
	s30 =	sadd.s32 $0x10, s0  }
0x2eb: {  	[hbm4b:s30+s3] =	stream.linear.scatter [tilespmem:s31], [sflag:$0x4], $0x80, $0x38;
	[tilespmem:$0x16C00] =	vst v63  }
0x2ec: {  	s24 =	simm.s32 $0x16050;
	s5 =	sadd.s32 $0x20, s0  }
0x2ed: {  	[hbm4b:s5+s3] =	stream.linear.scatter [tilespmem:s24], [sflag:$0x4], $0x80, $0x38;
	[tilespmem:$0x16C00] =	vst v63  }
0x2ee: {  	s25 =	sadd.s32 $0x30, s0;
	s29 =	simm.s32 $0x160D8  }
0x2ef: {  	[hbm4b:s25+s3] =	stream.linear.scatter [tilespmem:s29], [sflag:$0x4], $0x80, $0x38;
	[tilespmem:$0x16C00] =	vst v63  }
0x2f0: {  	s30 =	sadd.s32 $0x40, s0;
	s31 =	simm.s32 $0x16160  }
0x2f1: {  	[hbm4b:s30+s3] =	stream.linear.scatter [tilespmem:s31], [sflag:$0x4], $0x80, $0x38;
	[tilespmem:$0x16C00] =	vst v63  }
0x2f2: {  	s24 =	sadd.s32 $0x50, s0;
	s25 =	simm.s32 $0x161E8  }
0x2f3: {  	[hbm4b:s24+s3] =	stream.linear.scatter [tilespmem:s25], [sflag:$0x4], $0x80, $0x38;
	[tilespmem:$0x16C00] =	vst v63  }
0x2f4: {  	s29 =	sadd.s32 $0x60, s0;
	s30 =	simm.s32 $0x16270  }
0x2f5: {  	[hbm4b:s29+s3] =	stream.linear.scatter [tilespmem:s30], [sflag:$0x4], $0x80, $0x38;
	[tilespmem:$0x16C00] =	vst v63  }
0x2f6: {  	s0 =	sadd.s32 $0x70, s0;
	s31 =	simm.s32 $0x162F8  }
0x2f7: {  	[hbm4b:s0+s3] =	stream.linear.scatter [tilespmem:s31], [sflag:$0x4], $0x80, $0x38;
	[tilespmem:$0x16C00] =	vst v63  }
0x2f8: {  	s5 =	simm.s32 $0x16380;
	s0 =	sadd.s32 s26, s9  }
0x2f9: {  	[hbm4b:s0+s3] =	stream.linear.scatter [tilespmem:s5], [sflag:$0x4], $0x80, $0x38;
	[tilespmem:$0x16C00] =	vst v63  }
0x2fa: {  	s25 =	simm.s32 $0x16408;
	s24 =	sadd.s32 $0x10, s0  }
0x2fb: {  	[hbm4b:s24+s3] =	stream.linear.scatter [tilespmem:s25], [sflag:$0x4], $0x80, $0x38;
	[tilespmem:$0x16C00] =	vst v63  }
0x2fc: {  	s29 =	simm.s32 $0x16490;
	s26 =	sadd.s32 $0x20, s0  }
0x2fd: {  	[hbm4b:s26+s3] =	stream.linear.scatter [tilespmem:s29], [sflag:$0x4], $0x80, $0x38;
	[tilespmem:$0x16C00] =	vst v63  }
0x2fe: {  	s31 =	simm.s32 $0x16518;
	s30 =	sadd.s32 $0x30, s0  }
0x2ff: {  	[hbm4b:s30+s3] =	stream.linear.scatter [tilespmem:s31], [sflag:$0x4], $0x80, $0x38;
	[tilespmem:$0x16C00] =	vst v63  }
0x300: {  	s5 =	sadd.s32 $0x40, s0;
	s24 =	simm.s32 $0x165A0  }
0x301: {  	[hbm4b:s5+s3] =	stream.linear.scatter [tilespmem:s24], [sflag:$0x4], $0x80, $0x38;
	[tilespmem:$0x16C00] =	vst v63  }
0x302: {  	s25 =	sadd.s32 $0x50, s0;
	s26 =	simm.s32 $0x16628  }
0x303: {  	[hbm4b:s25+s3] =	stream.linear.scatter [tilespmem:s26], [sflag:$0x4], $0x80, $0x38;
	[tilespmem:$0x16C00] =	vst v63  }
0x304: {  	s29 =	sadd.s32 $0x60, s0;
	s30 =	simm.s32 $0x166B0  }
0x305: {  	[hbm4b:s29+s3] =	stream.linear.scatter [tilespmem:s30], [sflag:$0x4], $0x80, $0x38;
	[tilespmem:$0x16C00] =	vst v63  }
0x306: {  	s0 =	sadd.s32 $0x70, s0;
	s31 =	simm.s32 $0x16738  }
0x307: {  	[hbm4b:s0+s3] =	stream.linear.scatter [tilespmem:s31], [sflag:$0x4], $0x80, $0x38;
	[tilespmem:$0x16C00] =	vst v63  }
0x308: {  	s5 =	simm.s32 $0x167C0;
	s0 =	sadd.s32 s28, s9  }
0x309: {  	[hbm4b:s0+s3] =	stream.linear.scatter [tilespmem:s5], [sflag:$0x4], $0x80, $0x38;
	[tilespmem:$0x16C00] =	vst v63  }
0x30a: {  	s25 =	simm.s32 $0x16848;
	s24 =	sadd.s32 $0x10, s0  }
0x30b: {  	[hbm4b:s24+s3] =	stream.linear.scatter [tilespmem:s25], [sflag:$0x4], $0x80, $0x38;
	[tilespmem:$0x16C00] =	vst v63  }
0x30c: {  	s26 =	sadd.s32 $0x20, s0  }
0x30d: {  	[hbm4b:s26+s3] =	stream.linear.scatter [tilespmem:s10], [sflag:$0x4], $0x80, $0x38;
	[tilespmem:$0x16C00] =	vst v63  }
0x30e: {  	s28 =	sadd.s32 $0x30, s0  }
0x30f: {  	[hbm4b:s28+s3] =	stream.linear.scatter [tilespmem:s11], [sflag:$0x4], $0x80, $0x38;
	[tilespmem:$0x16C00] =	vst v63  }
0x310: {  	s23 =	sadd.s32 $0x1, s23;
	s29 =	sadd.s32 $0x40, s0  }
0x311: {  	[hbm4b:s29+s3] =	stream.linear.scatter [tilespmem:s13], [sflag:$0x4], $0x80, $0x38;
	[tilespmem:$0x16C00] =	vst v63  }
0x312: {  	p0 =	sne.s32 s23, $0x19;
	s30 =	sadd.s32 $0x50, s0  }
0x313: {  	[hbm4b:s30+s3] =	stream.linear.scatter [tilespmem:s14], [sflag:$0x4], $0x80, $0x38;
	[tilespmem:$0x16C00] =	vst v63  }
.Ltmp5:
0x314: {  	_ = 	snop;
	(pc) =	sbr.rel @p0 .LBB2_2-.Ltmp5, $4  }
0x315: {  	s31 =	sadd.s32 $0x60, s0  }
0x316: {  	[hbm4b:s31+s3] =	stream.linear.scatter [tilespmem:s17], [sflag:$0x4], $0x80, $0x38;
	[tilespmem:$0x16C00] =	vst v63  }
0x317: {  	s0 =	sadd.s32 $0x70, s0  }
0x318: {  	[hbm4b:s0+s3] =	stream.linear.scatter [tilespmem:s21], [sflag:$0x4], $0x80, $0x38;
	[tilespmem:$0x16C00] =	vst v63  }
0x319: {  	_ =	swait.ge [sflag:s22], $0x400  }
0x31a: {  	[sflag:s22] =	ssyncset.done $0x0  }
0x31b: {  	[sflag:s22] =	ssyncadd.s32 $0xFFFFFC00  }
0x31c: {  	_ =	swait.ge [sflag:s22], $0x400  }
0x31d: {  	[sflag:s22] =	ssyncset.done $0x0  }
0x31e: {  	[sflag:s22] =	ssyncadd.s32 $0xFFFFFC00  }
0x31f: {  	_ =	swait.ge [sflag:s22], $0x400  }
0x320: {  	[sflag:s22] =	ssyncset.done $0x0  }
0x321: {  	[sflag:s22] =	ssyncadd.s32 $0xFFFFFC00  }
0x322: {  	_ =	swait.ge [sflag:s22], $0x400  }
0x323: {  	[sflag:s22] =	ssyncset.done $0x0  }
0x324: {  	[sflag:s22] =	ssyncadd.s32 $0xFFFFFC00  }
0x325: {  	_ =	swait.ge [sflag:s22], $0x400  }
0x326: {  	[sflag:s22] =	ssyncset.done $0x0  }
0x327: {  	[sflag:s22] =	ssyncadd.s32 $0xFFFFFC00  }
0x328: {  	_ =	swait.ge [sflag:s22], $0x400  }
0x329: {  	[sflag:s22] =	ssyncset.done $0x0  }
0x32a: {  	[sflag:s22] =	ssyncadd.s32 $0xFFFFFC00  }
0x32b: {  	_ =	swait.ge [sflag:s22], $0x400  }
0x32c: {  	[sflag:s22] =	ssyncset.done $0x0  }
0x32d: {  	[sflag:s22] =	ssyncadd.s32 $0xFFFFFC00  }
0x32e: {  	_ =	swait.ge [sflag:s22], $0x400  }
0x32f: {  	[sflag:s22] =	ssyncset.done $0x0  }
0x330: {  	[sflag:s22] =	ssyncadd.s32 $0xFFFFFC00  }
0x331: {  	_ =	swait.ge [sflag:s22], $0x400  }
0x332: {  	[sflag:s22] =	ssyncset.done $0x0  }
0x333: {  	[sflag:s22] =	ssyncadd.s32 $0xFFFFFC00  }
0x334: {  	_ =	swait.ge [sflag:s22], $0x400  }
0x335: {  	[sflag:s22] =	ssyncset.done $0x0  }
0x336: {  	[sflag:s22] =	ssyncadd.s32 $0xFFFFFC00  }
0x337: {  	_ =	swait.ge [sflag:s22], $0x400  }
0x338: {  	[sflag:s22] =	ssyncset.done $0x0  }
0x339: {  	[sflag:s22] =	ssyncadd.s32 $0xFFFFFC00  }
0x33a: {  	_ =	swait.ge [sflag:s22], $0x400  }
0x33b: {  	[sflag:s22] =	ssyncset.done $0x0  }
0x33c: {  	[sflag:s22] =	ssyncadd.s32 $0xFFFFFC00  }
0x33d: {  	_ =	swait.ge [sflag:s22], $0x400  }
0x33e: {  	[sflag:s22] =	ssyncset.done $0x0  }
0x33f: {  	[sflag:s22] =	ssyncadd.s32 $0xFFFFFC00  }
0x340: {  	_ =	swait.ge [sflag:s22], $0x400  }
0x341: {  	[sflag:s22] =	ssyncset.done $0x0  }
0x342: {  	[sflag:s22] =	ssyncadd.s32 $0xFFFFFC00  }
0x343: {  	_ =	swait.ge [sflag:s22], $0x400  }
0x344: {  	[sflag:s22] =	ssyncset.done $0x0  }
0x345: {  	[sflag:s22] =	ssyncadd.s32 $0xFFFFFC00  }
0x346: {  	_ =	swait.ge [sflag:s22], $0x400  }
0x347: {  	[sflag:s22] =	ssyncset.done $0x0  }
0x348: {  	[sflag:s22] =	ssyncadd.s32 $0xFFFFFC00  }
0x349: {  	_ =	swait.ge [sflag:s19], $0x400  }
0x34a: {  	[sflag:s19] =	ssyncset.done $0x0  }
0x34b: {  	[sflag:s19] =	ssyncadd.s32 $0xFFFFFC00  }
0x34c: {  	_ =	swait.ge [sflag:s19], $0x400  }
0x34d: {  	[sflag:s19] =	ssyncset.done $0x0  }
0x34e: {  	[sflag:s19] =	ssyncadd.s32 $0xFFFFFC00  }
0x34f: {  	_ =	swait.ge [sflag:s19], $0x400  }
0x350: {  	[sflag:s19] =	ssyncset.done $0x0  }
0x351: {  	[sflag:s19] =	ssyncadd.s32 $0xFFFFFC00  }
0x352: {  	_ =	swait.ge [sflag:s19], $0x400  }
0x353: {  	[sflag:s19] =	ssyncset.done $0x0  }
0x354: {  	[sflag:s19] =	ssyncadd.s32 $0xFFFFFC00  }
0x355: {  	_ =	swait.ge [sflag:s19], $0x400  }
0x356: {  	[sflag:s19] =	ssyncset.done $0x0  }
0x357: {  	[sflag:s19] =	ssyncadd.s32 $0xFFFFFC00  }
0x358: {  	_ =	swait.ge [sflag:s19], $0x400  }
0x359: {  	[sflag:s19] =	ssyncset.done $0x0  }
0x35a: {  	[sflag:s19] =	ssyncadd.s32 $0xFFFFFC00  }
0x35b: {  	_ =	swait.ge [sflag:s19], $0x400  }
0x35c: {  	[sflag:s19] =	ssyncset.done $0x0  }
0x35d: {  	[sflag:s19] =	ssyncadd.s32 $0xFFFFFC00  }
0x35e: {  	_ =	swait.ge [sflag:s19], $0x400  }
0x35f: {  	[sflag:s19] =	ssyncset.done $0x0  }
0x360: {  	[sflag:s19] =	ssyncadd.s32 $0xFFFFFC00  }
0x361: {  	_ =	swait.ge [sflag:s19], $0x400  }
0x362: {  	[sflag:s19] =	ssyncset.done $0x0  }
0x363: {  	[sflag:s19] =	ssyncadd.s32 $0xFFFFFC00  }
0x364: {  	_ =	swait.ge [sflag:s19], $0x400  }
0x365: {  	[sflag:s19] =	ssyncset.done $0x0  }
0x366: {  	[sflag:s19] =	ssyncadd.s32 $0xFFFFFC00  }
0x367: {  	_ =	swait.ge [sflag:s19], $0x400  }
0x368: {  	[sflag:s19] =	ssyncset.done $0x0  }
0x369: {  	[sflag:s19] =	ssyncadd.s32 $0xFFFFFC00  }
0x36a: {  	_ =	swait.ge [sflag:s19], $0x400  }
0x36b: {  	[sflag:s19] =	ssyncset.done $0x0  }
0x36c: {  	[sflag:s19] =	ssyncadd.s32 $0xFFFFFC00  }
0x36d: {  	_ =	swait.ge [sflag:s19], $0x400  }
0x36e: {  	[sflag:s19] =	ssyncset.done $0x0  }
0x36f: {  	[sflag:s19] =	ssyncadd.s32 $0xFFFFFC00  }
0x370: {  	_ =	swait.ge [sflag:s19], $0x400  }
0x371: {  	[sflag:s19] =	ssyncset.done $0x0  }
0x372: {  	[sflag:s19] =	ssyncadd.s32 $0xFFFFFC00  }
0x373: {  	_ =	swait.ge [sflag:s19], $0x400  }
0x374: {  	[sflag:s19] =	ssyncset.done $0x0  }
0x375: {  	[sflag:s19] =	ssyncadd.s32 $0xFFFFFC00  }
0x376: {  	_ =	swait.ge [sflag:s19], $0x400  }
0x377: {  	s1 =	rddreg [dreg:$0x5]  }
0x378: {  	s0 =	rddreg [dreg:$0x4];
	s1 =	sadd.s32 $0x1, s1  }
0x379: {  	p0 =	sne.s32 s1, s0  }
.Ltmp6:
0x37a: {  	_ = 	snop;
	(pc) =	sbr.rel @p0 .LBB2_1-.Ltmp6, $3  }
0x37b: {  	_ =	sdelay $0x1  }
0x37c: {  	[sflag:s19] =	ssyncset.done $0x0  }
0x37d: {  	[sflag:s19] =	ssyncadd.s32 $0xFFFFFC00  }
0x37e: {  	_ =	sfence.sel $0x180000  }
0x37f: {  	[bflag:$0x0] =	sbarrier.arrive $0xFFFF  }
0x380: {  	_ =	strace $0x9000004A  }
0x381: {  	s0 =	stileid.u32;
	[bflag:$0x2] =	sbarrier.arrive $0xFFFF  }
0x382: {  	p0 =	sne.s32 s0, $0x0;
	s0 =	rddreg [dreg:$0x2]  }
0x383: {  	s0 =	sadd.s32 @!p0 $0x100000, s0  }
0x384: {  	[sflag:s0] =	ssyncadd.tile.s32 @!p0 $0x1;
	_ =	shalt  }
.Lfunc_end2:
_tile_overlayer_lowered:
.L_overlay_start_2:
0x385: {  	(tag) =	ssettag $0x2  }
0x386: {  	s0 =	rddreg [dreg:$0x0];
	s2 =	stileid.u32  }
0x387: {  	s1 =	rddreg [dreg:$0x1];
	p0 =	sne.s32 s2, $0x0  }
0x388: {  	s3 =	rddreg [dreg:$0x2];
	[bflag:$0x3] =	sbarrier.arrive $0xFFFF;
	s2 =	simm.s32 @!p0 $0x1C05  }
0x389: {  	[timem:s3], [sflag:s2] =	dma.local @!p0 [hbm:s0], s1  }
0x38a: {  	s0 =	simm.s32 @!p0 $0x5  }
0x38b: {  	_ =	swait.ge @!p0 [sflag:s0], s1  }
0x38c: {  	s1 =	ssub.s32 @!p0 $0x0, s1;
	[sflag:s0] =	ssyncset.done @!p0 $0x0  }
0x38d: {  	[sflag:s0] =	ssyncadd.s32 @!p0 s1  }
0x38e: {  	[bflag:$0x3] =	sbarrier.arrive $0xFFFF  }
0x38f: {  	_ =	shalt  }

</sc_bundles>
